<compile_context>
chip_gen: v7x
topology: tpu7x:2x2x1
jax: 0.10.2.dev20260603
libtpu: 0.0.44.dev20260713+nightly
codegen_flags: <defaults>
</compile_context>

<pallas_src>
import functools

import jax
import jax.numpy as jnp
from jax import lax
from jax.experimental import pallas as pl
from jax.experimental.pallas import tpu as pltpu
from jax.experimental.pallas import tpu_sc as plsc

N = 10000
E = 320000
D = 128
NREL = 26
NP = 10240
NC = 2
NS = 16
NW = NC * NS
EPW = E // NW
CH = 80
SUP = 2000
RPT = NP // NS
NEG = -1e30

_mesh = plsc.VectorSubcoreMesh(core_axis_name="c", subcore_axis_name="s")



def _t_table(rel_ref, we_ref, ae_ref):
    t26 = rel_ref[...] @ (we_ref[...] @ ae_ref[...])
    return jnp.concatenate(
        [t26, jnp.zeros((128 - NREL, 1), jnp.float32)], axis=0)


def _mlp_prep_body(x_ref, w1_ref, b1_ref, w2_ref, b2_ref, wg_ref, asrc_ref,
                   adst_ref, rel_ref, we_ref, ae_ref,
                   hw_ref, as_ref, ad_ref, t_ref):
    h = jnp.maximum(x_ref[...] @ w1_ref[...] + b1_ref[...], 0.0)
    h = h @ w2_ref[...] + b2_ref[...]
    hw = h @ wg_ref[...]
    hw_ref[...] = hw
    as_ref[...] = (hw @ asrc_ref[...])[:, 0]
    ad_ref[...] = (hw @ adst_ref[...])[:, 0]
    t_ref[...] = _t_table(rel_ref, we_ref, ae_ref)[:, 0]


def _mlp_prep(x, W1, b1, W2, b2, Wg, asrc, adst, rel_emb, We, aedge):
    blk = 2048
    grid = NP // blk
    return pl.pallas_call(
        _mlp_prep_body,
        grid=(grid,),
        in_specs=[
            pl.BlockSpec((blk, D), lambda i: (i, 0)),
            pl.BlockSpec(W1.shape, lambda i: (0, 0)),
            pl.BlockSpec(b1.shape, lambda i: (0,)),
            pl.BlockSpec(W2.shape, lambda i: (0, 0)),
            pl.BlockSpec(b2.shape, lambda i: (0,)),
            pl.BlockSpec(Wg.shape, lambda i: (0, 0)),
            pl.BlockSpec((D, 1), lambda i: (0, 0)),
            pl.BlockSpec((D, 1), lambda i: (0, 0)),
            pl.BlockSpec(rel_emb.shape, lambda i: (0, 0)),
            pl.BlockSpec(We.shape, lambda i: (0, 0)),
            pl.BlockSpec((D, 1), lambda i: (0, 0)),
        ],
        out_specs=[
            pl.BlockSpec((blk, D), lambda i: (i, 0)),
            pl.BlockSpec((blk,), lambda i: (i,)),
            pl.BlockSpec((blk,), lambda i: (i,)),
            pl.BlockSpec((128,), lambda i: (0,)),
        ],
        out_shape=[
            jax.ShapeDtypeStruct((NP, D), jnp.float32),
            jax.ShapeDtypeStruct((NP,), jnp.float32),
            jax.ShapeDtypeStruct((NP,), jnp.float32),
            jax.ShapeDtypeStruct((128,), jnp.float32),
        ],
    )(x, W1, b1, W2, b2, Wg, asrc.reshape(D, 1), adst.reshape(D, 1),
      rel_emb, We, aedge.reshape(D, 1))


def _combine_body(smax_ref, tsum_ref, cnt_ref, as_ref, ad_ref, m_ref, wl_ref):
    cnt = jnp.sum(cnt_ref[...], axis=0)
    tsum = jnp.sum(tsum_ref[...], axis=0)
    smax = jnp.max(smax_ref[...], axis=0)
    sloop = tsum / jnp.maximum(cnt, 1.0)
    al = as_ref[...] + ad_ref[...] + sloop
    al = jnp.where(al >= 0, al, 0.2 * al)
    m = jnp.maximum(smax, al)
    m_ref[...] = m
    wl_ref[...] = jnp.exp(al - m)


def _combine(smax_part, tsum_part, cnt_part, a_src, a_dst):
    return pl.pallas_call(
        _combine_body,
        out_shape=[
            jax.ShapeDtypeStruct((NP,), jnp.float32),
            jax.ShapeDtypeStruct((NP,), jnp.float32),
        ],
    )(smax_part, tsum_part, cnt_part, a_src, a_dst)


def _fin_prep_body(num_ref, den_ref, hw_ref, wl_ref, b_ref, wg_ref, asrc_ref,
                   adst_ref, rel_ref, we_ref, ae_ref,
                   hw2_ref, as_ref, ad_ref, t_ref):
    wl = wl_ref[...][:, None]
    den = jnp.sum(den_ref[...], axis=0)[:, None] + wl
    num = num_ref[0] + num_ref[1] + hw_ref[...] * wl
    h = jnp.maximum(num / den + b_ref[...], 0.0)
    hw2 = h @ wg_ref[...]
    hw2_ref[...] = hw2
    as_ref[...] = (hw2 @ asrc_ref[...])[:, 0]
    ad_ref[...] = (hw2 @ adst_ref[...])[:, 0]
    t_ref[...] = _t_table(rel_ref, we_ref, ae_ref)[:, 0]


def _fin_prep(num_part, den_part, hw, wloop, b, Wg, asrc, adst,
              rel_emb, We, aedge):
    blk = 2048
    grid = NP // blk
    return pl.pallas_call(
        _fin_prep_body,
        grid=(grid,),
        in_specs=[
            pl.BlockSpec((2, blk, D), lambda i: (0, i, 0)),
            pl.BlockSpec((NW, blk), lambda i: (0, i)),
            pl.BlockSpec((blk, D), lambda i: (i, 0)),
            pl.BlockSpec((blk,), lambda i: (i,)),
            pl.BlockSpec(b.shape, lambda i: (0,)),
            pl.BlockSpec(Wg.shape, lambda i: (0, 0)),
            pl.BlockSpec((D, 1), lambda i: (0, 0)),
            pl.BlockSpec((D, 1), lambda i: (0, 0)),
            pl.BlockSpec(rel_emb.shape, lambda i: (0, 0)),
            pl.BlockSpec(We.shape, lambda i: (0, 0)),
            pl.BlockSpec((D, 1), lambda i: (0, 0)),
        ],
        out_specs=[
            pl.BlockSpec((blk, D), lambda i: (i, 0)),
            pl.BlockSpec((blk,), lambda i: (i,)),
            pl.BlockSpec((blk,), lambda i: (i,)),
            pl.BlockSpec((128,), lambda i: (0,)),
        ],
        out_shape=[
            jax.ShapeDtypeStruct((NP, D), jnp.float32),
            jax.ShapeDtypeStruct((NP,), jnp.float32),
            jax.ShapeDtypeStruct((NP,), jnp.float32),
            jax.ShapeDtypeStruct((128,), jnp.float32),
        ],
    )(num_part, den_part, hw, wloop, b, Wg,
      asrc.reshape(D, 1), adst.reshape(D, 1), rel_emb, We, aedge.reshape(D, 1))


def _fin_pool_body(num_ref, den_ref, hw_ref, wl_ref, b_ref, w3_ref, b3_ref,
                   w4_ref, b4_ref, out_ref):
    wl = wl_ref[...][:, None]
    den = jnp.sum(den_ref[...], axis=0)[:, None] + wl
    num = num_ref[0] + num_ref[1] + hw_ref[...] * wl
    h = jnp.maximum(num / den + b_ref[...], 0.0)
    rows = lax.broadcasted_iota(jnp.int32, (NP, 1), 0)
    h = jnp.where(rows < N, h, 0.0)
    pooled = jnp.sum(h, axis=0, keepdims=True) * (1.0 / N)
    out_ref[...] = jnp.maximum(pooled @ w3_ref[...] + b3_ref[...], 0.0) @ w4_ref[...] + b4_ref[...]


def _fin_pool(num_part, den_part, hw, wloop, b, W3, b3, W4, b4):
    return pl.pallas_call(
        _fin_pool_body,
        out_shape=jax.ShapeDtypeStruct((1, 32), jnp.float32),
    )(num_part, den_part, hw, wloop, b, W3, b3, W4, b4)



def _sc_a_body(ei_hbm, attr_hbm, as_hbm, ad_hbm, t_hbm,
               alpha_hbm, smax_hbm, tsum_hbm, cnt_hbm,
               as_v, ad_v, t_v, src_v, dst_v, attr_v, alpha_v,
               smax_v, tsum_v, cnt_v):
    c = lax.axis_index("c")
    s = lax.axis_index("s")
    wid = s * NC + c
    base = wid * EPW

    pltpu.sync_copy(as_hbm, as_v)
    pltpu.sync_copy(ad_hbm, ad_v)
    pltpu.sync_copy(t_hbm, t_v)
    pltpu.sync_copy(ei_hbm.at[pl.ds(base, EPW)], src_v)
    pltpu.sync_copy(ei_hbm.at[pl.ds(E + base, EPW)], dst_v)
    pltpu.sync_copy(attr_hbm.at[pl.ds(base, EPW)], attr_v)

    zero16 = jnp.zeros((16,), jnp.float32)
    zero16i = jnp.zeros((16,), jnp.int32)
    neg16 = jnp.full((16,), NEG, jnp.float32)

    @plsc.parallel_loop(0, NP // 16, 1, unroll=4)
    def init_body(i):
        sl = pl.ds(i * 16, 16)
        smax_v[sl] = neg16
        tsum_v[sl] = zero16
        cnt_v[sl] = zero16

    one16 = jnp.ones((16,), jnp.float32)

    @plsc.parallel_loop(0, EPW // 16, 1, unroll=4)
    def alpha_body(i):
        sl = pl.ds(i * 16, 16)
        s16 = src_v[sl]
        d16 = dst_v[sl]
        a16 = attr_v[sl]
        te = plsc.load_gather(t_v, [a16])
        av = plsc.load_gather(as_v, [s16]) + plsc.load_gather(ad_v, [d16]) + te
        alpha = jnp.where(av >= 0, av, 0.2 * av)
        alpha_v[sl] = alpha
        plsc.addupdate_scatter(cnt_v, [d16], one16)
        plsc.addupdate_scatter(tsum_v, [d16], te)

    def max_body(i, _):
        sl = pl.ds(i * 16, 16)
        d16 = dst_v[sl]
        alpha = alpha_v[sl]
        cur = plsc.load_gather(smax_v, [d16])
        plsc.store_scatter(smax_v, [d16], alpha, mask=alpha > cur)
        cur = plsc.load_gather(smax_v, [d16])

        @pl.when(jnp.any(alpha > cur))
        def _retry():
            def cond(cur_):
                return jnp.any(alpha > cur_)

            def body(cur_):
                plsc.store_scatter(smax_v, [d16], alpha, mask=alpha > cur_)
                return plsc.load_gather(smax_v, [d16])

            lax.while_loop(cond, body, cur)

        return 0

    lax.fori_loop(0, EPW // 16, max_body, 0)

    pltpu.sync_copy(alpha_v, alpha_hbm.at[pl.ds(base, EPW)])
    pltpu.sync_copy(smax_v, smax_hbm.at[wid])
    pltpu.sync_copy(tsum_v, tsum_hbm.at[wid])
    pltpu.sync_copy(cnt_v, cnt_hbm.at[wid])


def _sc_a(ei_flat, attr, a_src, a_dst, t):
    f32 = jnp.float32
    return pl.kernel(
        _sc_a_body,
        out_type=[
            jax.ShapeDtypeStruct((E,), f32),
            jax.ShapeDtypeStruct((NW, NP), f32),
            jax.ShapeDtypeStruct((NW, NP), f32),
            jax.ShapeDtypeStruct((NW, NP), f32),
        ],
        mesh=_mesh,
        compiler_params=pltpu.CompilerParams(needs_layout_passes=False),
        scratch_types=[
            pltpu.VMEM((NP,), f32),
            pltpu.VMEM((NP,), f32),
            pltpu.VMEM((128,), f32),
            pltpu.VMEM((EPW,), jnp.int32),
            pltpu.VMEM((EPW,), jnp.int32),
            pltpu.VMEM((EPW,), jnp.int32),
            pltpu.VMEM((EPW,), f32),
            pltpu.VMEM((NP,), f32),
            pltpu.VMEM((NP,), f32),
            pltpu.VMEM((NP,), f32),
        ],
    )(ei_flat, attr, a_src, a_dst, t)



def _sc_b_body(ei_hbm, alpha_hbm, m_hbm, hw_hbm,
               num_hbm, den_hbm,
               m_v, src_v, dst_v, alpha_v, den_v, w_a, w_b, dstc_a, dstc_b,
               rows_a, rows_b, acc_sh, gsem_a, gsem_b, ssem_a, ssem_b):
    c = lax.axis_index("c")
    s = lax.axis_index("s")
    wid = s * NC + c
    base = wid * EPW

    pltpu.sync_copy(m_hbm, m_v)

    zero16 = jnp.zeros((16,), jnp.float32)
    zero16i = jnp.zeros((16,), jnp.int32)

    def zden_body(i, _):
        den_v[pl.ds(i * 16, 16)] = zero16
        return 0

    lax.fori_loop(0, NP // 16, zden_body, 0)

    def zrow_body(i, _):
        for k in range(D // 16):
            rows_a[i, pl.ds(k * 16, 16)] = zero16
            rows_b[i, pl.ds(k * 16, 16)] = zero16
        return 0

    lax.fori_loop(0, CH, zrow_body, 0)
    for v in range(CH // 16):
        dstc_a[pl.ds(v * 16, 16)] = zero16i
        dstc_b[pl.ds(v * 16, 16)] = zero16i

    def zcopy_body(i, _):
        pltpu.sync_copy(rows_a, acc_sh.at[pl.ds(s * RPT + i * CH, CH)])
        return 0

    lax.fori_loop(0, RPT // CH, zcopy_body, 0)
    plsc.subcore_barrier()

    pltpu.async_copy(rows_a, acc_sh.at[dstc_a], ssem_a, add=True)
    pltpu.async_copy(rows_b, acc_sh.at[dstc_b], ssem_b, add=True)

    def stage1(ebase, w_v, dstc_v, rows_v, gsem, ssem):
        pltpu.make_async_copy(rows_v, acc_sh.at[dstc_v], ssem).wait()
        gcp = pltpu.async_copy(hw_hbm.at[pl.ds(0, CH)], rows_v, gsem)
        for v in range(CH // 16):
            sl = pl.ds(ebase + v * 16, 16)
            d16 = dst_v[sl]
            w = jnp.exp(alpha_v[sl] - plsc.load_gather(m_v, [d16]))
            w_v[pl.ds(v * 16, 16)] = w
            dstc_v[pl.ds(v * 16, 16)] = d16
            plsc.addupdate_scatter(den_v, [d16], w)
        return gcp

    def stage2(gcp, w_v, dstc_v, rows_v, ssem):
        gcp.wait()

        @plsc.parallel_loop(0, CH, 1, unroll=4)
        def mul_body(j):
            wj = plsc.load_gather(w_v, [jnp.full((16,), j, jnp.int32)])
            for kk in range(D // 16):
                sl2 = pl.ds(kk * 16, 16)
                rows_v[j, sl2] = rows_v[j, sl2] * wj

        pltpu.async_copy(rows_v, acc_sh.at[dstc_v], ssem, add=True)

    def super_body(g, _):
        sbase = base + g * SUP
        pltpu.sync_copy(ei_hbm.at[pl.ds(sbase, SUP)], src_v)
        pltpu.sync_copy(ei_hbm.at[pl.ds(E + sbase, SUP)], dst_v)
        pltpu.sync_copy(alpha_hbm.at[pl.ds(sbase, SUP)], alpha_v)

        gcp = stage1(0, w_a, dstc_a, rows_a, gsem_a, ssem_a)
        stage2(gcp, w_a, dstc_a, rows_a, ssem_a)

        def pair_body(kp, _):
            e0 = (1 + 2 * kp) * CH
            gcp_a = stage1(e0, w_a, dstc_a, rows_a, gsem_a, ssem_a)
            gcp_b = stage1(e0 + CH, w_b, dstc_b, rows_b, gsem_b, ssem_b)
            stage2(gcp_a, w_a, dstc_a, rows_a, ssem_a)
            stage2(gcp_b, w_b, dstc_b, rows_b, ssem_b)
            return 0

        lax.fori_loop(0, (SUP // CH - 1) // 2, pair_body, 0)
        return 0

    lax.fori_loop(0, EPW // SUP, super_body, 0)

    pltpu.make_async_copy(rows_a, acc_sh.at[dstc_a], ssem_a).wait()
    pltpu.make_async_copy(rows_b, acc_sh.at[dstc_b], ssem_b).wait()
    plsc.subcore_barrier()

    pltpu.sync_copy(acc_sh.at[pl.ds(s * RPT, RPT)],
                    num_hbm.at[c].at[pl.ds(s * RPT, RPT)])
    pltpu.sync_copy(den_v, den_hbm.at[wid])


def _sc_b(ei_flat, alpha, m, hw):
    f32 = jnp.float32
    return pl.kernel(
        _sc_b_body,
        out_type=[
            jax.ShapeDtypeStruct((NC, NP, D), f32),
            jax.ShapeDtypeStruct((NW, NP), f32),
        ],
        mesh=_mesh,
        compiler_params=pltpu.CompilerParams(needs_layout_passes=False),
        scratch_types=[
            pltpu.VMEM((NP,), f32),
            pltpu.VMEM((SUP,), jnp.int32),
            pltpu.VMEM((SUP,), jnp.int32),
            pltpu.VMEM((SUP,), f32),
            pltpu.VMEM((NP,), f32),
            pltpu.VMEM((CH,), f32),
            pltpu.VMEM((CH,), f32),
            pltpu.VMEM((CH,), jnp.int32),
            pltpu.VMEM((CH,), jnp.int32),
            pltpu.VMEM((CH, D), f32),
            pltpu.VMEM((CH, D), f32),
            pltpu.VMEM_SHARED((NP, D), f32),
            pltpu.SemaphoreType.DMA,
            pltpu.SemaphoreType.DMA,
            pltpu.SemaphoreType.DMA,
            pltpu.SemaphoreType.DMA,
        ],
    )(ei_flat, alpha, m, hw)



def kernel(x, edge_index, edge_attr, W1, b1, W2, b2, rel_emb, c1_W, c1_asrc,
           c1_adst, c1_We, c1_aedge, c1_b, c2_W, c2_asrc, c2_adst, c2_We,
           c2_aedge, c2_b, W3, b3, W4, b4):
    ei_flat = edge_index.reshape(2 * E)
    x_p = jnp.pad(x, ((0, NP - N), (0, 0)))

    hw, a_src, a_dst, t = _mlp_prep(x_p, W1, b1, W2, b2, c1_W, c1_asrc,
                                    c1_adst, rel_emb, c1_We, c1_aedge)

    for li, b in enumerate((c1_b, c2_b)):
        alpha, smax_p, tsum_p, cnt_p = _sc_a(
            ei_flat, edge_attr, a_src, a_dst, t)
        m, wloop = _combine(smax_p, tsum_p, cnt_p, a_src, a_dst)
        num_p, den_p = _sc_b(ei_flat, alpha, m, hw)
        if li == 0:
            hw, a_src, a_dst, t = _fin_prep(
                num_p, den_p, hw, wloop, b, c2_W, c2_asrc, c2_adst,
                rel_emb, c2_We, c2_aedge)
        else:
            out = _fin_pool(num_p, den_p, hw, wloop, b, W3, b3, W4, b4)
    return out

# --- scband reference (transcript-rebuilt; emitter-appended) ---
"""Pipeline reference for scband-gnnscene-embedding-network-learned-edge-vector-73701638800220 (READ-ONLY COPY).

The authoritative reference and input builder live on the scoring server;
editing this copy changes nothing except your own understanding.
"""

import jax, jax.numpy as jnp
import numpy as np

N = 10000
E = 320000
D_IN = 128
D_NODE = 128
D_EDGE = 32
NREL = 26

def _lin_init(key, fan_in, shape):
    return jax.random.normal(key, shape, dtype=jnp.float32) / np.sqrt(fan_in)

def setup_inputs(seed: int = 0):
    key = jax.random.key(seed)
    ks = jax.random.split(key, 32)
    inp = {}
    inp["x"] = jax.random.normal(ks[0], (N, D_IN), dtype=jnp.float32)
    inp["edge_index"] = jax.random.randint(ks[1], (2, E), 0, N, dtype=jnp.int32)
    inp["edge_attr"] = jax.random.randint(ks[2], (E,), 0, NREL, dtype=jnp.int32)
    inp["W1"] = _lin_init(ks[3], D_IN, (D_IN, 256)); inp["b1"] = jnp.zeros((256,), jnp.float32)
    inp["W2"] = _lin_init(ks[4], 256, (256, D_NODE)); inp["b2"] = jnp.zeros((D_NODE,), jnp.float32)
    inp["rel_emb"] = jax.random.normal(ks[5], (NREL, D_EDGE), dtype=jnp.float32)
    for i, p in enumerate(["c1", "c2"]):
        base = 6 + i * 5
        inp[p + "_W"] = _lin_init(ks[base], D_NODE, (D_NODE, D_NODE))
        inp[p + "_asrc"] = _lin_init(ks[base + 1], D_NODE, (D_NODE,))
        inp[p + "_adst"] = _lin_init(ks[base + 2], D_NODE, (D_NODE,))
        inp[p + "_We"] = _lin_init(ks[base + 3], D_EDGE, (D_EDGE, D_NODE))
        inp[p + "_aedge"] = _lin_init(ks[base + 4], D_NODE, (D_NODE,))
        inp[p + "_b"] = jnp.zeros((D_NODE,), jnp.float32)
    inp["W3"] = _lin_init(ks[20], D_NODE, (D_NODE, 64)); inp["b3"] = jnp.zeros((64,), jnp.float32)
    inp["W4"] = _lin_init(ks[21], 64, (64, 32)); inp["b4"] = jnp.zeros((32,), jnp.float32)
    return inp

def _gat(x, src, dst, eattr, W, asrc, adst, We, aedge, b):
    # PyG GATConv, heads=1, concat=True, negative_slope=0.2, add_self_loops=True,
    # fill_value='mean' (self-loop edge_attr = mean of incoming edge_attr), bias=True
    n = x.shape[0]
    h = x @ W
    ones = jnp.ones((eattr.shape[0],), dtype=x.dtype)
    cnt = jax.ops.segment_sum(ones, dst, num_segments=n)
    sums = jax.ops.segment_sum(eattr, dst, num_segments=n)
    loop_attr = sums / jnp.clip(cnt, 1.0)[:, None]
    ar = jnp.arange(n, dtype=src.dtype)
    src_f = jnp.concatenate([src, ar])
    dst_f = jnp.concatenate([dst, ar])
    e_f = jnp.concatenate([eattr, loop_attr], axis=0)
    a_src = (h * asrc).sum(axis=-1)
    a_dst = (h * adst).sum(axis=-1)
    he = e_f @ We
    a_e = (he * aedge).sum(axis=-1)
    alpha = a_src[src_f] + a_dst[dst_f] + a_e
    alpha = jax.nn.leaky_relu(alpha, negative_slope=0.2)
    amax = jax.ops.segment_max(alpha, dst_f, num_segments=n)
    ex = jnp.exp(alpha - amax[dst_f])
    den = jax.ops.segment_sum(ex, dst_f, num_segments=n)
    coef = ex / den[dst_f]
    out = jax.ops.segment_sum(h[src_f] * coef[:, None], dst_f, num_segments=n)
    return out + b

def reference(x, edge_index, edge_attr, W1, b1, W2, b2, rel_emb, c1_W, c1_asrc, c1_adst, c1_We, c1_aedge, c1_b, c2_W, c2_asrc, c2_adst, c2_We, c2_aedge, c2_b, W3, b3, W4, b4):
    src, dst = edge_index[0], edge_index[1]
    h = jax.nn.relu(x @ W1 + b1) @ W2 + b2
    e = rel_emb[edge_attr]
    h = jax.nn.relu(_gat(h, src, dst, e, c1_W, c1_asrc, c1_adst, c1_We, c1_aedge, c1_b))
    h = jax.nn.relu(_gat(h, src, dst, e, c2_W, c2_asrc, c2_adst, c2_We, c2_aedge, c2_b))
    pooled = jnp.mean(h, axis=0, keepdims=True)  # global_mean_pool with batch all zeros
    return jax.nn.relu(pooled @ W3 + b3) @ W4 + b4

if __name__ == "__main__":
    import jax
    _d = setup_inputs()
    print(jax.jit(kernel)(*tuple(_d.values())))

</pallas_src>

<mosaic_0001>
#map = affine_map<(d0, d1) -> (0)>
#map1 = affine_map<(d0, d1) -> (0, 0)>
module attributes {stable_mosaic.version = 14 : i64} {
  func.func @_sc_a_body(%arg0: i32, %arg1: i32, %arg2: memref<640000xi32, #tpu.memory_space<hbm>>, %arg3: memref<320000xi32, #tpu.memory_space<hbm>>, %arg4: memref<10240xf32, #tpu.memory_space<hbm>>, %arg5: memref<10240xf32, #tpu.memory_space<hbm>>, %arg6: memref<128xf32, #tpu.memory_space<hbm>>, %arg7: memref<320000xf32, #tpu.memory_space<hbm>>, %arg8: memref<32x10240xf32, #tpu.memory_space<hbm>>, %arg9: memref<32x10240xf32, #tpu.memory_space<hbm>>, %arg10: memref<32x10240xf32, #tpu.memory_space<hbm>>, %arg11: memref<10240xf32, #tpu.memory_space<vmem>>, %arg12: memref<10240xf32, #tpu.memory_space<vmem>>, %arg13: memref<128xf32, #tpu.memory_space<vmem>>, %arg14: memref<10000xi32, #tpu.memory_space<vmem>>, %arg15: memref<10000xi32, #tpu.memory_space<vmem>>, %arg16: memref<10000xi32, #tpu.memory_space<vmem>>, %arg17: memref<10000xf32, #tpu.memory_space<vmem>>, %arg18: memref<10240xf32, #tpu.memory_space<vmem>>, %arg19: memref<10240xf32, #tpu.memory_space<vmem>>, %arg20: memref<10240xf32, #tpu.memory_space<vmem>>) attributes {dimension_semantics = [#tpu.dimension_semantics<core_parallel>, #tpu.dimension_semantics<subcore_parallel>], iteration_bounds = array<i64: 2, 16>, scalar_prefetch = 0 : i64, scratch_operands = 10 : i64, tpu.core_type = #tpu.core_type<sc_vector_subcore>, window_params = [{transform_indices = #map}, {transform_indices = #map}, {transform_indices = #map}, {transform_indices = #map}, {transform_indices = #map}, {transform_indices = #map}, {transform_indices = #map1}, {transform_indices = #map1}, {transform_indices = #map1}]} {
    %mul3A = arith.constant 2 : i32
    %mul3A_0 = arith.muli %arg1, %mul3A : i32
    %add3A = arith.addi %mul3A_0, %arg0 : i32
    %mul3A_1 = arith.constant 10000 : i32
    %mul3A_2 = arith.muli %add3A, %mul3A_1 : i32
    "tpu.region"() ({
      %run_scoped3A = tpu.sem_alloc : memref<!tpu.dma_semaphore, #tpu.memory_space<semaphore_mem>>
      tpu.enqueue_dma source(%arg4 : memref<10240xf32, #tpu.memory_space<hbm>>) target(%arg11 : memref<10240xf32, #tpu.memory_space<vmem>>) target_semaphore(%run_scoped3A : memref<!tpu.dma_semaphore, #tpu.memory_space<semaphore_mem>>)
      tpu.wait_dma2 semaphore(%run_scoped3A : memref<!tpu.dma_semaphore, #tpu.memory_space<semaphore_mem>>) src(%arg4 : memref<10240xf32, #tpu.memory_space<hbm>>) dst(%arg11 : memref<10240xf32, #tpu.memory_space<vmem>>)
      tpu.yield
    }) : () -> ()
    "tpu.region"() ({
      %run_scoped3A = tpu.sem_alloc : memref<!tpu.dma_semaphore, #tpu.memory_space<semaphore_mem>>
      tpu.enqueue_dma source(%arg5 : memref<10240xf32, #tpu.memory_space<hbm>>) target(%arg12 : memref<10240xf32, #tpu.memory_space<vmem>>) target_semaphore(%run_scoped3A : memref<!tpu.dma_semaphore, #tpu.memory_space<semaphore_mem>>)
      tpu.wait_dma2 semaphore(%run_scoped3A : memref<!tpu.dma_semaphore, #tpu.memory_space<semaphore_mem>>) src(%arg5 : memref<10240xf32, #tpu.memory_space<hbm>>) dst(%arg12 : memref<10240xf32, #tpu.memory_space<vmem>>)
      tpu.yield
    }) : () -> ()
    "tpu.region"() ({
      %run_scoped3A = tpu.sem_alloc : memref<!tpu.dma_semaphore, #tpu.memory_space<semaphore_mem>>
      tpu.enqueue_dma source(%arg6 : memref<128xf32, #tpu.memory_space<hbm>>) target(%arg13 : memref<128xf32, #tpu.memory_space<vmem>>) target_semaphore(%run_scoped3A : memref<!tpu.dma_semaphore, #tpu.memory_space<semaphore_mem>>)
      tpu.wait_dma2 semaphore(%run_scoped3A : memref<!tpu.dma_semaphore, #tpu.memory_space<semaphore_mem>>) src(%arg6 : memref<128xf32, #tpu.memory_space<hbm>>) dst(%arg13 : memref<128xf32, #tpu.memory_space<vmem>>)
      tpu.yield
    }) : () -> ()
    "tpu.region"() ({
      %run_scoped3A = tpu.sem_alloc : memref<!tpu.dma_semaphore, #tpu.memory_space<semaphore_mem>>
      %dma_start3A = tpu.memref_slice %arg2[%mul3A_2] : memref<640000xi32, #tpu.memory_space<hbm>> -> memref<10000xi32, #tpu.memory_space<hbm>>
      %dma_start3A_23 = tpu.memref_slice %arg2[%mul3A_2] : memref<640000xi32, #tpu.memory_space<hbm>> -> memref<10000xi32, #tpu.memory_space<hbm>>
      tpu.enqueue_dma source(%dma_start3A_23 : memref<10000xi32, #tpu.memory_space<hbm>>) target(%arg14 : memref<10000xi32, #tpu.memory_space<vmem>>) target_semaphore(%run_scoped3A : memref<!tpu.dma_semaphore, #tpu.memory_space<semaphore_mem>>)
      %dma_wait3A = tpu.memref_slice %arg2[%mul3A_2] : memref<640000xi32, #tpu.memory_space<hbm>> -> memref<10000xi32, #tpu.memory_space<hbm>>
      %dma_wait3A_24 = tpu.memref_slice %arg2[%mul3A_2] : memref<640000xi32, #tpu.memory_space<hbm>> -> memref<10000xi32, #tpu.memory_space<hbm>>
      tpu.wait_dma2 semaphore(%run_scoped3A : memref<!tpu.dma_semaphore, #tpu.memory_space<semaphore_mem>>) src(%dma_wait3A_24 : memref<10000xi32, #tpu.memory_space<hbm>>) dst(%arg14 : memref<10000xi32, #tpu.memory_space<vmem>>)
      tpu.yield
    }) : () -> ()
    %add3A_3 = arith.constant 320000 : i32
    %add3A_4 = arith.addi %add3A_3, %mul3A_2 : i32
    "tpu.region"() ({
      %run_scoped3A = tpu.sem_alloc : memref<!tpu.dma_semaphore, #tpu.memory_space<semaphore_mem>>
      %dma_start3A = tpu.memref_slice %arg2[%add3A_4] : memref<640000xi32, #tpu.memory_space<hbm>> -> memref<10000xi32, #tpu.memory_space<hbm>>
      %dma_start3A_23 = tpu.memref_slice %arg2[%add3A_4] : memref<640000xi32, #tpu.memory_space<hbm>> -> memref<10000xi32, #tpu.memory_space<hbm>>
      tpu.enqueue_dma source(%dma_start3A_23 : memref<10000xi32, #tpu.memory_space<hbm>>) target(%arg15 : memref<10000xi32, #tpu.memory_space<vmem>>) target_semaphore(%run_scoped3A : memref<!tpu.dma_semaphore, #tpu.memory_space<semaphore_mem>>)
      %dma_wait3A = tpu.memref_slice %arg2[%add3A_4] : memref<640000xi32, #tpu.memory_space<hbm>> -> memref<10000xi32, #tpu.memory_space<hbm>>
      %dma_wait3A_24 = tpu.memref_slice %arg2[%add3A_4] : memref<640000xi32, #tpu.memory_space<hbm>> -> memref<10000xi32, #tpu.memory_space<hbm>>
      tpu.wait_dma2 semaphore(%run_scoped3A : memref<!tpu.dma_semaphore, #tpu.memory_space<semaphore_mem>>) src(%dma_wait3A_24 : memref<10000xi32, #tpu.memory_space<hbm>>) dst(%arg15 : memref<10000xi32, #tpu.memory_space<vmem>>)
      tpu.yield
    }) : () -> ()
    "tpu.region"() ({
      %run_scoped3A = tpu.sem_alloc : memref<!tpu.dma_semaphore, #tpu.memory_space<semaphore_mem>>
      %dma_start3A = tpu.memref_slice %arg3[%mul3A_2] : memref<320000xi32, #tpu.memory_space<hbm>> -> memref<10000xi32, #tpu.memory_space<hbm>>
      %dma_start3A_23 = tpu.memref_slice %arg3[%mul3A_2] : memref<320000xi32, #tpu.memory_space<hbm>> -> memref<10000xi32, #tpu.memory_space<hbm>>
      tpu.enqueue_dma source(%dma_start3A_23 : memref<10000xi32, #tpu.memory_space<hbm>>) target(%arg16 : memref<10000xi32, #tpu.memory_space<vmem>>) target_semaphore(%run_scoped3A : memref<!tpu.dma_semaphore, #tpu.memory_space<semaphore_mem>>)
      %dma_wait3A = tpu.memref_slice %arg3[%mul3A_2] : memref<320000xi32, #tpu.memory_space<hbm>> -> memref<10000xi32, #tpu.memory_space<hbm>>
      %dma_wait3A_24 = tpu.memref_slice %arg3[%mul3A_2] : memref<320000xi32, #tpu.memory_space<hbm>> -> memref<10000xi32, #tpu.memory_space<hbm>>
      tpu.wait_dma2 semaphore(%run_scoped3A : memref<!tpu.dma_semaphore, #tpu.memory_space<semaphore_mem>>) src(%dma_wait3A_24 : memref<10000xi32, #tpu.memory_space<hbm>>) dst(%arg16 : memref<10000xi32, #tpu.memory_space<vmem>>)
      tpu.yield
    }) : () -> ()
    %broadcast_in_dim3A = arith.constant 0.000000e+00 : f32
    %broadcast_in_dim3A_5 = vector.broadcast %broadcast_in_dim3A : f32 to vector<16xf32>
    %broadcast_in_dim3A_6 = arith.constant 0 : i32
    %broadcast_in_dim3A_7 = vector.broadcast %broadcast_in_dim3A_6 : i32 to vector<16xi32>
    %broadcast_in_dim3A_8 = arith.constant -1.000000e+30 : f32
    %broadcast_in_dim3A_9 = vector.broadcast %broadcast_in_dim3A_8 : f32 to vector<16xf32>
    %parallel_loop3A = arith.constant 0 : i32
    %parallel_loop3A_10 = arith.constant 640 : i32
    %parallel_loop3A_11 = arith.constant 1 : i32
    scf.for %parallel_loop3A_23 = %parallel_loop3A to %parallel_loop3A_10 step %parallel_loop3A_11  : i32 {
      %parallel_loop3A_24 = arith.constant 16 : i32
      %parallel_loop3A_25 = arith.muli %parallel_loop3A_23, %parallel_loop3A_24 : i32
      %parallel_loop3A_26 = arith.index_cast %parallel_loop3A_25 : i32 to index
      %parallel_loop3A_27 = tpu.vector_load %arg18[%parallel_loop3A_26] {strides = array<i32>} : memref<10240xf32, #tpu.memory_space<vmem>>, vector<16xf32>,
      tpu.vector_store %arg18[%parallel_loop3A_26], %broadcast_in_dim3A_9 {strides = array<i32>} : memref<10240xf32, #tpu.memory_space<vmem>>, vector<16xf32>,
      %parallel_loop3A_28 = arith.index_cast %parallel_loop3A_25 : i32 to index
      %parallel_loop3A_29 = tpu.vector_load %arg19[%parallel_loop3A_28] {strides = array<i32>} : memref<10240xf32, #tpu.memory_space<vmem>>, vector<16xf32>,
      tpu.vector_store %arg19[%parallel_loop3A_28], %broadcast_in_dim3A_5 {strides = array<i32>} : memref<10240xf32, #tpu.memory_space<vmem>>, vector<16xf32>,
      %parallel_loop3A_30 = arith.index_cast %parallel_loop3A_25 : i32 to index
      %parallel_loop3A_31 = tpu.vector_load %arg20[%parallel_loop3A_30] {strides = array<i32>} : memref<10240xf32, #tpu.memory_space<vmem>>, vector<16xf32>,
      tpu.vector_store %arg20[%parallel_loop3A_30], %broadcast_in_dim3A_5 {strides = array<i32>} : memref<10240xf32, #tpu.memory_space<vmem>>, vector<16xf32>,
    } {sc.loop_unroll_factor = 4 : i64, sc.parallel_access}
    %broadcast_in_dim3A_12 = arith.constant 1.000000e+00 : f32
    %broadcast_in_dim3A_13 = vector.broadcast %broadcast_in_dim3A_12 : f32 to vector<16xf32>
    %parallel_loop3A_14 = arith.constant 0 : i32
    %parallel_loop3A_15 = arith.constant 625 : i32
    %parallel_loop3A_16 = arith.constant 1 : i32
    scf.for %parallel_loop3A_23 = %parallel_loop3A_14 to %parallel_loop3A_15 step %parallel_loop3A_16  : i32 {
      %parallel_loop3A_24 = arith.constant 16 : i32
      %parallel_loop3A_25 = arith.muli %parallel_loop3A_23, %parallel_loop3A_24 : i32
      %parallel_loop3A_26 = arith.index_cast %parallel_loop3A_25 : i32 to index
      %parallel_loop3A_27 = tpu.vector_load %arg14[%parallel_loop3A_26] {strides = array<i32>} : memref<10000xi32, #tpu.memory_space<vmem>>, vector<16xi32>,
      %parallel_loop3A_28 = arith.index_cast %parallel_loop3A_25 : i32 to index
      %parallel_loop3A_29 = tpu.vector_load %arg15[%parallel_loop3A_28] {strides = array<i32>} : memref<10000xi32, #tpu.memory_space<vmem>>, vector<16xi32>,
      %parallel_loop3A_30 = arith.index_cast %parallel_loop3A_25 : i32 to index
      %parallel_loop3A_31 = tpu.vector_load %arg16[%parallel_loop3A_30] {strides = array<i32>} : memref<10000xi32, #tpu.memory_space<vmem>>, vector<16xi32>,
      %parallel_loop3A_32 = tpu.vector_load_idx %arg13[%parallel_loop3A_31] : memref<128xf32, #tpu.memory_space<vmem>>[vector<16xi32>], vector<16xf32>,
      %parallel_loop3A_33 = tpu.vector_load_idx %arg11[%parallel_loop3A_27] : memref<10240xf32, #tpu.memory_space<vmem>>[vector<16xi32>], vector<16xf32>,
      %parallel_loop3A_34 = tpu.vector_load_idx %arg12[%parallel_loop3A_29] : memref<10240xf32, #tpu.memory_space<vmem>>[vector<16xi32>], vector<16xf32>,
      %parallel_loop3A_35 = arith.addf %parallel_loop3A_33, %parallel_loop3A_34 : vector<16xf32>
      %parallel_loop3A_36 = arith.addf %parallel_loop3A_35, %parallel_loop3A_32 : vector<16xf32>
      %parallel_loop3A_37 = arith.constant 0.000000e+00 : f32
      %parallel_loop3A_38 = vector.broadcast %parallel_loop3A_37 : f32 to vector<16xf32>
      %parallel_loop3A_39 = arith.cmpf oge, %parallel_loop3A_36, %parallel_loop3A_38 : vector<16xf32>
      %parallel_loop3A_40 = arith.constant 2.000000e-01 : f32
      %parallel_loop3A_41 = vector.broadcast %parallel_loop3A_40 : f32 to vector<16xf32>
      %parallel_loop3A_42 = arith.mulf %parallel_loop3A_41, %parallel_loop3A_36 : vector<16xf32>
      %parallel_loop3A_43 = arith.select %parallel_loop3A_39, %parallel_loop3A_36, %parallel_loop3A_42 : vector<16xi1>, vector<16xf32>
      %parallel_loop3A_44 = arith.index_cast %parallel_loop3A_25 : i32 to index
      %parallel_loop3A_45 = tpu.vector_load %arg17[%parallel_loop3A_44] {strides = array<i32>} : memref<10000xf32, #tpu.memory_space<vmem>>, vector<16xf32>,
      tpu.vector_store %arg17[%parallel_loop3A_44], %parallel_loop3A_43 {strides = array<i32>} : memref<10000xf32, #tpu.memory_space<vmem>>, vector<16xf32>,
      tpu.vector_store_idx %arg20[%parallel_loop3A_29], %broadcast_in_dim3A_13 {add = true} : memref<10240xf32, #tpu.memory_space<vmem>>[vector<16xi32>], vector<16xf32>,
      tpu.vector_store_idx %arg19[%parallel_loop3A_29], %parallel_loop3A_32 {add = true} : memref<10240xf32, #tpu.memory_space<vmem>>[vector<16xi32>], vector<16xf32>,
    } {sc.loop_unroll_factor = 4 : i64, sc.parallel_access}
    %scan3A = arith.constant 0 : i32
    %scan3A_17 = arith.constant 0 : i32
    %scan3A_18 = arith.constant 625 : i32
    %scan3A_19 = arith.addi %scan3A_17, %scan3A_18 : i32
    %scan3A_20 = arith.constant 1 : i32
    %scan3A_21 = scf.for %scan3A_23 = %scan3A_17 to %scan3A_19 step %scan3A_20 iter_args(%scan3A_24 = %scan3A) -> (i32)  : i32 {
      %mul3A_25 = arith.constant 16 : i32
      %mul3A_26 = arith.muli %scan3A_23, %mul3A_25 : i32
      %get3A = arith.index_cast %mul3A_26 : i32 to index
      %get3A_27 = tpu.vector_load %arg15[%get3A] {strides = array<i32>} : memref<10000xi32, #tpu.memory_space<vmem>>, vector<16xi32>,
      %get3A_28 = arith.index_cast %mul3A_26 : i32 to index
      %get3A_29 = tpu.vector_load %arg17[%get3A_28] {strides = array<i32>} : memref<10000xf32, #tpu.memory_space<vmem>>, vector<16xf32>,
      %gather3A = tpu.vector_load_idx %arg18[%get3A_27] : memref<10240xf32, #tpu.memory_space<vmem>>[vector<16xi32>], vector<16xf32>,
      %gt3A = arith.cmpf ogt, %get3A_29, %gather3A : vector<16xf32>
      tpu.vector_store_idx %arg18[%get3A_27], %get3A_29 masked %gt3A : memref<10240xf32, #tpu.memory_space<vmem>>[vector<16xi32>], vector<16xf32>, vector<16xi1>
      %gather3A_30 = tpu.vector_load_idx %arg18[%get3A_27] : memref<10240xf32, #tpu.memory_space<vmem>>[vector<16xi32>], vector<16xf32>,
      %gt3A_31 = arith.cmpf ogt, %get3A_29, %gather3A_30 : vector<16xf32>
      %reduce_or3A = arith.constant 1.000000e+00 : f32
      %reduce_or3A_32 = arith.constant 0.000000e+00 : f32
      %reduce_or3A_33 = vector.broadcast %reduce_or3A : f32 to vector<16xf32>
      %reduce_or3A_34 = vector.broadcast %reduce_or3A_32 : f32 to vector<16xf32>
      %reduce_or3A_35 = arith.select %gt3A_31, %reduce_or3A_33, %reduce_or3A_34 : vector<16xi1>, vector<16xf32>
      %reduce_or3A_36 = arith.constant true
      %reduce_or3A_37 = vector.broadcast %reduce_or3A_36 : i1 to vector<16xi1>
      %reduce_or3A_38 = tpu.scan <max>, %reduce_or3A_35 masked %reduce_or3A_37 : vector<16xf32>, vector<16xi1> -> vector<16xf32>
      %reduce_or3A_39 = vector.extract %reduce_or3A_38[15] : f32 from vector<16xf32>
      %reduce_or3A_40 = arith.constant 0.000000e+00 : f32
      %reduce_or3A_41 = arith.cmpf ogt, %reduce_or3A_39, %reduce_or3A_40 : f32
      %convert_element_type3A = arith.extui %reduce_or3A_41 : i1 to i32
      %cond3A = arith.constant 0 : i32
      %cond3A_42 = arith.cmpi ne, %convert_element_type3A, %cond3A : i32
      scf.if %cond3A_42 {
        %while3A = scf.while (%while3A_44 = %gather3A_30) : (vector<16xf32>) -> vector<16xf32> {
          %gt3A_45 = arith.cmpf ogt, %get3A_29, %while3A_44 : vector<16xf32>
          %reduce_or3A_46 = arith.constant 1.000000e+00 : f32
          %reduce_or3A_47 = arith.constant 0.000000e+00 : f32
          %reduce_or3A_48 = vector.broadcast %reduce_or3A_46 : f32 to vector<16xf32>
          %reduce_or3A_49 = vector.broadcast %reduce_or3A_47 : f32 to vector<16xf32>
          %reduce_or3A_50 = arith.select %gt3A_45, %reduce_or3A_48, %reduce_or3A_49 : vector<16xi1>, vector<16xf32>
          %reduce_or3A_51 = arith.constant true
          %reduce_or3A_52 = vector.broadcast %reduce_or3A_51 : i1 to vector<16xi1>
          %reduce_or3A_53 = tpu.scan <max>, %reduce_or3A_50 masked %reduce_or3A_52 : vector<16xf32>, vector<16xi1> -> vector<16xf32>
          %reduce_or3A_54 = vector.extract %reduce_or3A_53[15] : f32 from vector<16xf32>
          %reduce_or3A_55 = arith.constant 0.000000e+00 : f32
          %reduce_or3A_56 = arith.cmpf ogt, %reduce_or3A_54, %reduce_or3A_55 : f32
          scf.condition(%reduce_or3A_56) %while3A_44 : vector<16xf32>
        } do {
        ^bb0(%while3A_44: vector<16xf32>):
          %gt3A_45 = arith.cmpf ogt, %get3A_29, %while3A_44 : vector<16xf32>
          tpu.vector_store_idx %arg18[%get3A_27], %get3A_29 masked %gt3A_45 : memref<10240xf32, #tpu.memory_space<vmem>>[vector<16xi32>], vector<16xf32>, vector<16xi1>
          %gather3A_46 = tpu.vector_load_idx %arg18[%get3A_27] : memref<10240xf32, #tpu.memory_space<vmem>>[vector<16xi32>], vector<16xf32>,
          scf.yield %gather3A_46 : vector<16xf32>
        }
      } else {
      }
      %scan3A_43 = arith.constant 0 : i32
      scf.yield %scan3A_43 : i32
    }
    %scan3A_22 = arith.constant 625 : i32
    "tpu.region"() ({
      %run_scoped3A = tpu.sem_alloc : memref<!tpu.dma_semaphore, #tpu.memory_space<semaphore_mem>>
      %dma_start3A = tpu.memref_slice %arg7[%mul3A_2] : memref<320000xf32, #tpu.memory_space<hbm>> -> memref<10000xf32, #tpu.memory_space<hbm>>
      %dma_start3A_23 = tpu.memref_slice %arg7[%mul3A_2] : memref<320000xf32, #tpu.memory_space<hbm>> -> memref<10000xf32, #tpu.memory_space<hbm>>
      tpu.enqueue_dma source(%arg17 : memref<10000xf32, #tpu.memory_space<vmem>>) target(%dma_start3A_23 : memref<10000xf32, #tpu.memory_space<hbm>>) target_semaphore(%run_scoped3A : memref<!tpu.dma_semaphore, #tpu.memory_space<semaphore_mem>>)
      %dma_wait3A = tpu.memref_slice %arg7[%mul3A_2] : memref<320000xf32, #tpu.memory_space<hbm>> -> memref<10000xf32, #tpu.memory_space<hbm>>
      %dma_wait3A_24 = tpu.memref_slice %arg7[%mul3A_2] : memref<320000xf32, #tpu.memory_space<hbm>> -> memref<10000xf32, #tpu.memory_space<hbm>>
      tpu.wait_dma2 semaphore(%run_scoped3A : memref<!tpu.dma_semaphore, #tpu.memory_space<semaphore_mem>>) src(%arg17 : memref<10000xf32, #tpu.memory_space<vmem>>) dst(%dma_wait3A_24 : memref<10000xf32, #tpu.memory_space<hbm>>)
      tpu.yield
    }) : () -> ()
    "tpu.region"() ({
      %run_scoped3A = tpu.sem_alloc : memref<!tpu.dma_semaphore, #tpu.memory_space<semaphore_mem>>
      %dma_start3A = arith.constant 0 : i32
      %dma_start3A_23 = tpu.memref_slice %arg8[%add3A, %dma_start3A] : memref<32x10240xf32, #tpu.memory_space<hbm>> -> memref<1x10240xf32, #tpu.memory_space<hbm>>
      %dma_start3A_24 = tpu.memref_squeeze %dma_start3A_23 : memref<1x10240xf32, #tpu.memory_space<hbm>> -> memref<10240xf32, #tpu.memory_space<hbm>>
      %dma_start3A_25 = arith.constant 0 : i32
      %dma_start3A_26 = tpu.memref_slice %arg8[%add3A, %dma_start3A_25] : memref<32x10240xf32, #tpu.memory_space<hbm>> -> memref<1x10240xf32, #tpu.memory_space<hbm>>
      %dma_start3A_27 = tpu.memref_squeeze %dma_start3A_26 : memref<1x10240xf32, #tpu.memory_space<hbm>> -> memref<10240xf32, #tpu.memory_space<hbm>>
      tpu.enqueue_dma source(%arg18 : memref<10240xf32, #tpu.memory_space<vmem>>) target(%dma_start3A_27 : memref<10240xf32, #tpu.memory_space<hbm>>) target_semaphore(%run_scoped3A : memref<!tpu.dma_semaphore, #tpu.memory_space<semaphore_mem>>)
      %dma_wait3A = arith.constant 0 : i32
      %dma_wait3A_28 = tpu.memref_slice %arg8[%add3A, %dma_wait3A] : memref<32x10240xf32, #tpu.memory_space<hbm>> -> memref<1x10240xf32, #tpu.memory_space<hbm>>
      %dma_wait3A_29 = tpu.memref_squeeze %dma_wait3A_28 : memref<1x10240xf32, #tpu.memory_space<hbm>> -> memref<10240xf32, #tpu.memory_space<hbm>>
      %dma_wait3A_30 = arith.constant 0 : i32
      %dma_wait3A_31 = tpu.memref_slice %arg8[%add3A, %dma_wait3A_30] : memref<32x10240xf32, #tpu.memory_space<hbm>> -> memref<1x10240xf32, #tpu.memory_space<hbm>>
      %dma_wait3A_32 = tpu.memref_squeeze %dma_wait3A_31 : memref<1x10240xf32, #tpu.memory_space<hbm>> -> memref<10240xf32, #tpu.memory_space<hbm>>
      tpu.wait_dma2 semaphore(%run_scoped3A : memref<!tpu.dma_semaphore, #tpu.memory_space<semaphore_mem>>) src(%arg18 : memref<10240xf32, #tpu.memory_space<vmem>>) dst(%dma_wait3A_32 : memref<10240xf32, #tpu.memory_space<hbm>>)
      tpu.yield
    }) : () -> ()
    "tpu.region"() ({
      %run_scoped3A = tpu.sem_alloc : memref<!tpu.dma_semaphore, #tpu.memory_space<semaphore_mem>>
      %dma_start3A = arith.constant 0 : i32
      %dma_start3A_23 = tpu.memref_slice %arg9[%add3A, %dma_start3A] : memref<32x10240xf32, #tpu.memory_space<hbm>> -> memref<1x10240xf32, #tpu.memory_space<hbm>>
      %dma_start3A_24 = tpu.memref_squeeze %dma_start3A_23 : memref<1x10240xf32, #tpu.memory_space<hbm>> -> memref<10240xf32, #tpu.memory_space<hbm>>
      %dma_start3A_25 = arith.constant 0 : i32
      %dma_start3A_26 = tpu.memref_slice %arg9[%add3A, %dma_start3A_25] : memref<32x10240xf32, #tpu.memory_space<hbm>> -> memref<1x10240xf32, #tpu.memory_space<hbm>>
      %dma_start3A_27 = tpu.memref_squeeze %dma_start3A_26 : memref<1x10240xf32, #tpu.memory_space<hbm>> -> memref<10240xf32, #tpu.memory_space<hbm>>
      tpu.enqueue_dma source(%arg19 : memref<10240xf32, #tpu.memory_space<vmem>>) target(%dma_start3A_27 : memref<10240xf32, #tpu.memory_space<hbm>>) target_semaphore(%run_scoped3A : memref<!tpu.dma_semaphore, #tpu.memory_space<semaphore_mem>>)
      %dma_wait3A = arith.constant 0 : i32
      %dma_wait3A_28 = tpu.memref_slice %arg9[%add3A, %dma_wait3A] : memref<32x10240xf32, #tpu.memory_space<hbm>> -> memref<1x10240xf32, #tpu.memory_space<hbm>>
      %dma_wait3A_29 = tpu.memref_squeeze %dma_wait3A_28 : memref<1x10240xf32, #tpu.memory_space<hbm>> -> memref<10240xf32, #tpu.memory_space<hbm>>
      %dma_wait3A_30 = arith.constant 0 : i32
      %dma_wait3A_31 = tpu.memref_slice %arg9[%add3A, %dma_wait3A_30] : memref<32x10240xf32, #tpu.memory_space<hbm>> -> memref<1x10240xf32, #tpu.memory_space<hbm>>
      %dma_wait3A_32 = tpu.memref_squeeze %dma_wait3A_31 : memref<1x10240xf32, #tpu.memory_space<hbm>> -> memref<10240xf32, #tpu.memory_space<hbm>>
      tpu.wait_dma2 semaphore(%run_scoped3A : memref<!tpu.dma_semaphore, #tpu.memory_space<semaphore_mem>>) src(%arg19 : memref<10240xf32, #tpu.memory_space<vmem>>) dst(%dma_wait3A_32 : memref<10240xf32, #tpu.memory_space<hbm>>)
      tpu.yield
    }) : () -> ()
    "tpu.region"() ({
      %run_scoped3A = tpu.sem_alloc : memref<!tpu.dma_semaphore, #tpu.memory_space<semaphore_mem>>
      %dma_start3A = arith.constant 0 : i32
      %dma_start3A_23 = tpu.memref_slice %arg10[%add3A, %dma_start3A] : memref<32x10240xf32, #tpu.memory_space<hbm>> -> memref<1x10240xf32, #tpu.memory_space<hbm>>
      %dma_start3A_24 = tpu.memref_squeeze %dma_start3A_23 : memref<1x10240xf32, #tpu.memory_space<hbm>> -> memref<10240xf32, #tpu.memory_space<hbm>>
      %dma_start3A_25 = arith.constant 0 : i32
      %dma_start3A_26 = tpu.memref_slice %arg10[%add3A, %dma_start3A_25] : memref<32x10240xf32, #tpu.memory_space<hbm>> -> memref<1x10240xf32, #tpu.memory_space<hbm>>
      %dma_start3A_27 = tpu.memref_squeeze %dma_start3A_26 : memref<1x10240xf32, #tpu.memory_space<hbm>> -> memref<10240xf32, #tpu.memory_space<hbm>>
      tpu.enqueue_dma source(%arg20 : memref<10240xf32, #tpu.memory_space<vmem>>) target(%dma_start3A_27 : memref<10240xf32, #tpu.memory_space<hbm>>) target_semaphore(%run_scoped3A : memref<!tpu.dma_semaphore, #tpu.memory_space<semaphore_mem>>)
      %dma_wait3A = arith.constant 0 : i32
      %dma_wait3A_28 = tpu.memref_slice %arg10[%add3A, %dma_wait3A] : memref<32x10240xf32, #tpu.memory_space<hbm>> -> memref<1x10240xf32, #tpu.memory_space<hbm>>
      %dma_wait3A_29 = tpu.memref_squeeze %dma_wait3A_28 : memref<1x10240xf32, #tpu.memory_space<hbm>> -> memref<10240xf32, #tpu.memory_space<hbm>>
      %dma_wait3A_30 = arith.constant 0 : i32
      %dma_wait3A_31 = tpu.memref_slice %arg10[%add3A, %dma_wait3A_30] : memref<32x10240xf32, #tpu.memory_space<hbm>> -> memref<1x10240xf32, #tpu.memory_space<hbm>>
      %dma_wait3A_32 = tpu.memref_squeeze %dma_wait3A_31 : memref<1x10240xf32, #tpu.memory_space<hbm>> -> memref<10240xf32, #tpu.memory_space<hbm>>
      tpu.wait_dma2 semaphore(%run_scoped3A : memref<!tpu.dma_semaphore, #tpu.memory_space<semaphore_mem>>) src(%arg20 : memref<10240xf32, #tpu.memory_space<vmem>>) dst(%dma_wait3A_32 : memref<10240xf32, #tpu.memory_space<hbm>>)
      tpu.yield
    }) : () -> ()
    return
  }
}

#map = affine_map<(d0, d1) -> (0)>
#map1 = affine_map<(d0, d1) -> (0, 0)>
#map2 = affine_map<(d0, d1) -> (0, 0, 0)>
module attributes {stable_mosaic.version = 14 : i64} {
  func.func @_sc_b_body(%arg0: i32, %arg1: i32, %arg2: memref<640000xi32, #tpu.memory_space<hbm>>, %arg3: memref<320000xf32, #tpu.memory_space<hbm>>, %arg4: memref<10240xf32, #tpu.memory_space<hbm>>, %arg5: memref<10240x128xf32, #tpu.memory_space<hbm>>, %arg6: memref<2x10240x128xf32, #tpu.memory_space<hbm>>, %arg7: memref<32x10240xf32, #tpu.memory_space<hbm>>, %arg8: memref<10240xf32, #tpu.memory_space<vmem>>, %arg9: memref<2000xi32, #tpu.memory_space<vmem>>, %arg10: memref<2000xi32, #tpu.memory_space<vmem>>, %arg11: memref<2000xf32, #tpu.memory_space<vmem>>, %arg12: memref<10240xf32, #tpu.memory_space<vmem>>, %arg13: memref<80xf32, #tpu.memory_space<vmem>>, %arg14: memref<80xf32, #tpu.memory_space<vmem>>, %arg15: memref<80xi32, #tpu.memory_space<vmem>>, %arg16: memref<80xi32, #tpu.memory_space<vmem>>, %arg17: memref<80x128xf32, #tpu.memory_space<vmem>>, %arg18: memref<80x128xf32, #tpu.memory_space<vmem>>, %arg19: memref<10240x128xf32, #tpu.memory_space<vmem_shared>>, %arg20: memref<!tpu.dma_semaphore, #tpu.memory_space<semaphore_mem>>, %arg21: memref<!tpu.dma_semaphore, #tpu.memory_space<semaphore_mem>>, %arg22: memref<!tpu.dma_semaphore, #tpu.memory_space<semaphore_mem>>, %arg23: memref<!tpu.dma_semaphore, #tpu.memory_space<semaphore_mem>>) attributes {dimension_semantics = [#tpu.dimension_semantics<core_parallel>, #tpu.dimension_semantics<subcore_parallel>], iteration_bounds = array<i64: 2, 16>, scalar_prefetch = 0 : i64, scratch_operands = 16 : i64, tpu.core_type = #tpu.core_type<sc_vector_subcore>, window_params = [{transform_indices = #map}, {transform_indices = #map}, {transform_indices = #map}, {transform_indices = #map1}, {transform_indices = #map2}, {transform_indices = #map1}]} {
    %mul3A = arith.constant 2 : i32
    %mul3A_0 = arith.muli %arg1, %mul3A : i32
    %add3A = arith.addi %mul3A_0, %arg0 : i32
    %mul3A_1 = arith.constant 10000 : i32
    %mul3A_2 = arith.muli %add3A, %mul3A_1 : i32
    "tpu.region"() ({
      %run_scoped3A = tpu.sem_alloc : memref<!tpu.dma_semaphore, #tpu.memory_space<semaphore_mem>>
      tpu.enqueue_dma source(%arg4 : memref<10240xf32, #tpu.memory_space<hbm>>) target(%arg8 : memref<10240xf32, #tpu.memory_space<vmem>>) target_semaphore(%run_scoped3A : memref<!tpu.dma_semaphore, #tpu.memory_space<semaphore_mem>>)
      tpu.wait_dma2 semaphore(%run_scoped3A : memref<!tpu.dma_semaphore, #tpu.memory_space<semaphore_mem>>) src(%arg4 : memref<10240xf32, #tpu.memory_space<hbm>>) dst(%arg8 : memref<10240xf32, #tpu.memory_space<vmem>>)
      tpu.yield
    }) : () -> ()
    %broadcast_in_dim3A = arith.constant 0.000000e+00 : f32
    %broadcast_in_dim3A_3 = vector.broadcast %broadcast_in_dim3A : f32 to vector<16xf32>
    %broadcast_in_dim3A_4 = arith.constant 0 : i32
    %broadcast_in_dim3A_5 = vector.broadcast %broadcast_in_dim3A_4 : i32 to vector<16xi32>
    %scan3A = arith.constant 0 : i32
    %scan3A_6 = arith.constant 0 : i32
    %scan3A_7 = arith.constant 640 : i32
    %scan3A_8 = arith.addi %scan3A_6, %scan3A_7 : i32
    %scan3A_9 = arith.constant 1 : i32
    %scan3A_10 = scf.for %scan3A_67 = %scan3A_6 to %scan3A_8 step %scan3A_9 iter_args(%scan3A_68 = %scan3A) -> (i32)  : i32 {
      %mul3A_69 = arith.constant 16 : i32
      %mul3A_70 = arith.muli %scan3A_67, %mul3A_69 : i32
      %swap3A_71 = arith.index_cast %mul3A_70 : i32 to index
      %swap3A_72 = tpu.vector_load %arg12[%swap3A_71] {strides = array<i32>} : memref<10240xf32, #tpu.memory_space<vmem>>, vector<16xf32>,
      tpu.vector_store %arg12[%swap3A_71], %broadcast_in_dim3A_3 {strides = array<i32>} : memref<10240xf32, #tpu.memory_space<vmem>>, vector<16xf32>,
      %scan3A_73 = arith.constant 0 : i32
      scf.yield %scan3A_73 : i32
    }
    %scan3A_11 = arith.constant 640 : i32
    %scan3A_12 = arith.constant 0 : i32
    %scan3A_13 = arith.constant 0 : i32
    %scan3A_14 = arith.constant 80 : i32
    %scan3A_15 = arith.addi %scan3A_13, %scan3A_14 : i32
    %scan3A_16 = arith.constant 1 : i32
    %scan3A_17 = scf.for %scan3A_67 = %scan3A_13 to %scan3A_15 step %scan3A_16 iter_args(%scan3A_68 = %scan3A_12) -> (i32)  : i32 {
      %swap3A_69 = arith.index_cast %scan3A_67 : i32 to index
      %swap3A_70 = arith.constant 0 : index
      %swap3A_71 = tpu.vector_load %arg17[%swap3A_69, %swap3A_70] {strides = array<i32>} : memref<80x128xf32, #tpu.memory_space<vmem>>, vector<16xf32>,
      tpu.vector_store %arg17[%swap3A_69, %swap3A_70], %broadcast_in_dim3A_3 {strides = array<i32>} : memref<80x128xf32, #tpu.memory_space<vmem>>, vector<16xf32>,
      %swap3A_72 = arith.index_cast %scan3A_67 : i32 to index
      %swap3A_73 = arith.constant 0 : index
      %swap3A_74 = tpu.vector_load %arg18[%swap3A_72, %swap3A_73] {strides = array<i32>} : memref<80x128xf32, #tpu.memory_space<vmem>>, vector<16xf32>,
      tpu.vector_store %arg18[%swap3A_72, %swap3A_73], %broadcast_in_dim3A_3 {strides = array<i32>} : memref<80x128xf32, #tpu.memory_space<vmem>>, vector<16xf32>,
      %swap3A_75 = arith.index_cast %scan3A_67 : i32 to index
      %swap3A_76 = arith.constant 16 : index
      %swap3A_77 = tpu.vector_load %arg17[%swap3A_75, %swap3A_76] {strides = array<i32>} : memref<80x128xf32, #tpu.memory_space<vmem>>, vector<16xf32>,
      tpu.vector_store %arg17[%swap3A_75, %swap3A_76], %broadcast_in_dim3A_3 {strides = array<i32>} : memref<80x128xf32, #tpu.memory_space<vmem>>, vector<16xf32>,
      %swap3A_78 = arith.index_cast %scan3A_67 : i32 to index
      %swap3A_79 = arith.constant 16 : index
      %swap3A_80 = tpu.vector_load %arg18[%swap3A_78, %swap3A_79] {strides = array<i32>} : memref<80x128xf32, #tpu.memory_space<vmem>>, vector<16xf32>,
      tpu.vector_store %arg18[%swap3A_78, %swap3A_79], %broadcast_in_dim3A_3 {strides = array<i32>} : memref<80x128xf32, #tpu.memory_space<vmem>>, vector<16xf32>,
      %swap3A_81 = arith.index_cast %scan3A_67 : i32 to index
      %swap3A_82 = arith.constant 32 : index
      %swap3A_83 = tpu.vector_load %arg17[%swap3A_81, %swap3A_82] {strides = array<i32>} : memref<80x128xf32, #tpu.memory_space<vmem>>, vector<16xf32>,
      tpu.vector_store %arg17[%swap3A_81, %swap3A_82], %broadcast_in_dim3A_3 {strides = array<i32>} : memref<80x128xf32, #tpu.memory_space<vmem>>, vector<16xf32>,
      %swap3A_84 = arith.index_cast %scan3A_67 : i32 to index
      %swap3A_85 = arith.constant 32 : index
      %swap3A_86 = tpu.vector_load %arg18[%swap3A_84, %swap3A_85] {strides = array<i32>} : memref<80x128xf32, #tpu.memory_space<vmem>>, vector<16xf32>,
      tpu.vector_store %arg18[%swap3A_84, %swap3A_85], %broadcast_in_dim3A_3 {strides = array<i32>} : memref<80x128xf32, #tpu.memory_space<vmem>>, vector<16xf32>,
      %swap3A_87 = arith.index_cast %scan3A_67 : i32 to index
      %swap3A_88 = arith.constant 48 : index
      %swap3A_89 = tpu.vector_load %arg17[%swap3A_87, %swap3A_88] {strides = array<i32>} : memref<80x128xf32, #tpu.memory_space<vmem>>, vector<16xf32>,
      tpu.vector_store %arg17[%swap3A_87, %swap3A_88], %broadcast_in_dim3A_3 {strides = array<i32>} : memref<80x128xf32, #tpu.memory_space<vmem>>, vector<16xf32>,
      %swap3A_90 = arith.index_cast %scan3A_67 : i32 to index
      %swap3A_91 = arith.constant 48 : index
      %swap3A_92 = tpu.vector_load %arg18[%swap3A_90, %swap3A_91] {strides = array<i32>} : memref<80x128xf32, #tpu.memory_space<vmem>>, vector<16xf32>,
      tpu.vector_store %arg18[%swap3A_90, %swap3A_91], %broadcast_in_dim3A_3 {strides = array<i32>} : memref<80x128xf32, #tpu.memory_space<vmem>>, vector<16xf32>,
      %swap3A_93 = arith.index_cast %scan3A_67 : i32 to index
      %swap3A_94 = arith.constant 64 : index
      %swap3A_95 = tpu.vector_load %arg17[%swap3A_93, %swap3A_94] {strides = array<i32>} : memref<80x128xf32, #tpu.memory_space<vmem>>, vector<16xf32>,
      tpu.vector_store %arg17[%swap3A_93, %swap3A_94], %broadcast_in_dim3A_3 {strides = array<i32>} : memref<80x128xf32, #tpu.memory_space<vmem>>, vector<16xf32>,
      %swap3A_96 = arith.index_cast %scan3A_67 : i32 to index
      %swap3A_97 = arith.constant 64 : index
      %swap3A_98 = tpu.vector_load %arg18[%swap3A_96, %swap3A_97] {strides = array<i32>} : memref<80x128xf32, #tpu.memory_space<vmem>>, vector<16xf32>,
      tpu.vector_store %arg18[%swap3A_96, %swap3A_97], %broadcast_in_dim3A_3 {strides = array<i32>} : memref<80x128xf32, #tpu.memory_space<vmem>>, vector<16xf32>,
      %swap3A_99 = arith.index_cast %scan3A_67 : i32 to index
      %swap3A_100 = arith.constant 80 : index
      %swap3A_101 = tpu.vector_load %arg17[%swap3A_99, %swap3A_100] {strides = array<i32>} : memref<80x128xf32, #tpu.memory_space<vmem>>, vector<16xf32>,
      tpu.vector_store %arg17[%swap3A_99, %swap3A_100], %broadcast_in_dim3A_3 {strides = array<i32>} : memref<80x128xf32, #tpu.memory_space<vmem>>, vector<16xf32>,
      %swap3A_102 = arith.index_cast %scan3A_67 : i32 to index
      %swap3A_103 = arith.constant 80 : index
      %swap3A_104 = tpu.vector_load %arg18[%swap3A_102, %swap3A_103] {strides = array<i32>} : memref<80x128xf32, #tpu.memory_space<vmem>>, vector<16xf32>,
      tpu.vector_store %arg18[%swap3A_102, %swap3A_103], %broadcast_in_dim3A_3 {strides = array<i32>} : memref<80x128xf32, #tpu.memory_space<vmem>>, vector<16xf32>,
      %swap3A_105 = arith.index_cast %scan3A_67 : i32 to index
      %swap3A_106 = arith.constant 96 : index
      %swap3A_107 = tpu.vector_load %arg17[%swap3A_105, %swap3A_106] {strides = array<i32>} : memref<80x128xf32, #tpu.memory_space<vmem>>, vector<16xf32>,
      tpu.vector_store %arg17[%swap3A_105, %swap3A_106], %broadcast_in_dim3A_3 {strides = array<i32>} : memref<80x128xf32, #tpu.memory_space<vmem>>, vector<16xf32>,
      %swap3A_108 = arith.index_cast %scan3A_67 : i32 to index
      %swap3A_109 = arith.constant 96 : index
      %swap3A_110 = tpu.vector_load %arg18[%swap3A_108, %swap3A_109] {strides = array<i32>} : memref<80x128xf32, #tpu.memory_space<vmem>>, vector<16xf32>,
      tpu.vector_store %arg18[%swap3A_108, %swap3A_109], %broadcast_in_dim3A_3 {strides = array<i32>} : memref<80x128xf32, #tpu.memory_space<vmem>>, vector<16xf32>,
      %swap3A_111 = arith.index_cast %scan3A_67 : i32 to index
      %swap3A_112 = arith.constant 112 : index
      %swap3A_113 = tpu.vector_load %arg17[%swap3A_111, %swap3A_112] {strides = array<i32>} : memref<80x128xf32, #tpu.memory_space<vmem>>, vector<16xf32>,
      tpu.vector_store %arg17[%swap3A_111, %swap3A_112], %broadcast_in_dim3A_3 {strides = array<i32>} : memref<80x128xf32, #tpu.memory_space<vmem>>, vector<16xf32>,
      %swap3A_114 = arith.index_cast %scan3A_67 : i32 to index
      %swap3A_115 = arith.constant 112 : index
      %swap3A_116 = tpu.vector_load %arg18[%swap3A_114, %swap3A_115] {strides = array<i32>} : memref<80x128xf32, #tpu.memory_space<vmem>>, vector<16xf32>,
      tpu.vector_store %arg18[%swap3A_114, %swap3A_115], %broadcast_in_dim3A_3 {strides = array<i32>} : memref<80x128xf32, #tpu.memory_space<vmem>>, vector<16xf32>,
      %scan3A_117 = arith.constant 0 : i32
      scf.yield %scan3A_117 : i32
    }
    %scan3A_18 = arith.constant 80 : i32
    %swap3A = arith.constant 0 : index
    %swap3A_19 = tpu.vector_load %arg15[%swap3A] {strides = array<i32>} : memref<80xi32, #tpu.memory_space<vmem>>, vector<16xi32>,
    tpu.vector_store %arg15[%swap3A], %broadcast_in_dim3A_5 {strides = array<i32>} : memref<80xi32, #tpu.memory_space<vmem>>, vector<16xi32>,
    %swap3A_20 = arith.constant 0 : index
    %swap3A_21 = tpu.vector_load %arg16[%swap3A_20] {strides = array<i32>} : memref<80xi32, #tpu.memory_space<vmem>>, vector<16xi32>,
    tpu.vector_store %arg16[%swap3A_20], %broadcast_in_dim3A_5 {strides = array<i32>} : memref<80xi32, #tpu.memory_space<vmem>>, vector<16xi32>,
    %swap3A_22 = arith.constant 16 : index
    %swap3A_23 = tpu.vector_load %arg15[%swap3A_22] {strides = array<i32>} : memref<80xi32, #tpu.memory_space<vmem>>, vector<16xi32>,
    tpu.vector_store %arg15[%swap3A_22], %broadcast_in_dim3A_5 {strides = array<i32>} : memref<80xi32, #tpu.memory_space<vmem>>, vector<16xi32>,
    %swap3A_24 = arith.constant 16 : index
    %swap3A_25 = tpu.vector_load %arg16[%swap3A_24] {strides = array<i32>} : memref<80xi32, #tpu.memory_space<vmem>>, vector<16xi32>,
    tpu.vector_store %arg16[%swap3A_24], %broadcast_in_dim3A_5 {strides = array<i32>} : memref<80xi32, #tpu.memory_space<vmem>>, vector<16xi32>,
    %swap3A_26 = arith.constant 32 : index
    %swap3A_27 = tpu.vector_load %arg15[%swap3A_26] {strides = array<i32>} : memref<80xi32, #tpu.memory_space<vmem>>, vector<16xi32>,
    tpu.vector_store %arg15[%swap3A_26], %broadcast_in_dim3A_5 {strides = array<i32>} : memref<80xi32, #tpu.memory_space<vmem>>, vector<16xi32>,
    %swap3A_28 = arith.constant 32 : index
    %swap3A_29 = tpu.vector_load %arg16[%swap3A_28] {strides = array<i32>} : memref<80xi32, #tpu.memory_space<vmem>>, vector<16xi32>,
    tpu.vector_store %arg16[%swap3A_28], %broadcast_in_dim3A_5 {strides = array<i32>} : memref<80xi32, #tpu.memory_space<vmem>>, vector<16xi32>,
    %swap3A_30 = arith.constant 48 : index
    %swap3A_31 = tpu.vector_load %arg15[%swap3A_30] {strides = array<i32>} : memref<80xi32, #tpu.memory_space<vmem>>, vector<16xi32>,
    tpu.vector_store %arg15[%swap3A_30], %broadcast_in_dim3A_5 {strides = array<i32>} : memref<80xi32, #tpu.memory_space<vmem>>, vector<16xi32>,
    %swap3A_32 = arith.constant 48 : index
    %swap3A_33 = tpu.vector_load %arg16[%swap3A_32] {strides = array<i32>} : memref<80xi32, #tpu.memory_space<vmem>>, vector<16xi32>,
    tpu.vector_store %arg16[%swap3A_32], %broadcast_in_dim3A_5 {strides = array<i32>} : memref<80xi32, #tpu.memory_space<vmem>>, vector<16xi32>,
    %swap3A_34 = arith.constant 64 : index
    %swap3A_35 = tpu.vector_load %arg15[%swap3A_34] {strides = array<i32>} : memref<80xi32, #tpu.memory_space<vmem>>, vector<16xi32>,
    tpu.vector_store %arg15[%swap3A_34], %broadcast_in_dim3A_5 {strides = array<i32>} : memref<80xi32, #tpu.memory_space<vmem>>, vector<16xi32>,
    %swap3A_36 = arith.constant 64 : index
    %swap3A_37 = tpu.vector_load %arg16[%swap3A_36] {strides = array<i32>} : memref<80xi32, #tpu.memory_space<vmem>>, vector<16xi32>,
    tpu.vector_store %arg16[%swap3A_36], %broadcast_in_dim3A_5 {strides = array<i32>} : memref<80xi32, #tpu.memory_space<vmem>>, vector<16xi32>,
    %scan3A_38 = arith.constant 0 : i32
    %scan3A_39 = arith.constant 0 : i32
    %scan3A_40 = arith.constant 8 : i32
    %scan3A_41 = arith.addi %scan3A_39, %scan3A_40 : i32
    %scan3A_42 = arith.constant 1 : i32
    %scan3A_43 = scf.for %scan3A_67 = %scan3A_39 to %scan3A_41 step %scan3A_42 iter_args(%scan3A_68 = %scan3A_38) -> (i32)  : i32 {
      %mul3A_69 = arith.constant 640 : i32
      %mul3A_70 = arith.muli %arg1, %mul3A_69 : i32
      %mul3A_71 = arith.constant 80 : i32
      %mul3A_72 = arith.muli %scan3A_67, %mul3A_71 : i32
      %add3A_73 = arith.addi %mul3A_70, %mul3A_72 : i32
      "tpu.region"() ({
        %run_scoped3A = tpu.sem_alloc : memref<!tpu.dma_semaphore, #tpu.memory_space<semaphore_mem>>
        %dma_start3A_75 = arith.constant 0 : i32
        %dma_start3A_76 = tpu.memref_slice %arg19[%add3A_73, %dma_start3A_75] : memref<10240x128xf32, #tpu.memory_space<vmem_shared>> -> memref<80x128xf32, #tpu.memory_space<vmem_shared>>
        %dma_start3A_77 = arith.constant 0 : i32
        %dma_start3A_78 = tpu.memref_slice %arg19[%add3A_73, %dma_start3A_77] : memref<10240x128xf32, #tpu.memory_space<vmem_shared>> -> memref<80x128xf32, #tpu.memory_space<vmem_shared>>
        tpu.enqueue_dma source(%arg17 : memref<80x128xf32, #tpu.memory_space<vmem>>) target(%dma_start3A_78 : memref<80x128xf32, #tpu.memory_space<vmem_shared>>) target_semaphore(%run_scoped3A : memref<!tpu.dma_semaphore, #tpu.memory_space<semaphore_mem>>)
        %dma_wait3A_79 = arith.constant 0 : i32
        %dma_wait3A_80 = tpu.memref_slice %arg19[%add3A_73, %dma_wait3A_79] : memref<10240x128xf32, #tpu.memory_space<vmem_shared>> -> memref<80x128xf32, #tpu.memory_space<vmem_shared>>
        %dma_wait3A_81 = arith.constant 0 : i32
        %dma_wait3A_82 = tpu.memref_slice %arg19[%add3A_73, %dma_wait3A_81] : memref<10240x128xf32, #tpu.memory_space<vmem_shared>> -> memref<80x128xf32, #tpu.memory_space<vmem_shared>>
        tpu.wait_dma2 semaphore(%run_scoped3A : memref<!tpu.dma_semaphore, #tpu.memory_space<semaphore_mem>>) src(%arg17 : memref<80x128xf32, #tpu.memory_space<vmem>>) dst(%dma_wait3A_82 : memref<80x128xf32, #tpu.memory_space<vmem_shared>>)
        tpu.yield
      }) : () -> ()
      %scan3A_74 = arith.constant 0 : i32
      scf.yield %scan3A_74 : i32
    }
    %scan3A_44 = arith.constant 8 : i32
    %barrier3A = arith.constant 0 : index
    tpu.barrier barrier_id(%barrier3A)
    %dma_start3A = arith.constant 0 : i32
    %dma_start3A_45 = arith.constant 0 : i32
    %dma_start3A_46 = tpu.memref_slice %arg19[%dma_start3A, %dma_start3A_45] : memref<10240x128xf32, #tpu.memory_space<vmem_shared>> -> memref<10240x128xf32, #tpu.memory_space<vmem_shared>>
    tpu.enqueue_indirect_dma source(%arg17 : memref<80x128xf32, #tpu.memory_space<vmem>>) target(%dma_start3A_46 : memref<10240x128xf32, #tpu.memory_space<vmem_shared>>) offsets(%arg15 : memref<80xi32, #tpu.memory_space<vmem>>) semaphore(%arg22 : memref<!tpu.dma_semaphore, #tpu.memory_space<semaphore_mem>>) {add = true}
    %dma_start3A_47 = arith.constant 0 : i32
    %dma_start3A_48 = arith.constant 0 : i32
    %dma_start3A_49 = tpu.memref_slice %arg19[%dma_start3A_47, %dma_start3A_48] : memref<10240x128xf32, #tpu.memory_space<vmem_shared>> -> memref<10240x128xf32, #tpu.memory_space<vmem_shared>>
    tpu.enqueue_indirect_dma source(%arg18 : memref<80x128xf32, #tpu.memory_space<vmem>>) target(%dma_start3A_49 : memref<10240x128xf32, #tpu.memory_space<vmem_shared>>) offsets(%arg16 : memref<80xi32, #tpu.memory_space<vmem>>) semaphore(%arg23 : memref<!tpu.dma_semaphore, #tpu.memory_space<semaphore_mem>>) {add = true}
    %scan3A_50 = arith.constant 0 : i32
    %scan3A_51 = arith.constant 0 : i32
    %scan3A_52 = arith.constant 5 : i32
    %scan3A_53 = arith.addi %scan3A_51, %scan3A_52 : i32
    %scan3A_54 = arith.constant 1 : i32
    %scan3A_55 = scf.for %scan3A_67 = %scan3A_51 to %scan3A_53 step %scan3A_54 iter_args(%scan3A_68 = %scan3A_50) -> (i32)  : i32 {
      %mul3A_69 = arith.constant 2000 : i32
      %mul3A_70 = arith.muli %scan3A_67, %mul3A_69 : i32
      %add3A_71 = arith.addi %mul3A_2, %mul3A_70 : i32
      "tpu.region"() ({
        %run_scoped3A = tpu.sem_alloc : memref<!tpu.dma_semaphore, #tpu.memory_space<semaphore_mem>>
        %dma_start3A_153 = tpu.memref_slice %arg2[%add3A_71] : memref<640000xi32, #tpu.memory_space<hbm>> -> memref<2000xi32, #tpu.memory_space<hbm>>
        %dma_start3A_154 = tpu.memref_slice %arg2[%add3A_71] : memref<640000xi32, #tpu.memory_space<hbm>> -> memref<2000xi32, #tpu.memory_space<hbm>>
        tpu.enqueue_dma source(%dma_start3A_154 : memref<2000xi32, #tpu.memory_space<hbm>>) target(%arg9 : memref<2000xi32, #tpu.memory_space<vmem>>) target_semaphore(%run_scoped3A : memref<!tpu.dma_semaphore, #tpu.memory_space<semaphore_mem>>)
        %dma_wait3A_155 = tpu.memref_slice %arg2[%add3A_71] : memref<640000xi32, #tpu.memory_space<hbm>> -> memref<2000xi32, #tpu.memory_space<hbm>>
        %dma_wait3A_156 = tpu.memref_slice %arg2[%add3A_71] : memref<640000xi32, #tpu.memory_space<hbm>> -> memref<2000xi32, #tpu.memory_space<hbm>>
        tpu.wait_dma2 semaphore(%run_scoped3A : memref<!tpu.dma_semaphore, #tpu.memory_space<semaphore_mem>>) src(%dma_wait3A_156 : memref<2000xi32, #tpu.memory_space<hbm>>) dst(%arg9 : memref<2000xi32, #tpu.memory_space<vmem>>)
        tpu.yield
      }) : () -> ()
      %add3A_72 = arith.constant 320000 : i32
      %add3A_73 = arith.addi %add3A_72, %add3A_71 : i32
      "tpu.region"() ({
        %run_scoped3A = tpu.sem_alloc : memref<!tpu.dma_semaphore, #tpu.memory_space<semaphore_mem>>
        %dma_start3A_153 = tpu.memref_slice %arg2[%add3A_73] : memref<640000xi32, #tpu.memory_space<hbm>> -> memref<2000xi32, #tpu.memory_space<hbm>>
        %dma_start3A_154 = tpu.memref_slice %arg2[%add3A_73] : memref<640000xi32, #tpu.memory_space<hbm>> -> memref<2000xi32, #tpu.memory_space<hbm>>
        tpu.enqueue_dma source(%dma_start3A_154 : memref<2000xi32, #tpu.memory_space<hbm>>) target(%arg10 : memref<2000xi32, #tpu.memory_space<vmem>>) target_semaphore(%run_scoped3A : memref<!tpu.dma_semaphore, #tpu.memory_space<semaphore_mem>>)
        %dma_wait3A_155 = tpu.memref_slice %arg2[%add3A_73] : memref<640000xi32, #tpu.memory_space<hbm>> -> memref<2000xi32, #tpu.memory_space<hbm>>
        %dma_wait3A_156 = tpu.memref_slice %arg2[%add3A_73] : memref<640000xi32, #tpu.memory_space<hbm>> -> memref<2000xi32, #tpu.memory_space<hbm>>
        tpu.wait_dma2 semaphore(%run_scoped3A : memref<!tpu.dma_semaphore, #tpu.memory_space<semaphore_mem>>) src(%dma_wait3A_156 : memref<2000xi32, #tpu.memory_space<hbm>>) dst(%arg10 : memref<2000xi32, #tpu.memory_space<vmem>>)
        tpu.yield
      }) : () -> ()
      "tpu.region"() ({
        %run_scoped3A = tpu.sem_alloc : memref<!tpu.dma_semaphore, #tpu.memory_space<semaphore_mem>>
        %dma_start3A_153 = tpu.memref_slice %arg3[%add3A_71] : memref<320000xf32, #tpu.memory_space<hbm>> -> memref<2000xf32, #tpu.memory_space<hbm>>
        %dma_start3A_154 = tpu.memref_slice %arg3[%add3A_71] : memref<320000xf32, #tpu.memory_space<hbm>> -> memref<2000xf32, #tpu.memory_space<hbm>>
        tpu.enqueue_dma source(%dma_start3A_154 : memref<2000xf32, #tpu.memory_space<hbm>>) target(%arg11 : memref<2000xf32, #tpu.memory_space<vmem>>) target_semaphore(%run_scoped3A : memref<!tpu.dma_semaphore, #tpu.memory_space<semaphore_mem>>)
        %dma_wait3A_155 = tpu.memref_slice %arg3[%add3A_71] : memref<320000xf32, #tpu.memory_space<hbm>> -> memref<2000xf32, #tpu.memory_space<hbm>>
        %dma_wait3A_156 = tpu.memref_slice %arg3[%add3A_71] : memref<320000xf32, #tpu.memory_space<hbm>> -> memref<2000xf32, #tpu.memory_space<hbm>>
        tpu.wait_dma2 semaphore(%run_scoped3A : memref<!tpu.dma_semaphore, #tpu.memory_space<semaphore_mem>>) src(%dma_wait3A_156 : memref<2000xf32, #tpu.memory_space<hbm>>) dst(%arg11 : memref<2000xf32, #tpu.memory_space<vmem>>)
        tpu.yield
      }) : () -> ()
      %dma_wait3A_74 = arith.constant 0 : i32
      %dma_wait3A_75 = arith.constant 0 : i32
      %dma_wait3A_76 = tpu.memref_slice %arg19[%dma_wait3A_74, %dma_wait3A_75] : memref<10240x128xf32, #tpu.memory_space<vmem_shared>> -> memref<10240x128xf32, #tpu.memory_space<vmem_shared>>
      tpu.wait_indirect_dma semaphore(%arg22 : memref<!tpu.dma_semaphore, #tpu.memory_space<semaphore_mem>>) src(%arg17 : memref<80x128xf32, #tpu.memory_space<vmem>>) dst(%dma_wait3A_76 : memref<10240x128xf32, #tpu.memory_space<vmem_shared>>)
      %dma_start3A_77 = arith.constant 0 : i32
      %dma_start3A_78 = arith.constant 0 : i32
      %dma_start3A_79 = tpu.memref_slice %arg5[%dma_start3A_77, %dma_start3A_78] : memref<10240x128xf32, #tpu.memory_space<hbm>> -> memref<80x128xf32, #tpu.memory_space<hbm>>
      %dma_start3A_80 = arith.constant 0 : i32
      %dma_start3A_81 = arith.constant 0 : i32
      %dma_start3A_82 = tpu.memref_slice %arg5[%dma_start3A_80, %dma_start3A_81] : memref<10240x128xf32, #tpu.memory_space<hbm>> -> memref<80x128xf32, #tpu.memory_space<hbm>>
      tpu.enqueue_dma source(%dma_start3A_82 : memref<80x128xf32, #tpu.memory_space<hbm>>) target(%arg17 : memref<80x128xf32, #tpu.memory_space<vmem>>) target_semaphore(%arg20 : memref<!tpu.dma_semaphore, #tpu.memory_space<semaphore_mem>>)
      %get3A = arith.constant 0 : index
      %get3A_83 = tpu.vector_load %arg10[%get3A] {strides = array<i32>} : memref<2000xi32, #tpu.memory_space<vmem>>, vector<16xi32>,
      %get3A_84 = arith.constant 0 : index
      %get3A_85 = tpu.vector_load %arg11[%get3A_84] {strides = array<i32>} : memref<2000xf32, #tpu.memory_space<vmem>>, vector<16xf32>,
      %gather3A = tpu.vector_load_idx %arg8[%get3A_83] : memref<10240xf32, #tpu.memory_space<vmem>>[vector<16xi32>], vector<16xf32>,
      %sub3A = arith.subf %get3A_85, %gather3A : vector<16xf32>
      %exp3A = math.exp %sub3A : vector<16xf32>
      %swap3A_86 = arith.constant 0 : index
      %swap3A_87 = tpu.vector_load %arg13[%swap3A_86] {strides = array<i32>} : memref<80xf32, #tpu.memory_space<vmem>>, vector<16xf32>,
      tpu.vector_store %arg13[%swap3A_86], %exp3A {strides = array<i32>} : memref<80xf32, #tpu.memory_space<vmem>>, vector<16xf32>,
      %swap3A_88 = arith.constant 0 : index
      %swap3A_89 = tpu.vector_load %arg15[%swap3A_88] {strides = array<i32>} : memref<80xi32, #tpu.memory_space<vmem>>, vector<16xi32>,
      tpu.vector_store %arg15[%swap3A_88], %get3A_83 {strides = array<i32>} : memref<80xi32, #tpu.memory_space<vmem>>, vector<16xi32>,
      tpu.vector_store_idx %arg12[%get3A_83], %exp3A {add = true} : memref<10240xf32, #tpu.memory_space<vmem>>[vector<16xi32>], vector<16xf32>,
      %get3A_90 = arith.constant 16 : index
      %get3A_91 = tpu.vector_load %arg10[%get3A_90] {strides = array<i32>} : memref<2000xi32, #tpu.memory_space<vmem>>, vector<16xi32>,
      %get3A_92 = arith.constant 16 : index
      %get3A_93 = tpu.vector_load %arg11[%get3A_92] {strides = array<i32>} : memref<2000xf32, #tpu.memory_space<vmem>>, vector<16xf32>,
      %gather3A_94 = tpu.vector_load_idx %arg8[%get3A_91] : memref<10240xf32, #tpu.memory_space<vmem>>[vector<16xi32>], vector<16xf32>,
      %sub3A_95 = arith.subf %get3A_93, %gather3A_94 : vector<16xf32>
      %exp3A_96 = math.exp %sub3A_95 : vector<16xf32>
      %swap3A_97 = arith.constant 16 : index
      %swap3A_98 = tpu.vector_load %arg13[%swap3A_97] {strides = array<i32>} : memref<80xf32, #tpu.memory_space<vmem>>, vector<16xf32>,
      tpu.vector_store %arg13[%swap3A_97], %exp3A_96 {strides = array<i32>} : memref<80xf32, #tpu.memory_space<vmem>>, vector<16xf32>,
      %swap3A_99 = arith.constant 16 : index
      %swap3A_100 = tpu.vector_load %arg15[%swap3A_99] {strides = array<i32>} : memref<80xi32, #tpu.memory_space<vmem>>, vector<16xi32>,
      tpu.vector_store %arg15[%swap3A_99], %get3A_91 {strides = array<i32>} : memref<80xi32, #tpu.memory_space<vmem>>, vector<16xi32>,
      tpu.vector_store_idx %arg12[%get3A_91], %exp3A_96 {add = true} : memref<10240xf32, #tpu.memory_space<vmem>>[vector<16xi32>], vector<16xf32>,
      %get3A_101 = arith.constant 32 : index
      %get3A_102 = tpu.vector_load %arg10[%get3A_101] {strides = array<i32>} : memref<2000xi32, #tpu.memory_space<vmem>>, vector<16xi32>,
      %get3A_103 = arith.constant 32 : index
      %get3A_104 = tpu.vector_load %arg11[%get3A_103] {strides = array<i32>} : memref<2000xf32, #tpu.memory_space<vmem>>, vector<16xf32>,
      %gather3A_105 = tpu.vector_load_idx %arg8[%get3A_102] : memref<10240xf32, #tpu.memory_space<vmem>>[vector<16xi32>], vector<16xf32>,
      %sub3A_106 = arith.subf %get3A_104, %gather3A_105 : vector<16xf32>
      %exp3A_107 = math.exp %sub3A_106 : vector<16xf32>
      %swap3A_108 = arith.constant 32 : index
      %swap3A_109 = tpu.vector_load %arg13[%swap3A_108] {strides = array<i32>} : memref<80xf32, #tpu.memory_space<vmem>>, vector<16xf32>,
      tpu.vector_store %arg13[%swap3A_108], %exp3A_107 {strides = array<i32>} : memref<80xf32, #tpu.memory_space<vmem>>, vector<16xf32>,
      %swap3A_110 = arith.constant 32 : index
      %swap3A_111 = tpu.vector_load %arg15[%swap3A_110] {strides = array<i32>} : memref<80xi32, #tpu.memory_space<vmem>>, vector<16xi32>,
      tpu.vector_store %arg15[%swap3A_110], %get3A_102 {strides = array<i32>} : memref<80xi32, #tpu.memory_space<vmem>>, vector<16xi32>,
      tpu.vector_store_idx %arg12[%get3A_102], %exp3A_107 {add = true} : memref<10240xf32, #tpu.memory_space<vmem>>[vector<16xi32>], vector<16xf32>,
      %get3A_112 = arith.constant 48 : index
      %get3A_113 = tpu.vector_load %arg10[%get3A_112] {strides = array<i32>} : memref<2000xi32, #tpu.memory_space<vmem>>, vector<16xi32>,
      %get3A_114 = arith.constant 48 : index
      %get3A_115 = tpu.vector_load %arg11[%get3A_114] {strides = array<i32>} : memref<2000xf32, #tpu.memory_space<vmem>>, vector<16xf32>,
      %gather3A_116 = tpu.vector_load_idx %arg8[%get3A_113] : memref<10240xf32, #tpu.memory_space<vmem>>[vector<16xi32>], vector<16xf32>,
      %sub3A_117 = arith.subf %get3A_115, %gather3A_116 : vector<16xf32>
      %exp3A_118 = math.exp %sub3A_117 : vector<16xf32>
      %swap3A_119 = arith.constant 48 : index
      %swap3A_120 = tpu.vector_load %arg13[%swap3A_119] {strides = array<i32>} : memref<80xf32, #tpu.memory_space<vmem>>, vector<16xf32>,
      tpu.vector_store %arg13[%swap3A_119], %exp3A_118 {strides = array<i32>} : memref<80xf32, #tpu.memory_space<vmem>>, vector<16xf32>,
      %swap3A_121 = arith.constant 48 : index
      %swap3A_122 = tpu.vector_load %arg15[%swap3A_121] {strides = array<i32>} : memref<80xi32, #tpu.memory_space<vmem>>, vector<16xi32>,
      tpu.vector_store %arg15[%swap3A_121], %get3A_113 {strides = array<i32>} : memref<80xi32, #tpu.memory_space<vmem>>, vector<16xi32>,
      tpu.vector_store_idx %arg12[%get3A_113], %exp3A_118 {add = true} : memref<10240xf32, #tpu.memory_space<vmem>>[vector<16xi32>], vector<16xf32>,
      %get3A_123 = arith.constant 64 : index
      %get3A_124 = tpu.vector_load %arg10[%get3A_123] {strides = array<i32>} : memref<2000xi32, #tpu.memory_space<vmem>>, vector<16xi32>,
      %get3A_125 = arith.constant 64 : index
      %get3A_126 = tpu.vector_load %arg11[%get3A_125] {strides = array<i32>} : memref<2000xf32, #tpu.memory_space<vmem>>, vector<16xf32>,
      %gather3A_127 = tpu.vector_load_idx %arg8[%get3A_124] : memref<10240xf32, #tpu.memory_space<vmem>>[vector<16xi32>], vector<16xf32>,
      %sub3A_128 = arith.subf %get3A_126, %gather3A_127 : vector<16xf32>
      %exp3A_129 = math.exp %sub3A_128 : vector<16xf32>
      %swap3A_130 = arith.constant 64 : index
      %swap3A_131 = tpu.vector_load %arg13[%swap3A_130] {strides = array<i32>} : memref<80xf32, #tpu.memory_space<vmem>>, vector<16xf32>,
      tpu.vector_store %arg13[%swap3A_130], %exp3A_129 {strides = array<i32>} : memref<80xf32, #tpu.memory_space<vmem>>, vector<16xf32>,
      %swap3A_132 = arith.constant 64 : index
      %swap3A_133 = tpu.vector_load %arg15[%swap3A_132] {strides = array<i32>} : memref<80xi32, #tpu.memory_space<vmem>>, vector<16xi32>,
      tpu.vector_store %arg15[%swap3A_132], %get3A_124 {strides = array<i32>} : memref<80xi32, #tpu.memory_space<vmem>>, vector<16xi32>,
      tpu.vector_store_idx %arg12[%get3A_124], %exp3A_129 {add = true} : memref<10240xf32, #tpu.memory_space<vmem>>[vector<16xi32>], vector<16xf32>,
      %dma_wait3A_134 = arith.constant 0 : i32
      %dma_wait3A_135 = arith.constant 0 : i32
      %dma_wait3A_136 = tpu.memref_slice %arg5[%dma_wait3A_134, %dma_wait3A_135] : memref<10240x128xf32, #tpu.memory_space<hbm>> -> memref<80x128xf32, #tpu.memory_space<hbm>>
      %dma_wait3A_137 = arith.constant 0 : i32
      %dma_wait3A_138 = arith.constant 0 : i32
      %dma_wait3A_139 = tpu.memref_slice %arg5[%dma_wait3A_137, %dma_wait3A_138] : memref<10240x128xf32, #tpu.memory_space<hbm>> -> memref<80x128xf32, #tpu.memory_space<hbm>>
      tpu.wait_dma2 semaphore(%arg20 : memref<!tpu.dma_semaphore, #tpu.memory_space<semaphore_mem>>) src(%dma_wait3A_139 : memref<80x128xf32, #tpu.memory_space<hbm>>) dst(%arg17 : memref<80x128xf32, #tpu.memory_space<vmem>>)
      %parallel_loop3A = arith.constant 0 : i32
      %parallel_loop3A_140 = arith.constant 80 : i32
      %parallel_loop3A_141 = arith.constant 1 : i32
      scf.for %parallel_loop3A_153 = %parallel_loop3A to %parallel_loop3A_140 step %parallel_loop3A_141  : i32 {
        %parallel_loop3A_154 = vector.broadcast %parallel_loop3A_153 : i32 to vector<16xi32>
        %parallel_loop3A_155 = tpu.vector_load_idx %arg13[%parallel_loop3A_154] : memref<80xf32, #tpu.memory_space<vmem>>[vector<16xi32>], vector<16xf32>,
        %parallel_loop3A_156 = arith.index_cast %parallel_loop3A_153 : i32 to index
        %parallel_loop3A_157 = arith.constant 0 : index
        %parallel_loop3A_158 = tpu.vector_load %arg17[%parallel_loop3A_156, %parallel_loop3A_157] {strides = array<i32>} : memref<80x128xf32, #tpu.memory_space<vmem>>, vector<16xf32>,
        %parallel_loop3A_159 = arith.mulf %parallel_loop3A_158, %parallel_loop3A_155 : vector<16xf32>
        %parallel_loop3A_160 = arith.index_cast %parallel_loop3A_153 : i32 to index
        %parallel_loop3A_161 = arith.constant 0 : index
        %parallel_loop3A_162 = tpu.vector_load %arg17[%parallel_loop3A_160, %parallel_loop3A_161] {strides = array<i32>} : memref<80x128xf32, #tpu.memory_space<vmem>>, vector<16xf32>,
        tpu.vector_store %arg17[%parallel_loop3A_160, %parallel_loop3A_161], %parallel_loop3A_159 {strides = array<i32>} : memref<80x128xf32, #tpu.memory_space<vmem>>, vector<16xf32>,
        %parallel_loop3A_163 = arith.index_cast %parallel_loop3A_153 : i32 to index
        %parallel_loop3A_164 = arith.constant 16 : index
        %parallel_loop3A_165 = tpu.vector_load %arg17[%parallel_loop3A_163, %parallel_loop3A_164] {strides = array<i32>} : memref<80x128xf32, #tpu.memory_space<vmem>>, vector<16xf32>,
        %parallel_loop3A_166 = arith.mulf %parallel_loop3A_165, %parallel_loop3A_155 : vector<16xf32>
        %parallel_loop3A_167 = arith.index_cast %parallel_loop3A_153 : i32 to index
        %parallel_loop3A_168 = arith.constant 16 : index
        %parallel_loop3A_169 = tpu.vector_load %arg17[%parallel_loop3A_167, %parallel_loop3A_168] {strides = array<i32>} : memref<80x128xf32, #tpu.memory_space<vmem>>, vector<16xf32>,
        tpu.vector_store %arg17[%parallel_loop3A_167, %parallel_loop3A_168], %parallel_loop3A_166 {strides = array<i32>} : memref<80x128xf32, #tpu.memory_space<vmem>>, vector<16xf32>,
        %parallel_loop3A_170 = arith.index_cast %parallel_loop3A_153 : i32 to index
        %parallel_loop3A_171 = arith.constant 32 : index
        %parallel_loop3A_172 = tpu.vector_load %arg17[%parallel_loop3A_170, %parallel_loop3A_171] {strides = array<i32>} : memref<80x128xf32, #tpu.memory_space<vmem>>, vector<16xf32>,
        %parallel_loop3A_173 = arith.mulf %parallel_loop3A_172, %parallel_loop3A_155 : vector<16xf32>
        %parallel_loop3A_174 = arith.index_cast %parallel_loop3A_153 : i32 to index
        %parallel_loop3A_175 = arith.constant 32 : index
        %parallel_loop3A_176 = tpu.vector_load %arg17[%parallel_loop3A_174, %parallel_loop3A_175] {strides = array<i32>} : memref<80x128xf32, #tpu.memory_space<vmem>>, vector<16xf32>,
        tpu.vector_store %arg17[%parallel_loop3A_174, %parallel_loop3A_175], %parallel_loop3A_173 {strides = array<i32>} : memref<80x128xf32, #tpu.memory_space<vmem>>, vector<16xf32>,
        %parallel_loop3A_177 = arith.index_cast %parallel_loop3A_153 : i32 to index
        %parallel_loop3A_178 = arith.constant 48 : index
        %parallel_loop3A_179 = tpu.vector_load %arg17[%parallel_loop3A_177, %parallel_loop3A_178] {strides = array<i32>} : memref<80x128xf32, #tpu.memory_space<vmem>>, vector<16xf32>,
        %parallel_loop3A_180 = arith.mulf %parallel_loop3A_179, %parallel_loop3A_155 : vector<16xf32>
        %parallel_loop3A_181 = arith.index_cast %parallel_loop3A_153 : i32 to index
        %parallel_loop3A_182 = arith.constant 48 : index
        %parallel_loop3A_183 = tpu.vector_load %arg17[%parallel_loop3A_181, %parallel_loop3A_182] {strides = array<i32>} : memref<80x128xf32, #tpu.memory_space<vmem>>, vector<16xf32>,
        tpu.vector_store %arg17[%parallel_loop3A_181, %parallel_loop3A_182], %parallel_loop3A_180 {strides = array<i32>} : memref<80x128xf32, #tpu.memory_space<vmem>>, vector<16xf32>,
        %parallel_loop3A_184 = arith.index_cast %parallel_loop3A_153 : i32 to index
        %parallel_loop3A_185 = arith.constant 64 : index
        %parallel_loop3A_186 = tpu.vector_load %arg17[%parallel_loop3A_184, %parallel_loop3A_185] {strides = array<i32>} : memref<80x128xf32, #tpu.memory_space<vmem>>, vector<16xf32>,
        %parallel_loop3A_187 = arith.mulf %parallel_loop3A_186, %parallel_loop3A_155 : vector<16xf32>
        %parallel_loop3A_188 = arith.index_cast %parallel_loop3A_153 : i32 to index
        %parallel_loop3A_189 = arith.constant 64 : index
        %parallel_loop3A_190 = tpu.vector_load %arg17[%parallel_loop3A_188, %parallel_loop3A_189] {strides = array<i32>} : memref<80x128xf32, #tpu.memory_space<vmem>>, vector<16xf32>,
        tpu.vector_store %arg17[%parallel_loop3A_188, %parallel_loop3A_189], %parallel_loop3A_187 {strides = array<i32>} : memref<80x128xf32, #tpu.memory_space<vmem>>, vector<16xf32>,
        %parallel_loop3A_191 = arith.index_cast %parallel_loop3A_153 : i32 to index
        %parallel_loop3A_192 = arith.constant 80 : index
        %parallel_loop3A_193 = tpu.vector_load %arg17[%parallel_loop3A_191, %parallel_loop3A_192] {strides = array<i32>} : memref<80x128xf32, #tpu.memory_space<vmem>>, vector<16xf32>,
        %parallel_loop3A_194 = arith.mulf %parallel_loop3A_193, %parallel_loop3A_155 : vector<16xf32>
        %parallel_loop3A_195 = arith.index_cast %parallel_loop3A_153 : i32 to index
        %parallel_loop3A_196 = arith.constant 80 : index
        %parallel_loop3A_197 = tpu.vector_load %arg17[%parallel_loop3A_195, %parallel_loop3A_196] {strides = array<i32>} : memref<80x128xf32, #tpu.memory_space<vmem>>, vector<16xf32>,
        tpu.vector_store %arg17[%parallel_loop3A_195, %parallel_loop3A_196], %parallel_loop3A_194 {strides = array<i32>} : memref<80x128xf32, #tpu.memory_space<vmem>>, vector<16xf32>,
        %parallel_loop3A_198 = arith.index_cast %parallel_loop3A_153 : i32 to index
        %parallel_loop3A_199 = arith.constant 96 : index
        %parallel_loop3A_200 = tpu.vector_load %arg17[%parallel_loop3A_198, %parallel_loop3A_199] {strides = array<i32>} : memref<80x128xf32, #tpu.memory_space<vmem>>, vector<16xf32>,
        %parallel_loop3A_201 = arith.mulf %parallel_loop3A_200, %parallel_loop3A_155 : vector<16xf32>
        %parallel_loop3A_202 = arith.index_cast %parallel_loop3A_153 : i32 to index
        %parallel_loop3A_203 = arith.constant 96 : index
        %parallel_loop3A_204 = tpu.vector_load %arg17[%parallel_loop3A_202, %parallel_loop3A_203] {strides = array<i32>} : memref<80x128xf32, #tpu.memory_space<vmem>>, vector<16xf32>,
        tpu.vector_store %arg17[%parallel_loop3A_202, %parallel_loop3A_203], %parallel_loop3A_201 {strides = array<i32>} : memref<80x128xf32, #tpu.memory_space<vmem>>, vector<16xf32>,
        %parallel_loop3A_205 = arith.index_cast %parallel_loop3A_153 : i32 to index
        %parallel_loop3A_206 = arith.constant 112 : index
        %parallel_loop3A_207 = tpu.vector_load %arg17[%parallel_loop3A_205, %parallel_loop3A_206] {strides = array<i32>} : memref<80x128xf32, #tpu.memory_space<vmem>>, vector<16xf32>,
        %parallel_loop3A_208 = arith.mulf %parallel_loop3A_207, %parallel_loop3A_155 : vector<16xf32>
        %parallel_loop3A_209 = arith.index_cast %parallel_loop3A_153 : i32 to index
        %parallel_loop3A_210 = arith.constant 112 : index
        %parallel_loop3A_211 = tpu.vector_load %arg17[%parallel_loop3A_209, %parallel_loop3A_210] {strides = array<i32>} : memref<80x128xf32, #tpu.memory_space<vmem>>, vector<16xf32>,
        tpu.vector_store %arg17[%parallel_loop3A_209, %parallel_loop3A_210], %parallel_loop3A_208 {strides = array<i32>} : memref<80x128xf32, #tpu.memory_space<vmem>>, vector<16xf32>,
      } {sc.loop_unroll_factor = 4 : i64, sc.parallel_access}
      %dma_start3A_142 = arith.constant 0 : i32
      %dma_start3A_143 = arith.constant 0 : i32
      %dma_start3A_144 = tpu.memref_slice %arg19[%dma_start3A_142, %dma_start3A_143] : memref<10240x128xf32, #tpu.memory_space<vmem_shared>> -> memref<10240x128xf32, #tpu.memory_space<vmem_shared>>
      tpu.enqueue_indirect_dma source(%arg17 : memref<80x128xf32, #tpu.memory_space<vmem>>) target(%dma_start3A_144 : memref<10240x128xf32, #tpu.memory_space<vmem_shared>>) offsets(%arg15 : memref<80xi32, #tpu.memory_space<vmem>>) semaphore(%arg22 : memref<!tpu.dma_semaphore, #tpu.memory_space<semaphore_mem>>) {add = true}
      %scan3A_145 = arith.constant 0 : i32
      %scan3A_146 = arith.constant 0 : i32
      %scan3A_147 = arith.constant 12 : i32
      %scan3A_148 = arith.addi %scan3A_146, %scan3A_147 : i32
      %scan3A_149 = arith.constant 1 : i32
      %scan3A_150 = scf.for %scan3A_153 = %scan3A_146 to %scan3A_148 step %scan3A_149 iter_args(%scan3A_154 = %scan3A_145) -> (i32)  : i32 {
        %mul3A_155 = arith.constant 2 : i32
        %mul3A_156 = arith.muli %mul3A_155, %scan3A_153 : i32
        %add3A_157 = arith.constant 1 : i32
        %add3A_158 = arith.addi %add3A_157, %mul3A_156 : i32
        %mul3A_159 = arith.constant 80 : i32
        %mul3A_160 = arith.muli %add3A_158, %mul3A_159 : i32
        %dma_wait3A_161 = arith.constant 0 : i32
        %dma_wait3A_162 = arith.constant 0 : i32
        %dma_wait3A_163 = tpu.memref_slice %arg19[%dma_wait3A_161, %dma_wait3A_162] : memref<10240x128xf32, #tpu.memory_space<vmem_shared>> -> memref<10240x128xf32, #tpu.memory_space<vmem_shared>>
        tpu.wait_indirect_dma semaphore(%arg22 : memref<!tpu.dma_semaphore, #tpu.memory_space<semaphore_mem>>) src(%arg17 : memref<80x128xf32, #tpu.memory_space<vmem>>) dst(%dma_wait3A_163 : memref<10240x128xf32, #tpu.memory_space<vmem_shared>>)
        %dma_start3A_164 = arith.constant 0 : i32
        %dma_start3A_165 = arith.constant 0 : i32
        %dma_start3A_166 = tpu.memref_slice %arg5[%dma_start3A_164, %dma_start3A_165] : memref<10240x128xf32, #tpu.memory_space<hbm>> -> memref<80x128xf32, #tpu.memory_space<hbm>>
        %dma_start3A_167 = arith.constant 0 : i32
        %dma_start3A_168 = arith.constant 0 : i32
        %dma_start3A_169 = tpu.memref_slice %arg5[%dma_start3A_167, %dma_start3A_168] : memref<10240x128xf32, #tpu.memory_space<hbm>> -> memref<80x128xf32, #tpu.memory_space<hbm>>
        tpu.enqueue_dma source(%dma_start3A_169 : memref<80x128xf32, #tpu.memory_space<hbm>>) target(%arg17 : memref<80x128xf32, #tpu.memory_space<vmem>>) target_semaphore(%arg20 : memref<!tpu.dma_semaphore, #tpu.memory_space<semaphore_mem>>)
        %add3A_170 = arith.constant 0 : i32
        %add3A_171 = arith.addi %mul3A_160, %add3A_170 : i32
        %get3A_172 = arith.index_cast %add3A_171 : i32 to index
        %get3A_173 = tpu.vector_load %arg10[%get3A_172] {strides = array<i32>} : memref<2000xi32, #tpu.memory_space<vmem>>, vector<16xi32>,
        %get3A_174 = arith.index_cast %add3A_171 : i32 to index
        %get3A_175 = tpu.vector_load %arg11[%get3A_174] {strides = array<i32>} : memref<2000xf32, #tpu.memory_space<vmem>>, vector<16xf32>,
        %gather3A_176 = tpu.vector_load_idx %arg8[%get3A_173] : memref<10240xf32, #tpu.memory_space<vmem>>[vector<16xi32>], vector<16xf32>,
        %sub3A_177 = arith.subf %get3A_175, %gather3A_176 : vector<16xf32>
        %exp3A_178 = math.exp %sub3A_177 : vector<16xf32>
        %swap3A_179 = arith.constant 0 : index
        %swap3A_180 = tpu.vector_load %arg13[%swap3A_179] {strides = array<i32>} : memref<80xf32, #tpu.memory_space<vmem>>, vector<16xf32>,
        tpu.vector_store %arg13[%swap3A_179], %exp3A_178 {strides = array<i32>} : memref<80xf32, #tpu.memory_space<vmem>>, vector<16xf32>,
        %swap3A_181 = arith.constant 0 : index
        %swap3A_182 = tpu.vector_load %arg15[%swap3A_181] {strides = array<i32>} : memref<80xi32, #tpu.memory_space<vmem>>, vector<16xi32>,
        tpu.vector_store %arg15[%swap3A_181], %get3A_173 {strides = array<i32>} : memref<80xi32, #tpu.memory_space<vmem>>, vector<16xi32>,
        tpu.vector_store_idx %arg12[%get3A_173], %exp3A_178 {add = true} : memref<10240xf32, #tpu.memory_space<vmem>>[vector<16xi32>], vector<16xf32>,
        %add3A_183 = arith.constant 16 : i32
        %add3A_184 = arith.addi %mul3A_160, %add3A_183 : i32
        %get3A_185 = arith.index_cast %add3A_184 : i32 to index
        %get3A_186 = tpu.vector_load %arg10[%get3A_185] {strides = array<i32>} : memref<2000xi32, #tpu.memory_space<vmem>>, vector<16xi32>,
        %get3A_187 = arith.index_cast %add3A_184 : i32 to index
        %get3A_188 = tpu.vector_load %arg11[%get3A_187] {strides = array<i32>} : memref<2000xf32, #tpu.memory_space<vmem>>, vector<16xf32>,
        %gather3A_189 = tpu.vector_load_idx %arg8[%get3A_186] : memref<10240xf32, #tpu.memory_space<vmem>>[vector<16xi32>], vector<16xf32>,
        %sub3A_190 = arith.subf %get3A_188, %gather3A_189 : vector<16xf32>
        %exp3A_191 = math.exp %sub3A_190 : vector<16xf32>
        %swap3A_192 = arith.constant 16 : index
        %swap3A_193 = tpu.vector_load %arg13[%swap3A_192] {strides = array<i32>} : memref<80xf32, #tpu.memory_space<vmem>>, vector<16xf32>,
        tpu.vector_store %arg13[%swap3A_192], %exp3A_191 {strides = array<i32>} : memref<80xf32, #tpu.memory_space<vmem>>, vector<16xf32>,
        %swap3A_194 = arith.constant 16 : index
        %swap3A_195 = tpu.vector_load %arg15[%swap3A_194] {strides = array<i32>} : memref<80xi32, #tpu.memory_space<vmem>>, vector<16xi32>,
        tpu.vector_store %arg15[%swap3A_194], %get3A_186 {strides = array<i32>} : memref<80xi32, #tpu.memory_space<vmem>>, vector<16xi32>,
        tpu.vector_store_idx %arg12[%get3A_186], %exp3A_191 {add = true} : memref<10240xf32, #tpu.memory_space<vmem>>[vector<16xi32>], vector<16xf32>,
        %add3A_196 = arith.constant 32 : i32
        %add3A_197 = arith.addi %mul3A_160, %add3A_196 : i32
        %get3A_198 = arith.index_cast %add3A_197 : i32 to index
        %get3A_199 = tpu.vector_load %arg10[%get3A_198] {strides = array<i32>} : memref<2000xi32, #tpu.memory_space<vmem>>, vector<16xi32>,
        %get3A_200 = arith.index_cast %add3A_197 : i32 to index
        %get3A_201 = tpu.vector_load %arg11[%get3A_200] {strides = array<i32>} : memref<2000xf32, #tpu.memory_space<vmem>>, vector<16xf32>,
        %gather3A_202 = tpu.vector_load_idx %arg8[%get3A_199] : memref<10240xf32, #tpu.memory_space<vmem>>[vector<16xi32>], vector<16xf32>,
        %sub3A_203 = arith.subf %get3A_201, %gather3A_202 : vector<16xf32>
        %exp3A_204 = math.exp %sub3A_203 : vector<16xf32>
        %swap3A_205 = arith.constant 32 : index
        %swap3A_206 = tpu.vector_load %arg13[%swap3A_205] {strides = array<i32>} : memref<80xf32, #tpu.memory_space<vmem>>, vector<16xf32>,
        tpu.vector_store %arg13[%swap3A_205], %exp3A_204 {strides = array<i32>} : memref<80xf32, #tpu.memory_space<vmem>>, vector<16xf32>,
        %swap3A_207 = arith.constant 32 : index
        %swap3A_208 = tpu.vector_load %arg15[%swap3A_207] {strides = array<i32>} : memref<80xi32, #tpu.memory_space<vmem>>, vector<16xi32>,
        tpu.vector_store %arg15[%swap3A_207], %get3A_199 {strides = array<i32>} : memref<80xi32, #tpu.memory_space<vmem>>, vector<16xi32>,
        tpu.vector_store_idx %arg12[%get3A_199], %exp3A_204 {add = true} : memref<10240xf32, #tpu.memory_space<vmem>>[vector<16xi32>], vector<16xf32>,
        %add3A_209 = arith.constant 48 : i32
        %add3A_210 = arith.addi %mul3A_160, %add3A_209 : i32
        %get3A_211 = arith.index_cast %add3A_210 : i32 to index
        %get3A_212 = tpu.vector_load %arg10[%get3A_211] {strides = array<i32>} : memref<2000xi32, #tpu.memory_space<vmem>>, vector<16xi32>,
        %get3A_213 = arith.index_cast %add3A_210 : i32 to index
        %get3A_214 = tpu.vector_load %arg11[%get3A_213] {strides = array<i32>} : memref<2000xf32, #tpu.memory_space<vmem>>, vector<16xf32>,
        %gather3A_215 = tpu.vector_load_idx %arg8[%get3A_212] : memref<10240xf32, #tpu.memory_space<vmem>>[vector<16xi32>], vector<16xf32>,
        %sub3A_216 = arith.subf %get3A_214, %gather3A_215 : vector<16xf32>
        %exp3A_217 = math.exp %sub3A_216 : vector<16xf32>
        %swap3A_218 = arith.constant 48 : index
        %swap3A_219 = tpu.vector_load %arg13[%swap3A_218] {strides = array<i32>} : memref<80xf32, #tpu.memory_space<vmem>>, vector<16xf32>,
        tpu.vector_store %arg13[%swap3A_218], %exp3A_217 {strides = array<i32>} : memref<80xf32, #tpu.memory_space<vmem>>, vector<16xf32>,
        %swap3A_220 = arith.constant 48 : index
        %swap3A_221 = tpu.vector_load %arg15[%swap3A_220] {strides = array<i32>} : memref<80xi32, #tpu.memory_space<vmem>>, vector<16xi32>,
        tpu.vector_store %arg15[%swap3A_220], %get3A_212 {strides = array<i32>} : memref<80xi32, #tpu.memory_space<vmem>>, vector<16xi32>,
        tpu.vector_store_idx %arg12[%get3A_212], %exp3A_217 {add = true} : memref<10240xf32, #tpu.memory_space<vmem>>[vector<16xi32>], vector<16xf32>,
        %add3A_222 = arith.constant 64 : i32
        %add3A_223 = arith.addi %mul3A_160, %add3A_222 : i32
        %get3A_224 = arith.index_cast %add3A_223 : i32 to index
        %get3A_225 = tpu.vector_load %arg10[%get3A_224] {strides = array<i32>} : memref<2000xi32, #tpu.memory_space<vmem>>, vector<16xi32>,
        %get3A_226 = arith.index_cast %add3A_223 : i32 to index
        %get3A_227 = tpu.vector_load %arg11[%get3A_226] {strides = array<i32>} : memref<2000xf32, #tpu.memory_space<vmem>>, vector<16xf32>,
        %gather3A_228 = tpu.vector_load_idx %arg8[%get3A_225] : memref<10240xf32, #tpu.memory_space<vmem>>[vector<16xi32>], vector<16xf32>,
        %sub3A_229 = arith.subf %get3A_227, %gather3A_228 : vector<16xf32>
        %exp3A_230 = math.exp %sub3A_229 : vector<16xf32>
        %swap3A_231 = arith.constant 64 : index
        %swap3A_232 = tpu.vector_load %arg13[%swap3A_231] {strides = array<i32>} : memref<80xf32, #tpu.memory_space<vmem>>, vector<16xf32>,
        tpu.vector_store %arg13[%swap3A_231], %exp3A_230 {strides = array<i32>} : memref<80xf32, #tpu.memory_space<vmem>>, vector<16xf32>,
        %swap3A_233 = arith.constant 64 : index
        %swap3A_234 = tpu.vector_load %arg15[%swap3A_233] {strides = array<i32>} : memref<80xi32, #tpu.memory_space<vmem>>, vector<16xi32>,
        tpu.vector_store %arg15[%swap3A_233], %get3A_225 {strides = array<i32>} : memref<80xi32, #tpu.memory_space<vmem>>, vector<16xi32>,
        tpu.vector_store_idx %arg12[%get3A_225], %exp3A_230 {add = true} : memref<10240xf32, #tpu.memory_space<vmem>>[vector<16xi32>], vector<16xf32>,
        %add3A_235 = arith.constant 80 : i32
        %add3A_236 = arith.addi %mul3A_160, %add3A_235 : i32
        %dma_wait3A_237 = arith.constant 0 : i32
        %dma_wait3A_238 = arith.constant 0 : i32
        %dma_wait3A_239 = tpu.memref_slice %arg19[%dma_wait3A_237, %dma_wait3A_238] : memref<10240x128xf32, #tpu.memory_space<vmem_shared>> -> memref<10240x128xf32, #tpu.memory_space<vmem_shared>>
        tpu.wait_indirect_dma semaphore(%arg23 : memref<!tpu.dma_semaphore, #tpu.memory_space<semaphore_mem>>) src(%arg18 : memref<80x128xf32, #tpu.memory_space<vmem>>) dst(%dma_wait3A_239 : memref<10240x128xf32, #tpu.memory_space<vmem_shared>>)
        %dma_start3A_240 = arith.constant 0 : i32
        %dma_start3A_241 = arith.constant 0 : i32
        %dma_start3A_242 = tpu.memref_slice %arg5[%dma_start3A_240, %dma_start3A_241] : memref<10240x128xf32, #tpu.memory_space<hbm>> -> memref<80x128xf32, #tpu.memory_space<hbm>>
        %dma_start3A_243 = arith.constant 0 : i32
        %dma_start3A_244 = arith.constant 0 : i32
        %dma_start3A_245 = tpu.memref_slice %arg5[%dma_start3A_243, %dma_start3A_244] : memref<10240x128xf32, #tpu.memory_space<hbm>> -> memref<80x128xf32, #tpu.memory_space<hbm>>
        tpu.enqueue_dma source(%dma_start3A_245 : memref<80x128xf32, #tpu.memory_space<hbm>>) target(%arg18 : memref<80x128xf32, #tpu.memory_space<vmem>>) target_semaphore(%arg21 : memref<!tpu.dma_semaphore, #tpu.memory_space<semaphore_mem>>)
        %add3A_246 = arith.constant 0 : i32
        %add3A_247 = arith.addi %add3A_236, %add3A_246 : i32
        %get3A_248 = arith.index_cast %add3A_247 : i32 to index
        %get3A_249 = tpu.vector_load %arg10[%get3A_248] {strides = array<i32>} : memref<2000xi32, #tpu.memory_space<vmem>>, vector<16xi32>,
        %get3A_250 = arith.index_cast %add3A_247 : i32 to index
        %get3A_251 = tpu.vector_load %arg11[%get3A_250] {strides = array<i32>} : memref<2000xf32, #tpu.memory_space<vmem>>, vector<16xf32>,
        %gather3A_252 = tpu.vector_load_idx %arg8[%get3A_249] : memref<10240xf32, #tpu.memory_space<vmem>>[vector<16xi32>], vector<16xf32>,
        %sub3A_253 = arith.subf %get3A_251, %gather3A_252 : vector<16xf32>
        %exp3A_254 = math.exp %sub3A_253 : vector<16xf32>
        %swap3A_255 = arith.constant 0 : index
        %swap3A_256 = tpu.vector_load %arg14[%swap3A_255] {strides = array<i32>} : memref<80xf32, #tpu.memory_space<vmem>>, vector<16xf32>,
        tpu.vector_store %arg14[%swap3A_255], %exp3A_254 {strides = array<i32>} : memref<80xf32, #tpu.memory_space<vmem>>, vector<16xf32>,
        %swap3A_257 = arith.constant 0 : index
        %swap3A_258 = tpu.vector_load %arg16[%swap3A_257] {strides = array<i32>} : memref<80xi32, #tpu.memory_space<vmem>>, vector<16xi32>,
        tpu.vector_store %arg16[%swap3A_257], %get3A_249 {strides = array<i32>} : memref<80xi32, #tpu.memory_space<vmem>>, vector<16xi32>,
        tpu.vector_store_idx %arg12[%get3A_249], %exp3A_254 {add = true} : memref<10240xf32, #tpu.memory_space<vmem>>[vector<16xi32>], vector<16xf32>,
        %add3A_259 = arith.constant 16 : i32
        %add3A_260 = arith.addi %add3A_236, %add3A_259 : i32
        %get3A_261 = arith.index_cast %add3A_260 : i32 to index
        %get3A_262 = tpu.vector_load %arg10[%get3A_261] {strides = array<i32>} : memref<2000xi32, #tpu.memory_space<vmem>>, vector<16xi32>,
        %get3A_263 = arith.index_cast %add3A_260 : i32 to index
        %get3A_264 = tpu.vector_load %arg11[%get3A_263] {strides = array<i32>} : memref<2000xf32, #tpu.memory_space<vmem>>, vector<16xf32>,
        %gather3A_265 = tpu.vector_load_idx %arg8[%get3A_262] : memref<10240xf32, #tpu.memory_space<vmem>>[vector<16xi32>], vector<16xf32>,
        %sub3A_266 = arith.subf %get3A_264, %gather3A_265 : vector<16xf32>
        %exp3A_267 = math.exp %sub3A_266 : vector<16xf32>
        %swap3A_268 = arith.constant 16 : index
        %swap3A_269 = tpu.vector_load %arg14[%swap3A_268] {strides = array<i32>} : memref<80xf32, #tpu.memory_space<vmem>>, vector<16xf32>,
        tpu.vector_store %arg14[%swap3A_268], %exp3A_267 {strides = array<i32>} : memref<80xf32, #tpu.memory_space<vmem>>, vector<16xf32>,
        %swap3A_270 = arith.constant 16 : index
        %swap3A_271 = tpu.vector_load %arg16[%swap3A_270] {strides = array<i32>} : memref<80xi32, #tpu.memory_space<vmem>>, vector<16xi32>,
        tpu.vector_store %arg16[%swap3A_270], %get3A_262 {strides = array<i32>} : memref<80xi32, #tpu.memory_space<vmem>>, vector<16xi32>,
        tpu.vector_store_idx %arg12[%get3A_262], %exp3A_267 {add = true} : memref<10240xf32, #tpu.memory_space<vmem>>[vector<16xi32>], vector<16xf32>,
        %add3A_272 = arith.constant 32 : i32
        %add3A_273 = arith.addi %add3A_236, %add3A_272 : i32
        %get3A_274 = arith.index_cast %add3A_273 : i32 to index
        %get3A_275 = tpu.vector_load %arg10[%get3A_274] {strides = array<i32>} : memref<2000xi32, #tpu.memory_space<vmem>>, vector<16xi32>,
        %get3A_276 = arith.index_cast %add3A_273 : i32 to index
        %get3A_277 = tpu.vector_load %arg11[%get3A_276] {strides = array<i32>} : memref<2000xf32, #tpu.memory_space<vmem>>, vector<16xf32>,
        %gather3A_278 = tpu.vector_load_idx %arg8[%get3A_275] : memref<10240xf32, #tpu.memory_space<vmem>>[vector<16xi32>], vector<16xf32>,
        %sub3A_279 = arith.subf %get3A_277, %gather3A_278 : vector<16xf32>
        %exp3A_280 = math.exp %sub3A_279 : vector<16xf32>
        %swap3A_281 = arith.constant 32 : index
        %swap3A_282 = tpu.vector_load %arg14[%swap3A_281] {strides = array<i32>} : memref<80xf32, #tpu.memory_space<vmem>>, vector<16xf32>,
        tpu.vector_store %arg14[%swap3A_281], %exp3A_280 {strides = array<i32>} : memref<80xf32, #tpu.memory_space<vmem>>, vector<16xf32>,
        %swap3A_283 = arith.constant 32 : index
        %swap3A_284 = tpu.vector_load %arg16[%swap3A_283] {strides = array<i32>} : memref<80xi32, #tpu.memory_space<vmem>>, vector<16xi32>,
        tpu.vector_store %arg16[%swap3A_283], %get3A_275 {strides = array<i32>} : memref<80xi32, #tpu.memory_space<vmem>>, vector<16xi32>,
        tpu.vector_store_idx %arg12[%get3A_275], %exp3A_280 {add = true} : memref<10240xf32, #tpu.memory_space<vmem>>[vector<16xi32>], vector<16xf32>,
        %add3A_285 = arith.constant 48 : i32
        %add3A_286 = arith.addi %add3A_236, %add3A_285 : i32
        %get3A_287 = arith.index_cast %add3A_286 : i32 to index
        %get3A_288 = tpu.vector_load %arg10[%get3A_287] {strides = array<i32>} : memref<2000xi32, #tpu.memory_space<vmem>>, vector<16xi32>,
        %get3A_289 = arith.index_cast %add3A_286 : i32 to index
        %get3A_290 = tpu.vector_load %arg11[%get3A_289] {strides = array<i32>} : memref<2000xf32, #tpu.memory_space<vmem>>, vector<16xf32>,
        %gather3A_291 = tpu.vector_load_idx %arg8[%get3A_288] : memref<10240xf32, #tpu.memory_space<vmem>>[vector<16xi32>], vector<16xf32>,
        %sub3A_292 = arith.subf %get3A_290, %gather3A_291 : vector<16xf32>
        %exp3A_293 = math.exp %sub3A_292 : vector<16xf32>
        %swap3A_294 = arith.constant 48 : index
        %swap3A_295 = tpu.vector_load %arg14[%swap3A_294] {strides = array<i32>} : memref<80xf32, #tpu.memory_space<vmem>>, vector<16xf32>,
        tpu.vector_store %arg14[%swap3A_294], %exp3A_293 {strides = array<i32>} : memref<80xf32, #tpu.memory_space<vmem>>, vector<16xf32>,
        %swap3A_296 = arith.constant 48 : index
        %swap3A_297 = tpu.vector_load %arg16[%swap3A_296] {strides = array<i32>} : memref<80xi32, #tpu.memory_space<vmem>>, vector<16xi32>,
        tpu.vector_store %arg16[%swap3A_296], %get3A_288 {strides = array<i32>} : memref<80xi32, #tpu.memory_space<vmem>>, vector<16xi32>,
        tpu.vector_store_idx %arg12[%get3A_288], %exp3A_293 {add = true} : memref<10240xf32, #tpu.memory_space<vmem>>[vector<16xi32>], vector<16xf32>,
        %add3A_298 = arith.constant 64 : i32
        %add3A_299 = arith.addi %add3A_236, %add3A_298 : i32
        %get3A_300 = arith.index_cast %add3A_299 : i32 to index
        %get3A_301 = tpu.vector_load %arg10[%get3A_300] {strides = array<i32>} : memref<2000xi32, #tpu.memory_space<vmem>>, vector<16xi32>,
        %get3A_302 = arith.index_cast %add3A_299 : i32 to index
        %get3A_303 = tpu.vector_load %arg11[%get3A_302] {strides = array<i32>} : memref<2000xf32, #tpu.memory_space<vmem>>, vector<16xf32>,
        %gather3A_304 = tpu.vector_load_idx %arg8[%get3A_301] : memref<10240xf32, #tpu.memory_space<vmem>>[vector<16xi32>], vector<16xf32>,
        %sub3A_305 = arith.subf %get3A_303, %gather3A_304 : vector<16xf32>
        %exp3A_306 = math.exp %sub3A_305 : vector<16xf32>
        %swap3A_307 = arith.constant 64 : index
        %swap3A_308 = tpu.vector_load %arg14[%swap3A_307] {strides = array<i32>} : memref<80xf32, #tpu.memory_space<vmem>>, vector<16xf32>,
        tpu.vector_store %arg14[%swap3A_307], %exp3A_306 {strides = array<i32>} : memref<80xf32, #tpu.memory_space<vmem>>, vector<16xf32>,
        %swap3A_309 = arith.constant 64 : index
        %swap3A_310 = tpu.vector_load %arg16[%swap3A_309] {strides = array<i32>} : memref<80xi32, #tpu.memory_space<vmem>>, vector<16xi32>,
        tpu.vector_store %arg16[%swap3A_309], %get3A_301 {strides = array<i32>} : memref<80xi32, #tpu.memory_space<vmem>>, vector<16xi32>,
        tpu.vector_store_idx %arg12[%get3A_301], %exp3A_306 {add = true} : memref<10240xf32, #tpu.memory_space<vmem>>[vector<16xi32>], vector<16xf32>,
        %dma_wait3A_311 = arith.constant 0 : i32
        %dma_wait3A_312 = arith.constant 0 : i32
        %dma_wait3A_313 = tpu.memref_slice %arg5[%dma_wait3A_311, %dma_wait3A_312] : memref<10240x128xf32, #tpu.memory_space<hbm>> -> memref<80x128xf32, #tpu.memory_space<hbm>>
        %dma_wait3A_314 = arith.constant 0 : i32
        %dma_wait3A_315 = arith.constant 0 : i32
        %dma_wait3A_316 = tpu.memref_slice %arg5[%dma_wait3A_314, %dma_wait3A_315] : memref<10240x128xf32, #tpu.memory_space<hbm>> -> memref<80x128xf32, #tpu.memory_space<hbm>>
        tpu.wait_dma2 semaphore(%arg20 : memref<!tpu.dma_semaphore, #tpu.memory_space<semaphore_mem>>) src(%dma_wait3A_316 : memref<80x128xf32, #tpu.memory_space<hbm>>) dst(%arg17 : memref<80x128xf32, #tpu.memory_space<vmem>>)
        %parallel_loop3A_317 = arith.constant 0 : i32
        %parallel_loop3A_318 = arith.constant 80 : i32
        %parallel_loop3A_319 = arith.constant 1 : i32
        scf.for %parallel_loop3A_336 = %parallel_loop3A_317 to %parallel_loop3A_318 step %parallel_loop3A_319  : i32 {
          %parallel_loop3A_337 = vector.broadcast %parallel_loop3A_336 : i32 to vector<16xi32>
          %parallel_loop3A_338 = tpu.vector_load_idx %arg13[%parallel_loop3A_337] : memref<80xf32, #tpu.memory_space<vmem>>[vector<16xi32>], vector<16xf32>,
          %parallel_loop3A_339 = arith.index_cast %parallel_loop3A_336 : i32 to index
          %parallel_loop3A_340 = arith.constant 0 : index
          %parallel_loop3A_341 = tpu.vector_load %arg17[%parallel_loop3A_339, %parallel_loop3A_340] {strides = array<i32>} : memref<80x128xf32, #tpu.memory_space<vmem>>, vector<16xf32>,
          %parallel_loop3A_342 = arith.mulf %parallel_loop3A_341, %parallel_loop3A_338 : vector<16xf32>
          %parallel_loop3A_343 = arith.index_cast %parallel_loop3A_336 : i32 to index
          %parallel_loop3A_344 = arith.constant 0 : index
          %parallel_loop3A_345 = tpu.vector_load %arg17[%parallel_loop3A_343, %parallel_loop3A_344] {strides = array<i32>} : memref<80x128xf32, #tpu.memory_space<vmem>>, vector<16xf32>,
          tpu.vector_store %arg17[%parallel_loop3A_343, %parallel_loop3A_344], %parallel_loop3A_342 {strides = array<i32>} : memref<80x128xf32, #tpu.memory_space<vmem>>, vector<16xf32>,
          %parallel_loop3A_346 = arith.index_cast %parallel_loop3A_336 : i32 to index
          %parallel_loop3A_347 = arith.constant 16 : index
          %parallel_loop3A_348 = tpu.vector_load %arg17[%parallel_loop3A_346, %parallel_loop3A_347] {strides = array<i32>} : memref<80x128xf32, #tpu.memory_space<vmem>>, vector<16xf32>,
          %parallel_loop3A_349 = arith.mulf %parallel_loop3A_348, %parallel_loop3A_338 : vector<16xf32>
          %parallel_loop3A_350 = arith.index_cast %parallel_loop3A_336 : i32 to index
          %parallel_loop3A_351 = arith.constant 16 : index
          %parallel_loop3A_352 = tpu.vector_load %arg17[%parallel_loop3A_350, %parallel_loop3A_351] {strides = array<i32>} : memref<80x128xf32, #tpu.memory_space<vmem>>, vector<16xf32>,
          tpu.vector_store %arg17[%parallel_loop3A_350, %parallel_loop3A_351], %parallel_loop3A_349 {strides = array<i32>} : memref<80x128xf32, #tpu.memory_space<vmem>>, vector<16xf32>,
          %parallel_loop3A_353 = arith.index_cast %parallel_loop3A_336 : i32 to index
          %parallel_loop3A_354 = arith.constant 32 : index
          %parallel_loop3A_355 = tpu.vector_load %arg17[%parallel_loop3A_353, %parallel_loop3A_354] {strides = array<i32>} : memref<80x128xf32, #tpu.memory_space<vmem>>, vector<16xf32>,
          %parallel_loop3A_356 = arith.mulf %parallel_loop3A_355, %parallel_loop3A_338 : vector<16xf32>
          %parallel_loop3A_357 = arith.index_cast %parallel_loop3A_336 : i32 to index
          %parallel_loop3A_358 = arith.constant 32 : index
          %parallel_loop3A_359 = tpu.vector_load %arg17[%parallel_loop3A_357, %parallel_loop3A_358] {strides = array<i32>} : memref<80x128xf32, #tpu.memory_space<vmem>>, vector<16xf32>,
          tpu.vector_store %arg17[%parallel_loop3A_357, %parallel_loop3A_358], %parallel_loop3A_356 {strides = array<i32>} : memref<80x128xf32, #tpu.memory_space<vmem>>, vector<16xf32>,
          %parallel_loop3A_360 = arith.index_cast %parallel_loop3A_336 : i32 to index
          %parallel_loop3A_361 = arith.constant 48 : index
          %parallel_loop3A_362 = tpu.vector_load %arg17[%parallel_loop3A_360, %parallel_loop3A_361] {strides = array<i32>} : memref<80x128xf32, #tpu.memory_space<vmem>>, vector<16xf32>,
          %parallel_loop3A_363 = arith.mulf %parallel_loop3A_362, %parallel_loop3A_338 : vector<16xf32>
          %parallel_loop3A_364 = arith.index_cast %parallel_loop3A_336 : i32 to index
          %parallel_loop3A_365 = arith.constant 48 : index
          %parallel_loop3A_366 = tpu.vector_load %arg17[%parallel_loop3A_364, %parallel_loop3A_365] {strides = array<i32>} : memref<80x128xf32, #tpu.memory_space<vmem>>, vector<16xf32>,
          tpu.vector_store %arg17[%parallel_loop3A_364, %parallel_loop3A_365], %parallel_loop3A_363 {strides = array<i32>} : memref<80x128xf32, #tpu.memory_space<vmem>>, vector<16xf32>,
          %parallel_loop3A_367 = arith.index_cast %parallel_loop3A_336 : i32 to index
          %parallel_loop3A_368 = arith.constant 64 : index
          %parallel_loop3A_369 = tpu.vector_load %arg17[%parallel_loop3A_367, %parallel_loop3A_368] {strides = array<i32>} : memref<80x128xf32, #tpu.memory_space<vmem>>, vector<16xf32>,
          %parallel_loop3A_370 = arith.mulf %parallel_loop3A_369, %parallel_loop3A_338 : vector<16xf32>
          %parallel_loop3A_371 = arith.index_cast %parallel_loop3A_336 : i32 to index
          %parallel_loop3A_372 = arith.constant 64 : index
          %parallel_loop3A_373 = tpu.vector_load %arg17[%parallel_loop3A_371, %parallel_loop3A_372] {strides = array<i32>} : memref<80x128xf32, #tpu.memory_space<vmem>>, vector<16xf32>,
          tpu.vector_store %arg17[%parallel_loop3A_371, %parallel_loop3A_372], %parallel_loop3A_370 {strides = array<i32>} : memref<80x128xf32, #tpu.memory_space<vmem>>, vector<16xf32>,
          %parallel_loop3A_374 = arith.index_cast %parallel_loop3A_336 : i32 to index
          %parallel_loop3A_375 = arith.constant 80 : index
          %parallel_loop3A_376 = tpu.vector_load %arg17[%parallel_loop3A_374, %parallel_loop3A_375] {strides = array<i32>} : memref<80x128xf32, #tpu.memory_space<vmem>>, vector<16xf32>,
          %parallel_loop3A_377 = arith.mulf %parallel_loop3A_376, %parallel_loop3A_338 : vector<16xf32>
          %parallel_loop3A_378 = arith.index_cast %parallel_loop3A_336 : i32 to index
          %parallel_loop3A_379 = arith.constant 80 : index
          %parallel_loop3A_380 = tpu.vector_load %arg17[%parallel_loop3A_378, %parallel_loop3A_379] {strides = array<i32>} : memref<80x128xf32, #tpu.memory_space<vmem>>, vector<16xf32>,
          tpu.vector_store %arg17[%parallel_loop3A_378, %parallel_loop3A_379], %parallel_loop3A_377 {strides = array<i32>} : memref<80x128xf32, #tpu.memory_space<vmem>>, vector<16xf32>,
          %parallel_loop3A_381 = arith.index_cast %parallel_loop3A_336 : i32 to index
          %parallel_loop3A_382 = arith.constant 96 : index
          %parallel_loop3A_383 = tpu.vector_load %arg17[%parallel_loop3A_381, %parallel_loop3A_382] {strides = array<i32>} : memref<80x128xf32, #tpu.memory_space<vmem>>, vector<16xf32>,
          %parallel_loop3A_384 = arith.mulf %parallel_loop3A_383, %parallel_loop3A_338 : vector<16xf32>
          %parallel_loop3A_385 = arith.index_cast %parallel_loop3A_336 : i32 to index
          %parallel_loop3A_386 = arith.constant 96 : index
          %parallel_loop3A_387 = tpu.vector_load %arg17[%parallel_loop3A_385, %parallel_loop3A_386] {strides = array<i32>} : memref<80x128xf32, #tpu.memory_space<vmem>>, vector<16xf32>,
          tpu.vector_store %arg17[%parallel_loop3A_385, %parallel_loop3A_386], %parallel_loop3A_384 {strides = array<i32>} : memref<80x128xf32, #tpu.memory_space<vmem>>, vector<16xf32>,
          %parallel_loop3A_388 = arith.index_cast %parallel_loop3A_336 : i32 to index
          %parallel_loop3A_389 = arith.constant 112 : index
          %parallel_loop3A_390 = tpu.vector_load %arg17[%parallel_loop3A_388, %parallel_loop3A_389] {strides = array<i32>} : memref<80x128xf32, #tpu.memory_space<vmem>>, vector<16xf32>,
          %parallel_loop3A_391 = arith.mulf %parallel_loop3A_390, %parallel_loop3A_338 : vector<16xf32>
          %parallel_loop3A_392 = arith.index_cast %parallel_loop3A_336 : i32 to index
          %parallel_loop3A_393 = arith.constant 112 : index
          %parallel_loop3A_394 = tpu.vector_load %arg17[%parallel_loop3A_392, %parallel_loop3A_393] {strides = array<i32>} : memref<80x128xf32, #tpu.memory_space<vmem>>, vector<16xf32>,
          tpu.vector_store %arg17[%parallel_loop3A_392, %parallel_loop3A_393], %parallel_loop3A_391 {strides = array<i32>} : memref<80x128xf32, #tpu.memory_space<vmem>>, vector<16xf32>,
        } {sc.loop_unroll_factor = 4 : i64, sc.parallel_access}
        %dma_start3A_320 = arith.constant 0 : i32
        %dma_start3A_321 = arith.constant 0 : i32
        %dma_start3A_322 = tpu.memref_slice %arg19[%dma_start3A_320, %dma_start3A_321] : memref<10240x128xf32, #tpu.memory_space<vmem_shared>> -> memref<10240x128xf32, #tpu.memory_space<vmem_shared>>
        tpu.enqueue_indirect_dma source(%arg17 : memref<80x128xf32, #tpu.memory_space<vmem>>) target(%dma_start3A_322 : memref<10240x128xf32, #tpu.memory_space<vmem_shared>>) offsets(%arg15 : memref<80xi32, #tpu.memory_space<vmem>>) semaphore(%arg22 : memref<!tpu.dma_semaphore, #tpu.memory_space<semaphore_mem>>) {add = true}
        %dma_wait3A_323 = arith.constant 0 : i32
        %dma_wait3A_324 = arith.constant 0 : i32
        %dma_wait3A_325 = tpu.memref_slice %arg5[%dma_wait3A_323, %dma_wait3A_324] : memref<10240x128xf32, #tpu.memory_space<hbm>> -> memref<80x128xf32, #tpu.memory_space<hbm>>
        %dma_wait3A_326 = arith.constant 0 : i32
        %dma_wait3A_327 = arith.constant 0 : i32
        %dma_wait3A_328 = tpu.memref_slice %arg5[%dma_wait3A_326, %dma_wait3A_327] : memref<10240x128xf32, #tpu.memory_space<hbm>> -> memref<80x128xf32, #tpu.memory_space<hbm>>
        tpu.wait_dma2 semaphore(%arg21 : memref<!tpu.dma_semaphore, #tpu.memory_space<semaphore_mem>>) src(%dma_wait3A_328 : memref<80x128xf32, #tpu.memory_space<hbm>>) dst(%arg18 : memref<80x128xf32, #tpu.memory_space<vmem>>)
        %parallel_loop3A_329 = arith.constant 0 : i32
        %parallel_loop3A_330 = arith.constant 80 : i32
        %parallel_loop3A_331 = arith.constant 1 : i32
        scf.for %parallel_loop3A_336 = %parallel_loop3A_329 to %parallel_loop3A_330 step %parallel_loop3A_331  : i32 {
          %parallel_loop3A_337 = vector.broadcast %parallel_loop3A_336 : i32 to vector<16xi32>
          %parallel_loop3A_338 = tpu.vector_load_idx %arg14[%parallel_loop3A_337] : memref<80xf32, #tpu.memory_space<vmem>>[vector<16xi32>], vector<16xf32>,
          %parallel_loop3A_339 = arith.index_cast %parallel_loop3A_336 : i32 to index
          %parallel_loop3A_340 = arith.constant 0 : index
          %parallel_loop3A_341 = tpu.vector_load %arg18[%parallel_loop3A_339, %parallel_loop3A_340] {strides = array<i32>} : memref<80x128xf32, #tpu.memory_space<vmem>>, vector<16xf32>,
          %parallel_loop3A_342 = arith.mulf %parallel_loop3A_341, %parallel_loop3A_338 : vector<16xf32>
          %parallel_loop3A_343 = arith.index_cast %parallel_loop3A_336 : i32 to index
          %parallel_loop3A_344 = arith.constant 0 : index
          %parallel_loop3A_345 = tpu.vector_load %arg18[%parallel_loop3A_343, %parallel_loop3A_344] {strides = array<i32>} : memref<80x128xf32, #tpu.memory_space<vmem>>, vector<16xf32>,
          tpu.vector_store %arg18[%parallel_loop3A_343, %parallel_loop3A_344], %parallel_loop3A_342 {strides = array<i32>} : memref<80x128xf32, #tpu.memory_space<vmem>>, vector<16xf32>,
          %parallel_loop3A_346 = arith.index_cast %parallel_loop3A_336 : i32 to index
          %parallel_loop3A_347 = arith.constant 16 : index
          %parallel_loop3A_348 = tpu.vector_load %arg18[%parallel_loop3A_346, %parallel_loop3A_347] {strides = array<i32>} : memref<80x128xf32, #tpu.memory_space<vmem>>, vector<16xf32>,
          %parallel_loop3A_349 = arith.mulf %parallel_loop3A_348, %parallel_loop3A_338 : vector<16xf32>
          %parallel_loop3A_350 = arith.index_cast %parallel_loop3A_336 : i32 to index
          %parallel_loop3A_351 = arith.constant 16 : index
          %parallel_loop3A_352 = tpu.vector_load %arg18[%parallel_loop3A_350, %parallel_loop3A_351] {strides = array<i32>} : memref<80x128xf32, #tpu.memory_space<vmem>>, vector<16xf32>,
          tpu.vector_store %arg18[%parallel_loop3A_350, %parallel_loop3A_351], %parallel_loop3A_349 {strides = array<i32>} : memref<80x128xf32, #tpu.memory_space<vmem>>, vector<16xf32>,
          %parallel_loop3A_353 = arith.index_cast %parallel_loop3A_336 : i32 to index
          %parallel_loop3A_354 = arith.constant 32 : index
          %parallel_loop3A_355 = tpu.vector_load %arg18[%parallel_loop3A_353, %parallel_loop3A_354] {strides = array<i32>} : memref<80x128xf32, #tpu.memory_space<vmem>>, vector<16xf32>,
          %parallel_loop3A_356 = arith.mulf %parallel_loop3A_355, %parallel_loop3A_338 : vector<16xf32>
          %parallel_loop3A_357 = arith.index_cast %parallel_loop3A_336 : i32 to index
          %parallel_loop3A_358 = arith.constant 32 : index
          %parallel_loop3A_359 = tpu.vector_load %arg18[%parallel_loop3A_357, %parallel_loop3A_358] {strides = array<i32>} : memref<80x128xf32, #tpu.memory_space<vmem>>, vector<16xf32>,
          tpu.vector_store %arg18[%parallel_loop3A_357, %parallel_loop3A_358], %parallel_loop3A_356 {strides = array<i32>} : memref<80x128xf32, #tpu.memory_space<vmem>>, vector<16xf32>,
          %parallel_loop3A_360 = arith.index_cast %parallel_loop3A_336 : i32 to index
          %parallel_loop3A_361 = arith.constant 48 : index
          %parallel_loop3A_362 = tpu.vector_load %arg18[%parallel_loop3A_360, %parallel_loop3A_361] {strides = array<i32>} : memref<80x128xf32, #tpu.memory_space<vmem>>, vector<16xf32>,
          %parallel_loop3A_363 = arith.mulf %parallel_loop3A_362, %parallel_loop3A_338 : vector<16xf32>
          %parallel_loop3A_364 = arith.index_cast %parallel_loop3A_336 : i32 to index
          %parallel_loop3A_365 = arith.constant 48 : index
          %parallel_loop3A_366 = tpu.vector_load %arg18[%parallel_loop3A_364, %parallel_loop3A_365] {strides = array<i32>} : memref<80x128xf32, #tpu.memory_space<vmem>>, vector<16xf32>,
          tpu.vector_store %arg18[%parallel_loop3A_364, %parallel_loop3A_365], %parallel_loop3A_363 {strides = array<i32>} : memref<80x128xf32, #tpu.memory_space<vmem>>, vector<16xf32>,
          %parallel_loop3A_367 = arith.index_cast %parallel_loop3A_336 : i32 to index
          %parallel_loop3A_368 = arith.constant 64 : index
          %parallel_loop3A_369 = tpu.vector_load %arg18[%parallel_loop3A_367, %parallel_loop3A_368] {strides = array<i32>} : memref<80x128xf32, #tpu.memory_space<vmem>>, vector<16xf32>,
          %parallel_loop3A_370 = arith.mulf %parallel_loop3A_369, %parallel_loop3A_338 : vector<16xf32>
          %parallel_loop3A_371 = arith.index_cast %parallel_loop3A_336 : i32 to index
          %parallel_loop3A_372 = arith.constant 64 : index
          %parallel_loop3A_373 = tpu.vector_load %arg18[%parallel_loop3A_371, %parallel_loop3A_372] {strides = array<i32>} : memref<80x128xf32, #tpu.memory_space<vmem>>, vector<16xf32>,
          tpu.vector_store %arg18[%parallel_loop3A_371, %parallel_loop3A_372], %parallel_loop3A_370 {strides = array<i32>} : memref<80x128xf32, #tpu.memory_space<vmem>>, vector<16xf32>,
          %parallel_loop3A_374 = arith.index_cast %parallel_loop3A_336 : i32 to index
          %parallel_loop3A_375 = arith.constant 80 : index
          %parallel_loop3A_376 = tpu.vector_load %arg18[%parallel_loop3A_374, %parallel_loop3A_375] {strides = array<i32>} : memref<80x128xf32, #tpu.memory_space<vmem>>, vector<16xf32>,
          %parallel_loop3A_377 = arith.mulf %parallel_loop3A_376, %parallel_loop3A_338 : vector<16xf32>
          %parallel_loop3A_378 = arith.index_cast %parallel_loop3A_336 : i32 to index
          %parallel_loop3A_379 = arith.constant 80 : index
          %parallel_loop3A_380 = tpu.vector_load %arg18[%parallel_loop3A_378, %parallel_loop3A_379] {strides = array<i32>} : memref<80x128xf32, #tpu.memory_space<vmem>>, vector<16xf32>,
          tpu.vector_store %arg18[%parallel_loop3A_378, %parallel_loop3A_379], %parallel_loop3A_377 {strides = array<i32>} : memref<80x128xf32, #tpu.memory_space<vmem>>, vector<16xf32>,
          %parallel_loop3A_381 = arith.index_cast %parallel_loop3A_336 : i32 to index
          %parallel_loop3A_382 = arith.constant 96 : index
          %parallel_loop3A_383 = tpu.vector_load %arg18[%parallel_loop3A_381, %parallel_loop3A_382] {strides = array<i32>} : memref<80x128xf32, #tpu.memory_space<vmem>>, vector<16xf32>,
          %parallel_loop3A_384 = arith.mulf %parallel_loop3A_383, %parallel_loop3A_338 : vector<16xf32>
          %parallel_loop3A_385 = arith.index_cast %parallel_loop3A_336 : i32 to index
          %parallel_loop3A_386 = arith.constant 96 : index
          %parallel_loop3A_387 = tpu.vector_load %arg18[%parallel_loop3A_385, %parallel_loop3A_386] {strides = array<i32>} : memref<80x128xf32, #tpu.memory_space<vmem>>, vector<16xf32>,
          tpu.vector_store %arg18[%parallel_loop3A_385, %parallel_loop3A_386], %parallel_loop3A_384 {strides = array<i32>} : memref<80x128xf32, #tpu.memory_space<vmem>>, vector<16xf32>,
          %parallel_loop3A_388 = arith.index_cast %parallel_loop3A_336 : i32 to index
          %parallel_loop3A_389 = arith.constant 112 : index
          %parallel_loop3A_390 = tpu.vector_load %arg18[%parallel_loop3A_388, %parallel_loop3A_389] {strides = array<i32>} : memref<80x128xf32, #tpu.memory_space<vmem>>, vector<16xf32>,
          %parallel_loop3A_391 = arith.mulf %parallel_loop3A_390, %parallel_loop3A_338 : vector<16xf32>
          %parallel_loop3A_392 = arith.index_cast %parallel_loop3A_336 : i32 to index
          %parallel_loop3A_393 = arith.constant 112 : index
          %parallel_loop3A_394 = tpu.vector_load %arg18[%parallel_loop3A_392, %parallel_loop3A_393] {strides = array<i32>} : memref<80x128xf32, #tpu.memory_space<vmem>>, vector<16xf32>,
          tpu.vector_store %arg18[%parallel_loop3A_392, %parallel_loop3A_393], %parallel_loop3A_391 {strides = array<i32>} : memref<80x128xf32, #tpu.memory_space<vmem>>, vector<16xf32>,
        } {sc.loop_unroll_factor = 4 : i64, sc.parallel_access}
        %dma_start3A_332 = arith.constant 0 : i32
        %dma_start3A_333 = arith.constant 0 : i32
        %dma_start3A_334 = tpu.memref_slice %arg19[%dma_start3A_332, %dma_start3A_333] : memref<10240x128xf32, #tpu.memory_space<vmem_shared>> -> memref<10240x128xf32, #tpu.memory_space<vmem_shared>>
        tpu.enqueue_indirect_dma source(%arg18 : memref<80x128xf32, #tpu.memory_space<vmem>>) target(%dma_start3A_334 : memref<10240x128xf32, #tpu.memory_space<vmem_shared>>) offsets(%arg16 : memref<80xi32, #tpu.memory_space<vmem>>) semaphore(%arg23 : memref<!tpu.dma_semaphore, #tpu.memory_space<semaphore_mem>>) {add = true}
        %scan3A_335 = arith.constant 0 : i32
        scf.yield %scan3A_335 : i32
      }
      %scan3A_151 = arith.constant 12 : i32
      %scan3A_152 = arith.constant 0 : i32
      scf.yield %scan3A_152 : i32
    }
    %scan3A_56 = arith.constant 5 : i32
    %dma_wait3A = arith.constant 0 : i32
    %dma_wait3A_57 = arith.constant 0 : i32
    %dma_wait3A_58 = tpu.memref_slice %arg19[%dma_wait3A, %dma_wait3A_57] : memref<10240x128xf32, #tpu.memory_space<vmem_shared>> -> memref<10240x128xf32, #tpu.memory_space<vmem_shared>>
    tpu.wait_indirect_dma semaphore(%arg22 : memref<!tpu.dma_semaphore, #tpu.memory_space<semaphore_mem>>) src(%arg17 : memref<80x128xf32, #tpu.memory_space<vmem>>) dst(%dma_wait3A_58 : memref<10240x128xf32, #tpu.memory_space<vmem_shared>>)
    %dma_wait3A_59 = arith.constant 0 : i32
    %dma_wait3A_60 = arith.constant 0 : i32
    %dma_wait3A_61 = tpu.memref_slice %arg19[%dma_wait3A_59, %dma_wait3A_60] : memref<10240x128xf32, #tpu.memory_space<vmem_shared>> -> memref<10240x128xf32, #tpu.memory_space<vmem_shared>>
    tpu.wait_indirect_dma semaphore(%arg23 : memref<!tpu.dma_semaphore, #tpu.memory_space<semaphore_mem>>) src(%arg18 : memref<80x128xf32, #tpu.memory_space<vmem>>) dst(%dma_wait3A_61 : memref<10240x128xf32, #tpu.memory_space<vmem_shared>>)
    %barrier3A_62 = arith.constant 0 : index
    tpu.barrier barrier_id(%barrier3A_62)
    %mul3A_63 = arith.constant 640 : i32
    %mul3A_64 = arith.muli %arg1, %mul3A_63 : i32
    %mul3A_65 = arith.constant 640 : i32
    %mul3A_66 = arith.muli %arg1, %mul3A_65 : i32
    "tpu.region"() ({
      %run_scoped3A = tpu.sem_alloc : memref<!tpu.dma_semaphore, #tpu.memory_space<semaphore_mem>>
      %dma_start3A_67 = arith.constant 0 : i32
      %dma_start3A_68 = arith.constant 0 : i32
      %dma_start3A_69 = tpu.memref_slice %arg6[%arg0, %dma_start3A_67, %dma_start3A_68] : memref<2x10240x128xf32, #tpu.memory_space<hbm>> -> memref<1x10240x128xf32, #tpu.memory_space<hbm>>
      %dma_start3A_70 = tpu.memref_squeeze %dma_start3A_69 : memref<1x10240x128xf32, #tpu.memory_space<hbm>> -> memref<10240x128xf32, #tpu.memory_space<hbm>>
      %dma_start3A_71 = arith.constant 0 : i32
      %dma_start3A_72 = tpu.memref_slice %dma_start3A_70[%mul3A_66, %dma_start3A_71] : memref<10240x128xf32, #tpu.memory_space<hbm>> -> memref<640x128xf32, #tpu.memory_space<hbm>>
      %dma_start3A_73 = arith.constant 0 : i32
      %dma_start3A_74 = tpu.memref_slice %arg19[%mul3A_64, %dma_start3A_73] : memref<10240x128xf32, #tpu.memory_space<vmem_shared>> -> memref<640x128xf32, #tpu.memory_space<vmem_shared>>
      tpu.enqueue_dma source(%dma_start3A_74 : memref<640x128xf32, #tpu.memory_space<vmem_shared>>) target(%dma_start3A_72 : memref<640x128xf32, #tpu.memory_space<hbm>>) target_semaphore(%run_scoped3A : memref<!tpu.dma_semaphore, #tpu.memory_space<semaphore_mem>>)
      %dma_wait3A_75 = arith.constant 0 : i32
      %dma_wait3A_76 = arith.constant 0 : i32
      %dma_wait3A_77 = tpu.memref_slice %arg6[%arg0, %dma_wait3A_75, %dma_wait3A_76] : memref<2x10240x128xf32, #tpu.memory_space<hbm>> -> memref<1x10240x128xf32, #tpu.memory_space<hbm>>
      %dma_wait3A_78 = tpu.memref_squeeze %dma_wait3A_77 : memref<1x10240x128xf32, #tpu.memory_space<hbm>> -> memref<10240x128xf32, #tpu.memory_space<hbm>>
      %dma_wait3A_79 = arith.constant 0 : i32
      %dma_wait3A_80 = tpu.memref_slice %dma_wait3A_78[%mul3A_66, %dma_wait3A_79] : memref<10240x128xf32, #tpu.memory_space<hbm>> -> memref<640x128xf32, #tpu.memory_space<hbm>>
      %dma_wait3A_81 = arith.constant 0 : i32
      %dma_wait3A_82 = tpu.memref_slice %arg19[%mul3A_64, %dma_wait3A_81] : memref<10240x128xf32, #tpu.memory_space<vmem_shared>> -> memref<640x128xf32, #tpu.memory_space<vmem_shared>>
      tpu.wait_dma2 semaphore(%run_scoped3A : memref<!tpu.dma_semaphore, #tpu.memory_space<semaphore_mem>>) src(%dma_wait3A_82 : memref<640x128xf32, #tpu.memory_space<vmem_shared>>) dst(%dma_wait3A_80 : memref<640x128xf32, #tpu.memory_space<hbm>>)
      tpu.yield
    }) : () -> ()
    "tpu.region"() ({
      %run_scoped3A = tpu.sem_alloc : memref<!tpu.dma_semaphore, #tpu.memory_space<semaphore_mem>>
      %dma_start3A_67 = arith.constant 0 : i32
      %dma_start3A_68 = tpu.memref_slice %arg7[%add3A, %dma_start3A_67] : memref<32x10240xf32, #tpu.memory_space<hbm>> -> memref<1x10240xf32, #tpu.memory_space<hbm>>
      %dma_start3A_69 = tpu.memref_squeeze %dma_start3A_68 : memref<1x10240xf32, #tpu.memory_space<hbm>> -> memref<10240xf32, #tpu.memory_space<hbm>>
      %dma_start3A_70 = arith.constant 0 : i32
      %dma_start3A_71 = tpu.memref_slice %arg7[%add3A, %dma_start3A_70] : memref<32x10240xf32, #tpu.memory_space<hbm>> -> memref<1x10240xf32, #tpu.memory_space<hbm>>
      %dma_start3A_72 = tpu.memref_squeeze %dma_start3A_71 : memref<1x10240xf32, #tpu.memory_space<hbm>> -> memref<10240xf32, #tpu.memory_space<hbm>>
      tpu.enqueue_dma source(%arg12 : memref<10240xf32, #tpu.memory_space<vmem>>) target(%dma_start3A_72 : memref<10240xf32, #tpu.memory_space<hbm>>) target_semaphore(%run_scoped3A : memref<!tpu.dma_semaphore, #tpu.memory_space<semaphore_mem>>)
      %dma_wait3A_73 = arith.constant 0 : i32
      %dma_wait3A_74 = tpu.memref_slice %arg7[%add3A, %dma_wait3A_73] : memref<32x10240xf32, #tpu.memory_space<hbm>> -> memref<1x10240xf32, #tpu.memory_space<hbm>>
      %dma_wait3A_75 = tpu.memref_squeeze %dma_wait3A_74 : memref<1x10240xf32, #tpu.memory_space<hbm>> -> memref<10240xf32, #tpu.memory_space<hbm>>
      %dma_wait3A_76 = arith.constant 0 : i32
      %dma_wait3A_77 = tpu.memref_slice %arg7[%add3A, %dma_wait3A_76] : memref<32x10240xf32, #tpu.memory_space<hbm>> -> memref<1x10240xf32, #tpu.memory_space<hbm>>
      %dma_wait3A_78 = tpu.memref_squeeze %dma_wait3A_77 : memref<1x10240xf32, #tpu.memory_space<hbm>> -> memref<10240xf32, #tpu.memory_space<hbm>>
      tpu.wait_dma2 semaphore(%run_scoped3A : memref<!tpu.dma_semaphore, #tpu.memory_space<semaphore_mem>>) src(%arg12 : memref<10240xf32, #tpu.memory_space<vmem>>) dst(%dma_wait3A_78 : memref<10240xf32, #tpu.memory_space<hbm>>)
      tpu.yield
    }) : () -> ()
    return
  }
}

#map = affine_map<(d0, d1) -> (0)>
#map1 = affine_map<(d0, d1) -> (0, 0)>
#map2 = affine_map<(d0, d1) -> (0, 0, 0)>
module attributes {stable_mosaic.version = 14 : i64} {
  func.func @_sc_b_body(%arg0: i32, %arg1: i32, %arg2: memref<640000xi32, #tpu.memory_space<hbm>>, %arg3: memref<320000xf32, #tpu.memory_space<hbm>>, %arg4: memref<10240xf32, #tpu.memory_space<hbm>>, %arg5: memref<10240x128xf32, #tpu.memory_space<hbm>>, %arg6: memref<2x10240x128xf32, #tpu.memory_space<hbm>>, %arg7: memref<32x10240xf32, #tpu.memory_space<hbm>>, %arg8: memref<10240xf32, #tpu.memory_space<vmem>>, %arg9: memref<2000xi32, #tpu.memory_space<vmem>>, %arg10: memref<2000xi32, #tpu.memory_space<vmem>>, %arg11: memref<2000xf32, #tpu.memory_space<vmem>>, %arg12: memref<10240xf32, #tpu.memory_space<vmem>>, %arg13: memref<80xf32, #tpu.memory_space<vmem>>, %arg14: memref<80xf32, #tpu.memory_space<vmem>>, %arg15: memref<80xi32, #tpu.memory_space<vmem>>, %arg16: memref<80xi32, #tpu.memory_space<vmem>>, %arg17: memref<80x128xf32, #tpu.memory_space<vmem>>, %arg18: memref<80x128xf32, #tpu.memory_space<vmem>>, %arg19: memref<10240x128xf32, #tpu.memory_space<vmem_shared>>, %arg20: memref<!tpu.dma_semaphore, #tpu.memory_space<semaphore_mem>>, %arg21: memref<!tpu.dma_semaphore, #tpu.memory_space<semaphore_mem>>, %arg22: memref<!tpu.dma_semaphore, #tpu.memory_space<semaphore_mem>>, %arg23: memref<!tpu.dma_semaphore, #tpu.memory_space<semaphore_mem>>) attributes {dimension_semantics = [#tpu.dimension_semantics<core_parallel>, #tpu.dimension_semantics<subcore_parallel>], iteration_bounds = array<i64: 2, 16>, scalar_prefetch = 0 : i64, scratch_operands = 16 : i64, tpu.core_type = #tpu.core_type<sc_vector_subcore>, window_params = [{transform_indices = #map}, {transform_indices = #map}, {transform_indices = #map}, {transform_indices = #map1}, {transform_indices = #map2}, {transform_indices = #map1}]} {
    %mul3A = arith.constant 2 : i32
    %mul3A_0 = arith.muli %arg1, %mul3A : i32
    %add3A = arith.addi %mul3A_0, %arg0 : i32
    %mul3A_1 = arith.constant 10000 : i32
    %mul3A_2 = arith.muli %add3A, %mul3A_1 : i32
    "tpu.region"() ({
      %run_scoped3A = tpu.sem_alloc : memref<!tpu.dma_semaphore, #tpu.memory_space<semaphore_mem>>
      tpu.enqueue_dma source(%arg4 : memref<10240xf32, #tpu.memory_space<hbm>>) target(%arg8 : memref<10240xf32, #tpu.memory_space<vmem>>) target_semaphore(%run_scoped3A : memref<!tpu.dma_semaphore, #tpu.memory_space<semaphore_mem>>)
      tpu.wait_dma2 semaphore(%run_scoped3A : memref<!tpu.dma_semaphore, #tpu.memory_space<semaphore_mem>>) src(%arg4 : memref<10240xf32, #tpu.memory_space<hbm>>) dst(%arg8 : memref<10240xf32, #tpu.memory_space<vmem>>)
      tpu.yield
    }) : () -> ()
    %broadcast_in_dim3A = arith.constant 0.000000e+00 : f32
    %broadcast_in_dim3A_3 = vector.broadcast %broadcast_in_dim3A : f32 to vector<16xf32>
    %broadcast_in_dim3A_4 = arith.constant 0 : i32
    %broadcast_in_dim3A_5 = vector.broadcast %broadcast_in_dim3A_4 : i32 to vector<16xi32>
    %scan3A = arith.constant 0 : i32
    %scan3A_6 = arith.constant 0 : i32
    %scan3A_7 = arith.constant 640 : i32
    %scan3A_8 = arith.addi %scan3A_6, %scan3A_7 : i32
    %scan3A_9 = arith.constant 1 : i32
    %scan3A_10 = scf.for %scan3A_67 = %scan3A_6 to %scan3A_8 step %scan3A_9 iter_args(%scan3A_68 = %scan3A) -> (i32)  : i32 {
      %mul3A_69 = arith.constant 16 : i32
      %mul3A_70 = arith.muli %scan3A_67, %mul3A_69 : i32
      %swap3A_71 = arith.index_cast %mul3A_70 : i32 to index
      %swap3A_72 = tpu.vector_load %arg12[%swap3A_71] {strides = array<i32>} : memref<10240xf32, #tpu.memory_space<vmem>>, vector<16xf32>,
      tpu.vector_store %arg12[%swap3A_71], %broadcast_in_dim3A_3 {strides = array<i32>} : memref<10240xf32, #tpu.memory_space<vmem>>, vector<16xf32>,
      %scan3A_73 = arith.constant 0 : i32
      scf.yield %scan3A_73 : i32
    }
    %scan3A_11 = arith.constant 640 : i32
    %scan3A_12 = arith.constant 0 : i32
    %scan3A_13 = arith.constant 0 : i32
    %scan3A_14 = arith.constant 80 : i32
    %scan3A_15 = arith.addi %scan3A_13, %scan3A_14 : i32
    %scan3A_16 = arith.constant 1 : i32
    %scan3A_17 = scf.for %scan3A_67 = %scan3A_13 to %scan3A_15 step %scan3A_16 iter_args(%scan3A_68 = %scan3A_12) -> (i32)  : i32 {
      %swap3A_69 = arith.index_cast %scan3A_67 : i32 to index
      %swap3A_70 = arith.constant 0 : index
      %swap3A_71 = tpu.vector_load %arg17[%swap3A_69, %swap3A_70] {strides = array<i32>} : memref<80x128xf32, #tpu.memory_space<vmem>>, vector<16xf32>,
      tpu.vector_store %arg17[%swap3A_69, %swap3A_70], %broadcast_in_dim3A_3 {strides = array<i32>} : memref<80x128xf32, #tpu.memory_space<vmem>>, vector<16xf32>,
      %swap3A_72 = arith.index_cast %scan3A_67 : i32 to index
      %swap3A_73 = arith.constant 0 : index
      %swap3A_74 = tpu.vector_load %arg18[%swap3A_72, %swap3A_73] {strides = array<i32>} : memref<80x128xf32, #tpu.memory_space<vmem>>, vector<16xf32>,
      tpu.vector_store %arg18[%swap3A_72, %swap3A_73], %broadcast_in_dim3A_3 {strides = array<i32>} : memref<80x128xf32, #tpu.memory_space<vmem>>, vector<16xf32>,
      %swap3A_75 = arith.index_cast %scan3A_67 : i32 to index
      %swap3A_76 = arith.constant 16 : index
      %swap3A_77 = tpu.vector_load %arg17[%swap3A_75, %swap3A_76] {strides = array<i32>} : memref<80x128xf32, #tpu.memory_space<vmem>>, vector<16xf32>,
      tpu.vector_store %arg17[%swap3A_75, %swap3A_76], %broadcast_in_dim3A_3 {strides = array<i32>} : memref<80x128xf32, #tpu.memory_space<vmem>>, vector<16xf32>,
      %swap3A_78 = arith.index_cast %scan3A_67 : i32 to index
      %swap3A_79 = arith.constant 16 : index
      %swap3A_80 = tpu.vector_load %arg18[%swap3A_78, %swap3A_79] {strides = array<i32>} : memref<80x128xf32, #tpu.memory_space<vmem>>, vector<16xf32>,
      tpu.vector_store %arg18[%swap3A_78, %swap3A_79], %broadcast_in_dim3A_3 {strides = array<i32>} : memref<80x128xf32, #tpu.memory_space<vmem>>, vector<16xf32>,
      %swap3A_81 = arith.index_cast %scan3A_67 : i32 to index
      %swap3A_82 = arith.constant 32 : index
      %swap3A_83 = tpu.vector_load %arg17[%swap3A_81, %swap3A_82] {strides = array<i32>} : memref<80x128xf32, #tpu.memory_space<vmem>>, vector<16xf32>,
      tpu.vector_store %arg17[%swap3A_81, %swap3A_82], %broadcast_in_dim3A_3 {strides = array<i32>} : memref<80x128xf32, #tpu.memory_space<vmem>>, vector<16xf32>,
      %swap3A_84 = arith.index_cast %scan3A_67 : i32 to index
      %swap3A_85 = arith.constant 32 : index
      %swap3A_86 = tpu.vector_load %arg18[%swap3A_84, %swap3A_85] {strides = array<i32>} : memref<80x128xf32, #tpu.memory_space<vmem>>, vector<16xf32>,
      tpu.vector_store %arg18[%swap3A_84, %swap3A_85], %broadcast_in_dim3A_3 {strides = array<i32>} : memref<80x128xf32, #tpu.memory_space<vmem>>, vector<16xf32>,
      %swap3A_87 = arith.index_cast %scan3A_67 : i32 to index
      %swap3A_88 = arith.constant 48 : index
      %swap3A_89 = tpu.vector_load %arg17[%swap3A_87, %swap3A_88] {strides = array<i32>} : memref<80x128xf32, #tpu.memory_space<vmem>>, vector<16xf32>,
      tpu.vector_store %arg17[%swap3A_87, %swap3A_88], %broadcast_in_dim3A_3 {strides = array<i32>} : memref<80x128xf32, #tpu.memory_space<vmem>>, vector<16xf32>,
      %swap3A_90 = arith.index_cast %scan3A_67 : i32 to index
      %swap3A_91 = arith.constant 48 : index
      %swap3A_92 = tpu.vector_load %arg18[%swap3A_90, %swap3A_91] {strides = array<i32>} : memref<80x128xf32, #tpu.memory_space<vmem>>, vector<16xf32>,
      tpu.vector_store %arg18[%swap3A_90, %swap3A_91], %broadcast_in_dim3A_3 {strides = array<i32>} : memref<80x128xf32, #tpu.memory_space<vmem>>, vector<16xf32>,
      %swap3A_93 = arith.index_cast %scan3A_67 : i32 to index
      %swap3A_94 = arith.constant 64 : index
      %swap3A_95 = tpu.vector_load %arg17[%swap3A_93, %swap3A_94] {strides = array<i32>} : memref<80x128xf32, #tpu.memory_space<vmem>>, vector<16xf32>,
      tpu.vector_store %arg17[%swap3A_93, %swap3A_94], %broadcast_in_dim3A_3 {strides = array<i32>} : memref<80x128xf32, #tpu.memory_space<vmem>>, vector<16xf32>,
      %swap3A_96 = arith.index_cast %scan3A_67 : i32 to index
      %swap3A_97 = arith.constant 64 : index
      %swap3A_98 = tpu.vector_load %arg18[%swap3A_96, %swap3A_97] {strides = array<i32>} : memref<80x128xf32, #tpu.memory_space<vmem>>, vector<16xf32>,
      tpu.vector_store %arg18[%swap3A_96, %swap3A_97], %broadcast_in_dim3A_3 {strides = array<i32>} : memref<80x128xf32, #tpu.memory_space<vmem>>, vector<16xf32>,
      %swap3A_99 = arith.index_cast %scan3A_67 : i32 to index
      %swap3A_100 = arith.constant 80 : index
      %swap3A_101 = tpu.vector_load %arg17[%swap3A_99, %swap3A_100] {strides = array<i32>} : memref<80x128xf32, #tpu.memory_space<vmem>>, vector<16xf32>,
      tpu.vector_store %arg17[%swap3A_99, %swap3A_100], %broadcast_in_dim3A_3 {strides = array<i32>} : memref<80x128xf32, #tpu.memory_space<vmem>>, vector<16xf32>,
      %swap3A_102 = arith.index_cast %scan3A_67 : i32 to index
      %swap3A_103 = arith.constant 80 : index
      %swap3A_104 = tpu.vector_load %arg18[%swap3A_102, %swap3A_103] {strides = array<i32>} : memref<80x128xf32, #tpu.memory_space<vmem>>, vector<16xf32>,
      tpu.vector_store %arg18[%swap3A_102, %swap3A_103], %broadcast_in_dim3A_3 {strides = array<i32>} : memref<80x128xf32, #tpu.memory_space<vmem>>, vector<16xf32>,
      %swap3A_105 = arith.index_cast %scan3A_67 : i32 to index
      %swap3A_106 = arith.constant 96 : index
      %swap3A_107 = tpu.vector_load %arg17[%swap3A_105, %swap3A_106] {strides = array<i32>} : memref<80x128xf32, #tpu.memory_space<vmem>>, vector<16xf32>,
      tpu.vector_store %arg17[%swap3A_105, %swap3A_106], %broadcast_in_dim3A_3 {strides = array<i32>} : memref<80x128xf32, #tpu.memory_space<vmem>>, vector<16xf32>,
      %swap3A_108 = arith.index_cast %scan3A_67 : i32 to index
      %swap3A_109 = arith.constant 96 : index
      %swap3A_110 = tpu.vector_load %arg18[%swap3A_108, %swap3A_109] {strides = array<i32>} : memref<80x128xf32, #tpu.memory_space<vmem>>, vector<16xf32>,
      tpu.vector_store %arg18[%swap3A_108, %swap3A_109], %broadcast_in_dim3A_3 {strides = array<i32>} : memref<80x128xf32, #tpu.memory_space<vmem>>, vector<16xf32>,
      %swap3A_111 = arith.index_cast %scan3A_67 : i32 to index
      %swap3A_112 = arith.constant 112 : index
      %swap3A_113 = tpu.vector_load %arg17[%swap3A_111, %swap3A_112] {strides = array<i32>} : memref<80x128xf32, #tpu.memory_space<vmem>>, vector<16xf32>,
      tpu.vector_store %arg17[%swap3A_111, %swap3A_112], %broadcast_in_dim3A_3 {strides = array<i32>} : memref<80x128xf32, #tpu.memory_space<vmem>>, vector<16xf32>,
      %swap3A_114 = arith.index_cast %scan3A_67 : i32 to index
      %swap3A_115 = arith.constant 112 : index
      %swap3A_116 = tpu.vector_load %arg18[%swap3A_114, %swap3A_115] {strides = array<i32>} : memref<80x128xf32, #tpu.memory_space<vmem>>, vector<16xf32>,
      tpu.vector_store %arg18[%swap3A_114, %swap3A_115], %broadcast_in_dim3A_3 {strides = array<i32>} : memref<80x128xf32, #tpu.memory_space<vmem>>, vector<16xf32>,
      %scan3A_117 = arith.constant 0 : i32
      scf.yield %scan3A_117 : i32
    }
    %scan3A_18 = arith.constant 80 : i32
    %swap3A = arith.constant 0 : index
    %swap3A_19 = tpu.vector_load %arg15[%swap3A] {strides = array<i32>} : memref<80xi32, #tpu.memory_space<vmem>>, vector<16xi32>,
    tpu.vector_store %arg15[%swap3A], %broadcast_in_dim3A_5 {strides = array<i32>} : memref<80xi32, #tpu.memory_space<vmem>>, vector<16xi32>,
    %swap3A_20 = arith.constant 0 : index
    %swap3A_21 = tpu.vector_load %arg16[%swap3A_20] {strides = array<i32>} : memref<80xi32, #tpu.memory_space<vmem>>, vector<16xi32>,
    tpu.vector_store %arg16[%swap3A_20], %broadcast_in_dim3A_5 {strides = array<i32>} : memref<80xi32, #tpu.memory_space<vmem>>, vector<16xi32>,
    %swap3A_22 = arith.constant 16 : index
    %swap3A_23 = tpu.vector_load %arg15[%swap3A_22] {strides = array<i32>} : memref<80xi32, #tpu.memory_space<vmem>>, vector<16xi32>,
    tpu.vector_store %arg15[%swap3A_22], %broadcast_in_dim3A_5 {strides = array<i32>} : memref<80xi32, #tpu.memory_space<vmem>>, vector<16xi32>,
    %swap3A_24 = arith.constant 16 : index
    %swap3A_25 = tpu.vector_load %arg16[%swap3A_24] {strides = array<i32>} : memref<80xi32, #tpu.memory_space<vmem>>, vector<16xi32>,
    tpu.vector_store %arg16[%swap3A_24], %broadcast_in_dim3A_5 {strides = array<i32>} : memref<80xi32, #tpu.memory_space<vmem>>, vector<16xi32>,
    %swap3A_26 = arith.constant 32 : index
    %swap3A_27 = tpu.vector_load %arg15[%swap3A_26] {strides = array<i32>} : memref<80xi32, #tpu.memory_space<vmem>>, vector<16xi32>,
    tpu.vector_store %arg15[%swap3A_26], %broadcast_in_dim3A_5 {strides = array<i32>} : memref<80xi32, #tpu.memory_space<vmem>>, vector<16xi32>,
    %swap3A_28 = arith.constant 32 : index
    %swap3A_29 = tpu.vector_load %arg16[%swap3A_28] {strides = array<i32>} : memref<80xi32, #tpu.memory_space<vmem>>, vector<16xi32>,
    tpu.vector_store %arg16[%swap3A_28], %broadcast_in_dim3A_5 {strides = array<i32>} : memref<80xi32, #tpu.memory_space<vmem>>, vector<16xi32>,
    %swap3A_30 = arith.constant 48 : index
    %swap3A_31 = tpu.vector_load %arg15[%swap3A_30] {strides = array<i32>} : memref<80xi32, #tpu.memory_space<vmem>>, vector<16xi32>,
    tpu.vector_store %arg15[%swap3A_30], %broadcast_in_dim3A_5 {strides = array<i32>} : memref<80xi32, #tpu.memory_space<vmem>>, vector<16xi32>,
    %swap3A_32 = arith.constant 48 : index
    %swap3A_33 = tpu.vector_load %arg16[%swap3A_32] {strides = array<i32>} : memref<80xi32, #tpu.memory_space<vmem>>, vector<16xi32>,
    tpu.vector_store %arg16[%swap3A_32], %broadcast_in_dim3A_5 {strides = array<i32>} : memref<80xi32, #tpu.memory_space<vmem>>, vector<16xi32>,
    %swap3A_34 = arith.constant 64 : index
    %swap3A_35 = tpu.vector_load %arg15[%swap3A_34] {strides = array<i32>} : memref<80xi32, #tpu.memory_space<vmem>>, vector<16xi32>,
    tpu.vector_store %arg15[%swap3A_34], %broadcast_in_dim3A_5 {strides = array<i32>} : memref<80xi32, #tpu.memory_space<vmem>>, vector<16xi32>,
    %swap3A_36 = arith.constant 64 : index
    %swap3A_37 = tpu.vector_load %arg16[%swap3A_36] {strides = array<i32>} : memref<80xi32, #tpu.memory_space<vmem>>, vector<16xi32>,
    tpu.vector_store %arg16[%swap3A_36], %broadcast_in_dim3A_5 {strides = array<i32>} : memref<80xi32, #tpu.memory_space<vmem>>, vector<16xi32>,
    %scan3A_38 = arith.constant 0 : i32
    %scan3A_39 = arith.constant 0 : i32
    %scan3A_40 = arith.constant 8 : i32
    %scan3A_41 = arith.addi %scan3A_39, %scan3A_40 : i32
    %scan3A_42 = arith.constant 1 : i32
    %scan3A_43 = scf.for %scan3A_67 = %scan3A_39 to %scan3A_41 step %scan3A_42 iter_args(%scan3A_68 = %scan3A_38) -> (i32)  : i32 {
      %mul3A_69 = arith.constant 640 : i32
      %mul3A_70 = arith.muli %arg1, %mul3A_69 : i32
      %mul3A_71 = arith.constant 80 : i32
      %mul3A_72 = arith.muli %scan3A_67, %mul3A_71 : i32
      %add3A_73 = arith.addi %mul3A_70, %mul3A_72 : i32
      "tpu.region"() ({
        %run_scoped3A = tpu.sem_alloc : memref<!tpu.dma_semaphore, #tpu.memory_space<semaphore_mem>>
        %dma_start3A_75 = arith.constant 0 : i32
        %dma_start3A_76 = tpu.memref_slice %arg19[%add3A_73, %dma_start3A_75] : memref<10240x128xf32, #tpu.memory_space<vmem_shared>> -> memref<80x128xf32, #tpu.memory_space<vmem_shared>>
        %dma_start3A_77 = arith.constant 0 : i32
        %dma_start3A_78 = tpu.memref_slice %arg19[%add3A_73, %dma_start3A_77] : memref<10240x128xf32, #tpu.memory_space<vmem_shared>> -> memref<80x128xf32, #tpu.memory_space<vmem_shared>>
        tpu.enqueue_dma source(%arg17 : memref<80x128xf32, #tpu.memory_space<vmem>>) target(%dma_start3A_78 : memref<80x128xf32, #tpu.memory_space<vmem_shared>>) target_semaphore(%run_scoped3A : memref<!tpu.dma_semaphore, #tpu.memory_space<semaphore_mem>>)
        %dma_wait3A_79 = arith.constant 0 : i32
        %dma_wait3A_80 = tpu.memref_slice %arg19[%add3A_73, %dma_wait3A_79] : memref<10240x128xf32, #tpu.memory_space<vmem_shared>> -> memref<80x128xf32, #tpu.memory_space<vmem_shared>>
        %dma_wait3A_81 = arith.constant 0 : i32
        %dma_wait3A_82 = tpu.memref_slice %arg19[%add3A_73, %dma_wait3A_81] : memref<10240x128xf32, #tpu.memory_space<vmem_shared>> -> memref<80x128xf32, #tpu.memory_space<vmem_shared>>
        tpu.wait_dma2 semaphore(%run_scoped3A : memref<!tpu.dma_semaphore, #tpu.memory_space<semaphore_mem>>) src(%arg17 : memref<80x128xf32, #tpu.memory_space<vmem>>) dst(%dma_wait3A_82 : memref<80x128xf32, #tpu.memory_space<vmem_shared>>)
        tpu.yield
      }) : () -> ()
      %scan3A_74 = arith.constant 0 : i32
      scf.yield %scan3A_74 : i32
    }
    %scan3A_44 = arith.constant 8 : i32
    %barrier3A = arith.constant 0 : index
    tpu.barrier barrier_id(%barrier3A)
    %dma_start3A = arith.constant 0 : i32
    %dma_start3A_45 = arith.constant 0 : i32
    %dma_start3A_46 = tpu.memref_slice %arg19[%dma_start3A, %dma_start3A_45] : memref<10240x128xf32, #tpu.memory_space<vmem_shared>> -> memref<10240x128xf32, #tpu.memory_space<vmem_shared>>
    tpu.enqueue_indirect_dma source(%arg17 : memref<80x128xf32, #tpu.memory_space<vmem>>) target(%dma_start3A_46 : memref<10240x128xf32, #tpu.memory_space<vmem_shared>>) offsets(%arg15 : memref<80xi32, #tpu.memory_space<vmem>>) semaphore(%arg22 : memref<!tpu.dma_semaphore, #tpu.memory_space<semaphore_mem>>) {add = true}
    %dma_start3A_47 = arith.constant 0 : i32
    %dma_start3A_48 = arith.constant 0 : i32
    %dma_start3A_49 = tpu.memref_slice %arg19[%dma_start3A_47, %dma_start3A_48] : memref<10240x128xf32, #tpu.memory_space<vmem_shared>> -> memref<10240x128xf32, #tpu.memory_space<vmem_shared>>
    tpu.enqueue_indirect_dma source(%arg18 : memref<80x128xf32, #tpu.memory_space<vmem>>) target(%dma_start3A_49 : memref<10240x128xf32, #tpu.memory_space<vmem_shared>>) offsets(%arg16 : memref<80xi32, #tpu.memory_space<vmem>>) semaphore(%arg23 : memref<!tpu.dma_semaphore, #tpu.memory_space<semaphore_mem>>) {add = true}
    %scan3A_50 = arith.constant 0 : i32
    %scan3A_51 = arith.constant 0 : i32
    %scan3A_52 = arith.constant 5 : i32
    %scan3A_53 = arith.addi %scan3A_51, %scan3A_52 : i32
    %scan3A_54 = arith.constant 1 : i32
    %scan3A_55 = scf.for %scan3A_67 = %scan3A_51 to %scan3A_53 step %scan3A_54 iter_args(%scan3A_68 = %scan3A_50) -> (i32)  : i32 {
      %mul3A_69 = arith.constant 2000 : i32
      %mul3A_70 = arith.muli %scan3A_67, %mul3A_69 : i32
      %add3A_71 = arith.addi %mul3A_2, %mul3A_70 : i32
      "tpu.region"() ({
        %run_scoped3A = tpu.sem_alloc : memref<!tpu.dma_semaphore, #tpu.memory_space<semaphore_mem>>
        %dma_start3A_153 = tpu.memref_slice %arg2[%add3A_71] : memref<640000xi32, #tpu.memory_space<hbm>> -> memref<2000xi32, #tpu.memory_space<hbm>>
        %dma_start3A_154 = tpu.memref_slice %arg2[%add3A_71] : memref<640000xi32, #tpu.memory_space<hbm>> -> memref<2000xi32, #tpu.memory_space<hbm>>
        tpu.enqueue_dma source(%dma_start3A_154 : memref<2000xi32, #tpu.memory_space<hbm>>) target(%arg9 : memref<2000xi32, #tpu.memory_space<vmem>>) target_semaphore(%run_scoped3A : memref<!tpu.dma_semaphore, #tpu.memory_space<semaphore_mem>>)
        %dma_wait3A_155 = tpu.memref_slice %arg2[%add3A_71] : memref<640000xi32, #tpu.memory_space<hbm>> -> memref<2000xi32, #tpu.memory_space<hbm>>
        %dma_wait3A_156 = tpu.memref_slice %arg2[%add3A_71] : memref<640000xi32, #tpu.memory_space<hbm>> -> memref<2000xi32, #tpu.memory_space<hbm>>
        tpu.wait_dma2 semaphore(%run_scoped3A : memref<!tpu.dma_semaphore, #tpu.memory_space<semaphore_mem>>) src(%dma_wait3A_156 : memref<2000xi32, #tpu.memory_space<hbm>>) dst(%arg9 : memref<2000xi32, #tpu.memory_space<vmem>>)
        tpu.yield
      }) : () -> ()
      %add3A_72 = arith.constant 320000 : i32
      %add3A_73 = arith.addi %add3A_72, %add3A_71 : i32
      "tpu.region"() ({
        %run_scoped3A = tpu.sem_alloc : memref<!tpu.dma_semaphore, #tpu.memory_space<semaphore_mem>>
        %dma_start3A_153 = tpu.memref_slice %arg2[%add3A_73] : memref<640000xi32, #tpu.memory_space<hbm>> -> memref<2000xi32, #tpu.memory_space<hbm>>
        %dma_start3A_154 = tpu.memref_slice %arg2[%add3A_73] : memref<640000xi32, #tpu.memory_space<hbm>> -> memref<2000xi32, #tpu.memory_space<hbm>>
        tpu.enqueue_dma source(%dma_start3A_154 : memref<2000xi32, #tpu.memory_space<hbm>>) target(%arg10 : memref<2000xi32, #tpu.memory_space<vmem>>) target_semaphore(%run_scoped3A : memref<!tpu.dma_semaphore, #tpu.memory_space<semaphore_mem>>)
        %dma_wait3A_155 = tpu.memref_slice %arg2[%add3A_73] : memref<640000xi32, #tpu.memory_space<hbm>> -> memref<2000xi32, #tpu.memory_space<hbm>>
        %dma_wait3A_156 = tpu.memref_slice %arg2[%add3A_73] : memref<640000xi32, #tpu.memory_space<hbm>> -> memref<2000xi32, #tpu.memory_space<hbm>>
        tpu.wait_dma2 semaphore(%run_scoped3A : memref<!tpu.dma_semaphore, #tpu.memory_space<semaphore_mem>>) src(%dma_wait3A_156 : memref<2000xi32, #tpu.memory_space<hbm>>) dst(%arg10 : memref<2000xi32, #tpu.memory_space<vmem>>)
        tpu.yield
      }) : () -> ()
      "tpu.region"() ({
        %run_scoped3A = tpu.sem_alloc : memref<!tpu.dma_semaphore, #tpu.memory_space<semaphore_mem>>
        %dma_start3A_153 = tpu.memref_slice %arg3[%add3A_71] : memref<320000xf32, #tpu.memory_space<hbm>> -> memref<2000xf32, #tpu.memory_space<hbm>>
        %dma_start3A_154 = tpu.memref_slice %arg3[%add3A_71] : memref<320000xf32, #tpu.memory_space<hbm>> -> memref<2000xf32, #tpu.memory_space<hbm>>
        tpu.enqueue_dma source(%dma_start3A_154 : memref<2000xf32, #tpu.memory_space<hbm>>) target(%arg11 : memref<2000xf32, #tpu.memory_space<vmem>>) target_semaphore(%run_scoped3A : memref<!tpu.dma_semaphore, #tpu.memory_space<semaphore_mem>>)
        %dma_wait3A_155 = tpu.memref_slice %arg3[%add3A_71] : memref<320000xf32, #tpu.memory_space<hbm>> -> memref<2000xf32, #tpu.memory_space<hbm>>
        %dma_wait3A_156 = tpu.memref_slice %arg3[%add3A_71] : memref<320000xf32, #tpu.memory_space<hbm>> -> memref<2000xf32, #tpu.memory_space<hbm>>
        tpu.wait_dma2 semaphore(%run_scoped3A : memref<!tpu.dma_semaphore, #tpu.memory_space<semaphore_mem>>) src(%dma_wait3A_156 : memref<2000xf32, #tpu.memory_space<hbm>>) dst(%arg11 : memref<2000xf32, #tpu.memory_space<vmem>>)
        tpu.yield
      }) : () -> ()
      %dma_wait3A_74 = arith.constant 0 : i32
      %dma_wait3A_75 = arith.constant 0 : i32
      %dma_wait3A_76 = tpu.memref_slice %arg19[%dma_wait3A_74, %dma_wait3A_75] : memref<10240x128xf32, #tpu.memory_space<vmem_shared>> -> memref<10240x128xf32, #tpu.memory_space<vmem_shared>>
      tpu.wait_indirect_dma semaphore(%arg22 : memref<!tpu.dma_semaphore, #tpu.memory_space<semaphore_mem>>) src(%arg17 : memref<80x128xf32, #tpu.memory_space<vmem>>) dst(%dma_wait3A_76 : memref<10240x128xf32, #tpu.memory_space<vmem_shared>>)
      %dma_start3A_77 = arith.constant 0 : i32
      %dma_start3A_78 = arith.constant 0 : i32
      %dma_start3A_79 = tpu.memref_slice %arg5[%dma_start3A_77, %dma_start3A_78] : memref<10240x128xf32, #tpu.memory_space<hbm>> -> memref<80x128xf32, #tpu.memory_space<hbm>>
      %dma_start3A_80 = arith.constant 0 : i32
      %dma_start3A_81 = arith.constant 0 : i32
      %dma_start3A_82 = tpu.memref_slice %arg5[%dma_start3A_80, %dma_start3A_81] : memref<10240x128xf32, #tpu.memory_space<hbm>> -> memref<80x128xf32, #tpu.memory_space<hbm>>
      tpu.enqueue_dma source(%dma_start3A_82 : memref<80x128xf32, #tpu.memory_space<hbm>>) target(%arg17 : memref<80x128xf32, #tpu.memory_space<vmem>>) target_semaphore(%arg20 : memref<!tpu.dma_semaphore, #tpu.memory_space<semaphore_mem>>)
      %get3A = arith.constant 0 : index
      %get3A_83 = tpu.vector_load %arg10[%get3A] {strides = array<i32>} : memref<2000xi32, #tpu.memory_space<vmem>>, vector<16xi32>,
      %get3A_84 = arith.constant 0 : index
      %get3A_85 = tpu.vector_load %arg11[%get3A_84] {strides = array<i32>} : memref<2000xf32, #tpu.memory_space<vmem>>, vector<16xf32>,
      %gather3A = tpu.vector_load_idx %arg8[%get3A_83] : memref<10240xf32, #tpu.memory_space<vmem>>[vector<16xi32>], vector<16xf32>,
      %sub3A = arith.subf %get3A_85, %gather3A : vector<16xf32>
      %exp3A = math.exp %sub3A : vector<16xf32>
      %swap3A_86 = arith.constant 0 : index
      %swap3A_87 = tpu.vector_load %arg13[%swap3A_86] {strides = array<i32>} : memref<80xf32, #tpu.memory_space<vmem>>, vector<16xf32>,
      tpu.vector_store %arg13[%swap3A_86], %exp3A {strides = array<i32>} : memref<80xf32, #tpu.memory_space<vmem>>, vector<16xf32>,
      %swap3A_88 = arith.constant 0 : index
      %swap3A_89 = tpu.vector_load %arg15[%swap3A_88] {strides = array<i32>} : memref<80xi32, #tpu.memory_space<vmem>>, vector<16xi32>,
      tpu.vector_store %arg15[%swap3A_88], %get3A_83 {strides = array<i32>} : memref<80xi32, #tpu.memory_space<vmem>>, vector<16xi32>,
      tpu.vector_store_idx %arg12[%get3A_83], %exp3A {add = true} : memref<10240xf32, #tpu.memory_space<vmem>>[vector<16xi32>], vector<16xf32>,
      %get3A_90 = arith.constant 16 : index
      %get3A_91 = tpu.vector_load %arg10[%get3A_90] {strides = array<i32>} : memref<2000xi32, #tpu.memory_space<vmem>>, vector<16xi32>,
      %get3A_92 = arith.constant 16 : index
      %get3A_93 = tpu.vector_load %arg11[%get3A_92] {strides = array<i32>} : memref<2000xf32, #tpu.memory_space<vmem>>, vector<16xf32>,
      %gather3A_94 = tpu.vector_load_idx %arg8[%get3A_91] : memref<10240xf32, #tpu.memory_space<vmem>>[vector<16xi32>], vector<16xf32>,
      %sub3A_95 = arith.subf %get3A_93, %gather3A_94 : vector<16xf32>
      %exp3A_96 = math.exp %sub3A_95 : vector<16xf32>
      %swap3A_97 = arith.constant 16 : index
      %swap3A_98 = tpu.vector_load %arg13[%swap3A_97] {strides = array<i32>} : memref<80xf32, #tpu.memory_space<vmem>>, vector<16xf32>,
      tpu.vector_store %arg13[%swap3A_97], %exp3A_96 {strides = array<i32>} : memref<80xf32, #tpu.memory_space<vmem>>, vector<16xf32>,
      %swap3A_99 = arith.constant 16 : index
      %swap3A_100 = tpu.vector_load %arg15[%swap3A_99] {strides = array<i32>} : memref<80xi32, #tpu.memory_space<vmem>>, vector<16xi32>,
      tpu.vector_store %arg15[%swap3A_99], %get3A_91 {strides = array<i32>} : memref<80xi32, #tpu.memory_space<vmem>>, vector<16xi32>,
      tpu.vector_store_idx %arg12[%get3A_91], %exp3A_96 {add = true} : memref<10240xf32, #tpu.memory_space<vmem>>[vector<16xi32>], vector<16xf32>,
      %get3A_101 = arith.constant 32 : index
      %get3A_102 = tpu.vector_load %arg10[%get3A_101] {strides = array<i32>} : memref<2000xi32, #tpu.memory_space<vmem>>, vector<16xi32>,
      %get3A_103 = arith.constant 32 : index
      %get3A_104 = tpu.vector_load %arg11[%get3A_103] {strides = array<i32>} : memref<2000xf32, #tpu.memory_space<vmem>>, vector<16xf32>,
      %gather3A_105 = tpu.vector_load_idx %arg8[%get3A_102] : memref<10240xf32, #tpu.memory_space<vmem>>[vector<16xi32>], vector<16xf32>,
      %sub3A_106 = arith.subf %get3A_104, %gather3A_105 : vector<16xf32>
      %exp3A_107 = math.exp %sub3A_106 : vector<16xf32>
      %swap3A_108 = arith.constant 32 : index
      %swap3A_109 = tpu.vector_load %arg13[%swap3A_108] {strides = array<i32>} : memref<80xf32, #tpu.memory_space<vmem>>, vector<16xf32>,
      tpu.vector_store %arg13[%swap3A_108], %exp3A_107 {strides = array<i32>} : memref<80xf32, #tpu.memory_space<vmem>>, vector<16xf32>,
      %swap3A_110 = arith.constant 32 : index
      %swap3A_111 = tpu.vector_load %arg15[%swap3A_110] {strides = array<i32>} : memref<80xi32, #tpu.memory_space<vmem>>, vector<16xi32>,
      tpu.vector_store %arg15[%swap3A_110], %get3A_102 {strides = array<i32>} : memref<80xi32, #tpu.memory_space<vmem>>, vector<16xi32>,
      tpu.vector_store_idx %arg12[%get3A_102], %exp3A_107 {add = true} : memref<10240xf32, #tpu.memory_space<vmem>>[vector<16xi32>], vector<16xf32>,
      %get3A_112 = arith.constant 48 : index
      %get3A_113 = tpu.vector_load %arg10[%get3A_112] {strides = array<i32>} : memref<2000xi32, #tpu.memory_space<vmem>>, vector<16xi32>,
      %get3A_114 = arith.constant 48 : index
      %get3A_115 = tpu.vector_load %arg11[%get3A_114] {strides = array<i32>} : memref<2000xf32, #tpu.memory_space<vmem>>, vector<16xf32>,
      %gather3A_116 = tpu.vector_load_idx %arg8[%get3A_113] : memref<10240xf32, #tpu.memory_space<vmem>>[vector<16xi32>], vector<16xf32>,
      %sub3A_117 = arith.subf %get3A_115, %gather3A_116 : vector<16xf32>
      %exp3A_118 = math.exp %sub3A_117 : vector<16xf32>
      %swap3A_119 = arith.constant 48 : index
      %swap3A_120 = tpu.vector_load %arg13[%swap3A_119] {strides = array<i32>} : memref<80xf32, #tpu.memory_space<vmem>>, vector<16xf32>,
      tpu.vector_store %arg13[%swap3A_119], %exp3A_118 {strides = array<i32>} : memref<80xf32, #tpu.memory_space<vmem>>, vector<16xf32>,
      %swap3A_121 = arith.constant 48 : index
      %swap3A_122 = tpu.vector_load %arg15[%swap3A_121] {strides = array<i32>} : memref<80xi32, #tpu.memory_space<vmem>>, vector<16xi32>,
      tpu.vector_store %arg15[%swap3A_121], %get3A_113 {strides = array<i32>} : memref<80xi32, #tpu.memory_space<vmem>>, vector<16xi32>,
      tpu.vector_store_idx %arg12[%get3A_113], %exp3A_118 {add = true} : memref<10240xf32, #tpu.memory_space<vmem>>[vector<16xi32>], vector<16xf32>,
      %get3A_123 = arith.constant 64 : index
      %get3A_124 = tpu.vector_load %arg10[%get3A_123] {strides = array<i32>} : memref<2000xi32, #tpu.memory_space<vmem>>, vector<16xi32>,
      %get3A_125 = arith.constant 64 : index
      %get3A_126 = tpu.vector_load %arg11[%get3A_125] {strides = array<i32>} : memref<2000xf32, #tpu.memory_space<vmem>>, vector<16xf32>,
      %gather3A_127 = tpu.vector_load_idx %arg8[%get3A_124] : memref<10240xf32, #tpu.memory_space<vmem>>[vector<16xi32>], vector<16xf32>,
      %sub3A_128 = arith.subf %get3A_126, %gather3A_127 : vector<16xf32>
      %exp3A_129 = math.exp %sub3A_128 : vector<16xf32>
      %swap3A_130 = arith.constant 64 : index
      %swap3A_131 = tpu.vector_load %arg13[%swap3A_130] {strides = array<i32>} : memref<80xf32, #tpu.memory_space<vmem>>, vector<16xf32>,
      tpu.vector_store %arg13[%swap3A_130], %exp3A_129 {strides = array<i32>} : memref<80xf32, #tpu.memory_space<vmem>>, vector<16xf32>,
      %swap3A_132 = arith.constant 64 : index
      %swap3A_133 = tpu.vector_load %arg15[%swap3A_132] {strides = array<i32>} : memref<80xi32, #tpu.memory_space<vmem>>, vector<16xi32>,
      tpu.vector_store %arg15[%swap3A_132], %get3A_124 {strides = array<i32>} : memref<80xi32, #tpu.memory_space<vmem>>, vector<16xi32>,
      tpu.vector_store_idx %arg12[%get3A_124], %exp3A_129 {add = true} : memref<10240xf32, #tpu.memory_space<vmem>>[vector<16xi32>], vector<16xf32>,
      %dma_wait3A_134 = arith.constant 0 : i32
      %dma_wait3A_135 = arith.constant 0 : i32
      %dma_wait3A_136 = tpu.memref_slice %arg5[%dma_wait3A_134, %dma_wait3A_135] : memref<10240x128xf32, #tpu.memory_space<hbm>> -> memref<80x128xf32, #tpu.memory_space<hbm>>
      %dma_wait3A_137 = arith.constant 0 : i32
      %dma_wait3A_138 = arith.constant 0 : i32
      %dma_wait3A_139 = tpu.memref_slice %arg5[%dma_wait3A_137, %dma_wait3A_138] : memref<10240x128xf32, #tpu.memory_space<hbm>> -> memref<80x128xf32, #tpu.memory_space<hbm>>
      tpu.wait_dma2 semaphore(%arg20 : memref<!tpu.dma_semaphore, #tpu.memory_space<semaphore_mem>>) src(%dma_wait3A_139 : memref<80x128xf32, #tpu.memory_space<hbm>>) dst(%arg17 : memref<80x128xf32, #tpu.memory_space<vmem>>)
      %parallel_loop3A = arith.constant 0 : i32
      %parallel_loop3A_140 = arith.constant 80 : i32
      %parallel_loop3A_141 = arith.constant 1 : i32
      scf.for %parallel_loop3A_153 = %parallel_loop3A to %parallel_loop3A_140 step %parallel_loop3A_141  : i32 {
        %parallel_loop3A_154 = vector.broadcast %parallel_loop3A_153 : i32 to vector<16xi32>
        %parallel_loop3A_155 = tpu.vector_load_idx %arg13[%parallel_loop3A_154] : memref<80xf32, #tpu.memory_space<vmem>>[vector<16xi32>], vector<16xf32>,
        %parallel_loop3A_156 = arith.index_cast %parallel_loop3A_153 : i32 to index
        %parallel_loop3A_157 = arith.constant 0 : index
        %parallel_loop3A_158 = tpu.vector_load %arg17[%parallel_loop3A_156, %parallel_loop3A_157] {strides = array<i32>} : memref<80x128xf32, #tpu.memory_space<vmem>>, vector<16xf32>,
        %parallel_loop3A_159 = arith.mulf %parallel_loop3A_158, %parallel_loop3A_155 : vector<16xf32>
        %parallel_loop3A_160 = arith.index_cast %parallel_loop3A_153 : i32 to index
        %parallel_loop3A_161 = arith.constant 0 : index
        %parallel_loop3A_162 = tpu.vector_load %arg17[%parallel_loop3A_160, %parallel_loop3A_161] {strides = array<i32>} : memref<80x128xf32, #tpu.memory_space<vmem>>, vector<16xf32>,
        tpu.vector_store %arg17[%parallel_loop3A_160, %parallel_loop3A_161], %parallel_loop3A_159 {strides = array<i32>} : memref<80x128xf32, #tpu.memory_space<vmem>>, vector<16xf32>,
        %parallel_loop3A_163 = arith.index_cast %parallel_loop3A_153 : i32 to index
        %parallel_loop3A_164 = arith.constant 16 : index
        %parallel_loop3A_165 = tpu.vector_load %arg17[%parallel_loop3A_163, %parallel_loop3A_164] {strides = array<i32>} : memref<80x128xf32, #tpu.memory_space<vmem>>, vector<16xf32>,
        %parallel_loop3A_166 = arith.mulf %parallel_loop3A_165, %parallel_loop3A_155 : vector<16xf32>
        %parallel_loop3A_167 = arith.index_cast %parallel_loop3A_153 : i32 to index
        %parallel_loop3A_168 = arith.constant 16 : index
        %parallel_loop3A_169 = tpu.vector_load %arg17[%parallel_loop3A_167, %parallel_loop3A_168] {strides = array<i32>} : memref<80x128xf32, #tpu.memory_space<vmem>>, vector<16xf32>,
        tpu.vector_store %arg17[%parallel_loop3A_167, %parallel_loop3A_168], %parallel_loop3A_166 {strides = array<i32>} : memref<80x128xf32, #tpu.memory_space<vmem>>, vector<16xf32>,
        %parallel_loop3A_170 = arith.index_cast %parallel_loop3A_153 : i32 to index
        %parallel_loop3A_171 = arith.constant 32 : index
        %parallel_loop3A_172 = tpu.vector_load %arg17[%parallel_loop3A_170, %parallel_loop3A_171] {strides = array<i32>} : memref<80x128xf32, #tpu.memory_space<vmem>>, vector<16xf32>,
        %parallel_loop3A_173 = arith.mulf %parallel_loop3A_172, %parallel_loop3A_155 : vector<16xf32>
        %parallel_loop3A_174 = arith.index_cast %parallel_loop3A_153 : i32 to index
        %parallel_loop3A_175 = arith.constant 32 : index
        %parallel_loop3A_176 = tpu.vector_load %arg17[%parallel_loop3A_174, %parallel_loop3A_175] {strides = array<i32>} : memref<80x128xf32, #tpu.memory_space<vmem>>, vector<16xf32>,
        tpu.vector_store %arg17[%parallel_loop3A_174, %parallel_loop3A_175], %parallel_loop3A_173 {strides = array<i32>} : memref<80x128xf32, #tpu.memory_space<vmem>>, vector<16xf32>,
        %parallel_loop3A_177 = arith.index_cast %parallel_loop3A_153 : i32 to index
        %parallel_loop3A_178 = arith.constant 48 : index
        %parallel_loop3A_179 = tpu.vector_load %arg17[%parallel_loop3A_177, %parallel_loop3A_178] {strides = array<i32>} : memref<80x128xf32, #tpu.memory_space<vmem>>, vector<16xf32>,
        %parallel_loop3A_180 = arith.mulf %parallel_loop3A_179, %parallel_loop3A_155 : vector<16xf32>
        %parallel_loop3A_181 = arith.index_cast %parallel_loop3A_153 : i32 to index
        %parallel_loop3A_182 = arith.constant 48 : index
        %parallel_loop3A_183 = tpu.vector_load %arg17[%parallel_loop3A_181, %parallel_loop3A_182] {strides = array<i32>} : memref<80x128xf32, #tpu.memory_space<vmem>>, vector<16xf32>,
        tpu.vector_store %arg17[%parallel_loop3A_181, %parallel_loop3A_182], %parallel_loop3A_180 {strides = array<i32>} : memref<80x128xf32, #tpu.memory_space<vmem>>, vector<16xf32>,
        %parallel_loop3A_184 = arith.index_cast %parallel_loop3A_153 : i32 to index
        %parallel_loop3A_185 = arith.constant 64 : index
        %parallel_loop3A_186 = tpu.vector_load %arg17[%parallel_loop3A_184, %parallel_loop3A_185] {strides = array<i32>} : memref<80x128xf32, #tpu.memory_space<vmem>>, vector<16xf32>,
        %parallel_loop3A_187 = arith.mulf %parallel_loop3A_186, %parallel_loop3A_155 : vector<16xf32>
        %parallel_loop3A_188 = arith.index_cast %parallel_loop3A_153 : i32 to index
        %parallel_loop3A_189 = arith.constant 64 : index
        %parallel_loop3A_190 = tpu.vector_load %arg17[%parallel_loop3A_188, %parallel_loop3A_189] {strides = array<i32>} : memref<80x128xf32, #tpu.memory_space<vmem>>, vector<16xf32>,
        tpu.vector_store %arg17[%parallel_loop3A_188, %parallel_loop3A_189], %parallel_loop3A_187 {strides = array<i32>} : memref<80x128xf32, #tpu.memory_space<vmem>>, vector<16xf32>,
        %parallel_loop3A_191 = arith.index_cast %parallel_loop3A_153 : i32 to index
        %parallel_loop3A_192 = arith.constant 80 : index
        %parallel_loop3A_193 = tpu.vector_load %arg17[%parallel_loop3A_191, %parallel_loop3A_192] {strides = array<i32>} : memref<80x128xf32, #tpu.memory_space<vmem>>, vector<16xf32>,
        %parallel_loop3A_194 = arith.mulf %parallel_loop3A_193, %parallel_loop3A_155 : vector<16xf32>
        %parallel_loop3A_195 = arith.index_cast %parallel_loop3A_153 : i32 to index
        %parallel_loop3A_196 = arith.constant 80 : index
        %parallel_loop3A_197 = tpu.vector_load %arg17[%parallel_loop3A_195, %parallel_loop3A_196] {strides = array<i32>} : memref<80x128xf32, #tpu.memory_space<vmem>>, vector<16xf32>,
        tpu.vector_store %arg17[%parallel_loop3A_195, %parallel_loop3A_196], %parallel_loop3A_194 {strides = array<i32>} : memref<80x128xf32, #tpu.memory_space<vmem>>, vector<16xf32>,
        %parallel_loop3A_198 = arith.index_cast %parallel_loop3A_153 : i32 to index
        %parallel_loop3A_199 = arith.constant 96 : index
        %parallel_loop3A_200 = tpu.vector_load %arg17[%parallel_loop3A_198, %parallel_loop3A_199] {strides = array<i32>} : memref<80x128xf32, #tpu.memory_space<vmem>>, vector<16xf32>,
        %parallel_loop3A_201 = arith.mulf %parallel_loop3A_200, %parallel_loop3A_155 : vector<16xf32>
        %parallel_loop3A_202 = arith.index_cast %parallel_loop3A_153 : i32 to index
        %parallel_loop3A_203 = arith.constant 96 : index
        %parallel_loop3A_204 = tpu.vector_load %arg17[%parallel_loop3A_202, %parallel_loop3A_203] {strides = array<i32>} : memref<80x128xf32, #tpu.memory_space<vmem>>, vector<16xf32>,
        tpu.vector_store %arg17[%parallel_loop3A_202, %parallel_loop3A_203], %parallel_loop3A_201 {strides = array<i32>} : memref<80x128xf32, #tpu.memory_space<vmem>>, vector<16xf32>,
        %parallel_loop3A_205 = arith.index_cast %parallel_loop3A_153 : i32 to index
        %parallel_loop3A_206 = arith.constant 112 : index
        %parallel_loop3A_207 = tpu.vector_load %arg17[%parallel_loop3A_205, %parallel_loop3A_206] {strides = array<i32>} : memref<80x128xf32, #tpu.memory_space<vmem>>, vector<16xf32>,
        %parallel_loop3A_208 = arith.mulf %parallel_loop3A_207, %parallel_loop3A_155 : vector<16xf32>
        %parallel_loop3A_209 = arith.index_cast %parallel_loop3A_153 : i32 to index
        %parallel_loop3A_210 = arith.constant 112 : index
        %parallel_loop3A_211 = tpu.vector_load %arg17[%parallel_loop3A_209, %parallel_loop3A_210] {strides = array<i32>} : memref<80x128xf32, #tpu.memory_space<vmem>>, vector<16xf32>,
        tpu.vector_store %arg17[%parallel_loop3A_209, %parallel_loop3A_210], %parallel_loop3A_208 {strides = array<i32>} : memref<80x128xf32, #tpu.memory_space<vmem>>, vector<16xf32>,
      } {sc.loop_unroll_factor = 4 : i64, sc.parallel_access}
      %dma_start3A_142 = arith.constant 0 : i32
      %dma_start3A_143 = arith.constant 0 : i32
      %dma_start3A_144 = tpu.memref_slice %arg19[%dma_start3A_142, %dma_start3A_143] : memref<10240x128xf32, #tpu.memory_space<vmem_shared>> -> memref<10240x128xf32, #tpu.memory_space<vmem_shared>>
      tpu.enqueue_indirect_dma source(%arg17 : memref<80x128xf32, #tpu.memory_space<vmem>>) target(%dma_start3A_144 : memref<10240x128xf32, #tpu.memory_space<vmem_shared>>) offsets(%arg15 : memref<80xi32, #tpu.memory_space<vmem>>) semaphore(%arg22 : memref<!tpu.dma_semaphore, #tpu.memory_space<semaphore_mem>>) {add = true}
      %scan3A_145 = arith.constant 0 : i32
      %scan3A_146 = arith.constant 0 : i32
      %scan3A_147 = arith.constant 12 : i32
      %scan3A_148 = arith.addi %scan3A_146, %scan3A_147 : i32
      %scan3A_149 = arith.constant 1 : i32
      %scan3A_150 = scf.for %scan3A_153 = %scan3A_146 to %scan3A_148 step %scan3A_149 iter_args(%scan3A_154 = %scan3A_145) -> (i32)  : i32 {
        %mul3A_155 = arith.constant 2 : i32
        %mul3A_156 = arith.muli %mul3A_155, %scan3A_153 : i32
        %add3A_157 = arith.constant 1 : i32
        %add3A_158 = arith.addi %add3A_157, %mul3A_156 : i32
        %mul3A_159 = arith.constant 80 : i32
        %mul3A_160 = arith.muli %add3A_158, %mul3A_159 : i32
        %dma_wait3A_161 = arith.constant 0 : i32
        %dma_wait3A_162 = arith.constant 0 : i32
        %dma_wait3A_163 = tpu.memref_slice %arg19[%dma_wait3A_161, %dma_wait3A_162] : memref<10240x128xf32, #tpu.memory_space<vmem_shared>> -> memref<10240x128xf32, #tpu.memory_space<vmem_shared>>
        tpu.wait_indirect_dma semaphore(%arg22 : memref<!tpu.dma_semaphore, #tpu.memory_space<semaphore_mem>>) src(%arg17 : memref<80x128xf32, #tpu.memory_space<vmem>>) dst(%dma_wait3A_163 : memref<10240x128xf32, #tpu.memory_space<vmem_shared>>)
        %dma_start3A_164 = arith.constant 0 : i32
        %dma_start3A_165 = arith.constant 0 : i32
        %dma_start3A_166 = tpu.memref_slice %arg5[%dma_start3A_164, %dma_start3A_165] : memref<10240x128xf32, #tpu.memory_space<hbm>> -> memref<80x128xf32, #tpu.memory_space<hbm>>
        %dma_start3A_167 = arith.constant 0 : i32
        %dma_start3A_168 = arith.constant 0 : i32
        %dma_start3A_169 = tpu.memref_slice %arg5[%dma_start3A_167, %dma_start3A_168] : memref<10240x128xf32, #tpu.memory_space<hbm>> -> memref<80x128xf32, #tpu.memory_space<hbm>>
        tpu.enqueue_dma source(%dma_start3A_169 : memref<80x128xf32, #tpu.memory_space<hbm>>) target(%arg17 : memref<80x128xf32, #tpu.memory_space<vmem>>) target_semaphore(%arg20 : memref<!tpu.dma_semaphore, #tpu.memory_space<semaphore_mem>>)
        %add3A_170 = arith.constant 0 : i32
        %add3A_171 = arith.addi %mul3A_160, %add3A_170 : i32
        %get3A_172 = arith.index_cast %add3A_171 : i32 to index
        %get3A_173 = tpu.vector_load %arg10[%get3A_172] {strides = array<i32>} : memref<2000xi32, #tpu.memory_space<vmem>>, vector<16xi32>,
        %get3A_174 = arith.index_cast %add3A_171 : i32 to index
        %get3A_175 = tpu.vector_load %arg11[%get3A_174] {strides = array<i32>} : memref<2000xf32, #tpu.memory_space<vmem>>, vector<16xf32>,
        %gather3A_176 = tpu.vector_load_idx %arg8[%get3A_173] : memref<10240xf32, #tpu.memory_space<vmem>>[vector<16xi32>], vector<16xf32>,
        %sub3A_177 = arith.subf %get3A_175, %gather3A_176 : vector<16xf32>
        %exp3A_178 = math.exp %sub3A_177 : vector<16xf32>
        %swap3A_179 = arith.constant 0 : index
        %swap3A_180 = tpu.vector_load %arg13[%swap3A_179] {strides = array<i32>} : memref<80xf32, #tpu.memory_space<vmem>>, vector<16xf32>,
        tpu.vector_store %arg13[%swap3A_179], %exp3A_178 {strides = array<i32>} : memref<80xf32, #tpu.memory_space<vmem>>, vector<16xf32>,
        %swap3A_181 = arith.constant 0 : index
        %swap3A_182 = tpu.vector_load %arg15[%swap3A_181] {strides = array<i32>} : memref<80xi32, #tpu.memory_space<vmem>>, vector<16xi32>,
        tpu.vector_store %arg15[%swap3A_181], %get3A_173 {strides = array<i32>} : memref<80xi32, #tpu.memory_space<vmem>>, vector<16xi32>,
        tpu.vector_store_idx %arg12[%get3A_173], %exp3A_178 {add = true} : memref<10240xf32, #tpu.memory_space<vmem>>[vector<16xi32>], vector<16xf32>,
        %add3A_183 = arith.constant 16 : i32
        %add3A_184 = arith.addi %mul3A_160, %add3A_183 : i32
        %get3A_185 = arith.index_cast %add3A_184 : i32 to index
        %get3A_186 = tpu.vector_load %arg10[%get3A_185] {strides = array<i32>} : memref<2000xi32, #tpu.memory_space<vmem>>, vector<16xi32>,
        %get3A_187 = arith.index_cast %add3A_184 : i32 to index
        %get3A_188 = tpu.vector_load %arg11[%get3A_187] {strides = array<i32>} : memref<2000xf32, #tpu.memory_space<vmem>>, vector<16xf32>,
        %gather3A_189 = tpu.vector_load_idx %arg8[%get3A_186] : memref<10240xf32, #tpu.memory_space<vmem>>[vector<16xi32>], vector<16xf32>,
        %sub3A_190 = arith.subf %get3A_188, %gather3A_189 : vector<16xf32>
        %exp3A_191 = math.exp %sub3A_190 : vector<16xf32>
        %swap3A_192 = arith.constant 16 : index
        %swap3A_193 = tpu.vector_load %arg13[%swap3A_192] {strides = array<i32>} : memref<80xf32, #tpu.memory_space<vmem>>, vector<16xf32>,
        tpu.vector_store %arg13[%swap3A_192], %exp3A_191 {strides = array<i32>} : memref<80xf32, #tpu.memory_space<vmem>>, vector<16xf32>,
        %swap3A_194 = arith.constant 16 : index
        %swap3A_195 = tpu.vector_load %arg15[%swap3A_194] {strides = array<i32>} : memref<80xi32, #tpu.memory_space<vmem>>, vector<16xi32>,
        tpu.vector_store %arg15[%swap3A_194], %get3A_186 {strides = array<i32>} : memref<80xi32, #tpu.memory_space<vmem>>, vector<16xi32>,
        tpu.vector_store_idx %arg12[%get3A_186], %exp3A_191 {add = true} : memref<10240xf32, #tpu.memory_space<vmem>>[vector<16xi32>], vector<16xf32>,
        %add3A_196 = arith.constant 32 : i32
        %add3A_197 = arith.addi %mul3A_160, %add3A_196 : i32
        %get3A_198 = arith.index_cast %add3A_197 : i32 to index
        %get3A_199 = tpu.vector_load %arg10[%get3A_198] {strides = array<i32>} : memref<2000xi32, #tpu.memory_space<vmem>>, vector<16xi32>,
        %get3A_200 = arith.index_cast %add3A_197 : i32 to index
        %get3A_201 = tpu.vector_load %arg11[%get3A_200] {strides = array<i32>} : memref<2000xf32, #tpu.memory_space<vmem>>, vector<16xf32>,
        %gather3A_202 = tpu.vector_load_idx %arg8[%get3A_199] : memref<10240xf32, #tpu.memory_space<vmem>>[vector<16xi32>], vector<16xf32>,
        %sub3A_203 = arith.subf %get3A_201, %gather3A_202 : vector<16xf32>
        %exp3A_204 = math.exp %sub3A_203 : vector<16xf32>
        %swap3A_205 = arith.constant 32 : index
        %swap3A_206 = tpu.vector_load %arg13[%swap3A_205] {strides = array<i32>} : memref<80xf32, #tpu.memory_space<vmem>>, vector<16xf32>,
        tpu.vector_store %arg13[%swap3A_205], %exp3A_204 {strides = array<i32>} : memref<80xf32, #tpu.memory_space<vmem>>, vector<16xf32>,
        %swap3A_207 = arith.constant 32 : index
        %swap3A_208 = tpu.vector_load %arg15[%swap3A_207] {strides = array<i32>} : memref<80xi32, #tpu.memory_space<vmem>>, vector<16xi32>,
        tpu.vector_store %arg15[%swap3A_207], %get3A_199 {strides = array<i32>} : memref<80xi32, #tpu.memory_space<vmem>>, vector<16xi32>,
        tpu.vector_store_idx %arg12[%get3A_199], %exp3A_204 {add = true} : memref<10240xf32, #tpu.memory_space<vmem>>[vector<16xi32>], vector<16xf32>,
        %add3A_209 = arith.constant 48 : i32
        %add3A_210 = arith.addi %mul3A_160, %add3A_209 : i32
        %get3A_211 = arith.index_cast %add3A_210 : i32 to index
        %get3A_212 = tpu.vector_load %arg10[%get3A_211] {strides = array<i32>} : memref<2000xi32, #tpu.memory_space<vmem>>, vector<16xi32>,
        %get3A_213 = arith.index_cast %add3A_210 : i32 to index
        %get3A_214 = tpu.vector_load %arg11[%get3A_213] {strides = array<i32>} : memref<2000xf32, #tpu.memory_space<vmem>>, vector<16xf32>,
        %gather3A_215 = tpu.vector_load_idx %arg8[%get3A_212] : memref<10240xf32, #tpu.memory_space<vmem>>[vector<16xi32>], vector<16xf32>,
        %sub3A_216 = arith.subf %get3A_214, %gather3A_215 : vector<16xf32>
        %exp3A_217 = math.exp %sub3A_216 : vector<16xf32>
        %swap3A_218 = arith.constant 48 : index
        %swap3A_219 = tpu.vector_load %arg13[%swap3A_218] {strides = array<i32>} : memref<80xf32, #tpu.memory_space<vmem>>, vector<16xf32>,
        tpu.vector_store %arg13[%swap3A_218], %exp3A_217 {strides = array<i32>} : memref<80xf32, #tpu.memory_space<vmem>>, vector<16xf32>,
        %swap3A_220 = arith.constant 48 : index
        %swap3A_221 = tpu.vector_load %arg15[%swap3A_220] {strides = array<i32>} : memref<80xi32, #tpu.memory_space<vmem>>, vector<16xi32>,
        tpu.vector_store %arg15[%swap3A_220], %get3A_212 {strides = array<i32>} : memref<80xi32, #tpu.memory_space<vmem>>, vector<16xi32>,
        tpu.vector_store_idx %arg12[%get3A_212], %exp3A_217 {add = true} : memref<10240xf32, #tpu.memory_space<vmem>>[vector<16xi32>], vector<16xf32>,
        %add3A_222 = arith.constant 64 : i32
        %add3A_223 = arith.addi %mul3A_160, %add3A_222 : i32
        %get3A_224 = arith.index_cast %add3A_223 : i32 to index
        %get3A_225 = tpu.vector_load %arg10[%get3A_224] {strides = array<i32>} : memref<2000xi32, #tpu.memory_space<vmem>>, vector<16xi32>,
        %get3A_226 = arith.index_cast %add3A_223 : i32 to index
        %get3A_227 = tpu.vector_load %arg11[%get3A_226] {strides = array<i32>} : memref<2000xf32, #tpu.memory_space<vmem>>, vector<16xf32>,
        %gather3A_228 = tpu.vector_load_idx %arg8[%get3A_225] : memref<10240xf32, #tpu.memory_space<vmem>>[vector<16xi32>], vector<16xf32>,
        %sub3A_229 = arith.subf %get3A_227, %gather3A_228 : vector<16xf32>
        %exp3A_230 = math.exp %sub3A_229 : vector<16xf32>
        %swap3A_231 = arith.constant 64 : index
        %swap3A_232 = tpu.vector_load %arg13[%swap3A_231] {strides = array<i32>} : memref<80xf32, #tpu.memory_space<vmem>>, vector<16xf32>,
        tpu.vector_store %arg13[%swap3A_231], %exp3A_230 {strides = array<i32>} : memref<80xf32, #tpu.memory_space<vmem>>, vector<16xf32>,
        %swap3A_233 = arith.constant 64 : index
        %swap3A_234 = tpu.vector_load %arg15[%swap3A_233] {strides = array<i32>} : memref<80xi32, #tpu.memory_space<vmem>>, vector<16xi32>,
        tpu.vector_store %arg15[%swap3A_233], %get3A_225 {strides = array<i32>} : memref<80xi32, #tpu.memory_space<vmem>>, vector<16xi32>,
        tpu.vector_store_idx %arg12[%get3A_225], %exp3A_230 {add = true} : memref<10240xf32, #tpu.memory_space<vmem>>[vector<16xi32>], vector<16xf32>,
        %add3A_235 = arith.constant 80 : i32
        %add3A_236 = arith.addi %mul3A_160, %add3A_235 : i32
        %dma_wait3A_237 = arith.constant 0 : i32
        %dma_wait3A_238 = arith.constant 0 : i32
        %dma_wait3A_239 = tpu.memref_slice %arg19[%dma_wait3A_237, %dma_wait3A_238] : memref<10240x128xf32, #tpu.memory_space<vmem_shared>> -> memref<10240x128xf32, #tpu.memory_space<vmem_shared>>
        tpu.wait_indirect_dma semaphore(%arg23 : memref<!tpu.dma_semaphore, #tpu.memory_space<semaphore_mem>>) src(%arg18 : memref<80x128xf32, #tpu.memory_space<vmem>>) dst(%dma_wait3A_239 : memref<10240x128xf32, #tpu.memory_space<vmem_shared>>)
        %dma_start3A_240 = arith.constant 0 : i32
        %dma_start3A_241 = arith.constant 0 : i32
        %dma_start3A_242 = tpu.memref_slice %arg5[%dma_start3A_240, %dma_start3A_241] : memref<10240x128xf32, #tpu.memory_space<hbm>> -> memref<80x128xf32, #tpu.memory_space<hbm>>
        %dma_start3A_243 = arith.constant 0 : i32
        %dma_start3A_244 = arith.constant 0 : i32
        %dma_start3A_245 = tpu.memref_slice %arg5[%dma_start3A_243, %dma_start3A_244] : memref<10240x128xf32, #tpu.memory_space<hbm>> -> memref<80x128xf32, #tpu.memory_space<hbm>>
        tpu.enqueue_dma source(%dma_start3A_245 : memref<80x128xf32, #tpu.memory_space<hbm>>) target(%arg18 : memref<80x128xf32, #tpu.memory_space<vmem>>) target_semaphore(%arg21 : memref<!tpu.dma_semaphore, #tpu.memory_space<semaphore_mem>>)
        %add3A_246 = arith.constant 0 : i32
        %add3A_247 = arith.addi %add3A_236, %add3A_246 : i32
        %get3A_248 = arith.index_cast %add3A_247 : i32 to index
        %get3A_249 = tpu.vector_load %arg10[%get3A_248] {strides = array<i32>} : memref<2000xi32, #tpu.memory_space<vmem>>, vector<16xi32>,
        %get3A_250 = arith.index_cast %add3A_247 : i32 to index
        %get3A_251 = tpu.vector_load %arg11[%get3A_250] {strides = array<i32>} : memref<2000xf32, #tpu.memory_space<vmem>>, vector<16xf32>,
        %gather3A_252 = tpu.vector_load_idx %arg8[%get3A_249] : memref<10240xf32, #tpu.memory_space<vmem>>[vector<16xi32>], vector<16xf32>,
        %sub3A_253 = arith.subf %get3A_251, %gather3A_252 : vector<16xf32>
        %exp3A_254 = math.exp %sub3A_253 : vector<16xf32>
        %swap3A_255 = arith.constant 0 : index
        %swap3A_256 = tpu.vector_load %arg14[%swap3A_255] {strides = array<i32>} : memref<80xf32, #tpu.memory_space<vmem>>, vector<16xf32>,
        tpu.vector_store %arg14[%swap3A_255], %exp3A_254 {strides = array<i32>} : memref<80xf32, #tpu.memory_space<vmem>>, vector<16xf32>,
        %swap3A_257 = arith.constant 0 : index
        %swap3A_258 = tpu.vector_load %arg16[%swap3A_257] {strides = array<i32>} : memref<80xi32, #tpu.memory_space<vmem>>, vector<16xi32>,
        tpu.vector_store %arg16[%swap3A_257], %get3A_249 {strides = array<i32>} : memref<80xi32, #tpu.memory_space<vmem>>, vector<16xi32>,
        tpu.vector_store_idx %arg12[%get3A_249], %exp3A_254 {add = true} : memref<10240xf32, #tpu.memory_space<vmem>>[vector<16xi32>], vector<16xf32>,
        %add3A_259 = arith.constant 16 : i32
        %add3A_260 = arith.addi %add3A_236, %add3A_259 : i32
        %get3A_261 = arith.index_cast %add3A_260 : i32 to index
        %get3A_262 = tpu.vector_load %arg10[%get3A_261] {strides = array<i32>} : memref<2000xi32, #tpu.memory_space<vmem>>, vector<16xi32>,
        %get3A_263 = arith.index_cast %add3A_260 : i32 to index
        %get3A_264 = tpu.vector_load %arg11[%get3A_263] {strides = array<i32>} : memref<2000xf32, #tpu.memory_space<vmem>>, vector<16xf32>,
        %gather3A_265 = tpu.vector_load_idx %arg8[%get3A_262] : memref<10240xf32, #tpu.memory_space<vmem>>[vector<16xi32>], vector<16xf32>,
        %sub3A_266 = arith.subf %get3A_264, %gather3A_265 : vector<16xf32>
        %exp3A_267 = math.exp %sub3A_266 : vector<16xf32>
        %swap3A_268 = arith.constant 16 : index
        %swap3A_269 = tpu.vector_load %arg14[%swap3A_268] {strides = array<i32>} : memref<80xf32, #tpu.memory_space<vmem>>, vector<16xf32>,
        tpu.vector_store %arg14[%swap3A_268], %exp3A_267 {strides = array<i32>} : memref<80xf32, #tpu.memory_space<vmem>>, vector<16xf32>,
        %swap3A_270 = arith.constant 16 : index
        %swap3A_271 = tpu.vector_load %arg16[%swap3A_270] {strides = array<i32>} : memref<80xi32, #tpu.memory_space<vmem>>, vector<16xi32>,
        tpu.vector_store %arg16[%swap3A_270], %get3A_262 {strides = array<i32>} : memref<80xi32, #tpu.memory_space<vmem>>, vector<16xi32>,
        tpu.vector_store_idx %arg12[%get3A_262], %exp3A_267 {add = true} : memref<10240xf32, #tpu.memory_space<vmem>>[vector<16xi32>], vector<16xf32>,
        %add3A_272 = arith.constant 32 : i32
        %add3A_273 = arith.addi %add3A_236, %add3A_272 : i32
        %get3A_274 = arith.index_cast %add3A_273 : i32 to index
        %get3A_275 = tpu.vector_load %arg10[%get3A_274] {strides = array<i32>} : memref<2000xi32, #tpu.memory_space<vmem>>, vector<16xi32>,
        %get3A_276 = arith.index_cast %add3A_273 : i32 to index
        %get3A_277 = tpu.vector_load %arg11[%get3A_276] {strides = array<i32>} : memref<2000xf32, #tpu.memory_space<vmem>>, vector<16xf32>,
        %gather3A_278 = tpu.vector_load_idx %arg8[%get3A_275] : memref<10240xf32, #tpu.memory_space<vmem>>[vector<16xi32>], vector<16xf32>,
        %sub3A_279 = arith.subf %get3A_277, %gather3A_278 : vector<16xf32>
        %exp3A_280 = math.exp %sub3A_279 : vector<16xf32>
        %swap3A_281 = arith.constant 32 : index
        %swap3A_282 = tpu.vector_load %arg14[%swap3A_281] {strides = array<i32>} : memref<80xf32, #tpu.memory_space<vmem>>, vector<16xf32>,
        tpu.vector_store %arg14[%swap3A_281], %exp3A_280 {strides = array<i32>} : memref<80xf32, #tpu.memory_space<vmem>>, vector<16xf32>,
        %swap3A_283 = arith.constant 32 : index
        %swap3A_284 = tpu.vector_load %arg16[%swap3A_283] {strides = array<i32>} : memref<80xi32, #tpu.memory_space<vmem>>, vector<16xi32>,
        tpu.vector_store %arg16[%swap3A_283], %get3A_275 {strides = array<i32>} : memref<80xi32, #tpu.memory_space<vmem>>, vector<16xi32>,
        tpu.vector_store_idx %arg12[%get3A_275], %exp3A_280 {add = true} : memref<10240xf32, #tpu.memory_space<vmem>>[vector<16xi32>], vector<16xf32>,
        %add3A_285 = arith.constant 48 : i32
        %add3A_286 = arith.addi %add3A_236, %add3A_285 : i32
        %get3A_287 = arith.index_cast %add3A_286 : i32 to index
        %get3A_288 = tpu.vector_load %arg10[%get3A_287] {strides = array<i32>} : memref<2000xi32, #tpu.memory_space<vmem>>, vector<16xi32>,
        %get3A_289 = arith.index_cast %add3A_286 : i32 to index
        %get3A_290 = tpu.vector_load %arg11[%get3A_289] {strides = array<i32>} : memref<2000xf32, #tpu.memory_space<vmem>>, vector<16xf32>,
        %gather3A_291 = tpu.vector_load_idx %arg8[%get3A_288] : memref<10240xf32, #tpu.memory_space<vmem>>[vector<16xi32>], vector<16xf32>,
        %sub3A_292 = arith.subf %get3A_290, %gather3A_291 : vector<16xf32>
        %exp3A_293 = math.exp %sub3A_292 : vector<16xf32>
        %swap3A_294 = arith.constant 48 : index
        %swap3A_295 = tpu.vector_load %arg14[%swap3A_294] {strides = array<i32>} : memref<80xf32, #tpu.memory_space<vmem>>, vector<16xf32>,
        tpu.vector_store %arg14[%swap3A_294], %exp3A_293 {strides = array<i32>} : memref<80xf32, #tpu.memory_space<vmem>>, vector<16xf32>,
        %swap3A_296 = arith.constant 48 : index
        %swap3A_297 = tpu.vector_load %arg16[%swap3A_296] {strides = array<i32>} : memref<80xi32, #tpu.memory_space<vmem>>, vector<16xi32>,
        tpu.vector_store %arg16[%swap3A_296], %get3A_288 {strides = array<i32>} : memref<80xi32, #tpu.memory_space<vmem>>, vector<16xi32>,
        tpu.vector_store_idx %arg12[%get3A_288], %exp3A_293 {add = true} : memref<10240xf32, #tpu.memory_space<vmem>>[vector<16xi32>], vector<16xf32>,
        %add3A_298 = arith.constant 64 : i32
        %add3A_299 = arith.addi %add3A_236, %add3A_298 : i32
        %get3A_300 = arith.index_cast %add3A_299 : i32 to index
        %get3A_301 = tpu.vector_load %arg10[%get3A_300] {strides = array<i32>} : memref<2000xi32, #tpu.memory_space<vmem>>, vector<16xi32>,
        %get3A_302 = arith.index_cast %add3A_299 : i32 to index
        %get3A_303 = tpu.vector_load %arg11[%get3A_302] {strides = array<i32>} : memref<2000xf32, #tpu.memory_space<vmem>>, vector<16xf32>,
        %gather3A_304 = tpu.vector_load_idx %arg8[%get3A_301] : memref<10240xf32, #tpu.memory_space<vmem>>[vector<16xi32>], vector<16xf32>,
        %sub3A_305 = arith.subf %get3A_303, %gather3A_304 : vector<16xf32>
        %exp3A_306 = math.exp %sub3A_305 : vector<16xf32>
        %swap3A_307 = arith.constant 64 : index
        %swap3A_308 = tpu.vector_load %arg14[%swap3A_307] {strides = array<i32>} : memref<80xf32, #tpu.memory_space<vmem>>, vector<16xf32>,
        tpu.vector_store %arg14[%swap3A_307], %exp3A_306 {strides = array<i32>} : memref<80xf32, #tpu.memory_space<vmem>>, vector<16xf32>,
        %swap3A_309 = arith.constant 64 : index
        %swap3A_310 = tpu.vector_load %arg16[%swap3A_309] {strides = array<i32>} : memref<80xi32, #tpu.memory_space<vmem>>, vector<16xi32>,
        tpu.vector_store %arg16[%swap3A_309], %get3A_301 {strides = array<i32>} : memref<80xi32, #tpu.memory_space<vmem>>, vector<16xi32>,
        tpu.vector_store_idx %arg12[%get3A_301], %exp3A_306 {add = true} : memref<10240xf32, #tpu.memory_space<vmem>>[vector<16xi32>], vector<16xf32>,
        %dma_wait3A_311 = arith.constant 0 : i32
        %dma_wait3A_312 = arith.constant 0 : i32
        %dma_wait3A_313 = tpu.memref_slice %arg5[%dma_wait3A_311, %dma_wait3A_312] : memref<10240x128xf32, #tpu.memory_space<hbm>> -> memref<80x128xf32, #tpu.memory_space<hbm>>
        %dma_wait3A_314 = arith.constant 0 : i32
        %dma_wait3A_315 = arith.constant 0 : i32
        %dma_wait3A_316 = tpu.memref_slice %arg5[%dma_wait3A_314, %dma_wait3A_315] : memref<10240x128xf32, #tpu.memory_space<hbm>> -> memref<80x128xf32, #tpu.memory_space<hbm>>
        tpu.wait_dma2 semaphore(%arg20 : memref<!tpu.dma_semaphore, #tpu.memory_space<semaphore_mem>>) src(%dma_wait3A_316 : memref<80x128xf32, #tpu.memory_space<hbm>>) dst(%arg17 : memref<80x128xf32, #tpu.memory_space<vmem>>)
        %parallel_loop3A_317 = arith.constant 0 : i32
        %parallel_loop3A_318 = arith.constant 80 : i32
        %parallel_loop3A_319 = arith.constant 1 : i32
        scf.for %parallel_loop3A_336 = %parallel_loop3A_317 to %parallel_loop3A_318 step %parallel_loop3A_319  : i32 {
          %parallel_loop3A_337 = vector.broadcast %parallel_loop3A_336 : i32 to vector<16xi32>
          %parallel_loop3A_338 = tpu.vector_load_idx %arg13[%parallel_loop3A_337] : memref<80xf32, #tpu.memory_space<vmem>>[vector<16xi32>], vector<16xf32>,
          %parallel_loop3A_339 = arith.index_cast %parallel_loop3A_336 : i32 to index
          %parallel_loop3A_340 = arith.constant 0 : index
          %parallel_loop3A_341 = tpu.vector_load %arg17[%parallel_loop3A_339, %parallel_loop3A_340] {strides = array<i32>} : memref<80x128xf32, #tpu.memory_space<vmem>>, vector<16xf32>,
          %parallel_loop3A_342 = arith.mulf %parallel_loop3A_341, %parallel_loop3A_338 : vector<16xf32>
          %parallel_loop3A_343 = arith.index_cast %parallel_loop3A_336 : i32 to index
          %parallel_loop3A_344 = arith.constant 0 : index
          %parallel_loop3A_345 = tpu.vector_load %arg17[%parallel_loop3A_343, %parallel_loop3A_344] {strides = array<i32>} : memref<80x128xf32, #tpu.memory_space<vmem>>, vector<16xf32>,
          tpu.vector_store %arg17[%parallel_loop3A_343, %parallel_loop3A_344], %parallel_loop3A_342 {strides = array<i32>} : memref<80x128xf32, #tpu.memory_space<vmem>>, vector<16xf32>,
          %parallel_loop3A_346 = arith.index_cast %parallel_loop3A_336 : i32 to index
          %parallel_loop3A_347 = arith.constant 16 : index
          %parallel_loop3A_348 = tpu.vector_load %arg17[%parallel_loop3A_346, %parallel_loop3A_347] {strides = array<i32>} : memref<80x128xf32, #tpu.memory_space<vmem>>, vector<16xf32>,
          %parallel_loop3A_349 = arith.mulf %parallel_loop3A_348, %parallel_loop3A_338 : vector<16xf32>
          %parallel_loop3A_350 = arith.index_cast %parallel_loop3A_336 : i32 to index
          %parallel_loop3A_351 = arith.constant 16 : index
          %parallel_loop3A_352 = tpu.vector_load %arg17[%parallel_loop3A_350, %parallel_loop3A_351] {strides = array<i32>} : memref<80x128xf32, #tpu.memory_space<vmem>>, vector<16xf32>,
          tpu.vector_store %arg17[%parallel_loop3A_350, %parallel_loop3A_351], %parallel_loop3A_349 {strides = array<i32>} : memref<80x128xf32, #tpu.memory_space<vmem>>, vector<16xf32>,
          %parallel_loop3A_353 = arith.index_cast %parallel_loop3A_336 : i32 to index
          %parallel_loop3A_354 = arith.constant 32 : index
          %parallel_loop3A_355 = tpu.vector_load %arg17[%parallel_loop3A_353, %parallel_loop3A_354] {strides = array<i32>} : memref<80x128xf32, #tpu.memory_space<vmem>>, vector<16xf32>,
          %parallel_loop3A_356 = arith.mulf %parallel_loop3A_355, %parallel_loop3A_338 : vector<16xf32>
          %parallel_loop3A_357 = arith.index_cast %parallel_loop3A_336 : i32 to index
          %parallel_loop3A_358 = arith.constant 32 : index
          %parallel_loop3A_359 = tpu.vector_load %arg17[%parallel_loop3A_357, %parallel_loop3A_358] {strides = array<i32>} : memref<80x128xf32, #tpu.memory_space<vmem>>, vector<16xf32>,
          tpu.vector_store %arg17[%parallel_loop3A_357, %parallel_loop3A_358], %parallel_loop3A_356 {strides = array<i32>} : memref<80x128xf32, #tpu.memory_space<vmem>>, vector<16xf32>,
          %parallel_loop3A_360 = arith.index_cast %parallel_loop3A_336 : i32 to index
          %parallel_loop3A_361 = arith.constant 48 : index
          %parallel_loop3A_362 = tpu.vector_load %arg17[%parallel_loop3A_360, %parallel_loop3A_361] {strides = array<i32>} : memref<80x128xf32, #tpu.memory_space<vmem>>, vector<16xf32>,
          %parallel_loop3A_363 = arith.mulf %parallel_loop3A_362, %parallel_loop3A_338 : vector<16xf32>
          %parallel_loop3A_364 = arith.index_cast %parallel_loop3A_336 : i32 to index
          %parallel_loop3A_365 = arith.constant 48 : index
          %parallel_loop3A_366 = tpu.vector_load %arg17[%parallel_loop3A_364, %parallel_loop3A_365] {strides = array<i32>} : memref<80x128xf32, #tpu.memory_space<vmem>>, vector<16xf32>,
          tpu.vector_store %arg17[%parallel_loop3A_364, %parallel_loop3A_365], %parallel_loop3A_363 {strides = array<i32>} : memref<80x128xf32, #tpu.memory_space<vmem>>, vector<16xf32>,
          %parallel_loop3A_367 = arith.index_cast %parallel_loop3A_336 : i32 to index
          %parallel_loop3A_368 = arith.constant 64 : index
          %parallel_loop3A_369 = tpu.vector_load %arg17[%parallel_loop3A_367, %parallel_loop3A_368] {strides = array<i32>} : memref<80x128xf32, #tpu.memory_space<vmem>>, vector<16xf32>,
          %parallel_loop3A_370 = arith.mulf %parallel_loop3A_369, %parallel_loop3A_338 : vector<16xf32>
          %parallel_loop3A_371 = arith.index_cast %parallel_loop3A_336 : i32 to index
          %parallel_loop3A_372 = arith.constant 64 : index
          %parallel_loop3A_373 = tpu.vector_load %arg17[%parallel_loop3A_371, %parallel_loop3A_372] {strides = array<i32>} : memref<80x128xf32, #tpu.memory_space<vmem>>, vector<16xf32>,
          tpu.vector_store %arg17[%parallel_loop3A_371, %parallel_loop3A_372], %parallel_loop3A_370 {strides = array<i32>} : memref<80x128xf32, #tpu.memory_space<vmem>>, vector<16xf32>,
          %parallel_loop3A_374 = arith.index_cast %parallel_loop3A_336 : i32 to index
          %parallel_loop3A_375 = arith.constant 80 : index
          %parallel_loop3A_376 = tpu.vector_load %arg17[%parallel_loop3A_374, %parallel_loop3A_375] {strides = array<i32>} : memref<80x128xf32, #tpu.memory_space<vmem>>, vector<16xf32>,
          %parallel_loop3A_377 = arith.mulf %parallel_loop3A_376, %parallel_loop3A_338 : vector<16xf32>
          %parallel_loop3A_378 = arith.index_cast %parallel_loop3A_336 : i32 to index
          %parallel_loop3A_379 = arith.constant 80 : index
          %parallel_loop3A_380 = tpu.vector_load %arg17[%parallel_loop3A_378, %parallel_loop3A_379] {strides = array<i32>} : memref<80x128xf32, #tpu.memory_space<vmem>>, vector<16xf32>,
          tpu.vector_store %arg17[%parallel_loop3A_378, %parallel_loop3A_379], %parallel_loop3A_377 {strides = array<i32>} : memref<80x128xf32, #tpu.memory_space<vmem>>, vector<16xf32>,
          %parallel_loop3A_381 = arith.index_cast %parallel_loop3A_336 : i32 to index
          %parallel_loop3A_382 = arith.constant 96 : index
          %parallel_loop3A_383 = tpu.vector_load %arg17[%parallel_loop3A_381, %parallel_loop3A_382] {strides = array<i32>} : memref<80x128xf32, #tpu.memory_space<vmem>>, vector<16xf32>,
          %parallel_loop3A_384 = arith.mulf %parallel_loop3A_383, %parallel_loop3A_338 : vector<16xf32>
          %parallel_loop3A_385 = arith.index_cast %parallel_loop3A_336 : i32 to index
          %parallel_loop3A_386 = arith.constant 96 : index
          %parallel_loop3A_387 = tpu.vector_load %arg17[%parallel_loop3A_385, %parallel_loop3A_386] {strides = array<i32>} : memref<80x128xf32, #tpu.memory_space<vmem>>, vector<16xf32>,
          tpu.vector_store %arg17[%parallel_loop3A_385, %parallel_loop3A_386], %parallel_loop3A_384 {strides = array<i32>} : memref<80x128xf32, #tpu.memory_space<vmem>>, vector<16xf32>,
          %parallel_loop3A_388 = arith.index_cast %parallel_loop3A_336 : i32 to index
          %parallel_loop3A_389 = arith.constant 112 : index
          %parallel_loop3A_390 = tpu.vector_load %arg17[%parallel_loop3A_388, %parallel_loop3A_389] {strides = array<i32>} : memref<80x128xf32, #tpu.memory_space<vmem>>, vector<16xf32>,
          %parallel_loop3A_391 = arith.mulf %parallel_loop3A_390, %parallel_loop3A_338 : vector<16xf32>
          %parallel_loop3A_392 = arith.index_cast %parallel_loop3A_336 : i32 to index
          %parallel_loop3A_393 = arith.constant 112 : index
          %parallel_loop3A_394 = tpu.vector_load %arg17[%parallel_loop3A_392, %parallel_loop3A_393] {strides = array<i32>} : memref<80x128xf32, #tpu.memory_space<vmem>>, vector<16xf32>,
          tpu.vector_store %arg17[%parallel_loop3A_392, %parallel_loop3A_393], %parallel_loop3A_391 {strides = array<i32>} : memref<80x128xf32, #tpu.memory_space<vmem>>, vector<16xf32>,
        } {sc.loop_unroll_factor = 4 : i64, sc.parallel_access}
        %dma_start3A_320 = arith.constant 0 : i32
        %dma_start3A_321 = arith.constant 0 : i32
        %dma_start3A_322 = tpu.memref_slice %arg19[%dma_start3A_320, %dma_start3A_321] : memref<10240x128xf32, #tpu.memory_space<vmem_shared>> -> memref<10240x128xf32, #tpu.memory_space<vmem_shared>>
        tpu.enqueue_indirect_dma source(%arg17 : memref<80x128xf32, #tpu.memory_space<vmem>>) target(%dma_start3A_322 : memref<10240x128xf32, #tpu.memory_space<vmem_shared>>) offsets(%arg15 : memref<80xi32, #tpu.memory_space<vmem>>) semaphore(%arg22 : memref<!tpu.dma_semaphore, #tpu.memory_space<semaphore_mem>>) {add = true}
        %dma_wait3A_323 = arith.constant 0 : i32
        %dma_wait3A_324 = arith.constant 0 : i32
        %dma_wait3A_325 = tpu.memref_slice %arg5[%dma_wait3A_323, %dma_wait3A_324] : memref<10240x128xf32, #tpu.memory_space<hbm>> -> memref<80x128xf32, #tpu.memory_space<hbm>>
        %dma_wait3A_326 = arith.constant 0 : i32
        %dma_wait3A_327 = arith.constant 0 : i32
        %dma_wait3A_328 = tpu.memref_slice %arg5[%dma_wait3A_326, %dma_wait3A_327] : memref<10240x128xf32, #tpu.memory_space<hbm>> -> memref<80x128xf32, #tpu.memory_space<hbm>>
        tpu.wait_dma2 semaphore(%arg21 : memref<!tpu.dma_semaphore, #tpu.memory_space<semaphore_mem>>) src(%dma_wait3A_328 : memref<80x128xf32, #tpu.memory_space<hbm>>) dst(%arg18 : memref<80x128xf32, #tpu.memory_space<vmem>>)
        %parallel_loop3A_329 = arith.constant 0 : i32
        %parallel_loop3A_330 = arith.constant 80 : i32
        %parallel_loop3A_331 = arith.constant 1 : i32
        scf.for %parallel_loop3A_336 = %parallel_loop3A_329 to %parallel_loop3A_330 step %parallel_loop3A_331  : i32 {
          %parallel_loop3A_337 = vector.broadcast %parallel_loop3A_336 : i32 to vector<16xi32>
          %parallel_loop3A_338 = tpu.vector_load_idx %arg14[%parallel_loop3A_337] : memref<80xf32, #tpu.memory_space<vmem>>[vector<16xi32>], vector<16xf32>,
          %parallel_loop3A_339 = arith.index_cast %parallel_loop3A_336 : i32 to index
          %parallel_loop3A_340 = arith.constant 0 : index
          %parallel_loop3A_341 = tpu.vector_load %arg18[%parallel_loop3A_339, %parallel_loop3A_340] {strides = array<i32>} : memref<80x128xf32, #tpu.memory_space<vmem>>, vector<16xf32>,
          %parallel_loop3A_342 = arith.mulf %parallel_loop3A_341, %parallel_loop3A_338 : vector<16xf32>
          %parallel_loop3A_343 = arith.index_cast %parallel_loop3A_336 : i32 to index
          %parallel_loop3A_344 = arith.constant 0 : index
          %parallel_loop3A_345 = tpu.vector_load %arg18[%parallel_loop3A_343, %parallel_loop3A_344] {strides = array<i32>} : memref<80x128xf32, #tpu.memory_space<vmem>>, vector<16xf32>,
          tpu.vector_store %arg18[%parallel_loop3A_343, %parallel_loop3A_344], %parallel_loop3A_342 {strides = array<i32>} : memref<80x128xf32, #tpu.memory_space<vmem>>, vector<16xf32>,
          %parallel_loop3A_346 = arith.index_cast %parallel_loop3A_336 : i32 to index
          %parallel_loop3A_347 = arith.constant 16 : index
          %parallel_loop3A_348 = tpu.vector_load %arg18[%parallel_loop3A_346, %parallel_loop3A_347] {strides = array<i32>} : memref<80x128xf32, #tpu.memory_space<vmem>>, vector<16xf32>,
          %parallel_loop3A_349 = arith.mulf %parallel_loop3A_348, %parallel_loop3A_338 : vector<16xf32>
          %parallel_loop3A_350 = arith.index_cast %parallel_loop3A_336 : i32 to index
          %parallel_loop3A_351 = arith.constant 16 : index
          %parallel_loop3A_352 = tpu.vector_load %arg18[%parallel_loop3A_350, %parallel_loop3A_351] {strides = array<i32>} : memref<80x128xf32, #tpu.memory_space<vmem>>, vector<16xf32>,
          tpu.vector_store %arg18[%parallel_loop3A_350, %parallel_loop3A_351], %parallel_loop3A_349 {strides = array<i32>} : memref<80x128xf32, #tpu.memory_space<vmem>>, vector<16xf32>,
          %parallel_loop3A_353 = arith.index_cast %parallel_loop3A_336 : i32 to index
          %parallel_loop3A_354 = arith.constant 32 : index
          %parallel_loop3A_355 = tpu.vector_load %arg18[%parallel_loop3A_353, %parallel_loop3A_354] {strides = array<i32>} : memref<80x128xf32, #tpu.memory_space<vmem>>, vector<16xf32>,
          %parallel_loop3A_356 = arith.mulf %parallel_loop3A_355, %parallel_loop3A_338 : vector<16xf32>
          %parallel_loop3A_357 = arith.index_cast %parallel_loop3A_336 : i32 to index
          %parallel_loop3A_358 = arith.constant 32 : index
          %parallel_loop3A_359 = tpu.vector_load %arg18[%parallel_loop3A_357, %parallel_loop3A_358] {strides = array<i32>} : memref<80x128xf32, #tpu.memory_space<vmem>>, vector<16xf32>,
          tpu.vector_store %arg18[%parallel_loop3A_357, %parallel_loop3A_358], %parallel_loop3A_356 {strides = array<i32>} : memref<80x128xf32, #tpu.memory_space<vmem>>, vector<16xf32>,
          %parallel_loop3A_360 = arith.index_cast %parallel_loop3A_336 : i32 to index
          %parallel_loop3A_361 = arith.constant 48 : index
          %parallel_loop3A_362 = tpu.vector_load %arg18[%parallel_loop3A_360, %parallel_loop3A_361] {strides = array<i32>} : memref<80x128xf32, #tpu.memory_space<vmem>>, vector<16xf32>,
          %parallel_loop3A_363 = arith.mulf %parallel_loop3A_362, %parallel_loop3A_338 : vector<16xf32>
          %parallel_loop3A_364 = arith.index_cast %parallel_loop3A_336 : i32 to index
          %parallel_loop3A_365 = arith.constant 48 : index
          %parallel_loop3A_366 = tpu.vector_load %arg18[%parallel_loop3A_364, %parallel_loop3A_365] {strides = array<i32>} : memref<80x128xf32, #tpu.memory_space<vmem>>, vector<16xf32>,
          tpu.vector_store %arg18[%parallel_loop3A_364, %parallel_loop3A_365], %parallel_loop3A_363 {strides = array<i32>} : memref<80x128xf32, #tpu.memory_space<vmem>>, vector<16xf32>,
          %parallel_loop3A_367 = arith.index_cast %parallel_loop3A_336 : i32 to index
          %parallel_loop3A_368 = arith.constant 64 : index
          %parallel_loop3A_369 = tpu.vector_load %arg18[%parallel_loop3A_367, %parallel_loop3A_368] {strides = array<i32>} : memref<80x128xf32, #tpu.memory_space<vmem>>, vector<16xf32>,
          %parallel_loop3A_370 = arith.mulf %parallel_loop3A_369, %parallel_loop3A_338 : vector<16xf32>
          %parallel_loop3A_371 = arith.index_cast %parallel_loop3A_336 : i32 to index
          %parallel_loop3A_372 = arith.constant 64 : index
          %parallel_loop3A_373 = tpu.vector_load %arg18[%parallel_loop3A_371, %parallel_loop3A_372] {strides = array<i32>} : memref<80x128xf32, #tpu.memory_space<vmem>>, vector<16xf32>,
          tpu.vector_store %arg18[%parallel_loop3A_371, %parallel_loop3A_372], %parallel_loop3A_370 {strides = array<i32>} : memref<80x128xf32, #tpu.memory_space<vmem>>, vector<16xf32>,
          %parallel_loop3A_374 = arith.index_cast %parallel_loop3A_336 : i32 to index
          %parallel_loop3A_375 = arith.constant 80 : index
          %parallel_loop3A_376 = tpu.vector_load %arg18[%parallel_loop3A_374, %parallel_loop3A_375] {strides = array<i32>} : memref<80x128xf32, #tpu.memory_space<vmem>>, vector<16xf32>,
          %parallel_loop3A_377 = arith.mulf %parallel_loop3A_376, %parallel_loop3A_338 : vector<16xf32>
          %parallel_loop3A_378 = arith.index_cast %parallel_loop3A_336 : i32 to index
          %parallel_loop3A_379 = arith.constant 80 : index
          %parallel_loop3A_380 = tpu.vector_load %arg18[%parallel_loop3A_378, %parallel_loop3A_379] {strides = array<i32>} : memref<80x128xf32, #tpu.memory_space<vmem>>, vector<16xf32>,
          tpu.vector_store %arg18[%parallel_loop3A_378, %parallel_loop3A_379], %parallel_loop3A_377 {strides = array<i32>} : memref<80x128xf32, #tpu.memory_space<vmem>>, vector<16xf32>,
          %parallel_loop3A_381 = arith.index_cast %parallel_loop3A_336 : i32 to index
          %parallel_loop3A_382 = arith.constant 96 : index
          %parallel_loop3A_383 = tpu.vector_load %arg18[%parallel_loop3A_381, %parallel_loop3A_382] {strides = array<i32>} : memref<80x128xf32, #tpu.memory_space<vmem>>, vector<16xf32>,
          %parallel_loop3A_384 = arith.mulf %parallel_loop3A_383, %parallel_loop3A_338 : vector<16xf32>
          %parallel_loop3A_385 = arith.index_cast %parallel_loop3A_336 : i32 to index
          %parallel_loop3A_386 = arith.constant 96 : index
          %parallel_loop3A_387 = tpu.vector_load %arg18[%parallel_loop3A_385, %parallel_loop3A_386] {strides = array<i32>} : memref<80x128xf32, #tpu.memory_space<vmem>>, vector<16xf32>,
          tpu.vector_store %arg18[%parallel_loop3A_385, %parallel_loop3A_386], %parallel_loop3A_384 {strides = array<i32>} : memref<80x128xf32, #tpu.memory_space<vmem>>, vector<16xf32>,
          %parallel_loop3A_388 = arith.index_cast %parallel_loop3A_336 : i32 to index
          %parallel_loop3A_389 = arith.constant 112 : index
          %parallel_loop3A_390 = tpu.vector_load %arg18[%parallel_loop3A_388, %parallel_loop3A_389] {strides = array<i32>} : memref<80x128xf32, #tpu.memory_space<vmem>>, vector<16xf32>,
          %parallel_loop3A_391 = arith.mulf %parallel_loop3A_390, %parallel_loop3A_338 : vector<16xf32>
          %parallel_loop3A_392 = arith.index_cast %parallel_loop3A_336 : i32 to index
          %parallel_loop3A_393 = arith.constant 112 : index
          %parallel_loop3A_394 = tpu.vector_load %arg18[%parallel_loop3A_392, %parallel_loop3A_393] {strides = array<i32>} : memref<80x128xf32, #tpu.memory_space<vmem>>, vector<16xf32>,
          tpu.vector_store %arg18[%parallel_loop3A_392, %parallel_loop3A_393], %parallel_loop3A_391 {strides = array<i32>} : memref<80x128xf32, #tpu.memory_space<vmem>>, vector<16xf32>,
        } {sc.loop_unroll_factor = 4 : i64, sc.parallel_access}
        %dma_start3A_332 = arith.constant 0 : i32
        %dma_start3A_333 = arith.constant 0 : i32
        %dma_start3A_334 = tpu.memref_slice %arg19[%dma_start3A_332, %dma_start3A_333] : memref<10240x128xf32, #tpu.memory_space<vmem_shared>> -> memref<10240x128xf32, #tpu.memory_space<vmem_shared>>
        tpu.enqueue_indirect_dma source(%arg18 : memref<80x128xf32, #tpu.memory_space<vmem>>) target(%dma_start3A_334 : memref<10240x128xf32, #tpu.memory_space<vmem_shared>>) offsets(%arg16 : memref<80xi32, #tpu.memory_space<vmem>>) semaphore(%arg23 : memref<!tpu.dma_semaphore, #tpu.memory_space<semaphore_mem>>) {add = true}
        %scan3A_335 = arith.constant 0 : i32
        scf.yield %scan3A_335 : i32
      }
      %scan3A_151 = arith.constant 12 : i32
      %scan3A_152 = arith.constant 0 : i32
      scf.yield %scan3A_152 : i32
    }
    %scan3A_56 = arith.constant 5 : i32
    %dma_wait3A = arith.constant 0 : i32
    %dma_wait3A_57 = arith.constant 0 : i32
    %dma_wait3A_58 = tpu.memref_slice %arg19[%dma_wait3A, %dma_wait3A_57] : memref<10240x128xf32, #tpu.memory_space<vmem_shared>> -> memref<10240x128xf32, #tpu.memory_space<vmem_shared>>
    tpu.wait_indirect_dma semaphore(%arg22 : memref<!tpu.dma_semaphore, #tpu.memory_space<semaphore_mem>>) src(%arg17 : memref<80x128xf32, #tpu.memory_space<vmem>>) dst(%dma_wait3A_58 : memref<10240x128xf32, #tpu.memory_space<vmem_shared>>)
    %dma_wait3A_59 = arith.constant 0 : i32
    %dma_wait3A_60 = arith.constant 0 : i32
    %dma_wait3A_61 = tpu.memref_slice %arg19[%dma_wait3A_59, %dma_wait3A_60] : memref<10240x128xf32, #tpu.memory_space<vmem_shared>> -> memref<10240x128xf32, #tpu.memory_space<vmem_shared>>
    tpu.wait_indirect_dma semaphore(%arg23 : memref<!tpu.dma_semaphore, #tpu.memory_space<semaphore_mem>>) src(%arg18 : memref<80x128xf32, #tpu.memory_space<vmem>>) dst(%dma_wait3A_61 : memref<10240x128xf32, #tpu.memory_space<vmem_shared>>)
    %barrier3A_62 = arith.constant 0 : index
    tpu.barrier barrier_id(%barrier3A_62)
    %mul3A_63 = arith.constant 640 : i32
    %mul3A_64 = arith.muli %arg1, %mul3A_63 : i32
    %mul3A_65 = arith.constant 640 : i32
    %mul3A_66 = arith.muli %arg1, %mul3A_65 : i32
    "tpu.region"() ({
      %run_scoped3A = tpu.sem_alloc : memref<!tpu.dma_semaphore, #tpu.memory_space<semaphore_mem>>
      %dma_start3A_67 = arith.constant 0 : i32
      %dma_start3A_68 = arith.constant 0 : i32
      %dma_start3A_69 = tpu.memref_slice %arg6[%arg0, %dma_start3A_67, %dma_start3A_68] : memref<2x10240x128xf32, #tpu.memory_space<hbm>> -> memref<1x10240x128xf32, #tpu.memory_space<hbm>>
      %dma_start3A_70 = tpu.memref_squeeze %dma_start3A_69 : memref<1x10240x128xf32, #tpu.memory_space<hbm>> -> memref<10240x128xf32, #tpu.memory_space<hbm>>
      %dma_start3A_71 = arith.constant 0 : i32
      %dma_start3A_72 = tpu.memref_slice %dma_start3A_70[%mul3A_66, %dma_start3A_71] : memref<10240x128xf32, #tpu.memory_space<hbm>> -> memref<640x128xf32, #tpu.memory_space<hbm>>
      %dma_start3A_73 = arith.constant 0 : i32
      %dma_start3A_74 = tpu.memref_slice %arg19[%mul3A_64, %dma_start3A_73] : memref<10240x128xf32, #tpu.memory_space<vmem_shared>> -> memref<640x128xf32, #tpu.memory_space<vmem_shared>>
      tpu.enqueue_dma source(%dma_start3A_74 : memref<640x128xf32, #tpu.memory_space<vmem_shared>>) target(%dma_start3A_72 : memref<640x128xf32, #tpu.memory_space<hbm>>) target_semaphore(%run_scoped3A : memref<!tpu.dma_semaphore, #tpu.memory_space<semaphore_mem>>)
      %dma_wait3A_75 = arith.constant 0 : i32
      %dma_wait3A_76 = arith.constant 0 : i32
      %dma_wait3A_77 = tpu.memref_slice %arg6[%arg0, %dma_wait3A_75, %dma_wait3A_76] : memref<2x10240x128xf32, #tpu.memory_space<hbm>> -> memref<1x10240x128xf32, #tpu.memory_space<hbm>>
      %dma_wait3A_78 = tpu.memref_squeeze %dma_wait3A_77 : memref<1x10240x128xf32, #tpu.memory_space<hbm>> -> memref<10240x128xf32, #tpu.memory_space<hbm>>
      %dma_wait3A_79 = arith.constant 0 : i32
      %dma_wait3A_80 = tpu.memref_slice %dma_wait3A_78[%mul3A_66, %dma_wait3A_79] : memref<10240x128xf32, #tpu.memory_space<hbm>> -> memref<640x128xf32, #tpu.memory_space<hbm>>
      %dma_wait3A_81 = arith.constant 0 : i32
      %dma_wait3A_82 = tpu.memref_slice %arg19[%mul3A_64, %dma_wait3A_81] : memref<10240x128xf32, #tpu.memory_space<vmem_shared>> -> memref<640x128xf32, #tpu.memory_space<vmem_shared>>
      tpu.wait_dma2 semaphore(%run_scoped3A : memref<!tpu.dma_semaphore, #tpu.memory_space<semaphore_mem>>) src(%dma_wait3A_82 : memref<640x128xf32, #tpu.memory_space<vmem_shared>>) dst(%dma_wait3A_80 : memref<640x128xf32, #tpu.memory_space<hbm>>)
      tpu.yield
    }) : () -> ()
    "tpu.region"() ({
      %run_scoped3A = tpu.sem_alloc : memref<!tpu.dma_semaphore, #tpu.memory_space<semaphore_mem>>
      %dma_start3A_67 = arith.constant 0 : i32
      %dma_start3A_68 = tpu.memref_slice %arg7[%add3A, %dma_start3A_67] : memref<32x10240xf32, #tpu.memory_space<hbm>> -> memref<1x10240xf32, #tpu.memory_space<hbm>>
      %dma_start3A_69 = tpu.memref_squeeze %dma_start3A_68 : memref<1x10240xf32, #tpu.memory_space<hbm>> -> memref<10240xf32, #tpu.memory_space<hbm>>
      %dma_start3A_70 = arith.constant 0 : i32
      %dma_start3A_71 = tpu.memref_slice %arg7[%add3A, %dma_start3A_70] : memref<32x10240xf32, #tpu.memory_space<hbm>> -> memref<1x10240xf32, #tpu.memory_space<hbm>>
      %dma_start3A_72 = tpu.memref_squeeze %dma_start3A_71 : memref<1x10240xf32, #tpu.memory_space<hbm>> -> memref<10240xf32, #tpu.memory_space<hbm>>
      tpu.enqueue_dma source(%arg12 : memref<10240xf32, #tpu.memory_space<vmem>>) target(%dma_start3A_72 : memref<10240xf32, #tpu.memory_space<hbm>>) target_semaphore(%run_scoped3A : memref<!tpu.dma_semaphore, #tpu.memory_space<semaphore_mem>>)
      %dma_wait3A_73 = arith.constant 0 : i32
      %dma_wait3A_74 = tpu.memref_slice %arg7[%add3A, %dma_wait3A_73] : memref<32x10240xf32, #tpu.memory_space<hbm>> -> memref<1x10240xf32, #tpu.memory_space<hbm>>
      %dma_wait3A_75 = tpu.memref_squeeze %dma_wait3A_74 : memref<1x10240xf32, #tpu.memory_space<hbm>> -> memref<10240xf32, #tpu.memory_space<hbm>>
      %dma_wait3A_76 = arith.constant 0 : i32
      %dma_wait3A_77 = tpu.memref_slice %arg7[%add3A, %dma_wait3A_76] : memref<32x10240xf32, #tpu.memory_space<hbm>> -> memref<1x10240xf32, #tpu.memory_space<hbm>>
      %dma_wait3A_78 = tpu.memref_squeeze %dma_wait3A_77 : memref<1x10240xf32, #tpu.memory_space<hbm>> -> memref<10240xf32, #tpu.memory_space<hbm>>
      tpu.wait_dma2 semaphore(%run_scoped3A : memref<!tpu.dma_semaphore, #tpu.memory_space<semaphore_mem>>) src(%arg12 : memref<10240xf32, #tpu.memory_space<vmem>>) dst(%dma_wait3A_78 : memref<10240xf32, #tpu.memory_space<hbm>>)
      tpu.yield
    }) : () -> ()
    return
  }
}

#map = affine_map<(d0, d1) -> (0)>
#map1 = affine_map<(d0, d1) -> (0, 0)>
module attributes {stable_mosaic.version = 14 : i64} {
  func.func @_sc_a_body(%arg0: i32, %arg1: i32, %arg2: memref<640000xi32, #tpu.memory_space<hbm>>, %arg3: memref<320000xi32, #tpu.memory_space<hbm>>, %arg4: memref<10240xf32, #tpu.memory_space<hbm>>, %arg5: memref<10240xf32, #tpu.memory_space<hbm>>, %arg6: memref<128xf32, #tpu.memory_space<hbm>>, %arg7: memref<320000xf32, #tpu.memory_space<hbm>>, %arg8: memref<32x10240xf32, #tpu.memory_space<hbm>>, %arg9: memref<32x10240xf32, #tpu.memory_space<hbm>>, %arg10: memref<32x10240xf32, #tpu.memory_space<hbm>>, %arg11: memref<10240xf32, #tpu.memory_space<vmem>>, %arg12: memref<10240xf32, #tpu.memory_space<vmem>>, %arg13: memref<128xf32, #tpu.memory_space<vmem>>, %arg14: memref<10000xi32, #tpu.memory_space<vmem>>, %arg15: memref<10000xi32, #tpu.memory_space<vmem>>, %arg16: memref<10000xi32, #tpu.memory_space<vmem>>, %arg17: memref<10000xf32, #tpu.memory_space<vmem>>, %arg18: memref<10240xf32, #tpu.memory_space<vmem>>, %arg19: memref<10240xf32, #tpu.memory_space<vmem>>, %arg20: memref<10240xf32, #tpu.memory_space<vmem>>) attributes {dimension_semantics = [#tpu.dimension_semantics<core_parallel>, #tpu.dimension_semantics<subcore_parallel>], iteration_bounds = array<i64: 2, 16>, scalar_prefetch = 0 : i64, scratch_operands = 10 : i64, tpu.core_type = #tpu.core_type<sc_vector_subcore>, window_params = [{transform_indices = #map}, {transform_indices = #map}, {transform_indices = #map}, {transform_indices = #map}, {transform_indices = #map}, {transform_indices = #map}, {transform_indices = #map1}, {transform_indices = #map1}, {transform_indices = #map1}]} {
    %mul3A = arith.constant 2 : i32
    %mul3A_0 = arith.muli %arg1, %mul3A : i32
    %add3A = arith.addi %mul3A_0, %arg0 : i32
    %mul3A_1 = arith.constant 10000 : i32
    %mul3A_2 = arith.muli %add3A, %mul3A_1 : i32
    "tpu.region"() ({
      %run_scoped3A = tpu.sem_alloc : memref<!tpu.dma_semaphore, #tpu.memory_space<semaphore_mem>>
      tpu.enqueue_dma source(%arg4 : memref<10240xf32, #tpu.memory_space<hbm>>) target(%arg11 : memref<10240xf32, #tpu.memory_space<vmem>>) target_semaphore(%run_scoped3A : memref<!tpu.dma_semaphore, #tpu.memory_space<semaphore_mem>>)
      tpu.wait_dma2 semaphore(%run_scoped3A : memref<!tpu.dma_semaphore, #tpu.memory_space<semaphore_mem>>) src(%arg4 : memref<10240xf32, #tpu.memory_space<hbm>>) dst(%arg11 : memref<10240xf32, #tpu.memory_space<vmem>>)
      tpu.yield
    }) : () -> ()
    "tpu.region"() ({
      %run_scoped3A = tpu.sem_alloc : memref<!tpu.dma_semaphore, #tpu.memory_space<semaphore_mem>>
      tpu.enqueue_dma source(%arg5 : memref<10240xf32, #tpu.memory_space<hbm>>) target(%arg12 : memref<10240xf32, #tpu.memory_space<vmem>>) target_semaphore(%run_scoped3A : memref<!tpu.dma_semaphore, #tpu.memory_space<semaphore_mem>>)
      tpu.wait_dma2 semaphore(%run_scoped3A : memref<!tpu.dma_semaphore, #tpu.memory_space<semaphore_mem>>) src(%arg5 : memref<10240xf32, #tpu.memory_space<hbm>>) dst(%arg12 : memref<10240xf32, #tpu.memory_space<vmem>>)
      tpu.yield
    }) : () -> ()
    "tpu.region"() ({
      %run_scoped3A = tpu.sem_alloc : memref<!tpu.dma_semaphore, #tpu.memory_space<semaphore_mem>>
      tpu.enqueue_dma source(%arg6 : memref<128xf32, #tpu.memory_space<hbm>>) target(%arg13 : memref<128xf32, #tpu.memory_space<vmem>>) target_semaphore(%run_scoped3A : memref<!tpu.dma_semaphore, #tpu.memory_space<semaphore_mem>>)
      tpu.wait_dma2 semaphore(%run_scoped3A : memref<!tpu.dma_semaphore, #tpu.memory_space<semaphore_mem>>) src(%arg6 : memref<128xf32, #tpu.memory_space<hbm>>) dst(%arg13 : memref<128xf32, #tpu.memory_space<vmem>>)
      tpu.yield
    }) : () -> ()
    "tpu.region"() ({
      %run_scoped3A = tpu.sem_alloc : memref<!tpu.dma_semaphore, #tpu.memory_space<semaphore_mem>>
      %dma_start3A = tpu.memref_slice %arg2[%mul3A_2] : memref<640000xi32, #tpu.memory_space<hbm>> -> memref<10000xi32, #tpu.memory_space<hbm>>
      %dma_start3A_23 = tpu.memref_slice %arg2[%mul3A_2] : memref<640000xi32, #tpu.memory_space<hbm>> -> memref<10000xi32, #tpu.memory_space<hbm>>
      tpu.enqueue_dma source(%dma_start3A_23 : memref<10000xi32, #tpu.memory_space<hbm>>) target(%arg14 : memref<10000xi32, #tpu.memory_space<vmem>>) target_semaphore(%run_scoped3A : memref<!tpu.dma_semaphore, #tpu.memory_space<semaphore_mem>>)
      %dma_wait3A = tpu.memref_slice %arg2[%mul3A_2] : memref<640000xi32, #tpu.memory_space<hbm>> -> memref<10000xi32, #tpu.memory_space<hbm>>
      %dma_wait3A_24 = tpu.memref_slice %arg2[%mul3A_2] : memref<640000xi32, #tpu.memory_space<hbm>> -> memref<10000xi32, #tpu.memory_space<hbm>>
      tpu.wait_dma2 semaphore(%run_scoped3A : memref<!tpu.dma_semaphore, #tpu.memory_space<semaphore_mem>>) src(%dma_wait3A_24 : memref<10000xi32, #tpu.memory_space<hbm>>) dst(%arg14 : memref<10000xi32, #tpu.memory_space<vmem>>)
      tpu.yield
    }) : () -> ()
    %add3A_3 = arith.constant 320000 : i32
    %add3A_4 = arith.addi %add3A_3, %mul3A_2 : i32
    "tpu.region"() ({
      %run_scoped3A = tpu.sem_alloc : memref<!tpu.dma_semaphore, #tpu.memory_space<semaphore_mem>>
      %dma_start3A = tpu.memref_slice %arg2[%add3A_4] : memref<640000xi32, #tpu.memory_space<hbm>> -> memref<10000xi32, #tpu.memory_space<hbm>>
      %dma_start3A_23 = tpu.memref_slice %arg2[%add3A_4] : memref<640000xi32, #tpu.memory_space<hbm>> -> memref<10000xi32, #tpu.memory_space<hbm>>
      tpu.enqueue_dma source(%dma_start3A_23 : memref<10000xi32, #tpu.memory_space<hbm>>) target(%arg15 : memref<10000xi32, #tpu.memory_space<vmem>>) target_semaphore(%run_scoped3A : memref<!tpu.dma_semaphore, #tpu.memory_space<semaphore_mem>>)
      %dma_wait3A = tpu.memref_slice %arg2[%add3A_4] : memref<640000xi32, #tpu.memory_space<hbm>> -> memref<10000xi32, #tpu.memory_space<hbm>>
      %dma_wait3A_24 = tpu.memref_slice %arg2[%add3A_4] : memref<640000xi32, #tpu.memory_space<hbm>> -> memref<10000xi32, #tpu.memory_space<hbm>>
      tpu.wait_dma2 semaphore(%run_scoped3A : memref<!tpu.dma_semaphore, #tpu.memory_space<semaphore_mem>>) src(%dma_wait3A_24 : memref<10000xi32, #tpu.memory_space<hbm>>) dst(%arg15 : memref<10000xi32, #tpu.memory_space<vmem>>)
      tpu.yield
    }) : () -> ()
    "tpu.region"() ({
      %run_scoped3A = tpu.sem_alloc : memref<!tpu.dma_semaphore, #tpu.memory_space<semaphore_mem>>
      %dma_start3A = tpu.memref_slice %arg3[%mul3A_2] : memref<320000xi32, #tpu.memory_space<hbm>> -> memref<10000xi32, #tpu.memory_space<hbm>>
      %dma_start3A_23 = tpu.memref_slice %arg3[%mul3A_2] : memref<320000xi32, #tpu.memory_space<hbm>> -> memref<10000xi32, #tpu.memory_space<hbm>>
      tpu.enqueue_dma source(%dma_start3A_23 : memref<10000xi32, #tpu.memory_space<hbm>>) target(%arg16 : memref<10000xi32, #tpu.memory_space<vmem>>) target_semaphore(%run_scoped3A : memref<!tpu.dma_semaphore, #tpu.memory_space<semaphore_mem>>)
      %dma_wait3A = tpu.memref_slice %arg3[%mul3A_2] : memref<320000xi32, #tpu.memory_space<hbm>> -> memref<10000xi32, #tpu.memory_space<hbm>>
      %dma_wait3A_24 = tpu.memref_slice %arg3[%mul3A_2] : memref<320000xi32, #tpu.memory_space<hbm>> -> memref<10000xi32, #tpu.memory_space<hbm>>
      tpu.wait_dma2 semaphore(%run_scoped3A : memref<!tpu.dma_semaphore, #tpu.memory_space<semaphore_mem>>) src(%dma_wait3A_24 : memref<10000xi32, #tpu.memory_space<hbm>>) dst(%arg16 : memref<10000xi32, #tpu.memory_space<vmem>>)
      tpu.yield
    }) : () -> ()
    %broadcast_in_dim3A = arith.constant 0.000000e+00 : f32
    %broadcast_in_dim3A_5 = vector.broadcast %broadcast_in_dim3A : f32 to vector<16xf32>
    %broadcast_in_dim3A_6 = arith.constant 0 : i32
    %broadcast_in_dim3A_7 = vector.broadcast %broadcast_in_dim3A_6 : i32 to vector<16xi32>
    %broadcast_in_dim3A_8 = arith.constant -1.000000e+30 : f32
    %broadcast_in_dim3A_9 = vector.broadcast %broadcast_in_dim3A_8 : f32 to vector<16xf32>
    %parallel_loop3A = arith.constant 0 : i32
    %parallel_loop3A_10 = arith.constant 640 : i32
    %parallel_loop3A_11 = arith.constant 1 : i32
    scf.for %parallel_loop3A_23 = %parallel_loop3A to %parallel_loop3A_10 step %parallel_loop3A_11  : i32 {
      %parallel_loop3A_24 = arith.constant 16 : i32
      %parallel_loop3A_25 = arith.muli %parallel_loop3A_23, %parallel_loop3A_24 : i32
      %parallel_loop3A_26 = arith.index_cast %parallel_loop3A_25 : i32 to index
      %parallel_loop3A_27 = tpu.vector_load %arg18[%parallel_loop3A_26] {strides = array<i32>} : memref<10240xf32, #tpu.memory_space<vmem>>, vector<16xf32>,
      tpu.vector_store %arg18[%parallel_loop3A_26], %broadcast_in_dim3A_9 {strides = array<i32>} : memref<10240xf32, #tpu.memory_space<vmem>>, vector<16xf32>,
      %parallel_loop3A_28 = arith.index_cast %parallel_loop3A_25 : i32 to index
      %parallel_loop3A_29 = tpu.vector_load %arg19[%parallel_loop3A_28] {strides = array<i32>} : memref<10240xf32, #tpu.memory_space<vmem>>, vector<16xf32>,
      tpu.vector_store %arg19[%parallel_loop3A_28], %broadcast_in_dim3A_5 {strides = array<i32>} : memref<10240xf32, #tpu.memory_space<vmem>>, vector<16xf32>,
      %parallel_loop3A_30 = arith.index_cast %parallel_loop3A_25 : i32 to index
      %parallel_loop3A_31 = tpu.vector_load %arg20[%parallel_loop3A_30] {strides = array<i32>} : memref<10240xf32, #tpu.memory_space<vmem>>, vector<16xf32>,
      tpu.vector_store %arg20[%parallel_loop3A_30], %broadcast_in_dim3A_5 {strides = array<i32>} : memref<10240xf32, #tpu.memory_space<vmem>>, vector<16xf32>,
    } {sc.loop_unroll_factor = 4 : i64, sc.parallel_access}
    %broadcast_in_dim3A_12 = arith.constant 1.000000e+00 : f32
    %broadcast_in_dim3A_13 = vector.broadcast %broadcast_in_dim3A_12 : f32 to vector<16xf32>
    %parallel_loop3A_14 = arith.constant 0 : i32
    %parallel_loop3A_15 = arith.constant 625 : i32
    %parallel_loop3A_16 = arith.constant 1 : i32
    scf.for %parallel_loop3A_23 = %parallel_loop3A_14 to %parallel_loop3A_15 step %parallel_loop3A_16  : i32 {
      %parallel_loop3A_24 = arith.constant 16 : i32
      %parallel_loop3A_25 = arith.muli %parallel_loop3A_23, %parallel_loop3A_24 : i32
      %parallel_loop3A_26 = arith.index_cast %parallel_loop3A_25 : i32 to index
      %parallel_loop3A_27 = tpu.vector_load %arg14[%parallel_loop3A_26] {strides = array<i32>} : memref<10000xi32, #tpu.memory_space<vmem>>, vector<16xi32>,
      %parallel_loop3A_28 = arith.index_cast %parallel_loop3A_25 : i32 to index
      %parallel_loop3A_29 = tpu.vector_load %arg15[%parallel_loop3A_28] {strides = array<i32>} : memref<10000xi32, #tpu.memory_space<vmem>>, vector<16xi32>,
      %parallel_loop3A_30 = arith.index_cast %parallel_loop3A_25 : i32 to index
      %parallel_loop3A_31 = tpu.vector_load %arg16[%parallel_loop3A_30] {strides = array<i32>} : memref<10000xi32, #tpu.memory_space<vmem>>, vector<16xi32>,
      %parallel_loop3A_32 = tpu.vector_load_idx %arg13[%parallel_loop3A_31] : memref<128xf32, #tpu.memory_space<vmem>>[vector<16xi32>], vector<16xf32>,
      %parallel_loop3A_33 = tpu.vector_load_idx %arg11[%parallel_loop3A_27] : memref<10240xf32, #tpu.memory_space<vmem>>[vector<16xi32>], vector<16xf32>,
      %parallel_loop3A_34 = tpu.vector_load_idx %arg12[%parallel_loop3A_29] : memref<10240xf32, #tpu.memory_space<vmem>>[vector<16xi32>], vector<16xf32>,
      %parallel_loop3A_35 = arith.addf %parallel_loop3A_33, %parallel_loop3A_34 : vector<16xf32>
      %parallel_loop3A_36 = arith.addf %parallel_loop3A_35, %parallel_loop3A_32 : vector<16xf32>
      %parallel_loop3A_37 = arith.constant 0.000000e+00 : f32
      %parallel_loop3A_38 = vector.broadcast %parallel_loop3A_37 : f32 to vector<16xf32>
      %parallel_loop3A_39 = arith.cmpf oge, %parallel_loop3A_36, %parallel_loop3A_38 : vector<16xf32>
      %parallel_loop3A_40 = arith.constant 2.000000e-01 : f32
      %parallel_loop3A_41 = vector.broadcast %parallel_loop3A_40 : f32 to vector<16xf32>
      %parallel_loop3A_42 = arith.mulf %parallel_loop3A_41, %parallel_loop3A_36 : vector<16xf32>
      %parallel_loop3A_43 = arith.select %parallel_loop3A_39, %parallel_loop3A_36, %parallel_loop3A_42 : vector<16xi1>, vector<16xf32>
      %parallel_loop3A_44 = arith.index_cast %parallel_loop3A_25 : i32 to index
      %parallel_loop3A_45 = tpu.vector_load %arg17[%parallel_loop3A_44] {strides = array<i32>} : memref<10000xf32, #tpu.memory_space<vmem>>, vector<16xf32>,
      tpu.vector_store %arg17[%parallel_loop3A_44], %parallel_loop3A_43 {strides = array<i32>} : memref<10000xf32, #tpu.memory_space<vmem>>, vector<16xf32>,
      tpu.vector_store_idx %arg20[%parallel_loop3A_29], %broadcast_in_dim3A_13 {add = true} : memref<10240xf32, #tpu.memory_space<vmem>>[vector<16xi32>], vector<16xf32>,
      tpu.vector_store_idx %arg19[%parallel_loop3A_29], %parallel_loop3A_32 {add = true} : memref<10240xf32, #tpu.memory_space<vmem>>[vector<16xi32>], vector<16xf32>,
    } {sc.loop_unroll_factor = 4 : i64, sc.parallel_access}
    %scan3A = arith.constant 0 : i32
    %scan3A_17 = arith.constant 0 : i32
    %scan3A_18 = arith.constant 625 : i32
    %scan3A_19 = arith.addi %scan3A_17, %scan3A_18 : i32
    %scan3A_20 = arith.constant 1 : i32
    %scan3A_21 = scf.for %scan3A_23 = %scan3A_17 to %scan3A_19 step %scan3A_20 iter_args(%scan3A_24 = %scan3A) -> (i32)  : i32 {
      %mul3A_25 = arith.constant 16 : i32
      %mul3A_26 = arith.muli %scan3A_23, %mul3A_25 : i32
      %get3A = arith.index_cast %mul3A_26 : i32 to index
      %get3A_27 = tpu.vector_load %arg15[%get3A] {strides = array<i32>} : memref<10000xi32, #tpu.memory_space<vmem>>, vector<16xi32>,
      %get3A_28 = arith.index_cast %mul3A_26 : i32 to index
      %get3A_29 = tpu.vector_load %arg17[%get3A_28] {strides = array<i32>} : memref<10000xf32, #tpu.memory_space<vmem>>, vector<16xf32>,
      %gather3A = tpu.vector_load_idx %arg18[%get3A_27] : memref<10240xf32, #tpu.memory_space<vmem>>[vector<16xi32>], vector<16xf32>,
      %gt3A = arith.cmpf ogt, %get3A_29, %gather3A : vector<16xf32>
      tpu.vector_store_idx %arg18[%get3A_27], %get3A_29 masked %gt3A : memref<10240xf32, #tpu.memory_space<vmem>>[vector<16xi32>], vector<16xf32>, vector<16xi1>
      %gather3A_30 = tpu.vector_load_idx %arg18[%get3A_27] : memref<10240xf32, #tpu.memory_space<vmem>>[vector<16xi32>], vector<16xf32>,
      %gt3A_31 = arith.cmpf ogt, %get3A_29, %gather3A_30 : vector<16xf32>
      %reduce_or3A = arith.constant 1.000000e+00 : f32
      %reduce_or3A_32 = arith.constant 0.000000e+00 : f32
      %reduce_or3A_33 = vector.broadcast %reduce_or3A : f32 to vector<16xf32>
      %reduce_or3A_34 = vector.broadcast %reduce_or3A_32 : f32 to vector<16xf32>
      %reduce_or3A_35 = arith.select %gt3A_31, %reduce_or3A_33, %reduce_or3A_34 : vector<16xi1>, vector<16xf32>
      %reduce_or3A_36 = arith.constant true
      %reduce_or3A_37 = vector.broadcast %reduce_or3A_36 : i1 to vector<16xi1>
      %reduce_or3A_38 = tpu.scan <max>, %reduce_or3A_35 masked %reduce_or3A_37 : vector<16xf32>, vector<16xi1> -> vector<16xf32>
      %reduce_or3A_39 = vector.extract %reduce_or3A_38[15] : f32 from vector<16xf32>
      %reduce_or3A_40 = arith.constant 0.000000e+00 : f32
      %reduce_or3A_41 = arith.cmpf ogt, %reduce_or3A_39, %reduce_or3A_40 : f32
      %convert_element_type3A = arith.extui %reduce_or3A_41 : i1 to i32
      %cond3A = arith.constant 0 : i32
      %cond3A_42 = arith.cmpi ne, %convert_element_type3A, %cond3A : i32
      scf.if %cond3A_42 {
        %while3A = scf.while (%while3A_44 = %gather3A_30) : (vector<16xf32>) -> vector<16xf32> {
          %gt3A_45 = arith.cmpf ogt, %get3A_29, %while3A_44 : vector<16xf32>
          %reduce_or3A_46 = arith.constant 1.000000e+00 : f32
          %reduce_or3A_47 = arith.constant 0.000000e+00 : f32
          %reduce_or3A_48 = vector.broadcast %reduce_or3A_46 : f32 to vector<16xf32>
          %reduce_or3A_49 = vector.broadcast %reduce_or3A_47 : f32 to vector<16xf32>
          %reduce_or3A_50 = arith.select %gt3A_45, %reduce_or3A_48, %reduce_or3A_49 : vector<16xi1>, vector<16xf32>
          %reduce_or3A_51 = arith.constant true
          %reduce_or3A_52 = vector.broadcast %reduce_or3A_51 : i1 to vector<16xi1>
          %reduce_or3A_53 = tpu.scan <max>, %reduce_or3A_50 masked %reduce_or3A_52 : vector<16xf32>, vector<16xi1> -> vector<16xf32>
          %reduce_or3A_54 = vector.extract %reduce_or3A_53[15] : f32 from vector<16xf32>
          %reduce_or3A_55 = arith.constant 0.000000e+00 : f32
          %reduce_or3A_56 = arith.cmpf ogt, %reduce_or3A_54, %reduce_or3A_55 : f32
          scf.condition(%reduce_or3A_56) %while3A_44 : vector<16xf32>
        } do {
        ^bb0(%while3A_44: vector<16xf32>):
          %gt3A_45 = arith.cmpf ogt, %get3A_29, %while3A_44 : vector<16xf32>
          tpu.vector_store_idx %arg18[%get3A_27], %get3A_29 masked %gt3A_45 : memref<10240xf32, #tpu.memory_space<vmem>>[vector<16xi32>], vector<16xf32>, vector<16xi1>
          %gather3A_46 = tpu.vector_load_idx %arg18[%get3A_27] : memref<10240xf32, #tpu.memory_space<vmem>>[vector<16xi32>], vector<16xf32>,
          scf.yield %gather3A_46 : vector<16xf32>
        }
      } else {
      }
      %scan3A_43 = arith.constant 0 : i32
      scf.yield %scan3A_43 : i32
    }
    %scan3A_22 = arith.constant 625 : i32
    "tpu.region"() ({
      %run_scoped3A = tpu.sem_alloc : memref<!tpu.dma_semaphore, #tpu.memory_space<semaphore_mem>>
      %dma_start3A = tpu.memref_slice %arg7[%mul3A_2] : memref<320000xf32, #tpu.memory_space<hbm>> -> memref<10000xf32, #tpu.memory_space<hbm>>
      %dma_start3A_23 = tpu.memref_slice %arg7[%mul3A_2] : memref<320000xf32, #tpu.memory_space<hbm>> -> memref<10000xf32, #tpu.memory_space<hbm>>
      tpu.enqueue_dma source(%arg17 : memref<10000xf32, #tpu.memory_space<vmem>>) target(%dma_start3A_23 : memref<10000xf32, #tpu.memory_space<hbm>>) target_semaphore(%run_scoped3A : memref<!tpu.dma_semaphore, #tpu.memory_space<semaphore_mem>>)
      %dma_wait3A = tpu.memref_slice %arg7[%mul3A_2] : memref<320000xf32, #tpu.memory_space<hbm>> -> memref<10000xf32, #tpu.memory_space<hbm>>
      %dma_wait3A_24 = tpu.memref_slice %arg7[%mul3A_2] : memref<320000xf32, #tpu.memory_space<hbm>> -> memref<10000xf32, #tpu.memory_space<hbm>>
      tpu.wait_dma2 semaphore(%run_scoped3A : memref<!tpu.dma_semaphore, #tpu.memory_space<semaphore_mem>>) src(%arg17 : memref<10000xf32, #tpu.memory_space<vmem>>) dst(%dma_wait3A_24 : memref<10000xf32, #tpu.memory_space<hbm>>)
      tpu.yield
    }) : () -> ()
    "tpu.region"() ({
      %run_scoped3A = tpu.sem_alloc : memref<!tpu.dma_semaphore, #tpu.memory_space<semaphore_mem>>
      %dma_start3A = arith.constant 0 : i32
      %dma_start3A_23 = tpu.memref_slice %arg8[%add3A, %dma_start3A] : memref<32x10240xf32, #tpu.memory_space<hbm>> -> memref<1x10240xf32, #tpu.memory_space<hbm>>
      %dma_start3A_24 = tpu.memref_squeeze %dma_start3A_23 : memref<1x10240xf32, #tpu.memory_space<hbm>> -> memref<10240xf32, #tpu.memory_space<hbm>>
      %dma_start3A_25 = arith.constant 0 : i32
      %dma_start3A_26 = tpu.memref_slice %arg8[%add3A, %dma_start3A_25] : memref<32x10240xf32, #tpu.memory_space<hbm>> -> memref<1x10240xf32, #tpu.memory_space<hbm>>
      %dma_start3A_27 = tpu.memref_squeeze %dma_start3A_26 : memref<1x10240xf32, #tpu.memory_space<hbm>> -> memref<10240xf32, #tpu.memory_space<hbm>>
      tpu.enqueue_dma source(%arg18 : memref<10240xf32, #tpu.memory_space<vmem>>) target(%dma_start3A_27 : memref<10240xf32, #tpu.memory_space<hbm>>) target_semaphore(%run_scoped3A : memref<!tpu.dma_semaphore, #tpu.memory_space<semaphore_mem>>)
      %dma_wait3A = arith.constant 0 : i32
      %dma_wait3A_28 = tpu.memref_slice %arg8[%add3A, %dma_wait3A] : memref<32x10240xf32, #tpu.memory_space<hbm>> -> memref<1x10240xf32, #tpu.memory_space<hbm>>
      %dma_wait3A_29 = tpu.memref_squeeze %dma_wait3A_28 : memref<1x10240xf32, #tpu.memory_space<hbm>> -> memref<10240xf32, #tpu.memory_space<hbm>>
      %dma_wait3A_30 = arith.constant 0 : i32
      %dma_wait3A_31 = tpu.memref_slice %arg8[%add3A, %dma_wait3A_30] : memref<32x10240xf32, #tpu.memory_space<hbm>> -> memref<1x10240xf32, #tpu.memory_space<hbm>>
      %dma_wait3A_32 = tpu.memref_squeeze %dma_wait3A_31 : memref<1x10240xf32, #tpu.memory_space<hbm>> -> memref<10240xf32, #tpu.memory_space<hbm>>
      tpu.wait_dma2 semaphore(%run_scoped3A : memref<!tpu.dma_semaphore, #tpu.memory_space<semaphore_mem>>) src(%arg18 : memref<10240xf32, #tpu.memory_space<vmem>>) dst(%dma_wait3A_32 : memref<10240xf32, #tpu.memory_space<hbm>>)
      tpu.yield
    }) : () -> ()
    "tpu.region"() ({
      %run_scoped3A = tpu.sem_alloc : memref<!tpu.dma_semaphore, #tpu.memory_space<semaphore_mem>>
      %dma_start3A = arith.constant 0 : i32
      %dma_start3A_23 = tpu.memref_slice %arg9[%add3A, %dma_start3A] : memref<32x10240xf32, #tpu.memory_space<hbm>> -> memref<1x10240xf32, #tpu.memory_space<hbm>>
      %dma_start3A_24 = tpu.memref_squeeze %dma_start3A_23 : memref<1x10240xf32, #tpu.memory_space<hbm>> -> memref<10240xf32, #tpu.memory_space<hbm>>
      %dma_start3A_25 = arith.constant 0 : i32
      %dma_start3A_26 = tpu.memref_slice %arg9[%add3A, %dma_start3A_25] : memref<32x10240xf32, #tpu.memory_space<hbm>> -> memref<1x10240xf32, #tpu.memory_space<hbm>>
      %dma_start3A_27 = tpu.memref_squeeze %dma_start3A_26 : memref<1x10240xf32, #tpu.memory_space<hbm>> -> memref<10240xf32, #tpu.memory_space<hbm>>
      tpu.enqueue_dma source(%arg19 : memref<10240xf32, #tpu.memory_space<vmem>>) target(%dma_start3A_27 : memref<10240xf32, #tpu.memory_space<hbm>>) target_semaphore(%run_scoped3A : memref<!tpu.dma_semaphore, #tpu.memory_space<semaphore_mem>>)
      %dma_wait3A = arith.constant 0 : i32
      %dma_wait3A_28 = tpu.memref_slice %arg9[%add3A, %dma_wait3A] : memref<32x10240xf32, #tpu.memory_space<hbm>> -> memref<1x10240xf32, #tpu.memory_space<hbm>>
      %dma_wait3A_29 = tpu.memref_squeeze %dma_wait3A_28 : memref<1x10240xf32, #tpu.memory_space<hbm>> -> memref<10240xf32, #tpu.memory_space<hbm>>
      %dma_wait3A_30 = arith.constant 0 : i32
      %dma_wait3A_31 = tpu.memref_slice %arg9[%add3A, %dma_wait3A_30] : memref<32x10240xf32, #tpu.memory_space<hbm>> -> memref<1x10240xf32, #tpu.memory_space<hbm>>
      %dma_wait3A_32 = tpu.memref_squeeze %dma_wait3A_31 : memref<1x10240xf32, #tpu.memory_space<hbm>> -> memref<10240xf32, #tpu.memory_space<hbm>>
      tpu.wait_dma2 semaphore(%run_scoped3A : memref<!tpu.dma_semaphore, #tpu.memory_space<semaphore_mem>>) src(%arg19 : memref<10240xf32, #tpu.memory_space<vmem>>) dst(%dma_wait3A_32 : memref<10240xf32, #tpu.memory_space<hbm>>)
      tpu.yield
    }) : () -> ()
    "tpu.region"() ({
      %run_scoped3A = tpu.sem_alloc : memref<!tpu.dma_semaphore, #tpu.memory_space<semaphore_mem>>
      %dma_start3A = arith.constant 0 : i32
      %dma_start3A_23 = tpu.memref_slice %arg10[%add3A, %dma_start3A] : memref<32x10240xf32, #tpu.memory_space<hbm>> -> memref<1x10240xf32, #tpu.memory_space<hbm>>
      %dma_start3A_24 = tpu.memref_squeeze %dma_start3A_23 : memref<1x10240xf32, #tpu.memory_space<hbm>> -> memref<10240xf32, #tpu.memory_space<hbm>>
      %dma_start3A_25 = arith.constant 0 : i32
      %dma_start3A_26 = tpu.memref_slice %arg10[%add3A, %dma_start3A_25] : memref<32x10240xf32, #tpu.memory_space<hbm>> -> memref<1x10240xf32, #tpu.memory_space<hbm>>
      %dma_start3A_27 = tpu.memref_squeeze %dma_start3A_26 : memref<1x10240xf32, #tpu.memory_space<hbm>> -> memref<10240xf32, #tpu.memory_space<hbm>>
      tpu.enqueue_dma source(%arg20 : memref<10240xf32, #tpu.memory_space<vmem>>) target(%dma_start3A_27 : memref<10240xf32, #tpu.memory_space<hbm>>) target_semaphore(%run_scoped3A : memref<!tpu.dma_semaphore, #tpu.memory_space<semaphore_mem>>)
      %dma_wait3A = arith.constant 0 : i32
      %dma_wait3A_28 = tpu.memref_slice %arg10[%add3A, %dma_wait3A] : memref<32x10240xf32, #tpu.memory_space<hbm>> -> memref<1x10240xf32, #tpu.memory_space<hbm>>
      %dma_wait3A_29 = tpu.memref_squeeze %dma_wait3A_28 : memref<1x10240xf32, #tpu.memory_space<hbm>> -> memref<10240xf32, #tpu.memory_space<hbm>>
      %dma_wait3A_30 = arith.constant 0 : i32
      %dma_wait3A_31 = tpu.memref_slice %arg10[%add3A, %dma_wait3A_30] : memref<32x10240xf32, #tpu.memory_space<hbm>> -> memref<1x10240xf32, #tpu.memory_space<hbm>>
      %dma_wait3A_32 = tpu.memref_squeeze %dma_wait3A_31 : memref<1x10240xf32, #tpu.memory_space<hbm>> -> memref<10240xf32, #tpu.memory_space<hbm>>
      tpu.wait_dma2 semaphore(%run_scoped3A : memref<!tpu.dma_semaphore, #tpu.memory_space<semaphore_mem>>) src(%arg20 : memref<10240xf32, #tpu.memory_space<vmem>>) dst(%dma_wait3A_32 : memref<10240xf32, #tpu.memory_space<hbm>>)
      tpu.yield
    }) : () -> ()
    return
  }
}

module attributes {stable_mosaic.version = 14 : i64} {
  func.func @_mlp_prep_body(%arg0: i32, %arg1: memref<2048x128xf32, #tpu.memory_space<vmem>>, %arg2: memref<128x256xf32, #tpu.memory_space<vmem>>, %arg3: memref<256xf32, #tpu.memory_space<vmem>>, %arg4: memref<256x128xf32, #tpu.memory_space<vmem>>, %arg5: memref<128xf32, #tpu.memory_space<vmem>>, %arg6: memref<128x128xf32, #tpu.memory_space<vmem>>, %arg7: memref<128x1xf32, #tpu.memory_space<vmem>>, %arg8: memref<128x1xf32, #tpu.memory_space<vmem>>, %arg9: memref<26x32xf32, #tpu.memory_space<vmem>>, %arg10: memref<32x128xf32, #tpu.memory_space<vmem>>, %arg11: memref<128x1xf32, #tpu.memory_space<vmem>>, %arg12: memref<2048x128xf32, #tpu.memory_space<vmem>>, %arg13: memref<2048xf32, #tpu.memory_space<vmem>>, %arg14: memref<2048xf32, #tpu.memory_space<vmem>>, %arg15: memref<128xf32, #tpu.memory_space<vmem>>) attributes {dimension_semantics = [#tpu.dimension_semantics<arbitrary>], iteration_bounds = array<i64: 5>, scalar_prefetch = 0 : i64, scratch_operands = 0 : i64, tpu.core_type = #tpu.core_type<tc>, window_params = [{transform_indices = @transform_0, window_bounds = array<i64: 2048, 128>}, {pipeline_mode = #tpu.pipeline_mode<synchronous>, transform_indices = @transform_1, window_bounds = array<i64: 128, 256>}, {pipeline_mode = #tpu.pipeline_mode<synchronous>, transform_indices = @transform_2, window_bounds = array<i64: 256>}, {pipeline_mode = #tpu.pipeline_mode<synchronous>, transform_indices = @transform_3, window_bounds = array<i64: 256, 128>}, {pipeline_mode = #tpu.pipeline_mode<synchronous>, transform_indices = @transform_4, window_bounds = array<i64: 128>}, {pipeline_mode = #tpu.pipeline_mode<synchronous>, transform_indices = @transform_5, window_bounds = array<i64: 128, 128>}, {pipeline_mode = #tpu.pipeline_mode<synchronous>, transform_indices = @transform_6, window_bounds = array<i64: 128, 1>}, {pipeline_mode = #tpu.pipeline_mode<synchronous>, transform_indices = @transform_7, window_bounds = array<i64: 128, 1>}, {pipeline_mode = #tpu.pipeline_mode<synchronous>, transform_indices = @transform_8, window_bounds = array<i64: 26, 32>}, {pipeline_mode = #tpu.pipeline_mode<synchronous>, transform_indices = @transform_9, window_bounds = array<i64: 32, 128>}, {pipeline_mode = #tpu.pipeline_mode<synchronous>, transform_indices = @transform_10, window_bounds = array<i64: 128, 1>}, {transform_indices = @transform_11, window_bounds = array<i64: 2048, 128>}, {transform_indices = @transform_12, window_bounds = array<i64: 2048>}, {transform_indices = @transform_13, window_bounds = array<i64: 2048>}, {pipeline_mode = #tpu.pipeline_mode<synchronous>, transform_indices = @transform_14, window_bounds = array<i64: 128>}]} {
    %get3A = arith.constant 0 : index
    %get3A_0 = arith.constant 0 : index
    %get3A_1 = vector.load %arg1[%get3A, %get3A_0] : memref<2048x128xf32, #tpu.memory_space<vmem>>, vector<2048x128xf32>
    %get3A_2 = arith.constant 0 : index
    %get3A_3 = arith.constant 0 : index
    %get3A_4 = vector.load %arg2[%get3A_2, %get3A_3] : memref<128x256xf32, #tpu.memory_space<vmem>>, vector<128x256xf32>
    %dot_general3A = arith.constant dense<0.000000e+00> : vector<2048x256xf32>
    %dot_general3A_5 = tpu.matmul %get3A_1, %get3A_4, %dot_general3A {dimension_numbers = #tpu.dot_dimension_numbers<[1], [0], [0], [1], [0, 0, 1, 1], [], []>, transpose_lhs_hint = false} : vector<2048x128xf32>, vector<128x256xf32>, vector<2048x256xf32> -> vector<2048x256xf32>
    %get3A_6 = arith.constant 0 : index
    %get3A_7 = vector.load %arg3[%get3A_6] : memref<256xf32, #tpu.memory_space<vmem>>, vector<256xf32>
    %broadcast_in_dim3A = vector.shape_cast %get3A_7 : vector<256xf32> to vector<1x256xf32>
    %add3A = vector.broadcast %broadcast_in_dim3A : vector<1x256xf32> to vector<2048x256xf32>
    %add3A_8 = arith.addf %dot_general3A_5, %add3A : vector<2048x256xf32>
    %max3A = arith.constant 0.000000e+00 : f32
    %max3A_9 = vector.broadcast %max3A : f32 to vector<2048x256xf32>
    %max3A_10 = arith.maximumf %add3A_8, %max3A_9 : vector<2048x256xf32>
    %get3A_11 = arith.constant 0 : index
    %get3A_12 = arith.constant 0 : index
    %get3A_13 = vector.load %arg4[%get3A_11, %get3A_12] : memref<256x128xf32, #tpu.memory_space<vmem>>, vector<256x128xf32>
    %dot_general3A_14 = arith.constant dense<0.000000e+00> : vector<2048x128xf32>
    %dot_general3A_15 = tpu.matmul %max3A_10, %get3A_13, %dot_general3A_14 {dimension_numbers = #tpu.dot_dimension_numbers<[1], [0], [0], [1], [0, 0, 1, 1], [], []>, transpose_lhs_hint = false} : vector<2048x256xf32>, vector<256x128xf32>, vector<2048x128xf32> -> vector<2048x128xf32>
    %get3A_16 = arith.constant 0 : index
    %get3A_17 = vector.load %arg5[%get3A_16] : memref<128xf32, #tpu.memory_space<vmem>>, vector<128xf32>
    %broadcast_in_dim3A_18 = vector.shape_cast %get3A_17 : vector<128xf32> to vector<1x128xf32>
    %add3A_19 = vector.broadcast %broadcast_in_dim3A_18 : vector<1x128xf32> to vector<2048x128xf32>
    %add3A_20 = arith.addf %dot_general3A_15, %add3A_19 : vector<2048x128xf32>
    %get3A_21 = arith.constant 0 : index
    %get3A_22 = arith.constant 0 : index
    %get3A_23 = vector.load %arg6[%get3A_21, %get3A_22] : memref<128x128xf32, #tpu.memory_space<vmem>>, vector<128x128xf32>
    %dot_general3A_24 = arith.constant dense<0.000000e+00> : vector<2048x128xf32>
    %dot_general3A_25 = tpu.matmul %add3A_20, %get3A_23, %dot_general3A_24 {dimension_numbers = #tpu.dot_dimension_numbers<[1], [0], [0], [1], [0, 0, 1, 1], [], []>, transpose_lhs_hint = false} : vector<2048x128xf32>, vector<128x128xf32>, vector<2048x128xf32> -> vector<2048x128xf32>
    %swap3A = arith.constant 0 : index
    %swap3A_26 = arith.constant 0 : index
    %swap3A_27 = vector.load %arg12[%swap3A, %swap3A_26] : memref<2048x128xf32, #tpu.memory_space<vmem>>, vector<2048x128xf32>
    tpu.vector_store %arg12[%swap3A, %swap3A_26], %dot_general3A_25 {strides = array<i32>} : memref<2048x128xf32, #tpu.memory_space<vmem>>, vector<2048x128xf32>,
    %get3A_28 = arith.constant 0 : index
    %get3A_29 = arith.constant 0 : index
    %get3A_30 = vector.load %arg7[%get3A_28, %get3A_29] : memref<128x1xf32, #tpu.memory_space<vmem>>, vector<128x1xf32>
    %dot_general3A_31 = arith.constant dense<0.000000e+00> : vector<2048x1xf32>
    %dot_general3A_32 = tpu.matmul %dot_general3A_25, %get3A_30, %dot_general3A_31 {dimension_numbers = #tpu.dot_dimension_numbers<[1], [0], [0], [1], [0, 0, 1, 1], [], []>, transpose_lhs_hint = false} : vector<2048x128xf32>, vector<128x1xf32>, vector<2048x1xf32> -> vector<2048x1xf32>
    %squeeze3A = vector.shape_cast %dot_general3A_32 : vector<2048x1xf32> to vector<2048xf32>
    %swap3A_33 = arith.constant 0 : index
    %swap3A_34 = vector.load %arg13[%swap3A_33] : memref<2048xf32, #tpu.memory_space<vmem>>, vector<2048xf32>
    tpu.vector_store %arg13[%swap3A_33], %squeeze3A {strides = array<i32>} : memref<2048xf32, #tpu.memory_space<vmem>>, vector<2048xf32>,
    %get3A_35 = arith.constant 0 : index
    %get3A_36 = arith.constant 0 : index
    %get3A_37 = vector.load %arg8[%get3A_35, %get3A_36] : memref<128x1xf32, #tpu.memory_space<vmem>>, vector<128x1xf32>
    %dot_general3A_38 = arith.constant dense<0.000000e+00> : vector<2048x1xf32>
    %dot_general3A_39 = tpu.matmul %dot_general3A_25, %get3A_37, %dot_general3A_38 {dimension_numbers = #tpu.dot_dimension_numbers<[1], [0], [0], [1], [0, 0, 1, 1], [], []>, transpose_lhs_hint = false} : vector<2048x128xf32>, vector<128x1xf32>, vector<2048x1xf32> -> vector<2048x1xf32>
    %squeeze3A_40 = vector.shape_cast %dot_general3A_39 : vector<2048x1xf32> to vector<2048xf32>
    %swap3A_41 = arith.constant 0 : index
    %swap3A_42 = vector.load %arg14[%swap3A_41] : memref<2048xf32, #tpu.memory_space<vmem>>, vector<2048xf32>
    tpu.vector_store %arg14[%swap3A_41], %squeeze3A_40 {strides = array<i32>} : memref<2048xf32, #tpu.memory_space<vmem>>, vector<2048xf32>,
    %get3A_43 = arith.constant 0 : index
    %get3A_44 = arith.constant 0 : index
    %get3A_45 = vector.load %arg9[%get3A_43, %get3A_44] : memref<26x32xf32, #tpu.memory_space<vmem>>, vector<26x32xf32>
    %get3A_46 = arith.constant 0 : index
    %get3A_47 = arith.constant 0 : index
    %get3A_48 = vector.load %arg10[%get3A_46, %get3A_47] : memref<32x128xf32, #tpu.memory_space<vmem>>, vector<32x128xf32>
    %get3A_49 = arith.constant 0 : index
    %get3A_50 = arith.constant 0 : index
    %get3A_51 = vector.load %arg11[%get3A_49, %get3A_50] : memref<128x1xf32, #tpu.memory_space<vmem>>, vector<128x1xf32>
    %dot_general3A_52 = arith.constant dense<0.000000e+00> : vector<32x1xf32>
    %dot_general3A_53 = tpu.matmul %get3A_48, %get3A_51, %dot_general3A_52 {dimension_numbers = #tpu.dot_dimension_numbers<[1], [0], [0], [1], [0, 0, 1, 1], [], []>, transpose_lhs_hint = false} : vector<32x128xf32>, vector<128x1xf32>, vector<32x1xf32> -> vector<32x1xf32>
    %dot_general3A_54 = arith.constant dense<0.000000e+00> : vector<26x1xf32>
    %dot_general3A_55 = tpu.matmul %get3A_45, %dot_general3A_53, %dot_general3A_54 {dimension_numbers = #tpu.dot_dimension_numbers<[1], [0], [0], [1], [0, 0, 1, 1], [], []>, transpose_lhs_hint = false} : vector<26x32xf32>, vector<32x1xf32>, vector<26x1xf32> -> vector<26x1xf32>
    %broadcast_in_dim3A_56 = arith.constant 0.000000e+00 : f32
    %broadcast_in_dim3A_57 = vector.broadcast %broadcast_in_dim3A_56 : f32 to vector<102x1xf32>
    %concatenate3A = tpu.concatenate %dot_general3A_55, %broadcast_in_dim3A_57 in 0 : vector<26x1xf32>, vector<102x1xf32> -> vector<128x1xf32>
    %squeeze3A_58 = vector.shape_cast %concatenate3A : vector<128x1xf32> to vector<128xf32>
    %swap3A_59 = arith.constant 0 : index
    %swap3A_60 = vector.load %arg15[%swap3A_59] : memref<128xf32, #tpu.memory_space<vmem>>, vector<128xf32>
    tpu.vector_store %arg15[%swap3A_59], %squeeze3A_58 {strides = array<i32>} : memref<128xf32, #tpu.memory_space<vmem>>, vector<128xf32>,
    return
  }
  func.func @transform_0(%arg0: i32) -> (i32, i32) {
    %c0_i32 = arith.constant 0 : i32
    %c0_i32_0 = arith.constant 0 : i32
    return %arg0, %c0_i32 : i32, i32
  }
  func.func @transform_1(%arg0: i32) -> (i32, i32) {
    %c0_i32 = arith.constant 0 : i32
    %c0_i32_0 = arith.constant 0 : i32
    %c0_i32_1 = arith.constant 0 : i32
    return %c0_i32, %c0_i32_0 : i32, i32
  }
  func.func @transform_2(%arg0: i32) -> i32 {
    %c0_i32 = arith.constant 0 : i32
    %c0_i32_0 = arith.constant 0 : i32
    return %c0_i32 : i32
  }
  func.func @transform_3(%arg0: i32) -> (i32, i32) {
    %c0_i32 = arith.constant 0 : i32
    %c0_i32_0 = arith.constant 0 : i32
    %c0_i32_1 = arith.constant 0 : i32
    return %c0_i32, %c0_i32_0 : i32, i32
  }
  func.func @transform_4(%arg0: i32) -> i32 {
    %c0_i32 = arith.constant 0 : i32
    %c0_i32_0 = arith.constant 0 : i32
    return %c0_i32 : i32
  }
  func.func @transform_5(%arg0: i32) -> (i32, i32) {
    %c0_i32 = arith.constant 0 : i32
    %c0_i32_0 = arith.constant 0 : i32
    %c0_i32_1 = arith.constant 0 : i32
    return %c0_i32, %c0_i32_0 : i32, i32
  }
  func.func @transform_6(%arg0: i32) -> (i32, i32) {
    %c0_i32 = arith.constant 0 : i32
    %c0_i32_0 = arith.constant 0 : i32
    %c0_i32_1 = arith.constant 0 : i32
    return %c0_i32, %c0_i32_0 : i32, i32
  }
  func.func @transform_7(%arg0: i32) -> (i32, i32) {
    %c0_i32 = arith.constant 0 : i32
    %c0_i32_0 = arith.constant 0 : i32
    %c0_i32_1 = arith.constant 0 : i32
    return %c0_i32, %c0_i32_0 : i32, i32
  }
  func.func @transform_8(%arg0: i32) -> (i32, i32) {
    %c0_i32 = arith.constant 0 : i32
    %c0_i32_0 = arith.constant 0 : i32
    %c0_i32_1 = arith.constant 0 : i32
    return %c0_i32, %c0_i32_0 : i32, i32
  }
  func.func @transform_9(%arg0: i32) -> (i32, i32) {
    %c0_i32 = arith.constant 0 : i32
    %c0_i32_0 = arith.constant 0 : i32
    %c0_i32_1 = arith.constant 0 : i32
    return %c0_i32, %c0_i32_0 : i32, i32
  }
  func.func @transform_10(%arg0: i32) -> (i32, i32) {
    %c0_i32 = arith.constant 0 : i32
    %c0_i32_0 = arith.constant 0 : i32
    %c0_i32_1 = arith.constant 0 : i32
    return %c0_i32, %c0_i32_0 : i32, i32
  }
  func.func @transform_11(%arg0: i32) -> (i32, i32) {
    %c0_i32 = arith.constant 0 : i32
    %c0_i32_0 = arith.constant 0 : i32
    return %arg0, %c0_i32 : i32, i32
  }
  func.func @transform_12(%arg0: i32) -> i32 {
    %c0_i32 = arith.constant 0 : i32
    return %arg0 : i32
  }
  func.func @transform_13(%arg0: i32) -> i32 {
    %c0_i32 = arith.constant 0 : i32
    return %arg0 : i32
  }
  func.func @transform_14(%arg0: i32) -> i32 {
    %c0_i32 = arith.constant 0 : i32
    %c0_i32_0 = arith.constant 0 : i32
    return %c0_i32 : i32
  }
}

module attributes {stable_mosaic.version = 14 : i64} {
  func.func @_combine_body(%arg0: memref<32x10240xf32, #tpu.memory_space<vmem>>, %arg1: memref<32x10240xf32, #tpu.memory_space<vmem>>, %arg2: memref<32x10240xf32, #tpu.memory_space<vmem>>, %arg3: memref<10240xf32, #tpu.memory_space<vmem>>, %arg4: memref<10240xf32, #tpu.memory_space<vmem>>, %arg5: memref<10240xf32, #tpu.memory_space<vmem>>, %arg6: memref<10240xf32, #tpu.memory_space<vmem>>) attributes {dimension_semantics = [], scalar_prefetch = 0 : i64, scratch_operands = 0 : i64, tpu.core_type = #tpu.core_type<tc>} {
    %get3A = arith.constant 0 : index
    %get3A_0 = arith.constant 0 : index
    %get3A_1 = vector.load %arg2[%get3A, %get3A_0] : memref<32x10240xf32, #tpu.memory_space<vmem>>, vector<32x10240xf32>
    %reduce_sum3A = arith.constant dense<0.000000e+00> : vector<10240xf32>
    %reduce_sum3A_2 = vector.multi_reduction <add>, %get3A_1, %reduce_sum3A [0] : vector<32x10240xf32> to vector<10240xf32>
    %get3A_3 = arith.constant 0 : index
    %get3A_4 = arith.constant 0 : index
    %get3A_5 = vector.load %arg1[%get3A_3, %get3A_4] : memref<32x10240xf32, #tpu.memory_space<vmem>>, vector<32x10240xf32>
    %reduce_sum3A_6 = arith.constant dense<0.000000e+00> : vector<10240xf32>
    %reduce_sum3A_7 = vector.multi_reduction <add>, %get3A_5, %reduce_sum3A_6 [0] : vector<32x10240xf32> to vector<10240xf32>
    %get3A_8 = arith.constant 0 : index
    %get3A_9 = arith.constant 0 : index
    %get3A_10 = vector.load %arg0[%get3A_8, %get3A_9] : memref<32x10240xf32, #tpu.memory_space<vmem>>, vector<32x10240xf32>
    %reduce_max3A = arith.constant dense<0xFF800000> : vector<10240xf32>
    %reduce_max3A_11 = vector.multi_reduction <maximumf>, %get3A_10, %reduce_max3A [0] : vector<32x10240xf32> to vector<10240xf32>
    %max3A = arith.constant 1.000000e+00 : f32
    %max3A_12 = vector.broadcast %max3A : f32 to vector<10240xf32>
    %max3A_13 = arith.maximumf %reduce_sum3A_2, %max3A_12 : vector<10240xf32>
    %div3A = arith.divf %reduce_sum3A_7, %max3A_13 : vector<10240xf32>
    %get3A_14 = arith.constant 0 : index
    %get3A_15 = vector.load %arg3[%get3A_14] : memref<10240xf32, #tpu.memory_space<vmem>>, vector<10240xf32>
    %get3A_16 = arith.constant 0 : index
    %get3A_17 = vector.load %arg4[%get3A_16] : memref<10240xf32, #tpu.memory_space<vmem>>, vector<10240xf32>
    %add3A = arith.addf %get3A_15, %get3A_17 : vector<10240xf32>
    %add3A_18 = arith.addf %add3A, %div3A : vector<10240xf32>
    %ge3A = arith.constant 0.000000e+00 : f32
    %ge3A_19 = vector.broadcast %ge3A : f32 to vector<10240xf32>
    %ge3A_20 = arith.cmpf oge, %add3A_18, %ge3A_19 : vector<10240xf32>
    %mul3A = arith.constant 2.000000e-01 : f32
    %mul3A_21 = vector.broadcast %mul3A : f32 to vector<10240xf32>
    %mul3A_22 = arith.mulf %mul3A_21, %add3A_18 : vector<10240xf32>
    %select_n3A = arith.select %ge3A_20, %add3A_18, %mul3A_22 : vector<10240xi1>, vector<10240xf32>
    %max3A_23 = arith.maximumf %reduce_max3A_11, %select_n3A : vector<10240xf32>
    %swap3A = arith.constant 0 : index
    %swap3A_24 = vector.load %arg5[%swap3A] : memref<10240xf32, #tpu.memory_space<vmem>>, vector<10240xf32>
    tpu.vector_store %arg5[%swap3A], %max3A_23 {strides = array<i32>} : memref<10240xf32, #tpu.memory_space<vmem>>, vector<10240xf32>,
    %sub3A = arith.subf %select_n3A, %max3A_23 : vector<10240xf32>
    %exp3A = math.exp %sub3A : vector<10240xf32>
    %swap3A_25 = arith.constant 0 : index
    %swap3A_26 = vector.load %arg6[%swap3A_25] : memref<10240xf32, #tpu.memory_space<vmem>>, vector<10240xf32>
    tpu.vector_store %arg6[%swap3A_25], %exp3A {strides = array<i32>} : memref<10240xf32, #tpu.memory_space<vmem>>, vector<10240xf32>,
    return
  }
}

module attributes {stable_mosaic.version = 14 : i64} {
  func.func @_fin_prep_body(%arg0: i32, %arg1: memref<2x2048x128xf32, #tpu.memory_space<vmem>>, %arg2: memref<32x2048xf32, #tpu.memory_space<vmem>>, %arg3: memref<2048x128xf32, #tpu.memory_space<vmem>>, %arg4: memref<2048xf32, #tpu.memory_space<vmem>>, %arg5: memref<128xf32, #tpu.memory_space<vmem>>, %arg6: memref<128x128xf32, #tpu.memory_space<vmem>>, %arg7: memref<128x1xf32, #tpu.memory_space<vmem>>, %arg8: memref<128x1xf32, #tpu.memory_space<vmem>>, %arg9: memref<26x32xf32, #tpu.memory_space<vmem>>, %arg10: memref<32x128xf32, #tpu.memory_space<vmem>>, %arg11: memref<128x1xf32, #tpu.memory_space<vmem>>, %arg12: memref<2048x128xf32, #tpu.memory_space<vmem>>, %arg13: memref<2048xf32, #tpu.memory_space<vmem>>, %arg14: memref<2048xf32, #tpu.memory_space<vmem>>, %arg15: memref<128xf32, #tpu.memory_space<vmem>>) attributes {dimension_semantics = [#tpu.dimension_semantics<arbitrary>], iteration_bounds = array<i64: 5>, scalar_prefetch = 0 : i64, scratch_operands = 0 : i64, tpu.core_type = #tpu.core_type<tc>, window_params = [{transform_indices = @transform_0, window_bounds = array<i64: 2, 2048, 128>}, {transform_indices = @transform_1, window_bounds = array<i64: 32, 2048>}, {transform_indices = @transform_2, window_bounds = array<i64: 2048, 128>}, {transform_indices = @transform_3, window_bounds = array<i64: 2048>}, {pipeline_mode = #tpu.pipeline_mode<synchronous>, transform_indices = @transform_4, window_bounds = array<i64: 128>}, {pipeline_mode = #tpu.pipeline_mode<synchronous>, transform_indices = @transform_5, window_bounds = array<i64: 128, 128>}, {pipeline_mode = #tpu.pipeline_mode<synchronous>, transform_indices = @transform_6, window_bounds = array<i64: 128, 1>}, {pipeline_mode = #tpu.pipeline_mode<synchronous>, transform_indices = @transform_7, window_bounds = array<i64: 128, 1>}, {pipeline_mode = #tpu.pipeline_mode<synchronous>, transform_indices = @transform_8, window_bounds = array<i64: 26, 32>}, {pipeline_mode = #tpu.pipeline_mode<synchronous>, transform_indices = @transform_9, window_bounds = array<i64: 32, 128>}, {pipeline_mode = #tpu.pipeline_mode<synchronous>, transform_indices = @transform_10, window_bounds = array<i64: 128, 1>}, {transform_indices = @transform_11, window_bounds = array<i64: 2048, 128>}, {transform_indices = @transform_12, window_bounds = array<i64: 2048>}, {transform_indices = @transform_13, window_bounds = array<i64: 2048>}, {pipeline_mode = #tpu.pipeline_mode<synchronous>, transform_indices = @transform_14, window_bounds = array<i64: 128>}]} {
    %get3A = arith.constant 0 : index
    %get3A_0 = vector.load %arg4[%get3A] : memref<2048xf32, #tpu.memory_space<vmem>>, vector<2048xf32>
    %broadcast_in_dim3A = vector.shape_cast %get3A_0 : vector<2048xf32> to vector<2048x1xf32>
    %get3A_1 = arith.constant 0 : index
    %get3A_2 = arith.constant 0 : index
    %get3A_3 = vector.load %arg2[%get3A_1, %get3A_2] : memref<32x2048xf32, #tpu.memory_space<vmem>>, vector<32x2048xf32>
    %reduce_sum3A = arith.constant dense<0.000000e+00> : vector<2048xf32>
    %reduce_sum3A_4 = vector.multi_reduction <add>, %get3A_3, %reduce_sum3A [0] : vector<32x2048xf32> to vector<2048xf32>
    %broadcast_in_dim3A_5 = vector.shape_cast %reduce_sum3A_4 : vector<2048xf32> to vector<2048x1xf32>
    %add3A = arith.addf %broadcast_in_dim3A_5, %broadcast_in_dim3A : vector<2048x1xf32>
    %get3A_6 = arith.constant 0 : index
    %get3A_7 = arith.constant 0 : index
    %get3A_8 = arith.constant 0 : index
    %get3A_9 = vector.load %arg1[%get3A_6, %get3A_7, %get3A_8] : memref<2x2048x128xf32, #tpu.memory_space<vmem>>, vector<1x2048x128xf32>
    %get3A_10 = vector.shape_cast %get3A_9 : vector<1x2048x128xf32> to vector<2048x128xf32>
    %get3A_11 = arith.constant 1 : index
    %get3A_12 = arith.constant 0 : index
    %get3A_13 = arith.constant 0 : index
    %get3A_14 = vector.load %arg1[%get3A_11, %get3A_12, %get3A_13] : memref<2x2048x128xf32, #tpu.memory_space<vmem>>, vector<1x2048x128xf32>
    %get3A_15 = vector.shape_cast %get3A_14 : vector<1x2048x128xf32> to vector<2048x128xf32>
    %add3A_16 = arith.addf %get3A_10, %get3A_15 : vector<2048x128xf32>
    %get3A_17 = arith.constant 0 : index
    %get3A_18 = arith.constant 0 : index
    %get3A_19 = vector.load %arg3[%get3A_17, %get3A_18] : memref<2048x128xf32, #tpu.memory_space<vmem>>, vector<2048x128xf32>
    %mul3A = vector.broadcast %broadcast_in_dim3A : vector<2048x1xf32> to vector<2048x128xf32>
    %mul3A_20 = arith.mulf %get3A_19, %mul3A : vector<2048x128xf32>
    %add3A_21 = arith.addf %add3A_16, %mul3A_20 : vector<2048x128xf32>
    %div3A = vector.broadcast %add3A : vector<2048x1xf32> to vector<2048x128xf32>
    %div3A_22 = arith.divf %add3A_21, %div3A : vector<2048x128xf32>
    %get3A_23 = arith.constant 0 : index
    %get3A_24 = vector.load %arg5[%get3A_23] : memref<128xf32, #tpu.memory_space<vmem>>, vector<128xf32>
    %broadcast_in_dim3A_25 = vector.shape_cast %get3A_24 : vector<128xf32> to vector<1x128xf32>
    %add3A_26 = vector.broadcast %broadcast_in_dim3A_25 : vector<1x128xf32> to vector<2048x128xf32>
    %add3A_27 = arith.addf %div3A_22, %add3A_26 : vector<2048x128xf32>
    %max3A = arith.constant 0.000000e+00 : f32
    %max3A_28 = vector.broadcast %max3A : f32 to vector<2048x128xf32>
    %max3A_29 = arith.maximumf %add3A_27, %max3A_28 : vector<2048x128xf32>
    %get3A_30 = arith.constant 0 : index
    %get3A_31 = arith.constant 0 : index
    %get3A_32 = vector.load %arg6[%get3A_30, %get3A_31] : memref<128x128xf32, #tpu.memory_space<vmem>>, vector<128x128xf32>
    %dot_general3A = arith.constant dense<0.000000e+00> : vector<2048x128xf32>
    %dot_general3A_33 = tpu.matmul %max3A_29, %get3A_32, %dot_general3A {dimension_numbers = #tpu.dot_dimension_numbers<[1], [0], [0], [1], [0, 0, 1, 1], [], []>, transpose_lhs_hint = false} : vector<2048x128xf32>, vector<128x128xf32>, vector<2048x128xf32> -> vector<2048x128xf32>
    %swap3A = arith.constant 0 : index
    %swap3A_34 = arith.constant 0 : index
    %swap3A_35 = vector.load %arg12[%swap3A, %swap3A_34] : memref<2048x128xf32, #tpu.memory_space<vmem>>, vector<2048x128xf32>
    tpu.vector_store %arg12[%swap3A, %swap3A_34], %dot_general3A_33 {strides = array<i32>} : memref<2048x128xf32, #tpu.memory_space<vmem>>, vector<2048x128xf32>,
    %get3A_36 = arith.constant 0 : index
    %get3A_37 = arith.constant 0 : index
    %get3A_38 = vector.load %arg7[%get3A_36, %get3A_37] : memref<128x1xf32, #tpu.memory_space<vmem>>, vector<128x1xf32>
    %dot_general3A_39 = arith.constant dense<0.000000e+00> : vector<2048x1xf32>
    %dot_general3A_40 = tpu.matmul %dot_general3A_33, %get3A_38, %dot_general3A_39 {dimension_numbers = #tpu.dot_dimension_numbers<[1], [0], [0], [1], [0, 0, 1, 1], [], []>, transpose_lhs_hint = false} : vector<2048x128xf32>, vector<128x1xf32>, vector<2048x1xf32> -> vector<2048x1xf32>
    %squeeze3A = vector.shape_cast %dot_general3A_40 : vector<2048x1xf32> to vector<2048xf32>
    %swap3A_41 = arith.constant 0 : index
    %swap3A_42 = vector.load %arg13[%swap3A_41] : memref<2048xf32, #tpu.memory_space<vmem>>, vector<2048xf32>
    tpu.vector_store %arg13[%swap3A_41], %squeeze3A {strides = array<i32>} : memref<2048xf32, #tpu.memory_space<vmem>>, vector<2048xf32>,
    %get3A_43 = arith.constant 0 : index
    %get3A_44 = arith.constant 0 : index
    %get3A_45 = vector.load %arg8[%get3A_43, %get3A_44] : memref<128x1xf32, #tpu.memory_space<vmem>>, vector<128x1xf32>
    %dot_general3A_46 = arith.constant dense<0.000000e+00> : vector<2048x1xf32>
    %dot_general3A_47 = tpu.matmul %dot_general3A_33, %get3A_45, %dot_general3A_46 {dimension_numbers = #tpu.dot_dimension_numbers<[1], [0], [0], [1], [0, 0, 1, 1], [], []>, transpose_lhs_hint = false} : vector<2048x128xf32>, vector<128x1xf32>, vector<2048x1xf32> -> vector<2048x1xf32>
    %squeeze3A_48 = vector.shape_cast %dot_general3A_47 : vector<2048x1xf32> to vector<2048xf32>
    %swap3A_49 = arith.constant 0 : index
    %swap3A_50 = vector.load %arg14[%swap3A_49] : memref<2048xf32, #tpu.memory_space<vmem>>, vector<2048xf32>
    tpu.vector_store %arg14[%swap3A_49], %squeeze3A_48 {strides = array<i32>} : memref<2048xf32, #tpu.memory_space<vmem>>, vector<2048xf32>,
    %get3A_51 = arith.constant 0 : index
    %get3A_52 = arith.constant 0 : index
    %get3A_53 = vector.load %arg9[%get3A_51, %get3A_52] : memref<26x32xf32, #tpu.memory_space<vmem>>, vector<26x32xf32>
    %get3A_54 = arith.constant 0 : index
    %get3A_55 = arith.constant 0 : index
    %get3A_56 = vector.load %arg10[%get3A_54, %get3A_55] : memref<32x128xf32, #tpu.memory_space<vmem>>, vector<32x128xf32>
    %get3A_57 = arith.constant 0 : index
    %get3A_58 = arith.constant 0 : index
    %get3A_59 = vector.load %arg11[%get3A_57, %get3A_58] : memref<128x1xf32, #tpu.memory_space<vmem>>, vector<128x1xf32>
    %dot_general3A_60 = arith.constant dense<0.000000e+00> : vector<32x1xf32>
    %dot_general3A_61 = tpu.matmul %get3A_56, %get3A_59, %dot_general3A_60 {dimension_numbers = #tpu.dot_dimension_numbers<[1], [0], [0], [1], [0, 0, 1, 1], [], []>, transpose_lhs_hint = false} : vector<32x128xf32>, vector<128x1xf32>, vector<32x1xf32> -> vector<32x1xf32>
    %dot_general3A_62 = arith.constant dense<0.000000e+00> : vector<26x1xf32>
    %dot_general3A_63 = tpu.matmul %get3A_53, %dot_general3A_61, %dot_general3A_62 {dimension_numbers = #tpu.dot_dimension_numbers<[1], [0], [0], [1], [0, 0, 1, 1], [], []>, transpose_lhs_hint = false} : vector<26x32xf32>, vector<32x1xf32>, vector<26x1xf32> -> vector<26x1xf32>
    %broadcast_in_dim3A_64 = arith.constant 0.000000e+00 : f32
    %broadcast_in_dim3A_65 = vector.broadcast %broadcast_in_dim3A_64 : f32 to vector<102x1xf32>
    %concatenate3A = tpu.concatenate %dot_general3A_63, %broadcast_in_dim3A_65 in 0 : vector<26x1xf32>, vector<102x1xf32> -> vector<128x1xf32>
    %squeeze3A_66 = vector.shape_cast %concatenate3A : vector<128x1xf32> to vector<128xf32>
    %swap3A_67 = arith.constant 0 : index
    %swap3A_68 = vector.load %arg15[%swap3A_67] : memref<128xf32, #tpu.memory_space<vmem>>, vector<128xf32>
    tpu.vector_store %arg15[%swap3A_67], %squeeze3A_66 {strides = array<i32>} : memref<128xf32, #tpu.memory_space<vmem>>, vector<128xf32>,
    return
  }
  func.func @transform_0(%arg0: i32) -> (i32, i32, i32) {
    %c0_i32 = arith.constant 0 : i32
    %c0_i32_0 = arith.constant 0 : i32
    %c0_i32_1 = arith.constant 0 : i32
    return %c0_i32, %arg0, %c0_i32_0 : i32, i32, i32
  }
  func.func @transform_1(%arg0: i32) -> (i32, i32) {
    %c0_i32 = arith.constant 0 : i32
    %c0_i32_0 = arith.constant 0 : i32
    return %c0_i32, %arg0 : i32, i32
  }
  func.func @transform_2(%arg0: i32) -> (i32, i32) {
    %c0_i32 = arith.constant 0 : i32
    %c0_i32_0 = arith.constant 0 : i32
    return %arg0, %c0_i32 : i32, i32
  }
  func.func @transform_3(%arg0: i32) -> i32 {
    %c0_i32 = arith.constant 0 : i32
    return %arg0 : i32
  }
  func.func @transform_4(%arg0: i32) -> i32 {
    %c0_i32 = arith.constant 0 : i32
    %c0_i32_0 = arith.constant 0 : i32
    return %c0_i32 : i32
  }
  func.func @transform_5(%arg0: i32) -> (i32, i32) {
    %c0_i32 = arith.constant 0 : i32
    %c0_i32_0 = arith.constant 0 : i32
    %c0_i32_1 = arith.constant 0 : i32
    return %c0_i32, %c0_i32_0 : i32, i32
  }
  func.func @transform_6(%arg0: i32) -> (i32, i32) {
    %c0_i32 = arith.constant 0 : i32
    %c0_i32_0 = arith.constant 0 : i32
    %c0_i32_1 = arith.constant 0 : i32
    return %c0_i32, %c0_i32_0 : i32, i32
  }
  func.func @transform_7(%arg0: i32) -> (i32, i32) {
    %c0_i32 = arith.constant 0 : i32
    %c0_i32_0 = arith.constant 0 : i32
    %c0_i32_1 = arith.constant 0 : i32
    return %c0_i32, %c0_i32_0 : i32, i32
  }
  func.func @transform_8(%arg0: i32) -> (i32, i32) {
    %c0_i32 = arith.constant 0 : i32
    %c0_i32_0 = arith.constant 0 : i32
    %c0_i32_1 = arith.constant 0 : i32
    return %c0_i32, %c0_i32_0 : i32, i32
  }
  func.func @transform_9(%arg0: i32) -> (i32, i32) {
    %c0_i32 = arith.constant 0 : i32
    %c0_i32_0 = arith.constant 0 : i32
    %c0_i32_1 = arith.constant 0 : i32
    return %c0_i32, %c0_i32_0 : i32, i32
  }
  func.func @transform_10(%arg0: i32) -> (i32, i32) {
    %c0_i32 = arith.constant 0 : i32
    %c0_i32_0 = arith.constant 0 : i32
    %c0_i32_1 = arith.constant 0 : i32
    return %c0_i32, %c0_i32_0 : i32, i32
  }
  func.func @transform_11(%arg0: i32) -> (i32, i32) {
    %c0_i32 = arith.constant 0 : i32
    %c0_i32_0 = arith.constant 0 : i32
    return %arg0, %c0_i32 : i32, i32
  }
  func.func @transform_12(%arg0: i32) -> i32 {
    %c0_i32 = arith.constant 0 : i32
    return %arg0 : i32
  }
  func.func @transform_13(%arg0: i32) -> i32 {
    %c0_i32 = arith.constant 0 : i32
    return %arg0 : i32
  }
  func.func @transform_14(%arg0: i32) -> i32 {
    %c0_i32 = arith.constant 0 : i32
    %c0_i32_0 = arith.constant 0 : i32
    return %c0_i32 : i32
  }
}

module attributes {stable_mosaic.version = 14 : i64} {
  func.func @_fin_pool_body(%arg0: memref<2x10240x128xf32, #tpu.memory_space<vmem>>, %arg1: memref<32x10240xf32, #tpu.memory_space<vmem>>, %arg2: memref<10240x128xf32, #tpu.memory_space<vmem>>, %arg3: memref<10240xf32, #tpu.memory_space<vmem>>, %arg4: memref<128xf32, #tpu.memory_space<vmem>>, %arg5: memref<128x64xf32, #tpu.memory_space<vmem>>, %arg6: memref<64xf32, #tpu.memory_space<vmem>>, %arg7: memref<64x32xf32, #tpu.memory_space<vmem>>, %arg8: memref<32xf32, #tpu.memory_space<vmem>>, %arg9: memref<1x32xf32, #tpu.memory_space<vmem>>) attributes {dimension_semantics = [], scalar_prefetch = 0 : i64, scratch_operands = 0 : i64, tpu.core_type = #tpu.core_type<tc>} {
    %get3A = arith.constant 0 : index
    %get3A_0 = vector.load %arg3[%get3A] : memref<10240xf32, #tpu.memory_space<vmem>>, vector<10240xf32>
    %broadcast_in_dim3A = vector.shape_cast %get3A_0 : vector<10240xf32> to vector<10240x1xf32>
    %get3A_1 = arith.constant 0 : index
    %get3A_2 = arith.constant 0 : index
    %get3A_3 = vector.load %arg1[%get3A_1, %get3A_2] : memref<32x10240xf32, #tpu.memory_space<vmem>>, vector<32x10240xf32>
    %reduce_sum3A = arith.constant dense<0.000000e+00> : vector<10240xf32>
    %reduce_sum3A_4 = vector.multi_reduction <add>, %get3A_3, %reduce_sum3A [0] : vector<32x10240xf32> to vector<10240xf32>
    %broadcast_in_dim3A_5 = vector.shape_cast %reduce_sum3A_4 : vector<10240xf32> to vector<10240x1xf32>
    %add3A = arith.addf %broadcast_in_dim3A_5, %broadcast_in_dim3A : vector<10240x1xf32>
    %get3A_6 = arith.constant 0 : index
    %get3A_7 = arith.constant 0 : index
    %get3A_8 = arith.constant 0 : index
    %get3A_9 = vector.load %arg0[%get3A_6, %get3A_7, %get3A_8] : memref<2x10240x128xf32, #tpu.memory_space<vmem>>, vector<1x10240x128xf32>
    %get3A_10 = vector.shape_cast %get3A_9 : vector<1x10240x128xf32> to vector<10240x128xf32>
    %get3A_11 = arith.constant 1 : index
    %get3A_12 = arith.constant 0 : index
    %get3A_13 = arith.constant 0 : index
    %get3A_14 = vector.load %arg0[%get3A_11, %get3A_12, %get3A_13] : memref<2x10240x128xf32, #tpu.memory_space<vmem>>, vector<1x10240x128xf32>
    %get3A_15 = vector.shape_cast %get3A_14 : vector<1x10240x128xf32> to vector<10240x128xf32>
    %add3A_16 = arith.addf %get3A_10, %get3A_15 : vector<10240x128xf32>
    %get3A_17 = arith.constant 0 : index
    %get3A_18 = arith.constant 0 : index
    %get3A_19 = vector.load %arg2[%get3A_17, %get3A_18] : memref<10240x128xf32, #tpu.memory_space<vmem>>, vector<10240x128xf32>
    %mul3A = vector.broadcast %broadcast_in_dim3A : vector<10240x1xf32> to vector<10240x128xf32>
    %mul3A_20 = arith.mulf %get3A_19, %mul3A : vector<10240x128xf32>
    %add3A_21 = arith.addf %add3A_16, %mul3A_20 : vector<10240x128xf32>
    %div3A = vector.broadcast %add3A : vector<10240x1xf32> to vector<10240x128xf32>
    %div3A_22 = arith.divf %add3A_21, %div3A : vector<10240x128xf32>
    %get3A_23 = arith.constant 0 : index
    %get3A_24 = vector.load %arg4[%get3A_23] : memref<128xf32, #tpu.memory_space<vmem>>, vector<128xf32>
    %broadcast_in_dim3A_25 = vector.shape_cast %get3A_24 : vector<128xf32> to vector<1x128xf32>
    %add3A_26 = vector.broadcast %broadcast_in_dim3A_25 : vector<1x128xf32> to vector<10240x128xf32>
    %add3A_27 = arith.addf %div3A_22, %add3A_26 : vector<10240x128xf32>
    %max3A = arith.constant 0.000000e+00 : f32
    %max3A_28 = vector.broadcast %max3A : f32 to vector<10240x128xf32>
    %max3A_29 = arith.maximumf %add3A_27, %max3A_28 : vector<10240x128xf32>
    %iota3A = tpu.iota {dimensions = array<i32: 0>} : vector<10240x1xi32>
    %lt3A = arith.constant 10000 : i32
    %lt3A_30 = vector.broadcast %lt3A : i32 to vector<10240x1xi32>
    %lt3A_31 = arith.cmpi slt, %iota3A, %lt3A_30 : vector<10240x1xi32>
    %jit3A = arith.constant 0.000000e+00 : f32
    %broadcast_in_dim3A_32 = vector.shape_cast %lt3A_31 : vector<10240x1xi1> to vector<10240x1xi1>
    %broadcast_in_dim3A_33 = vector.broadcast %broadcast_in_dim3A_32 : vector<10240x1xi1> to vector<10240x128xi1>
    %broadcast_in_dim3A_34 = vector.broadcast %jit3A : f32 to vector<10240x128xf32>
    %select_n3A = arith.select %broadcast_in_dim3A_33, %max3A_29, %broadcast_in_dim3A_34 : vector<10240x128xi1>, vector<10240x128xf32>
    %reduce_sum3A_35 = arith.constant dense<0.000000e+00> : vector<128xf32>
    %reduce_sum3A_36 = vector.multi_reduction <add>, %select_n3A, %reduce_sum3A_35 [0] : vector<10240x128xf32> to vector<128xf32>
    %broadcast_in_dim3A_37 = vector.shape_cast %reduce_sum3A_36 : vector<128xf32> to vector<1x128xf32>
    %mul3A_38 = arith.constant 9.99999974E-5 : f32
    %mul3A_39 = vector.broadcast %mul3A_38 : f32 to vector<1x128xf32>
    %mul3A_40 = arith.mulf %broadcast_in_dim3A_37, %mul3A_39 : vector<1x128xf32>
    %get3A_41 = arith.constant 0 : index
    %get3A_42 = arith.constant 0 : index
    %get3A_43 = vector.load %arg5[%get3A_41, %get3A_42] : memref<128x64xf32, #tpu.memory_space<vmem>>, vector<128x64xf32>
    %dot_general3A = arith.constant dense<0.000000e+00> : vector<1x64xf32>
    %dot_general3A_44 = tpu.matmul %mul3A_40, %get3A_43, %dot_general3A {dimension_numbers = #tpu.dot_dimension_numbers<[1], [0], [0], [1], [0, 0, 1, 1], [], []>, transpose_lhs_hint = false} : vector<1x128xf32>, vector<128x64xf32>, vector<1x64xf32> -> vector<1x64xf32>
    %get3A_45 = arith.constant 0 : index
    %get3A_46 = vector.load %arg6[%get3A_45] : memref<64xf32, #tpu.memory_space<vmem>>, vector<64xf32>
    %broadcast_in_dim3A_47 = vector.shape_cast %get3A_46 : vector<64xf32> to vector<1x64xf32>
    %add3A_48 = arith.addf %dot_general3A_44, %broadcast_in_dim3A_47 : vector<1x64xf32>
    %max3A_49 = arith.constant 0.000000e+00 : f32
    %max3A_50 = vector.broadcast %max3A_49 : f32 to vector<1x64xf32>
    %max3A_51 = arith.maximumf %add3A_48, %max3A_50 : vector<1x64xf32>
    %get3A_52 = arith.constant 0 : index
    %get3A_53 = arith.constant 0 : index
    %get3A_54 = vector.load %arg7[%get3A_52, %get3A_53] : memref<64x32xf32, #tpu.memory_space<vmem>>, vector<64x32xf32>
    %dot_general3A_55 = arith.constant dense<0.000000e+00> : vector<1x32xf32>
    %dot_general3A_56 = tpu.matmul %max3A_51, %get3A_54, %dot_general3A_55 {dimension_numbers = #tpu.dot_dimension_numbers<[1], [0], [0], [1], [0, 0, 1, 1], [], []>, transpose_lhs_hint = false} : vector<1x64xf32>, vector<64x32xf32>, vector<1x32xf32> -> vector<1x32xf32>
    %get3A_57 = arith.constant 0 : index
    %get3A_58 = vector.load %arg8[%get3A_57] : memref<32xf32, #tpu.memory_space<vmem>>, vector<32xf32>
    %broadcast_in_dim3A_59 = vector.shape_cast %get3A_58 : vector<32xf32> to vector<1x32xf32>
    %add3A_60 = arith.addf %dot_general3A_56, %broadcast_in_dim3A_59 : vector<1x32xf32>
    %swap3A = arith.constant 0 : index
    %swap3A_61 = arith.constant 0 : index
    %swap3A_62 = vector.load %arg9[%swap3A, %swap3A_61] : memref<1x32xf32, #tpu.memory_space<vmem>>, vector<1x32xf32>
    tpu.vector_store %arg9[%swap3A, %swap3A_61], %add3A_60 {strides = array<i32>} : memref<1x32xf32, #tpu.memory_space<vmem>>, vector<1x32xf32>,
    return
  }
}

</mosaic_0001>

<sc_bundles>
// kernel: kernel.11.cloned.1.call-start
scs
__scs_entry_jumppad:
0x0: {  	(pc) =	sbr.rel $0x88, $3  }
0x1: {  	(tag) =	ssettag $0x0;
	lr =	simm.s32 $0x1  }
0x2: {  	[smem:$0x3F89] =	sst lr;
	_ =	strace $0xD0000000  }
0x3: {  	_ = 	snop  }
0x4: {  	_ = 	snop  }
0x5: {  	_ = 	snop  }
0x6: {  	_ = 	snop  }
0x7: {  	_ = 	snop  }
__scs_overlays_trampoline_lowered:
0x8: {  	[smem:$0x3F98] =	sst s0  }
0x9: {  	[smem:$0x3F99] =	sst s1  }
0xa: {  	[smem:$0x3F9A] =	sst s2  }
0xb: {  	[smem:$0x3F9B] =	sst s3  }
0xc: {  	[smem:$0x3F9C] =	sst s4  }
0xd: {  	[smem:$0x3F9D] =	sst s5  }
0xe: {  	[smem:$0x3F9E] =	sst s6  }
0xf: {  	[smem:$0x3F9F] =	sst s7  }
0x10: {  	[smem:$0x3FA0] =	sst s8  }
0x11: {  	[smem:$0x3FA1] =	sst s9;
	s0 =	simm.s32 @!p0 $0x0  }
0x12: {  	s1 =	sld [smem:$0x3F87];
	s0 =	simm.s32 @p0 $0x1  }
0x13: {  	[smem:$0x3FA2] =	sst s0;
	s0 =	simm.s32 @!p1 $0x0  }
0x14: {  	s2 =	sld [smem:$0x3F86];
	s0 =	simm.s32 @p1 $0x1  }
0x15: {  	[smem:$0x3FA3] =	sst s0;
	s0 =	simm.s32 @!p2 $0x0  }
0x16: {  	s3 =	sld [smem:$0x3FDB];
	s0 =	simm.s32 @p2 $0x1  }
0x17: {  	s4 =	simm.s32 $0x1BF5;
	[smem:$0x3FA5] =	sst s0  }
0x18: {  	s0 =	sld [smem:$0x3F88];
	_ =	swait.ge [sflag:s4], $0x0  }
0x19: {  	s7 =	sld [smem:$0x3F89]  }
0x1a: {  	s8 =	sadd.s32 $0xFFFFE003, lr  }
0x1b: {  	s9 =	sadd.s32 $0xFFFFFEF7, lr;
	s5 =	simm.s32 $0xFFFFFFFF;
	p2 =	slt.u32 s8, $0xFFFFF086  }
0x1c: {  	p1 =	slt.u32 s9, $0xF7A;
	s5 =	simm.s32 @!p2 $0x0  }
0x1d: {  	s5 =	simm.s32 @p1 $0x1;
	p0 =	seq.s32 s7, s2  }
0x1e: {  	s7 =	smul.u32 @!p0 $0xF7A, s2;
	p2 =	seq.s32 @!p0 s5, $0x0  }
0x1f: {  	s9 =	smul.u32 $0xF7A, s1;
	s8 =	simm.s32 @!p0 $0x1BF5;
	p2 =	por !p2, p0  }
0x20: {  	[sflag:s8] =	ssyncset.s32 @!p0 $0xFFFFF086;
	s6 =	sadd.s32 @!p0 s3, s7;
	s7 =	simm.s32 @!p0 $0x108  }
0x21: {  	s3 =	sadd.s32 s3, s9;
	s6 =	sadd.s32 @!p0 $0x88, s6;
	s7 =	simm.s32 @p2 $0x1082  }
0x22: {  	[simem:s7], [sflag:s8] =	dma.local @!p0 [hbm:s6], $0xF7A  }
0x23: {  	s9 =	sor.u32 $0xD0000000, s2;
	s6 =	simm.s32 $0x108;
	_ =	swait.ge @!p0 [sflag:s8], $0x0  }
0x24: {  	s3 =	sadd.s32 $0x88, s3;
	s6 =	simm.s32 @!p1 $0x1082;
	[sflag:s4] =	ssyncset.s32 $0xFFFFF086  }
0x25: {  	[simem:s6], [sflag:s4] =	dma.local [hbm:s3], $0xF7A  }
0x26: {  	[smem:$0x3F89] =	sst s1;
	(tag) =	ssettag s2;
	_ =	strace s9  }
0x27: {  	s1 =	sld [smem:$0x3F99]  }
0x28: {  	s2 =	sld [smem:$0x3F9A]  }
0x29: {  	s4 =	sld [smem:$0x3F9C]  }
0x2a: {  	p0 =	seq.s32 s5, $0x0;
	s5 =	sld [smem:$0x3F9D]  }
0x2b: {  	s6 =	sld [smem:$0x3F9E]  }
0x2c: {  	s7 =	sld [smem:$0x3F9F]  }
0x2d: {  	s3 =	simm.s32 $0x108;
	s8 =	sld [smem:$0x3FA0]  }
0x2e: {  	s3 =	simm.s32 @!p0 $0x1082;
	s9 =	sld [smem:$0x3FA1]  }
0x2f: {  	lr =	sadd.s32 s0, s3;
	s0 =	sld [smem:$0x3F98]  }
0x30: {  	s3 =	sld [smem:$0x3F9B]  }
0x31: {  	[smem:$0x3FA4] =	sst s10  }
0x32: {  	s10 =	sld [smem:$0x3FA2];
	_ =	sdelay $0x3  }
0x33: {  	p0 =	seq.s32 s10, $0x1;
	s10 =	sld [smem:$0x3FA4];
	_ =	sdelay $0x3  }
0x34: {  	[smem:$0x3FA4] =	sst s10  }
0x35: {  	s10 =	sld [smem:$0x3FA3];
	_ =	sdelay $0x3  }
0x36: {  	p1 =	seq.s32 s10, $0x1;
	s10 =	sld [smem:$0x3FA4];
	_ =	sdelay $0x3  }
0x37: {  	[smem:$0x3FA4] =	sst s10  }
0x38: {  	s10 =	sld [smem:$0x3FA5]  }
0x39: {  	_ = 	snop;
	(pc) =	sbr.ind lr, $3  }
0x3a: {  	_ = 	snop  }
0x3b: {  	_ = 	snop  }
0x3c: {  	p2 =	seq.s32 s10, $0x1;
	s10 =	sld [smem:$0x3FA4]  }
0x3d: {  	_ =	shalt  }
0x3e: {  	_ =	shalt  }
0x3f: {  	_ =	shalt  }
0x40: {  	_ =	shalt  }
0x41: {  	_ =	shalt  }
0x42: {  	_ =	shalt  }
0x43: {  	_ =	shalt  }
0x44: {  	_ =	shalt  }
0x45: {  	_ =	shalt  }
0x46: {  	_ =	shalt  }
0x47: {  	_ =	shalt  }
0x48: {  	_ =	shalt  }
0x49: {  	_ =	shalt  }
0x4a: {  	_ =	shalt  }
0x4b: {  	_ =	shalt  }
0x4c: {  	_ =	shalt  }
0x4d: {  	_ =	shalt  }
0x4e: {  	_ =	shalt  }
0x4f: {  	_ =	shalt  }
0x50: {  	_ =	shalt  }
0x51: {  	_ =	shalt  }
0x52: {  	_ =	shalt  }
0x53: {  	_ =	shalt  }
0x54: {  	_ =	shalt  }
0x55: {  	_ =	shalt  }
0x56: {  	_ =	shalt  }
0x57: {  	_ =	shalt  }
0x58: {  	_ =	shalt  }
0x59: {  	_ =	shalt  }
0x5a: {  	_ =	shalt  }
0x5b: {  	_ =	shalt  }
0x5c: {  	_ =	shalt  }
0x5d: {  	_ =	shalt  }
0x5e: {  	_ =	shalt  }
0x5f: {  	_ =	shalt  }
0x60: {  	_ =	shalt  }
0x61: {  	_ =	shalt  }
0x62: {  	_ =	shalt  }
0x63: {  	_ =	shalt  }
0x64: {  	_ =	shalt  }
0x65: {  	_ =	shalt  }
0x66: {  	_ =	shalt  }
0x67: {  	_ =	shalt  }
0x68: {  	_ =	shalt  }
0x69: {  	_ =	shalt  }
0x6a: {  	_ =	shalt  }
0x6b: {  	_ =	shalt  }
0x6c: {  	_ =	shalt  }
0x6d: {  	_ =	shalt  }
0x6e: {  	_ =	shalt  }
0x6f: {  	_ =	shalt  }
0x70: {  	_ =	shalt  }
0x71: {  	_ =	shalt  }
0x72: {  	_ =	shalt  }
0x73: {  	_ =	shalt  }
0x74: {  	_ =	shalt  }
0x75: {  	_ =	shalt  }
0x76: {  	_ =	shalt  }
0x77: {  	_ =	shalt  }
0x78: {  	_ =	shalt  }
0x79: {  	_ =	shalt  }
0x7a: {  	_ =	shalt  }
0x7b: {  	_ =	shalt  }
0x7c: {  	_ =	shalt  }
0x7d: {  	_ =	shalt  }
0x7e: {  	_ =	shalt  }
0x7f: {  	_ =	shalt  }
0x80: {  	_ =	shalt  }
0x81: {  	_ =	shalt  }
0x82: {  	_ =	shalt  }
0x83: {  	_ =	shalt  }
0x84: {  	_ =	shalt  }
0x85: {  	_ =	shalt  }
0x86: {  	_ =	shalt  }
0x87: {  	_ =	shalt  }
.Lfunc_end0:
.L_simem_size_0:
called_computation_lowered:
.L_overlay_start_0:
0x88: {  	s2 =	sld [smem:$0x3FD9]  }
0x89: {  	s3 =	sld [smem:$0x3FFE];
	_ =	sdelay $0x1  }
0x8a: {  	s1 =	srdreg.scid  }
0x8b: {  	s0 =	sand.u32 $0x1, s1  }
0x8c: {  	s17 =	sshll.u32 s0, $0xA;
	s2 =	sadd.s32 s3, s2  }
0x8d: {  	s2 =	sadd.s32 s2, s17  }
0x8e: {  	[smem:$0x3FB0] =	sst s2  }
0x8f: {  	_ = 	snop  }
0x90: {  	s2 =	sld [smem:$0x3FC7]  }
0x91: {  	s18 =	sld [smem:$0x3FD0];
	(tm) =	ssettm $0x1  }
0x92: {  	s4 =	sld [smem:$0x3FFB];
	_ =	sdelay $0x3  }
0x93: {  	_ =	strace s4  }
0x94: {  	s4 =	sld [smem:$0x3FFC];
	_ =	sdelay $0x3  }
0x95: {  	_ =	strace s4  }
0x96: {  	s4 =	sld [smem:$0x3FFD];
	_ =	sdelay $0x3  }
0x97: {  	_ =	strace s4  }
0x98: {  	_ =	strace $0x8FFFFFFF  }
0x99: {  	s19 =	sld [smem:$0x3FDB];
	_ =	sdelay $0x1  }
0x9a: {  	s5 =	simm.s32 $_scs_section_size  }
0x9b: {  	s6 =	simm.s32 $_size__tile_overlayer_lowered;
	s7 =	simm.s32 $_tile_overlayer_lowered  }
0x9c: {  	s22 =	simm.s32 $0x1BFF;
	s21 =	sshll.u32 s7, $0x1;
	s4 =	sadd.s32 s5, s19  }
0x9d: {  	s8 =	simm.s32 $0x0;
	s20 =	sshll.u32 s6, $0x1;
	s6 =	sadd.s32 s21, s4  }
0x9e: {  	[timem:s8], [sflag:s22] =	dma.local [hbm:s6], s20  }
0x9f: {  	_ =	swait.ge [sflag:s22], s20  }
0xa0: {  	s5 =	ssub.s32 $0x0, s20;
	[sflag:s22] =	ssyncset.done $0x0  }
0xa1: {  	[sflag:s22] =	ssyncadd.s32 s5;
	_ =	sdelay $0x1  }
0xa2: {  	s23 =	simm.s32 $0x1B8B  }
0xa3: {  	_ =	swait.ge [sflag:s23], $0x1  }
0xa4: {  	[sflag:s23] =	ssyncset.done $0x0  }
0xa5: {  	s25 =	simm.s32 $0x1B8E;
	s24 =	sld [smem:$0x3FFE];
	[sflag:s23] =	ssyncadd.s32 $0xFFFFFFFF  }
0xa6: {  	s26 =	simm.s32 $execute0_lowered;
	[smem:$0x3FD2] =	sst s25  }
0xa7: {  	s6 =	sshll.u32 s26, $0x1;
	_ =	strace $0x80000046;
	[dreg:$0x1] =	wrdreg $0xFFFFFFFF  }
0xa8: {  	s28 =	simm.s32 $_size_execute0_lowered;
	s4 =	sadd.s32 s4, s6;
	[dreg:$0x0] =	wrdreg $0x0  }
0xa9: {  	s6 =	sshll.u32 s28, $0x1;
	[dreg:$0x2] =	wrdreg s4  }
0xaa: {  	[dreg:$0x3] =	wrdreg s6  }
0xab: {  	[dreg:$0x4] =	wrdreg $0xC0  }
0xac: {  	_ =	task [dreg:s8], $0x5FFFF  }
0xad: {  	[dreg:$0x1] =	wrdreg $0xFFFFFFFF  }
0xae: {  	[dreg:$0x0] =	wrdreg $0x60  }
0xaf: {  	[dreg:$0x2] =	wrdreg s24  }
0xb0: {  	[dreg:$0x3] =	wrdreg s2  }
0xb1: {  	[dreg:$0x4] =	wrdreg s18  }
0xb2: {  	[dreg:$0x5] =	wrdreg $0x9  }
0xb3: {  	_ =	task.clear_ibuf [dreg:s8], $0x6FFFF;
	_ =	strace $0x90000046  }
0xb4: {  	s29 =	simm.s32 $0x9;
	_ =	strace $0x80000048  }
0xb5: {  	_ =	swait.ge [sflag:s29], $0x1  }
0xb6: {  	[sflag:s29] =	ssyncadd.s32 $0xFFFFFFFF  }
0xb7: {  	_ =	strace $0x90000048  }
0xb8: {  	_ =	sfence  }
0xb9: {  	s30 =	sld [smem:$0x0];
	_ =	sdelay $0x2  }
0xba: {  	s31 =	sshll.u32 s1, $0xD;
	s1 =	sshrl.u32 s1, $0x2  }
0xbb: {  	s3 =	sand.u32 $0x4000, s31;
	s1 =	sadd.s32 s1, s30  }
0xbc: {  	s0 =	sor.u32 s3, s0;
	s1 =	sshll.u32 s1, $0x11  }
0xbd: {  	s0 =	sor.u32 s1, s0  }
0xbe: {  	s0 =	sadd.s32 $0x8F2B, s0  }
0xbf: {  	[sflag:s0] =	ssyncadd.remote.s32 $0x1  }
0xc0: {  	_ =	sfence.sel $0xFFFF  }
0xc1: {  	[dreg:$0x0] =	wrdreg $0xFFFFFFFF;
	(pc) =	sbr.abs _section_cstart, $3  }
0xc2: {  	[dreg:$0x1] =	wrdreg $0xFFFFFFFF  }
0xc3: {  	_ =	task.clear_ibuf [dreg:s8], $0x2FFFF;
	_ =	strace $0x9FFFFFFF  }
0xc4: {  	(tm) =	ssettm $0x7FFFFFFF  }
0xc5: {  	_ =	shalt  }
tec
execute0_lowered:
.L_overlay_start_1:
0x0: {  	(tag) =	ssettag $0x1  }
0x1: {  	s0 =	rddreg [dreg:$0x0]  }
0x2: {  	s1 =	rddreg [dreg:$0x1]  }
0x3: {  	s2 =	srdreg.scid;
	s6 =	stileid.u32  }
0x4: {  	s3 =	simm.s32 $0x0;
	s14 =	simm.s32 $0x1;
	s15 =	simm.s32 $0x2800  }
0x5: {  	s16 =	simm.s32 $0x5000;
	s18 =	simm.s32 $0x7800;
	s19 =	simm.s32 $0x9F80  }
0x6: {  	s20 =	simm.s32 $0x13E80;
	s21 =	simm.s32 $0x11680;
	s22 =	simm.s32 $0xEE80  }
0x7: {  	s23 =	simm.s32 $0xC700;
	s24 =	simm.s32 $0x80;
	s25 =	simm.s32 $0x400  }
0x8: {  	s26 =	simm.s32 $0x0;
	s2 =	sand.u32 $0x1, s2;
	s4 =	sshll.u32 s6, $0x1  }
0x9: {  	[smem:$0x7FF] =	sst s3;
	s30 =	sshrl.u32 s6, $0x2;
	s5 =	sor.u32 s2, s4  }
0xa: {  	_ =	strace $0x80000047;
	s6 =	smul.u32 $0x14000, s30;
	s4 =	sadd.s32 $0x44800, s0  }
0xb: {  	s2 =	ssub.s32 $0x2, s2;
	s7 =	sshll.u32 s5, $0x7;
	s8 =	smul.u32 $0x2710, s5  }
0xc: {  	s5 =	sadd.s32 $0x44E00, s0;
	s31 =	sshrl.u32 s2, $0x1;
	s7 =	sand.u32 $0x380, s7  }
.Ltmp0:
0xd: {  	s2 =	ssub.s32 s2, s31;
	s6 =	sor.u32 s6, s7;
	(pc) =	sbr.rel .LBB2_1-.Ltmp0, $4  }
0xe: {  	s8 =	sshrl.u32 s8, $0x3;
	s13 =	smax.u32 s2, $0x1;
	s6 =	sshrl.u32 s6, $0x3  }
0xf: {  	s9 =	sadd.s32 s8, s0;
	s8 =	sadd.s32 s1, s8;
	s0 =	sadd.s32 s6, s0  }
0x10: {  	s6 =	sadd.s32 $0x8E00, s9;
	s7 =	sadd.s32 $0x12A40, s9;
	s9 =	sadd.s32 $0x63400, s9  }
0x11: {  	v0 =	vimm.f32 $-1.000000020e+30;
	v1 =	vimm.f32 $0.0e+00;
	v2 =	vimm.f32 $1.000000000e+00;
	s10 =	sadd.s32 $0x45400, s0;
	s11 =	sadd.s32 $0x4F400, s0;
	s12 =	sadd.s32 $0x59400, s0  }
.LBB2_9:
0x12: {  	[hbm4b:s9+s3] =	stream.linear.scatter [tilespmem:s23], [sflag:$0x1], $0x2710, $0x38;
	[tilespmem:$0x16680] =	vst v63  }
0x13: {  	_ =	swait.ge [sflag:s14], $0x2710  }
0x14: {  	[sflag:s14] =	ssyncset.done $0x0  }
0x15: {  	[sflag:s14] =	ssyncadd.s32 $0xFFFFD8F0  }
0x16: {  	[hbm4b:s10+s24] =	stream.strided.scatter [tilespmem:s22], [sflag:$0x1], $0x2800, s25, s24, $0x38;
	[tilespmem:$0x16680] =	vst v63  }
0x17: {  	_ =	swait.ge [sflag:s14], $0x2800  }
0x18: {  	[sflag:s14] =	ssyncset.done $0x0  }
0x19: {  	[sflag:s14] =	ssyncadd.s32 $0xFFFFD800  }
0x1a: {  	[hbm4b:s11+s24] =	stream.strided.scatter [tilespmem:s21], [sflag:$0x1], $0x2800, s25, s24, $0x38;
	[tilespmem:$0x16680] =	vst v63  }
0x1b: {  	s26 =	sadd.s32 $0x1, s26;
	_ =	swait.ge [sflag:s14], $0x2800  }
0x1c: {  	p0 =	sne.s32 s26, s13;
	[sflag:s14] =	ssyncset.done $0x0  }
.Ltmp1:
0x1d: {  	[sflag:s14] =	ssyncadd.s32 $0xFFFFD800;
	(pc) =	sbr.rel @!p0 .LBB2_10-.Ltmp1, $4  }
0x1e: {  	[hbm4b:s12+s24] =	stream.strided.scatter [tilespmem:s20], [sflag:$0x1], $0x2800, s25, s24, $0x38;
	[tilespmem:$0x16680] =	vst v63  }
0x1f: {  	_ =	swait.ge [sflag:s14], $0x2800  }
0x20: {  	[sflag:s14] =	ssyncset.done $0x0  }
0x21: {  	[sflag:s14] =	ssyncadd.s32 $0xFFFFD800  }
.LBB2_1:
0x22: {  	[tilespmem:s3], [sflag:$0x1] =	stream.linear.gather [hbm4b:s4+s3], $0x2800, $0x38;
	[tilespmem:$0x16680] =	vst v63  }
0x23: {  	_ =	swait.ge [sflag:s14], $0x2800  }
0x24: {  	[sflag:s14] =	ssyncset.done $0x0  }
0x25: {  	[sflag:s14] =	ssyncadd.s32 $0xFFFFD800  }
0x26: {  	[tilespmem:s15], [sflag:$0x1] =	stream.linear.gather [hbm4b:s5+s3], $0x2800, $0x38;
	[tilespmem:$0x16680] =	vst v63  }
0x27: {  	_ =	swait.ge [sflag:s14], $0x2800  }
0x28: {  	[sflag:s14] =	ssyncset.done $0x0  }
0x29: {  	[sflag:s14] =	ssyncadd.s32 $0xFFFFD800  }
0x2a: {  	s0 =	rddreg [dreg:$0x2]  }
0x2b: {  	[tilespmem:s16], [sflag:$0x1] =	stream.linear.gather [hbm4b:s0+s3], $0x80, $0x38;
	[tilespmem:$0x16680] =	vst v63  }
0x2c: {  	_ =	swait.ge [sflag:s14], $0x80  }
0x2d: {  	[sflag:s14] =	ssyncset.done $0x0  }
0x2e: {  	s17 =	simm.s32 $0x5080;
	[sflag:s14] =	ssyncadd.s32 $0xFFFFFF80  }
0x2f: {  	[tilespmem:s17], [sflag:$0x1] =	stream.linear.gather [hbm4b:s6+s3], $0x2710, $0x38;
	[tilespmem:$0x16680] =	vst v63  }
0x30: {  	_ =	swait.ge [sflag:s14], $0x2710  }
0x31: {  	[sflag:s14] =	ssyncset.done $0x0  }
0x32: {  	[sflag:s14] =	ssyncadd.s32 $0xFFFFD8F0  }
0x33: {  	[tilespmem:s18], [sflag:$0x1] =	stream.linear.gather [hbm4b:s7+s3], $0x2710, $0x38;
	[tilespmem:$0x16680] =	vst v63  }
0x34: {  	_ =	swait.ge [sflag:s14], $0x2710  }
0x35: {  	[sflag:s14] =	ssyncset.done $0x0  }
0x36: {  	[sflag:s14] =	ssyncadd.s32 $0xFFFFD8F0  }
0x37: {  	[tilespmem:s19], [sflag:$0x1] =	stream.linear.gather [hbm4b:s8+s3], $0x2710, $0x38;
	[tilespmem:$0x16680] =	vst v63  }
0x38: {  	_ =	swait.ge [sflag:s14], $0x2710  }
0x39: {  	[sflag:s14] =	ssyncset.done $0x0  }
0x3a: {  	s2 =	simm.s32 $0xEEA0;
	[sflag:s14] =	ssyncadd.s32 $0xFFFFD8F0  }
0x3b: {  	[tilespmem:s2+$0xFFFFFFF0] =	vst v0  }
0x3c: {  	[tilespmem:s2+$0x0] =	vst v0  }
0x3d: {  	[tilespmem:s2+$0x10] =	vst v0  }
0x3e: {  	s0 =	simm.s32 $0x116A0;
	[tilespmem:s2+$0xFFFFFFE0] =	vst v0  }
0x3f: {  	[tilespmem:s0+$0xFFFFFFF0] =	vst v1  }
0x40: {  	[tilespmem:s0+$0x0] =	vst v1  }
0x41: {  	[tilespmem:s0+$0x10] =	vst v1  }
0x42: {  	s1 =	simm.s32 $0x13EA0;
	[tilespmem:s0+$0xFFFFFFE0] =	vst v1  }
0x43: {  	[tilespmem:s1+$0xFFFFFFF0] =	vst v1  }
0x44: {  	[tilespmem:s1+$0x0] =	vst v1  }
0x45: {  	s31 =	simm.s32 $0x50A0;
	s29 =	simm.s32 $0x9FA0;
	s30 =	simm.s32 $0x7820;
	[tilespmem:s1+$0x10] =	vst v1  }
0x46: {  	s28 =	simm.s32 $0xC720;
	s17 =	simm.s32 $0xEEE0;
	s2 =	simm.s32 $0x0;
	[tilespmem:s1+$0xFFFFFFE0] =	vst v1  }
.LBB2_2:
0x47: {  	[tilespmem:s17+$0xFFFFFFF0] =	vst v0;
	s0 =	sadd.s32 $0x40, s0  }
0x48: {  	s1 =	sadd.s32 $0x40, s1;
	[tilespmem:s0+$0xFFFFFFF0] =	vst v1  }
0x49: {  	[tilespmem:s1+$0xFFFFFFF0] =	vst v1  }
0x4a: {  	[tilespmem:s17+$0x0] =	vst v0  }
0x4b: {  	[tilespmem:s0+$0x0] =	vst v1  }
0x4c: {  	s2 =	sadd.s32 $0x4, s2;
	[tilespmem:s1+$0x0] =	vst v1  }
0x4d: {  	p0 =	slt.u32 s2, $0x27C;
	[tilespmem:s17+$0x10] =	vst v0  }
.Ltmp2:
0x4e: {  	[tilespmem:s0+$0x10] =	vst v1;
	(pc) =	sbr.rel @p0 .LBB2_2-.Ltmp2, $4  }
0x4f: {  	[tilespmem:s1+$0x10] =	vst v1  }
0x50: {  	[tilespmem:s17+$0xFFFFFFE0] =	vst v0  }
0x51: {  	[tilespmem:s0+$0xFFFFFFE0] =	vst v1  }
0x52: {  	s17 =	sadd.s32 $0x40, s17;
	[tilespmem:s1+$0xFFFFFFE0] =	vst v1  }
0x53: {  	v6 =	vld [tilespmem:s31+$0x10]  }
0x54: {  	v10 =	vld [tilespmem:s30+$0x10]  }
0x55: {  	v3 =	vld [tilespmem:s30+$0xFFFFFFE0]  }
0x56: {  	v7 =	vld [tilespmem:s29+$0x10]  }
0x57: {  	v8 =	vld [tilespmem:s31+$0xFFFFFFF0]  }
0x58: {  	v4 =	vld [tilespmem:s30+$0xFFFFFFF0]  }
0x59: {  	v9 =	vld [tilespmem:s31+$0x0]  }
0x5a: {  	v5 =	vld [tilespmem:s30+$0x0]  }
0x5b: {  	v12 =	vld [tilespmem:s31+$0xFFFFFFE0]  }
0x5c: {  	v14 =	vld [tilespmem:s29+$0xFFFFFFF0]  }
0x5d: {  	v15 =	vld [tilespmem:s29+$0x0]  }
0x5e: {  	v13 =	vld.idx.msk [tilespmem:v7+s16+$0x0], $0xffff  }
0x5f: {  	v7 =	vld [tilespmem:s29+$0xFFFFFFE0]  }
0x60: {  	v6 =	vld.idx.msk [tilespmem:v6+s3+$0x0], $0xffff  }
0x61: {  	v11 =	vld.idx.msk [tilespmem:v10+s15+$0x0], $0xffff  }
0x62: {  	v16 =	vld.idx.msk [tilespmem:v3+s15+$0x0], $0xffff  }
0x63: {  	v8 =	vld.idx.msk [tilespmem:v8+s3+$0x0], $0xffff  }
0x64: {  	v17 =	vld.idx.msk [tilespmem:v4+s15+$0x0], $0xffff  }
0x65: {  	v12 =	vld.idx.msk [tilespmem:v12+s3+$0x0], $0xffff  }
0x66: {  	v18 =	vld.idx.msk [tilespmem:v9+s3+$0x0], $0xffff  }
0x67: {  	v9 =	vadd.f32 v11, v6;
	v7 =	vld.idx.msk [tilespmem:v7+s16+$0x0], $0xffff  }
0x68: {  	v6 =	vld.idx.msk [tilespmem:v14+s16+$0x0], $0xffff  }
0x69: {  	v11 =	vld.idx.msk [tilespmem:v5+s15+$0x0], $0xffff;
	v9 =	vadd.f32 v9, v13  }
0x6a: {  	v12 =	vadd.f32 v16, v12  }
0x6b: {  	v63 =	vadd.f32 v17, v8;
	v8 =	vld.idx.msk [tilespmem:v15+s16+$0x0], $0xffff;
	v14 =	vmul.f32 $2.000000030e-01, v9  }
0x6c: {  	vm0 =	vge.f32 v9, $0.0e+00;
	v12 =	vadd.f32 v12, v7  }
0x6d: {  	v14 =	vsel vm0, v9, v14;
	v9 =	vadd.f32 v63, v6  }
0x6e: {  	[tilespmem:s28+$0x10] =	vst v14;
	v14 =	vadd.f32 v11, v18;
	v15 =	vmul.f32 $2.000000030e-01, v12  }
0x6f: {  	[tilespmem:v10+s20+$0x0] =	vst.idx.add.f32.msk $0xffff, v2;
	v11 =	vmul.f32 $2.000000030e-01, v9;
	vm1 =	vge.f32 v12, $0.0e+00  }
0x70: {  	s31 =	simm.s32 $0x0;
	s0 =	simm.s32 $0x50E0;
	vm0 =	vge.f32 v9, $0.0e+00;
	[tilespmem:v10+s21+$0x0] =	vst.idx.add.f32.msk $0xffff, v13;
	v10 =	vadd.f32 v14, v8;
	v12 =	vsel vm1, v12, v15  }
.LBB2_4:
0x71: {  	v13 =	vld [tilespmem:s0+$0x10];
	[tilespmem:s28+$0xFFFFFFE0] =	vst v12;
	v9 =	vsel vm0, v9, v11;
	s30 =	sadd.s32 $0x40, s30;
	v14 =	vmov v8  }
0x72: {  	v8 =	vld [tilespmem:s30+$0x10];
	[tilespmem:s28+$0xFFFFFFF0] =	vst v9;
	vm0 =	vge.f32 v10, $0.0e+00;
	v9 =	vmul.f32 $2.000000030e-01, v10  }
0x73: {  	s29 =	sadd.s32 $0x40, s29;
	v11 =	vld [tilespmem:s30+$0xFFFFFFE0]  }
0x74: {  	s31 =	sadd.s32 $0x4, s31;
	v12 =	vld [tilespmem:s29+$0x10];
	v9 =	vsel vm0, v10, v9  }
0x75: {  	p0 =	slt.u32 s31, $0x26C;
	v10 =	vld [tilespmem:s0+$0xFFFFFFF0];
	[tilespmem:s28+$0x0] =	vst v9  }
0x76: {  	v15 =	vld [tilespmem:s30+$0xFFFFFFF0]  }
0x77: {  	v9 =	vld [tilespmem:s0+$0x0]  }
0x78: {  	v16 =	vld [tilespmem:s30+$0x0]  }
0x79: {  	v13 =	vld.idx.msk [tilespmem:v13+s3+$0x0], $0xffff  }
0x7a: {  	v17 =	vld.idx.msk [tilespmem:v8+s15+$0x0], $0xffff  }
0x7b: {  	v18 =	vld [tilespmem:s0+$0xFFFFFFE0]  }
0x7c: {  	v12 =	vld.idx.msk [tilespmem:v12+s16+$0x0], $0xffff  }
0x7d: {  	v19 =	vld [tilespmem:s29+$0xFFFFFFE0]  }
0x7e: {  	v20 =	vld [tilespmem:s29+$0xFFFFFFF0]  }
0x7f: {  	v21 =	vld [tilespmem:s29+$0x0]  }
0x80: {  	v13 =	vadd.f32 v17, v13;
	v22 =	vld.idx.msk [tilespmem:v11+s15+$0x0], $0xffff  }
0x81: {  	v10 =	vld.idx.msk [tilespmem:v10+s3+$0x0], $0xffff  }
0x82: {  	v13 =	vadd.f32 v13, v12;
	v17 =	vld.idx.msk [tilespmem:v15+s15+$0x0], $0xffff  }
0x83: {  	v18 =	vld.idx.msk [tilespmem:v18+s3+$0x0], $0xffff  }
0x84: {  	v23 =	vmul.f32 $2.000000030e-01, v13;
	v9 =	vld.idx.msk [tilespmem:v9+s3+$0x0], $0xffff  }
0x85: {  	vm0 =	vge.f32 v13, $0.0e+00;
	v24 =	vld.idx.msk [tilespmem:v16+s15+$0x0], $0xffff  }
0x86: {  	s28 =	sadd.s32 $0x40, s28;
	v13 =	vsel vm0, v13, v23;
	v19 =	vld.idx.msk [tilespmem:v19+s16+$0x0], $0xffff  }
0x87: {  	v20 =	vld.idx.msk [tilespmem:v20+s16+$0x0], $0xffff;
	[tilespmem:s28+$0x10] =	vst v13  }
0x88: {  	v10 =	vadd.f32 v17, v10;
	[tilespmem:v8+s20+$0x0] =	vst.idx.add.f32.msk $0xffff, v2  }
0x89: {  	v13 =	vadd.f32 v22, v18;
	[tilespmem:v8+s21+$0x0] =	vst.idx.add.f32.msk $0xffff, v12  }
0x8a: {  	v8 =	vld.idx.msk [tilespmem:v21+s16+$0x0], $0xffff  }
0x8b: {  	v17 =	vadd.f32 v24, v9;
	[tilespmem:v3+s20+$0x0] =	vst.idx.add.f32.msk $0xffff, v2  }
.Ltmp3:
0x8c: {  	v12 =	vadd.f32 v13, v19;
	[tilespmem:v3+s21+$0x0] =	vst.idx.add.f32.msk $0xffff, v7;
	v3 =	vmov v11;
	v7 =	vmov v19;
	(pc) =	sbr.rel @p0 .LBB2_4-.Ltmp3, $4  }
0x8d: {  	v9 =	vadd.f32 v10, v20;
	[tilespmem:v4+s20+$0x0] =	vst.idx.add.f32.msk $0xffff, v2  }
0x8e: {  	vm1 =	vge.f32 v12, $0.0e+00;
	v10 =	vmul.f32 $2.000000030e-01, v12;
	[tilespmem:v4+s21+$0x0] =	vst.idx.add.f32.msk $0xffff, v6;
	v4 =	vmovc v15;
	v6 =	vmov v20  }
0x8f: {  	vm0 =	vge.f32 v9, $0.0e+00;
	v11 =	vmul.f32 $2.000000030e-01, v9;
	[tilespmem:v5+s20+$0x0] =	vst.idx.add.f32.msk $0xffff, v2  }
0x90: {  	s0 =	sadd.s32 $0x40, s0;
	v12 =	vsel vm1, v12, v10;
	v10 =	vadd.f32 v17, v8;
	[tilespmem:v5+s21+$0x0] =	vst.idx.add.f32.msk $0xffff, v14;
	v5 =	vmov v16  }
0x91: {  	_ =	sdelay $0x1  }
0x92: {  	[tilespmem:s28+$0xFFFFFFE0] =	vst v12;
	v9 =	vsel vm0, v9, v11  }
0x93: {  	[tilespmem:s28+$0xFFFFFFF0] =	vst v9  }
0x94: {  	[tilespmem:v3+s20+$0x0] =	vst.idx.add.f32.msk $0xffff, v2  }
0x95: {  	v13 =	vmul.f32 $2.000000030e-01, v10;
	[tilespmem:v3+s21+$0x0] =	vst.idx.add.f32.msk $0xffff, v7  }
0x96: {  	vm14 =	vge.f32 v10, $0.0e+00;
	[tilespmem:v4+s20+$0x0] =	vst.idx.add.f32.msk $0xffff, v2  }
0x97: {  	v62 =	vsel vm14, v10, v13;
	[tilespmem:v4+s21+$0x0] =	vst.idx.add.f32.msk $0xffff, v6  }
0x98: {  	[tilespmem:s28+$0x0] =	vst v62  }
0x99: {  	[tilespmem:v5+s20+$0x0] =	vst.idx.add.f32.msk $0xffff, v2  }
0x9a: {  	[tilespmem:v5+s21+$0x0] =	vst.idx.add.f32.msk $0xffff, v8  }
0x9b: {  	v3 =	vld [tilespmem:$0x7780]  }
0x9c: {  	v4 =	vld [tilespmem:$0x9F00];
	_ =	sdelay $0x1  }
0x9d: {  	v5 =	vld [tilespmem:$0xC680];
	_ =	sdelay $0x3  }
0x9e: {  	s0 =	simm.s32 $0x0  }
0x9f: {  	v3 =	vld.idx.msk [tilespmem:v3+s0+$0x0], $0xffff  }
0xa0: {  	v6 =	vld.idx.msk [tilespmem:v4+s15+$0x0], $0xffff;
	_ =	sdelay $0x1  }
0xa1: {  	v5 =	vld.idx.msk [tilespmem:v5+s16+$0x0], $0xffff;
	_ =	sdelay $0x2  }
0xa2: {  	v3 =	vadd.f32 v6, v3;
	_ =	sdelay $0x1  }
0xa3: {  	v3 =	vadd.f32 v3, v5;
	_ =	sdelay $0x1  }
0xa4: {  	v63 =	vmul.f32 $2.000000030e-01, v3  }
.Ltmp4:
0xa5: {  	vm15 =	vge.f32 v3, $0.0e+00;
	(pc) =	sbr.rel .LBB2_6-.Ltmp4, $4  }
0xa6: {  	v3 =	vsel vm15, v3, v63  }
0xa7: {  	[tilespmem:$0xEE00] =	vst v3  }
0xa8: {  	[tilespmem:v4+s20+$0x0] =	vst.idx.add.f32.msk $0xffff, v2  }
0xa9: {  	[tilespmem:v4+s21+$0x0] =	vst.idx.add.f32.msk $0xffff, v5  }
.LBB2_8:
0xaa: {  	s0 =	sadd.s32 $0x1, s0  }
0xab: {  	p0 =	sne.s32 s0, $0x271  }
.Ltmp5:
0xac: {  	_ = 	snop;
	(pc) =	sbr.rel @!p0 .LBB2_9-.Ltmp5, $1  }
0xad: {  	_ =	sdelay $0x3  }
.LBB2_6:
0xae: {  	s1 =	sshll.u32 s0, $0x4  }
0xaf: {  	v3 =	vld [tilespmem:s1+$0x7800];
	_ =	sdelay $0x6  }
0xb0: {  	v4 =	vld [tilespmem:s1+$0xC700]  }
0xb1: {  	v5 =	vld.idx.msk [tilespmem:v3+s22+$0x0], $0xffff;
	_ =	sdelay $0x4  }
0xb2: {  	vm0 =	vgt.f32 v4, v5;
	_ =	sdelay $0x5  }
0xb3: {  	[tilespmem:v3+s22+$0x0] =	vst.idx.msk vm0, v4  }
0xb4: {  	v5 =	vld.idx.msk [tilespmem:v3+s22+$0x0], $0xffff;
	_ =	sdelay $0x4  }
0xb5: {  	vm0 =	vgt.f32 v4, v5  }
0xb6: {  	v5 =	vsel vm0, $0x3F800000, v1  }
0xb7: {  	(xrf0) =	vmax.scan.msk.f32 $0xffff, v5;
	_ =	sdelay $0x5  }
0xb8: {  	v5, _, _ =	vpop (xrf0)  }
0xb9: {  	(v2sf) =	vpush v5, $0xF;
	_ =	sdelay $0xe  }
0xba: {  	s31 =	spop (v2sf)  }
0xbb: {  	p0 =	sgt.f32 s31, $0.0e+00  }
.Ltmp6:
0xbc: {  	_ = 	snop;
	(pc) =	sbr.rel @!p0 .LBB2_8-.Ltmp6, $1  }
0xbd: {  	_ =	sdelay $0x3  }
.LBB2_7:
0xbe: {  	[tilespmem:v3+s22+$0x0] =	vst.idx.msk vm0, v4  }
0xbf: {  	v5 =	vld.idx.msk [tilespmem:v3+s22+$0x0], $0xffff;
	_ =	sdelay $0x4  }
0xc0: {  	vm0 =	vgt.f32 v4, v5  }
0xc1: {  	v5 =	vsel vm0, $0x3F800000, v1  }
0xc2: {  	(xrf0) =	vmax.scan.msk.f32 $0xffff, v5;
	_ =	sdelay $0x5  }
0xc3: {  	v5, _, _ =	vpop (xrf0)  }
0xc4: {  	(v2sf) =	vpush v5, $0xF;
	_ =	sdelay $0xe  }
0xc5: {  	s1 =	spop (v2sf)  }
0xc6: {  	p0 =	sgt.f32 s1, $0.0e+00  }
.Ltmp7:
0xc7: {  	_ = 	snop;
	(pc) =	sbr.rel @p0 .LBB2_7-.Ltmp7, $1  }
0xc8: {  	_ =	sdelay $0x3  }
.Ltmp8:
0xc9: {  	_ = 	snop;
	(pc) =	sbr.rel .LBB2_8-.Ltmp8, $1  }
0xca: {  	_ =	sdelay $0x3  }
.LBB2_10:
0xcb: {  	_ =	sfence.sel $0x180000  }
0xcc: {  	[bflag:$0x0] =	sbarrier.arrive $0xFFFF  }
0xcd: {  	_ =	strace $0x90000047  }
0xce: {  	s0 =	stileid.u32;
	[bflag:$0x2] =	sbarrier.arrive $0xFFFF  }
0xcf: {  	p0 =	sne.s32 s0, $0x0;
	s0 =	rddreg [dreg:$0x3]  }
0xd0: {  	s0 =	sadd.s32 @!p0 $0x100000, s0  }
0xd1: {  	[sflag:s0] =	ssyncadd.tile.s32 @!p0 $0x1;
	_ =	shalt  }
.Lfunc_end2:
_tile_overlayer_lowered:
.L_overlay_start_2:
0xd2: {  	(tag) =	ssettag $0x2  }
0xd3: {  	s0 =	rddreg [dreg:$0x0];
	s2 =	stileid.u32  }
0xd4: {  	s1 =	rddreg [dreg:$0x1];
	p0 =	sne.s32 s2, $0x0  }
0xd5: {  	s3 =	rddreg [dreg:$0x2];
	[bflag:$0x3] =	sbarrier.arrive $0xFFFF;
	s2 =	simm.s32 @!p0 $0x1C01  }
0xd6: {  	[timem:s3], [sflag:s2] =	dma.local @!p0 [hbm:s0], s1  }
0xd7: {  	s0 =	simm.s32 @!p0 $0x1  }
0xd8: {  	_ =	swait.ge @!p0 [sflag:s0], s1  }
0xd9: {  	s1 =	ssub.s32 @!p0 $0x0, s1;
	[sflag:s0] =	ssyncset.done @!p0 $0x0  }
0xda: {  	[sflag:s0] =	ssyncadd.s32 @!p0 s1  }
0xdb: {  	[bflag:$0x3] =	sbarrier.arrive $0xFFFF  }
0xdc: {  	_ =	shalt  }

// kernel: kernel.14.cloned.1.call-start
scs
__scs_entry_jumppad:
0x0: {  	(pc) =	sbr.rel $0x88, $3  }
0x1: {  	(tag) =	ssettag $0x0;
	lr =	simm.s32 $0x1  }
0x2: {  	[smem:$0x3F89] =	sst lr;
	_ =	strace $0xD0000000  }
0x3: {  	_ = 	snop  }
0x4: {  	_ = 	snop  }
0x5: {  	_ = 	snop  }
0x6: {  	_ = 	snop  }
0x7: {  	_ = 	snop  }
__scs_overlays_trampoline_lowered:
0x8: {  	[smem:$0x3F98] =	sst s0  }
0x9: {  	[smem:$0x3F99] =	sst s1  }
0xa: {  	[smem:$0x3F9A] =	sst s2  }
0xb: {  	[smem:$0x3F9B] =	sst s3  }
0xc: {  	[smem:$0x3F9C] =	sst s4  }
0xd: {  	[smem:$0x3F9D] =	sst s5  }
0xe: {  	[smem:$0x3F9E] =	sst s6  }
0xf: {  	[smem:$0x3F9F] =	sst s7  }
0x10: {  	[smem:$0x3FA0] =	sst s8  }
0x11: {  	[smem:$0x3FA1] =	sst s9;
	s0 =	simm.s32 @!p0 $0x0  }
0x12: {  	s1 =	sld [smem:$0x3F87];
	s0 =	simm.s32 @p0 $0x1  }
0x13: {  	[smem:$0x3FA2] =	sst s0;
	s0 =	simm.s32 @!p1 $0x0  }
0x14: {  	s2 =	sld [smem:$0x3F86];
	s0 =	simm.s32 @p1 $0x1  }
0x15: {  	[smem:$0x3FA3] =	sst s0;
	s0 =	simm.s32 @!p2 $0x0  }
0x16: {  	s3 =	sld [smem:$0x3FDB];
	s0 =	simm.s32 @p2 $0x1  }
0x17: {  	s4 =	simm.s32 $0x1BF5;
	[smem:$0x3FA5] =	sst s0  }
0x18: {  	s0 =	sld [smem:$0x3F88];
	_ =	swait.ge [sflag:s4], $0x0  }
0x19: {  	s7 =	sld [smem:$0x3F89]  }
0x1a: {  	s8 =	sadd.s32 $0xFFFFE003, lr  }
0x1b: {  	s9 =	sadd.s32 $0xFFFFFEF7, lr;
	s5 =	simm.s32 $0xFFFFFFFF;
	p2 =	slt.u32 s8, $0xFFFFF086  }
0x1c: {  	p1 =	slt.u32 s9, $0xF7A;
	s5 =	simm.s32 @!p2 $0x0  }
0x1d: {  	s5 =	simm.s32 @p1 $0x1;
	p0 =	seq.s32 s7, s2  }
0x1e: {  	s7 =	smul.u32 @!p0 $0xF7A, s2;
	p2 =	seq.s32 @!p0 s5, $0x0  }
0x1f: {  	s9 =	smul.u32 $0xF7A, s1;
	s8 =	simm.s32 @!p0 $0x1BF5;
	p2 =	por !p2, p0  }
0x20: {  	[sflag:s8] =	ssyncset.s32 @!p0 $0xFFFFF086;
	s6 =	sadd.s32 @!p0 s3, s7;
	s7 =	simm.s32 @!p0 $0x108  }
0x21: {  	s3 =	sadd.s32 s3, s9;
	s6 =	sadd.s32 @!p0 $0x88, s6;
	s7 =	simm.s32 @p2 $0x1082  }
0x22: {  	[simem:s7], [sflag:s8] =	dma.local @!p0 [hbm:s6], $0xF7A  }
0x23: {  	s9 =	sor.u32 $0xD0000000, s2;
	s6 =	simm.s32 $0x108;
	_ =	swait.ge @!p0 [sflag:s8], $0x0  }
0x24: {  	s3 =	sadd.s32 $0x88, s3;
	s6 =	simm.s32 @!p1 $0x1082;
	[sflag:s4] =	ssyncset.s32 $0xFFFFF086  }
0x25: {  	[simem:s6], [sflag:s4] =	dma.local [hbm:s3], $0xF7A  }
0x26: {  	[smem:$0x3F89] =	sst s1;
	(tag) =	ssettag s2;
	_ =	strace s9  }
0x27: {  	s1 =	sld [smem:$0x3F99]  }
0x28: {  	s2 =	sld [smem:$0x3F9A]  }
0x29: {  	s4 =	sld [smem:$0x3F9C]  }
0x2a: {  	p0 =	seq.s32 s5, $0x0;
	s5 =	sld [smem:$0x3F9D]  }
0x2b: {  	s6 =	sld [smem:$0x3F9E]  }
0x2c: {  	s7 =	sld [smem:$0x3F9F]  }
0x2d: {  	s3 =	simm.s32 $0x108;
	s8 =	sld [smem:$0x3FA0]  }
0x2e: {  	s3 =	simm.s32 @!p0 $0x1082;
	s9 =	sld [smem:$0x3FA1]  }
0x2f: {  	lr =	sadd.s32 s0, s3;
	s0 =	sld [smem:$0x3F98]  }
0x30: {  	s3 =	sld [smem:$0x3F9B]  }
0x31: {  	[smem:$0x3FA4] =	sst s10  }
0x32: {  	s10 =	sld [smem:$0x3FA2];
	_ =	sdelay $0x3  }
0x33: {  	p0 =	seq.s32 s10, $0x1;
	s10 =	sld [smem:$0x3FA4];
	_ =	sdelay $0x3  }
0x34: {  	[smem:$0x3FA4] =	sst s10  }
0x35: {  	s10 =	sld [smem:$0x3FA3];
	_ =	sdelay $0x3  }
0x36: {  	p1 =	seq.s32 s10, $0x1;
	s10 =	sld [smem:$0x3FA4];
	_ =	sdelay $0x3  }
0x37: {  	[smem:$0x3FA4] =	sst s10  }
0x38: {  	s10 =	sld [smem:$0x3FA5]  }
0x39: {  	_ = 	snop;
	(pc) =	sbr.ind lr, $3  }
0x3a: {  	_ = 	snop  }
0x3b: {  	_ = 	snop  }
0x3c: {  	p2 =	seq.s32 s10, $0x1;
	s10 =	sld [smem:$0x3FA4]  }
0x3d: {  	_ =	shalt  }
0x3e: {  	_ =	shalt  }
0x3f: {  	_ =	shalt  }
0x40: {  	_ =	shalt  }
0x41: {  	_ =	shalt  }
0x42: {  	_ =	shalt  }
0x43: {  	_ =	shalt  }
0x44: {  	_ =	shalt  }
0x45: {  	_ =	shalt  }
0x46: {  	_ =	shalt  }
0x47: {  	_ =	shalt  }
0x48: {  	_ =	shalt  }
0x49: {  	_ =	shalt  }
0x4a: {  	_ =	shalt  }
0x4b: {  	_ =	shalt  }
0x4c: {  	_ =	shalt  }
0x4d: {  	_ =	shalt  }
0x4e: {  	_ =	shalt  }
0x4f: {  	_ =	shalt  }
0x50: {  	_ =	shalt  }
0x51: {  	_ =	shalt  }
0x52: {  	_ =	shalt  }
0x53: {  	_ =	shalt  }
0x54: {  	_ =	shalt  }
0x55: {  	_ =	shalt  }
0x56: {  	_ =	shalt  }
0x57: {  	_ =	shalt  }
0x58: {  	_ =	shalt  }
0x59: {  	_ =	shalt  }
0x5a: {  	_ =	shalt  }
0x5b: {  	_ =	shalt  }
0x5c: {  	_ =	shalt  }
0x5d: {  	_ =	shalt  }
0x5e: {  	_ =	shalt  }
0x5f: {  	_ =	shalt  }
0x60: {  	_ =	shalt  }
0x61: {  	_ =	shalt  }
0x62: {  	_ =	shalt  }
0x63: {  	_ =	shalt  }
0x64: {  	_ =	shalt  }
0x65: {  	_ =	shalt  }
0x66: {  	_ =	shalt  }
0x67: {  	_ =	shalt  }
0x68: {  	_ =	shalt  }
0x69: {  	_ =	shalt  }
0x6a: {  	_ =	shalt  }
0x6b: {  	_ =	shalt  }
0x6c: {  	_ =	shalt  }
0x6d: {  	_ =	shalt  }
0x6e: {  	_ =	shalt  }
0x6f: {  	_ =	shalt  }
0x70: {  	_ =	shalt  }
0x71: {  	_ =	shalt  }
0x72: {  	_ =	shalt  }
0x73: {  	_ =	shalt  }
0x74: {  	_ =	shalt  }
0x75: {  	_ =	shalt  }
0x76: {  	_ =	shalt  }
0x77: {  	_ =	shalt  }
0x78: {  	_ =	shalt  }
0x79: {  	_ =	shalt  }
0x7a: {  	_ =	shalt  }
0x7b: {  	_ =	shalt  }
0x7c: {  	_ =	shalt  }
0x7d: {  	_ =	shalt  }
0x7e: {  	_ =	shalt  }
0x7f: {  	_ =	shalt  }
0x80: {  	_ =	shalt  }
0x81: {  	_ =	shalt  }
0x82: {  	_ =	shalt  }
0x83: {  	_ =	shalt  }
0x84: {  	_ =	shalt  }
0x85: {  	_ =	shalt  }
0x86: {  	_ =	shalt  }
0x87: {  	_ =	shalt  }
.Lfunc_end0:
.L_simem_size_0:
called_computation.1_lowered:
.L_overlay_start_0:
0x88: {  	s2 =	sld [smem:$0x3FD9]  }
0x89: {  	s3 =	sld [smem:$0x3FFE];
	_ =	sdelay $0x1  }
0x8a: {  	s1 =	srdreg.scid  }
0x8b: {  	s0 =	sand.u32 $0x1, s1  }
0x8c: {  	s16 =	sshll.u32 s0, $0xA;
	s2 =	sadd.s32 s3, s2  }
0x8d: {  	s2 =	sadd.s32 s2, s16  }
0x8e: {  	[smem:$0x3FB0] =	sst s2  }
0x8f: {  	_ = 	snop  }
0x90: {  	(tm) =	ssettm $0x1  }
0x91: {  	s17 =	sld [smem:$0x3FFB];
	_ =	sdelay $0x3  }
0x92: {  	_ =	strace s17  }
0x93: {  	s2 =	sld [smem:$0x3FFC];
	_ =	sdelay $0x3  }
0x94: {  	_ =	strace s2  }
0x95: {  	s2 =	sld [smem:$0x3FFD];
	_ =	sdelay $0x3  }
0x96: {  	_ =	strace s2  }
0x97: {  	_ =	strace $0x8FFFFFFF  }
0x98: {  	s18 =	sld [smem:$0x3FDB];
	_ =	sdelay $0x1  }
0x99: {  	s19 =	simm.s32 $_scs_section_size  }
0x9a: {  	s4 =	simm.s32 $_size__tile_overlayer_lowered;
	s5 =	simm.s32 $_tile_overlayer_lowered  }
0x9b: {  	s22 =	simm.s32 $0x1BFF;
	s21 =	sshll.u32 s5, $0x1;
	s2 =	sadd.s32 s19, s18  }
0x9c: {  	s6 =	simm.s32 $0x0;
	s20 =	sshll.u32 s4, $0x1;
	s4 =	sadd.s32 s21, s2  }
0x9d: {  	[timem:s6], [sflag:s22] =	dma.local [hbm:s4], s20  }
0x9e: {  	_ =	swait.ge [sflag:s22], s20  }
0x9f: {  	s3 =	ssub.s32 $0x0, s20;
	[sflag:s22] =	ssyncset.done $0x0  }
0xa0: {  	[sflag:s22] =	ssyncadd.s32 s3;
	_ =	sdelay $0x1  }
0xa1: {  	s23 =	simm.s32 $0x1B8B  }
0xa2: {  	_ =	swait.ge [sflag:s23], $0x1  }
0xa3: {  	[sflag:s23] =	ssyncset.done $0x0  }
0xa4: {  	s25 =	simm.s32 $0x1B8E;
	s24 =	sld [smem:$0x3FFE];
	[sflag:s23] =	ssyncadd.s32 $0xFFFFFFFF  }
0xa5: {  	s26 =	simm.s32 $execute0_lowered;
	[smem:$0x3FD2] =	sst s25  }
0xa6: {  	s4 =	sshll.u32 s26, $0x1;
	_ =	strace $0x80000049;
	[dreg:$0x1] =	wrdreg $0xFFFFFFFF  }
0xa7: {  	s28 =	simm.s32 $_size_execute0_lowered;
	s2 =	sadd.s32 s2, s4;
	[dreg:$0x0] =	wrdreg $0x0  }
0xa8: {  	s4 =	sshll.u32 s28, $0x1;
	[dreg:$0x2] =	wrdreg s2  }
0xa9: {  	[dreg:$0x3] =	wrdreg s4  }
0xaa: {  	[dreg:$0x4] =	wrdreg $0xC0  }
0xab: {  	_ =	task [dreg:s6], $0x5FFFF  }
0xac: {  	[dreg:$0x1] =	wrdreg $0xFFFFFFFF  }
0xad: {  	[dreg:$0x0] =	wrdreg $0x60  }
0xae: {  	[dreg:$0x2] =	wrdreg s24  }
0xaf: {  	[dreg:$0x3] =	wrdreg $0xBA000  }
0xb0: {  	[dreg:$0x4] =	wrdreg $0x9  }
0xb1: {  	_ =	task.clear_ibuf [dreg:s6], $0x5FFFF;
	_ =	strace $0x90000049  }
0xb2: {  	s29 =	simm.s32 $0x9;
	_ =	strace $0x8000004B  }
0xb3: {  	_ =	swait.ge [sflag:s29], $0x1  }
0xb4: {  	[sflag:s29] =	ssyncadd.s32 $0xFFFFFFFF  }
0xb5: {  	_ =	strace $0x9000004B  }
0xb6: {  	_ =	sfence  }
0xb7: {  	s30 =	sld [smem:$0x0];
	_ =	sdelay $0x2  }
0xb8: {  	s31 =	sshll.u32 s1, $0xD;
	s1 =	sshrl.u32 s1, $0x2  }
0xb9: {  	s3 =	sand.u32 $0x4000, s31;
	s1 =	sadd.s32 s1, s30  }
0xba: {  	s0 =	sor.u32 s3, s0;
	s1 =	sshll.u32 s1, $0x11  }
0xbb: {  	s0 =	sor.u32 s1, s0  }
0xbc: {  	s0 =	sadd.s32 $0x8F2B, s0  }
0xbd: {  	[sflag:s0] =	ssyncadd.remote.s32 $0x1  }
0xbe: {  	_ =	sfence.sel $0xFFFF  }
0xbf: {  	[dreg:$0x0] =	wrdreg $0xFFFFFFFF;
	(pc) =	sbr.abs _section_cstart, $3  }
0xc0: {  	[dreg:$0x1] =	wrdreg $0xFFFFFFFF  }
0xc1: {  	_ =	task.clear_ibuf [dreg:s6], $0x2FFFF;
	_ =	strace $0x9FFFFFFF  }
0xc2: {  	(tm) =	ssettm $0x7FFFFFFF  }
0xc3: {  	_ =	shalt  }
tec
execute0_lowered:
.L_overlay_start_1:
0x0: {  	(tag) =	ssettag $0x1  }
0x1: {  	s0 =	rddreg [dreg:$0x0]  }
0x2: {  	s1 =	rddreg [dreg:$0x1]  }
0x3: {  	s2 =	simm.s32 $0x0;
	s13 =	srdreg.scid;
	s11 =	stileid.u32  }
0x4: {  	s28 =	simm.s32 $0x3000;
	s29 =	simm.s32 $0x3800;
	s30 =	simm.s32 $0x3  }
0x5: {  	s31 =	simm.s32 $0x4000;
	[smem:$0x7FF] =	sst s2;
	s4 =	sadd.s32 $0x8E00, s0  }
0x6: {  	s2 =	sand.u32 $0x1, s13;
	s3 =	sshll.u32 s11, $0x1;
	s5 =	sadd.s32 $0x63400, s0  }
0x7: {  	s6 =	sshrl.u32 s11, $0x2;
	s7 =	sadd.s32 $0x44800, s0;
	s14 =	smul.u32 $0x50000, s11  }
0x8: {  	s17 =	smul.u32 $0x2800, s11;
	s11 =	simm.s32 $0x0;
	_ =	strace $0x8000004A  }
0x9: {  	s3 =	sor.u32 s2, s3;
	[dreg:$0x3] =	wrdreg s7;
	s6 =	smul.u32 $0x14000, s6  }
0xa: {  	s7 =	sadd.s32 $0x1C800, s0;
	s9 =	smul.u32 $0x28000, s2;
	s2 =	ssub.s32 $0x2, s2  }
0xb: {  	s8 =	sshll.u32 s3, $0x7;
	s10 =	sshrl.u32 s2, $0x1;
	s15 =	sshrl.u32 s14, $0x2  }
0xc: {  	s8 =	sand.u32 $0x380, s8;
	s2 =	ssub.s32 s2, s10;
	s14 =	sadd.s32 s15, s1  }
0xd: {  	s9 =	sadd.s32 s9, s0;
	s18 =	smax.u32 s2, $0x1;
	[dreg:$0x4] =	wrdreg s14  }
0xe: {  	s10 =	simm.s32 $0x6880;
	s19 =	sadd.s32 $0x2800, s14;
	[dreg:$0x6] =	wrdreg s18  }
0xf: {  	s6 =	sor.u32 s6, s8;
	s20 =	sadd.s32 $0x5000, s14;
	[dreg:$0x7] =	wrdreg s19  }
0x10: {  	s8 =	smul.u32 $0x2710, s3;
	s21 =	sadd.s32 $0x7800, s14;
	[dreg:$0x8] =	wrdreg s20  }
0x11: {  	s16 =	sadd.s32 $0x6D200, s9;
	s22 =	sadd.s32 $0xA000, s14;
	[dreg:$0x9] =	wrdreg s21  }
0x12: {  	s23 =	sadd.s32 $0xC800, s14;
	s24 =	sadd.s32 $0xF000, s14;
	[dreg:$0xa] =	wrdreg s22  }
0x13: {  	s25 =	sadd.s32 $0x11800, s14;
	s3 =	simm.s32 $0x6800;
	[dreg:$0xb] =	wrdreg s23  }
0x14: {  	s2 =	simm.s32 $0x4;
	s6 =	sshrl.u32 s6, $0x3;
	[dreg:$0xc] =	wrdreg s24  }
0x15: {  	[dreg:$0xd] =	wrdreg s25;
	s19 =	simm.s32 $0x5;
	s20 =	simm.s32 $0x6A00  }
0x16: {  	s21 =	simm.s32 $0x50;
	s22 =	simm.s32 $0x6900;
	s23 =	simm.s32 $0x6980  }
0x17: {  	s26 =	sadd.s32 s17, s16;
	s25 =	simm.s32 $0x9200;
	s0 =	sadd.s32 s6, s0  }
0x18: {  	[dreg:$0xe] =	wrdreg s26;
	s26 =	simm.s32 $0x2800;
	s0 =	sadd.s32 $0x44E00, s0  }
0x19: {  	v0 =	vimm.f32 $0.0e+00;
	v1 =	vimm.s32 $0x0;
	s6 =	simm.s32 $0x2;
	[dreg:$0x5] =	wrdreg s0;
	s0 =	simm.s32 $0x1  }
.LBB2_1:
0x1a: {  	s9 =	simm.s32 $0x0;
	s12 =	rddreg [dreg:$0x3]  }
0x1b: {  	[tilespmem:s9], [sflag:$0x5] =	stream.linear.gather [hbm4b:s12+s9], $0x2800, $0x38;
	[tilespmem:$0x1FA00] =	vst v63  }
0x1c: {  	_ =	swait.ge [sflag:s19], $0x2800  }
0x1d: {  	[sflag:s19] =	ssyncset.done $0x0  }
0x1e: {  	s12 =	simm.s32 $0x0;
	[sflag:s19] =	ssyncadd.s32 $0xFFFFD800  }
.LBB2_2:
0x1f: {  	p0 =	sne.s32 s12, $0x9FC0  }
.Ltmp0:
0x20: {  	_ = 	snop;
	(pc) =	sbr.rel @p0 .LBB2_2-.Ltmp0, $3  }
0x21: {  	_ =	sdelay $0x1  }
0x22: {  	s13 =	sshra.s32 s12, $0x2  }
0x23: {  	s12 =	sadd.s32 $0x40, s12;
	[tilespmem:s13+$0x4000] =	vst v0  }
0x24: {  	s12 =	simm.s32 $0x0;
	s13 =	simm.s32 $0x200  }
.LBB2_4:
0x25: {  	p0 =	sne.s32 s13, $0x9E00;
	[tilespmem:s12+$0x9270] =	vst v0  }
0x26: {  	[tilespmem:s12+$0x6A00] =	vst v0  }
0x27: {  	[tilespmem:s12+$0x9200] =	vst v0  }
0x28: {  	[tilespmem:s12+$0x6A10] =	vst v0  }
0x29: {  	[tilespmem:s12+$0x9210] =	vst v0  }
0x2a: {  	[tilespmem:s12+$0x6A20] =	vst v0  }
0x2b: {  	[tilespmem:s12+$0x9220] =	vst v0  }
0x2c: {  	[tilespmem:s12+$0x6A30] =	vst v0  }
0x2d: {  	[tilespmem:s12+$0x9230] =	vst v0  }
0x2e: {  	[tilespmem:s12+$0x6A40] =	vst v0  }
0x2f: {  	[tilespmem:s12+$0x9240] =	vst v0  }
.Ltmp1:
0x30: {  	[tilespmem:s12+$0x6A50] =	vst v0;
	(pc) =	sbr.rel @p0 .LBB2_4-.Ltmp1, $4  }
0x31: {  	[tilespmem:s12+$0x9250] =	vst v0  }
0x32: {  	[tilespmem:s12+$0x6A60] =	vst v0  }
0x33: {  	[tilespmem:s12+$0x9260] =	vst v0  }
0x34: {  	[tilespmem:s12+$0x6A70] =	vst v0;
	s12 =	sshra.s32 s13, $0x2;
	s13 =	sadd.s32 $0x200, s13  }
0x35: {  	[tilespmem:s12+$0x9270] =	vst v0  }
0x36: {  	[tilespmem:s12+$0x6A00] =	vst v0  }
0x37: {  	[tilespmem:s12+$0x9200] =	vst v0  }
0x38: {  	[tilespmem:s12+$0x6A10] =	vst v0  }
0x39: {  	[tilespmem:s12+$0x9210] =	vst v0  }
0x3a: {  	[tilespmem:s12+$0x6A20] =	vst v0  }
0x3b: {  	[tilespmem:s12+$0x9220] =	vst v0  }
0x3c: {  	[tilespmem:s12+$0x6A30] =	vst v0  }
0x3d: {  	[tilespmem:s12+$0x9230] =	vst v0  }
0x3e: {  	[tilespmem:s12+$0x6A40] =	vst v0  }
0x3f: {  	[tilespmem:s12+$0x9240] =	vst v0  }
0x40: {  	[tilespmem:s12+$0x6A50] =	vst v0  }
0x41: {  	[tilespmem:s12+$0x9250] =	vst v0  }
0x42: {  	[tilespmem:s12+$0x6A60] =	vst v0  }
0x43: {  	[tilespmem:s12+$0x9260] =	vst v0  }
0x44: {  	[tilespmem:s12+$0x6A70] =	vst v0  }
0x45: {  	[tilespmem:$0x6900] =	vst v1  }
0x46: {  	[tilespmem:$0x6980] =	vst v1  }
0x47: {  	[tilespmem:$0x6910] =	vst v1  }
0x48: {  	[tilespmem:$0x6990] =	vst v1  }
0x49: {  	[tilespmem:$0x6920] =	vst v1  }
0x4a: {  	[tilespmem:$0x69A0] =	vst v1  }
0x4b: {  	[tilespmem:$0x6930] =	vst v1  }
0x4c: {  	[tilespmem:$0x69B0] =	vst v1  }
0x4d: {  	[tilespmem:$0x6940] =	vst v1  }
0x4e: {  	[tilespmem:$0x69C0] =	vst v1  }
0x4f: {  	[spmem:s14] =	stream.linear.scatter [tilespmem:s20], [sflag:$0x5], $0x2800, $0x38;
	[tilespmem:$0x1FA00] =	vst v63  }
0x50: {  	_ =	swait.ge [sflag:s19], $0x2800  }
0x51: {  	[sflag:s19] =	ssyncset.done $0x0  }
0x52: {  	s9 =	rddreg [dreg:$0x7];
	[sflag:s19] =	ssyncadd.s32 $0xFFFFD800  }
0x53: {  	[spmem:s9] =	stream.linear.scatter [tilespmem:s20], [sflag:$0x5], $0x2800, $0x38;
	[tilespmem:$0x1FA00] =	vst v63  }
0x54: {  	_ =	swait.ge [sflag:s19], $0x2800  }
0x55: {  	[sflag:s19] =	ssyncset.done $0x0  }
0x56: {  	s14 =	rddreg [dreg:$0x8];
	[sflag:s19] =	ssyncadd.s32 $0xFFFFD800  }
0x57: {  	[spmem:s14] =	stream.linear.scatter [tilespmem:s20], [sflag:$0x5], $0x2800, $0x38;
	[tilespmem:$0x1FA00] =	vst v63  }
0x58: {  	_ =	swait.ge [sflag:s19], $0x2800  }
0x59: {  	[sflag:s19] =	ssyncset.done $0x0  }
0x5a: {  	s15 =	rddreg [dreg:$0x9];
	[sflag:s19] =	ssyncadd.s32 $0xFFFFD800  }
0x5b: {  	[spmem:s15] =	stream.linear.scatter [tilespmem:s20], [sflag:$0x5], $0x2800, $0x38;
	[tilespmem:$0x1FA00] =	vst v63  }
0x5c: {  	_ =	swait.ge [sflag:s19], $0x2800  }
0x5d: {  	[sflag:s19] =	ssyncset.done $0x0  }
0x5e: {  	s16 =	rddreg [dreg:$0xa];
	[sflag:s19] =	ssyncadd.s32 $0xFFFFD800  }
0x5f: {  	[spmem:s16] =	stream.linear.scatter [tilespmem:s20], [sflag:$0x5], $0x2800, $0x38;
	[tilespmem:$0x1FA00] =	vst v63  }
0x60: {  	_ =	swait.ge [sflag:s19], $0x2800  }
0x61: {  	[sflag:s19] =	ssyncset.done $0x0  }
0x62: {  	s17 =	rddreg [dreg:$0xb];
	[sflag:s19] =	ssyncadd.s32 $0xFFFFD800  }
0x63: {  	[spmem:s17] =	stream.linear.scatter [tilespmem:s20], [sflag:$0x5], $0x2800, $0x38;
	[tilespmem:$0x1FA00] =	vst v63  }
0x64: {  	_ =	swait.ge [sflag:s19], $0x2800  }
0x65: {  	[sflag:s19] =	ssyncset.done $0x0  }
0x66: {  	s18 =	rddreg [dreg:$0xc];
	[sflag:s19] =	ssyncadd.s32 $0xFFFFD800  }
0x67: {  	[spmem:s18] =	stream.linear.scatter [tilespmem:s20], [sflag:$0x5], $0x2800, $0x38;
	[tilespmem:$0x1FA00] =	vst v63  }
0x68: {  	_ =	swait.ge [sflag:s19], $0x2800  }
0x69: {  	[sflag:s19] =	ssyncset.done $0x0  }
0x6a: {  	s24 =	rddreg [dreg:$0xd];
	[sflag:s19] =	ssyncadd.s32 $0xFFFFD800  }
0x6b: {  	[spmem:s24] =	stream.linear.scatter [tilespmem:s20], [sflag:$0x5], $0x2800, $0x38;
	[tilespmem:$0x1FA00] =	vst v63  }
0x6c: {  	_ =	swait.ge [sflag:s19], $0x2800  }
0x6d: {  	[sflag:s19] =	ssyncset.done $0x0  }
0x6e: {  	[sflag:s19] =	ssyncadd.s32 $0xFFFFD800  }
0x6f: {  	[bflag:$0x0] =	sbarrier.arrive $0xFFFF  }
0x70: {  	[spmem:s1] =	stream.indirect.scatter.add.f32 [tilespmem:s20], [sflag:$0x3], $0x80, s22, s21, $0xb8;
	[tilespmem:$0x1FA00] =	vst v63  }
0x71: {  	s12 =	simm.s32 $0x0;
	s13 =	simm.s32 $0x0  }
0x72: {  	[spmem:s1] =	stream.indirect.scatter.add.f32 [tilespmem:s25], [sflag:$0x4], $0x80, s23, s21, $0xb8;
	[tilespmem:$0x1FA00] =	vst v63  }
.LBB2_6:
0x73: {  	s14 =	smul.u32 $0x7D0, s13;
	_ =	sdelay $0x1  }
0x74: {  	s14 =	sadd.s32 s8, s14  }
0x75: {  	s14 =	sshrl.u32 s14, $0x3  }
0x76: {  	s15 =	sadd.s32 s4, s14  }
0x77: {  	[tilespmem:s26], [sflag:$0x5] =	stream.linear.gather [hbm4b:s15+s12], $0x7D0, $0x38;
	[tilespmem:$0x1FA00] =	vst v63  }
0x78: {  	_ =	swait.ge [sflag:s19], $0x7D0  }
0x79: {  	[sflag:s19] =	ssyncset.done $0x0  }
0x7a: {  	s15 =	sadd.s32 $0x9C40, s15;
	[sflag:s19] =	ssyncadd.s32 $0xFFFFF830  }
0x7b: {  	[tilespmem:s28], [sflag:$0x5] =	stream.linear.gather [hbm4b:s15+s12], $0x7D0, $0x38;
	[tilespmem:$0x1FA00] =	vst v63  }
0x7c: {  	_ =	swait.ge [sflag:s19], $0x7D0  }
0x7d: {  	[sflag:s19] =	ssyncset.done $0x0  }
0x7e: {  	s14 =	sadd.s32 s5, s14;
	[sflag:s19] =	ssyncadd.s32 $0xFFFFF830  }
0x7f: {  	[tilespmem:s29], [sflag:$0x5] =	stream.linear.gather [hbm4b:s14+s12], $0x7D0, $0x38;
	[tilespmem:$0x1FA00] =	vst v63  }
0x80: {  	_ =	swait.ge [sflag:s19], $0x7D0  }
0x81: {  	[sflag:s19] =	ssyncset.done $0x0  }
0x82: {  	[sflag:s19] =	ssyncadd.s32 $0xFFFFF830  }
0x83: {  	_ =	swait.ge [sflag:s30], $0x2800  }
0x84: {  	[sflag:s30] =	ssyncset.done $0x0  }
0x85: {  	[sflag:s30] =	ssyncadd.s32 $0xFFFFD800  }
0x86: {  	[tilespmem:s20], [sflag:$0x1] =	stream.linear.gather [hbm4b:s7+s12], $0x2800, $0x38;
	[tilespmem:$0x1FA00] =	vst v63  }
0x87: {  	v2 =	vld [tilespmem:$0x3000];
	_ =	sdelay $0x6  }
0x88: {  	v3 =	vld [tilespmem:$0x3800]  }
0x89: {  	v4 =	vld.idx.msk [tilespmem:v2+s12+$0x0], $0xffff;
	_ =	sdelay $0x4  }
0x8a: {  	v3 =	vsub.f32 v3, v4;
	_ =	sdelay $0x1  }
0x8b: {  	v3 =	vmul.f32 $1.442695020e+00, v3;
	_ =	sdelay $0x1  }
0x8c: {  	(erf) = vpow2.f32 v3;
	_ =	sdelay $0x8  }
0x8d: {  	[tilespmem:$0x6900] =	vst v2;
	v3 =	vpop (erf)  }
0x8e: {  	[tilespmem:$0x6800] =	vst v3  }
0x8f: {  	[tilespmem:v2+s31+$0x0] =	vst.idx.add.f32.msk $0xffff, v3  }
0x90: {  	v2 =	vld [tilespmem:$0x3010];
	_ =	sdelay $0x6  }
0x91: {  	v3 =	vld [tilespmem:$0x3810]  }
0x92: {  	v4 =	vld.idx.msk [tilespmem:v2+s12+$0x0], $0xffff;
	_ =	sdelay $0x4  }
0x93: {  	v3 =	vsub.f32 v3, v4;
	_ =	sdelay $0x1  }
0x94: {  	v3 =	vmul.f32 $1.442695020e+00, v3;
	_ =	sdelay $0x1  }
0x95: {  	(erf) = vpow2.f32 v3;
	_ =	sdelay $0x8  }
0x96: {  	[tilespmem:$0x6910] =	vst v2;
	v3 =	vpop (erf)  }
0x97: {  	[tilespmem:$0x6810] =	vst v3  }
0x98: {  	[tilespmem:v2+s31+$0x0] =	vst.idx.add.f32.msk $0xffff, v3  }
0x99: {  	v2 =	vld [tilespmem:$0x3020];
	_ =	sdelay $0x6  }
0x9a: {  	v3 =	vld [tilespmem:$0x3820]  }
0x9b: {  	v4 =	vld.idx.msk [tilespmem:v2+s12+$0x0], $0xffff;
	_ =	sdelay $0x4  }
0x9c: {  	v3 =	vsub.f32 v3, v4;
	_ =	sdelay $0x1  }
0x9d: {  	v3 =	vmul.f32 $1.442695020e+00, v3;
	_ =	sdelay $0x1  }
0x9e: {  	(erf) = vpow2.f32 v3;
	_ =	sdelay $0x8  }
0x9f: {  	[tilespmem:$0x6920] =	vst v2;
	v3 =	vpop (erf)  }
0xa0: {  	[tilespmem:$0x6820] =	vst v3  }
0xa1: {  	[tilespmem:v2+s31+$0x0] =	vst.idx.add.f32.msk $0xffff, v3  }
0xa2: {  	v2 =	vld [tilespmem:$0x3030];
	_ =	sdelay $0x6  }
0xa3: {  	v3 =	vld [tilespmem:$0x3830]  }
0xa4: {  	v4 =	vld.idx.msk [tilespmem:v2+s12+$0x0], $0xffff;
	_ =	sdelay $0x4  }
0xa5: {  	v3 =	vsub.f32 v3, v4;
	_ =	sdelay $0x1  }
0xa6: {  	v3 =	vmul.f32 $1.442695020e+00, v3;
	_ =	sdelay $0x1  }
0xa7: {  	(erf) = vpow2.f32 v3;
	_ =	sdelay $0x8  }
0xa8: {  	[tilespmem:$0x6930] =	vst v2;
	v3 =	vpop (erf)  }
0xa9: {  	[tilespmem:$0x6830] =	vst v3  }
0xaa: {  	[tilespmem:v2+s31+$0x0] =	vst.idx.add.f32.msk $0xffff, v3  }
0xab: {  	v2 =	vld [tilespmem:$0x3040];
	_ =	sdelay $0x6  }
0xac: {  	v3 =	vld [tilespmem:$0x3840]  }
0xad: {  	v4 =	vld.idx.msk [tilespmem:v2+s12+$0x0], $0xffff;
	_ =	sdelay $0x4  }
0xae: {  	v3 =	vsub.f32 v3, v4;
	_ =	sdelay $0x1  }
0xaf: {  	v3 =	vmul.f32 $1.442695020e+00, v3;
	_ =	sdelay $0x1  }
0xb0: {  	(erf) = vpow2.f32 v3;
	_ =	sdelay $0x6  }
0xb1: {  	s15 =	simm.s32 $0x2;
	v3 =	vmov s12  }
0xb2: {  	v5 =	vmov s15;
	v3 =	vand.u32 $0xFFFFFFFC, v3  }
0xb3: {  	v5 =	vand.u32 $0xFFFFFFFE, v5;
	[tilespmem:$0x6940] =	vst v2;
	v3 =	vbroadcast v3, $0x0;
	v4 =	vpop (erf)  }
0xb4: {  	v5 =	vbroadcast v5, $0x0;
	[tilespmem:$0x6840] =	vst v4  }
0xb5: {  	[tilespmem:v2+s31+$0x0] =	vst.idx.add.f32.msk $0xffff, v4  }
0xb6: {  	_ =	swait.ge [sflag:s0], $0x2800  }
0xb7: {  	[sflag:s0] =	ssyncset.done $0x0  }
0xb8: {  	[sflag:s0] =	ssyncadd.s32 $0xFFFFD800  }
0xb9: {  	v2 =	vld.idx.msk [tilespmem:v3+s3+$0x0], $0xffff  }
0xba: {  	s14 =	simm.s32 $0x6B00;
	v3 =	vld.idx.msk [tilespmem:v5+s3+$0x0], $0xffff  }
0xbb: {  	s16 =	simm.s32 $0x1;
	v5 =	vld [tilespmem:s14+$0x70]  }
0xbc: {  	v4 =	vmov s16;
	v6 =	vld [tilespmem:s14+$0xFFFFFF00]  }
0xbd: {  	v4 =	vand.u32 $0xFFFFFFFD, v4;
	v7 =	vld [tilespmem:s14+$0xFFFFFF10]  }
0xbe: {  	v4 =	vbroadcast v4, $0x0;
	v8 =	vld [tilespmem:s14+$0xFFFFFF20]  }
0xbf: {  	v9 =	vld [tilespmem:s14+$0xFFFFFF30]  }
0xc0: {  	v10 =	vld [tilespmem:s14+$0xFFFFFF40]  }
0xc1: {  	v11 =	vld [tilespmem:s14+$0xFFFFFF50]  }
0xc2: {  	v12 =	vld [tilespmem:s14+$0xFFFFFF60];
	v6 =	vmul.f32 v6, v2  }
0xc3: {  	v14 =	vld [tilespmem:s14+$0x40];
	v5 =	vmul.f32 v5, v3  }
0xc4: {  	v4 =	vld.idx.msk [tilespmem:v4+s3+$0x0], $0xffff;
	[tilespmem:s14+$0xFFFFFF00] =	vst v6;
	v6 =	vmul.f32 v7, v2  }
0xc5: {  	v7 =	vld [tilespmem:s14+$0xFFFFFF70];
	[tilespmem:s14+$0x70] =	vst v5;
	v5 =	vmul.f32 v8, v2  }
0xc6: {  	v8 =	vld [tilespmem:s14+$0xFFFFFF80];
	[tilespmem:s14+$0xFFFFFF10] =	vst v6;
	v6 =	vmul.f32 v9, v2  }
0xc7: {  	v9 =	vld [tilespmem:s14+$0xFFFFFF90];
	[tilespmem:s14+$0xFFFFFF20] =	vst v5;
	v5 =	vmul.f32 v10, v2  }
0xc8: {  	v10 =	vld [tilespmem:s14+$0xFFFFFFA0];
	[tilespmem:s14+$0xFFFFFF30] =	vst v6;
	v6 =	vmul.f32 v11, v2  }
0xc9: {  	v11 =	vld [tilespmem:s14+$0xFFFFFFB0];
	[tilespmem:s14+$0xFFFFFF40] =	vst v5;
	v5 =	vmul.f32 v12, v2  }
0xca: {  	v12 =	vld [tilespmem:s14+$0xFFFFFFC0];
	v7 =	vmul.f32 v7, v2;
	[tilespmem:s14+$0xFFFFFF50] =	vst v6  }
0xcb: {  	v6 =	vmul.f32 v8, v4;
	v8 =	vld [tilespmem:s14+$0xFFFFFFD0];
	[tilespmem:s14+$0xFFFFFF60] =	vst v5  }
0xcc: {  	s17 =	simm.s32 $0x3;
	v5 =	vld [tilespmem:s14+$0xFFFFFFE0];
	v9 =	vmul.f32 v9, v4;
	[tilespmem:s14+$0xFFFFFF70] =	vst v7  }
0xcd: {  	v13 =	vmov s17;
	v7 =	vld [tilespmem:s14+$0xFFFFFFF0];
	[tilespmem:s14+$0xFFFFFF80] =	vst v6;
	v6 =	vmul.f32 v10, v4  }
0xce: {  	v10 =	vld [tilespmem:s14+$0x0];
	[tilespmem:s14+$0xFFFFFF90] =	vst v9;
	v9 =	vmul.f32 v11, v4  }
0xcf: {  	v11 =	vld [tilespmem:s14+$0x10];
	[tilespmem:s14+$0xFFFFFFA0] =	vst v6;
	v6 =	vmul.f32 v12, v4  }
0xd0: {  	[tilespmem:s14+$0xFFFFFFB0] =	vst v9;
	v8 =	vmul.f32 v8, v4;
	v9 =	vld [tilespmem:s14+$0x20]  }
0xd1: {  	v12 =	vld [tilespmem:s14+$0x30];
	v5 =	vmul.f32 v5, v4;
	[tilespmem:s14+$0xFFFFFFC0] =	vst v6  }
0xd2: {  	v2 =	vld.idx.msk [tilespmem:v13+s3+$0x0], $0xffff;
	v4 =	vmul.f32 v7, v4;
	[tilespmem:s14+$0xFFFFFFD0] =	vst v8  }
0xd3: {  	[tilespmem:s14+$0xFFFFFFE0] =	vst v5;
	v6 =	vmul.f32 v10, v3;
	v5 =	vld [tilespmem:s14+$0x50]  }
0xd4: {  	s18 =	simm.s32 $0x4;
	[tilespmem:s14+$0xFFFFFFF0] =	vst v4;
	v7 =	vmul.f32 v11, v3;
	v4 =	vld [tilespmem:s14+$0x60]  }
0xd5: {  	s24 =	simm.s32 $0x7;
	v8 =	vmov s18;
	[tilespmem:s14+$0x0] =	vst v6;
	v10 =	vmul.f32 v9, v3;
	v9 =	vld [tilespmem:s14+$0x80]  }
0xd6: {  	s16 =	simm.s32 $0x5;
	v13 =	vand.u32 $0xFFFFFFFC, v8;
	v8 =	vld [tilespmem:s14+$0x90];
	v6 =	vmov s24;
	v11 =	vmul.f32 v12, v3;
	[tilespmem:s14+$0x10] =	vst v7  }
0xd7: {  	s17 =	simm.s32 $0x6;
	s15 =	simm.s32 $0x6B00;
	v12 =	vmul.f32 v14, v3;
	v7 =	vbroadcast v13, $0x0;
	v13 =	vmov s16;
	s16 =	simm.s32 $0x8;
	[tilespmem:s14+$0x20] =	vst v10;
	v10 =	vld [tilespmem:s14+$0xA0]  }
.LBB2_7:
0xd8: {  	p0 =	slt.u32 s16, $0x4C;
	v13 =	vand.u32 $0xFFFFFFFD, v13;
	v14 =	vmov s17;
	[tilespmem:s14+$0x30] =	vst v11;
	v5 =	vmul.f32 v5, v3;
	v11 =	vld [tilespmem:s14+$0xB0]  }
0xd9: {  	v13 =	vbroadcast v13, $0x0;
	v14 =	vand.u32 $0xFFFFFFFE, v14;
	[tilespmem:s14+$0x40] =	vst v12;
	v3 =	vmul.f32 v4, v3;
	v4 =	vld [tilespmem:s14+$0xC0]  }
0xda: {  	v12 =	vbroadcast v14, $0x0;
	[tilespmem:s14+$0x50] =	vst v5;
	v5 =	vmul.f32 v9, v2;
	v9 =	vld [tilespmem:s14+$0xD0]  }
0xdb: {  	[tilespmem:s14+$0x60] =	vst v3;
	v3 =	vmul.f32 v8, v2;
	v8 =	vld [tilespmem:s14+$0xE0]  }
0xdc: {  	[tilespmem:s14+$0x80] =	vst v5;
	v5 =	vmul.f32 v10, v2;
	v10 =	vld [tilespmem:s14+$0xF0]  }
0xdd: {  	v6 =	vld.idx.msk [tilespmem:v6+s3+$0x0], $0xffff;
	[tilespmem:s14+$0x90] =	vst v3;
	v3 =	vmul.f32 v11, v2  }
0xde: {  	v7 =	vld.idx.msk [tilespmem:v7+s3+$0x0], $0xffff;
	[tilespmem:s14+$0xA0] =	vst v5;
	v4 =	vmul.f32 v4, v2  }
0xdf: {  	v5 =	vld.idx.msk [tilespmem:v13+s3+$0x0], $0xffff;
	[tilespmem:s14+$0xB0] =	vst v3;
	v9 =	vmul.f32 v9, v2  }
0xe0: {  	s14 =	sadd.s32 $0x200, s14;
	v3 =	vld.idx.msk [tilespmem:v12+s3+$0x0], $0xffff;
	[tilespmem:s15+$0xC0] =	vst v4;
	v4 =	vmul.f32 v8, v2  }
0xe1: {  	v8 =	vld [tilespmem:s14+$0x70];
	[tilespmem:s15+$0xD0] =	vst v9;
	v10 =	vmul.f32 v10, v2  }
0xe2: {  	v9 =	vld [tilespmem:s14+$0xFFFFFF00];
	[tilespmem:s15+$0xE0] =	vst v4  }
0xe3: {  	v2 =	vmov v6;
	v4 =	vld [tilespmem:s14+$0xFFFFFF10];
	[tilespmem:s15+$0xF0] =	vst v10;
	s15 =	smov.u32 s14  }
0xe4: {  	v6 =	vld [tilespmem:s14+$0xFFFFFF20]  }
0xe5: {  	v10 =	vld [tilespmem:s14+$0xFFFFFF30]  }
0xe6: {  	v11 =	vld [tilespmem:s14+$0xFFFFFF40];
	v8 =	vmul.f32 v8, v3  }
0xe7: {  	v9 =	vmul.f32 v9, v7;
	v12 =	vld [tilespmem:s14+$0xFFFFFF50]  }
0xe8: {  	v4 =	vmul.f32 v4, v7;
	v13 =	vld [tilespmem:s14+$0xFFFFFF60];
	[tilespmem:s14+$0x70] =	vst v8  }
0xe9: {  	[tilespmem:s14+$0xFFFFFF00] =	vst v9;
	v6 =	vmul.f32 v6, v7;
	v8 =	vld [tilespmem:s14+$0xFFFFFF70]  }
0xea: {  	[tilespmem:s14+$0xFFFFFF10] =	vst v4;
	v4 =	vmul.f32 v10, v7;
	v9 =	vld [tilespmem:s14+$0xFFFFFF80]  }
0xeb: {  	[tilespmem:s14+$0xFFFFFF20] =	vst v6;
	v6 =	vmul.f32 v11, v7;
	v10 =	vld [tilespmem:s14+$0xFFFFFF90]  }
0xec: {  	[tilespmem:s14+$0xFFFFFF30] =	vst v4;
	v4 =	vmul.f32 v12, v7;
	v11 =	vld [tilespmem:s14+$0xFFFFFFA0]  }
0xed: {  	[tilespmem:s14+$0xFFFFFF40] =	vst v6;
	v6 =	vmul.f32 v13, v7;
	v12 =	vld [tilespmem:s14+$0xFFFFFFB0]  }
0xee: {  	[tilespmem:s14+$0xFFFFFF50] =	vst v4;
	v4 =	vmul.f32 v8, v7;
	v7 =	vld [tilespmem:s14+$0xFFFFFFC0]  }
0xef: {  	[tilespmem:s14+$0xFFFFFF60] =	vst v6;
	v6 =	vmul.f32 v9, v5;
	v8 =	vld [tilespmem:s14+$0xFFFFFFD0]  }
0xf0: {  	[tilespmem:s14+$0xFFFFFF70] =	vst v4;
	v4 =	vmul.f32 v10, v5;
	v9 =	vld [tilespmem:s14+$0xFFFFFFE0]  }
0xf1: {  	[tilespmem:s14+$0xFFFFFF80] =	vst v6;
	v6 =	vmul.f32 v11, v5;
	v10 =	vld [tilespmem:s14+$0xFFFFFFF0]  }
0xf2: {  	[tilespmem:s14+$0xFFFFFF90] =	vst v4;
	v4 =	vmul.f32 v12, v5;
	v11 =	vld [tilespmem:s14+$0x0]  }
0xf3: {  	[tilespmem:s14+$0xFFFFFFA0] =	vst v6;
	v6 =	vmul.f32 v7, v5;
	v7 =	vld [tilespmem:s14+$0x10]  }
0xf4: {  	[tilespmem:s14+$0xFFFFFFB0] =	vst v4;
	v4 =	vmul.f32 v8, v5;
	v8 =	vld [tilespmem:s14+$0x20]  }
0xf5: {  	[tilespmem:s14+$0xFFFFFFC0] =	vst v6;
	v6 =	vmul.f32 v9, v5;
	v12 =	vld [tilespmem:s14+$0x30]  }
0xf6: {  	[tilespmem:s14+$0xFFFFFFD0] =	vst v4;
	v4 =	vmul.f32 v10, v5;
	v10 =	vld [tilespmem:s14+$0x40]  }
.Ltmp2:
0xf7: {  	[tilespmem:s14+$0xFFFFFFE0] =	vst v6;
	v6 =	vmul.f32 v11, v3;
	v5 =	vld [tilespmem:s14+$0x50];
	(pc) =	sbr.rel @p0 .LBB2_7-.Ltmp2, $4  }
0xf8: {  	[tilespmem:s14+$0xFFFFFFF0] =	vst v4;
	v7 =	vmul.f32 v7, v3;
	v4 =	vld [tilespmem:s14+$0x60]  }
0xf9: {  	s17 =	sadd.s32 $0x3, s16;
	v11 =	vmov s16;
	[tilespmem:s14+$0x0] =	vst v6;
	v14 =	vmul.f32 v8, v3;
	v9 =	vld [tilespmem:s14+$0x80]  }
0xfa: {  	s18 =	sadd.s32 $0x1, s16;
	v13 =	vand.u32 $0xFFFFFFFC, v11;
	v6 =	vmov s17;
	[tilespmem:s14+$0x10] =	vst v7;
	v11 =	vmul.f32 v12, v3;
	v8 =	vld [tilespmem:s14+$0x90]  }
0xfb: {  	s17 =	sadd.s32 $0x2, s16;
	s16 =	sadd.s32 $0x4, s16;
	v7 =	vbroadcast v13, $0x0;
	v13 =	vmov s18;
	[tilespmem:s14+$0x20] =	vst v14;
	v12 =	vmul.f32 v10, v3;
	v10 =	vld [tilespmem:s14+$0xA0]  }
0xfc: {  	v14 =	vld [tilespmem:s14+$0xB0]  }
0xfd: {  	v16 =	vld [tilespmem:s14+$0xC0]  }
0xfe: {  	v17 =	vld [tilespmem:s14+$0xD0]  }
0xff: {  	v18 =	vld [tilespmem:s14+$0xE0]  }
0x100: {  	v24 =	vld [tilespmem:s14+$0xF0];
	[tilespmem:s14+$0x30] =	vst v11;
	v5 =	vmul.f32 v5, v3  }
0x101: {  	v6 =	vld.idx.msk [tilespmem:v6+s3+$0x0], $0xffff;
	[tilespmem:s14+$0x40] =	vst v12;
	v3 =	vmul.f32 v4, v3  }
0x102: {  	s16 =	sadd.s32 $0x200, s14;
	v25 =	vld.idx.msk [tilespmem:v7+s3+$0x0], $0xffff;
	v9 =	vmul.f32 v9, v2;
	[tilespmem:s14+$0x50] =	vst v5  }
0x103: {  	v30 =	vld [tilespmem:s16+$0x70];
	v26 =	vmul.f32 v8, v2;
	[tilespmem:s14+$0x60] =	vst v3  }
0x104: {  	v31 =	vld [tilespmem:s16+$0xFFFFFF00];
	[tilespmem:s14+$0x80] =	vst v9;
	v3 =	vmul.f32 v10, v2  }
0x105: {  	v15 =	vmov s17;
	v33 =	vld [tilespmem:s16+$0xFFFFFF10];
	[tilespmem:s14+$0x90] =	vst v26;
	v29 =	vmul.f32 v14, v2  }
0x106: {  	v15 =	vand.u32 $0xFFFFFFFE, v15;
	v34 =	vld [tilespmem:s16+$0xFFFFFF20];
	[tilespmem:s14+$0xA0] =	vst v3;
	v3 =	vmul.f32 v16, v2  }
0x107: {  	v13 =	vand.u32 $0xFFFFFFFD, v13;
	v35 =	vld [tilespmem:s16+$0xFFFFFF30];
	v15 =	vbroadcast v15, $0x0;
	v32 =	vmul.f32 v17, v2;
	[tilespmem:s14+$0xB0] =	vst v29  }
0x108: {  	v13 =	vbroadcast v13, $0x0;
	v37 =	vld [tilespmem:s16+$0xFFFFFF50];
	[tilespmem:s15+$0xC0] =	vst v3;
	v3 =	vmul.f32 v18, v2  }
0x109: {  	v39 =	vld [tilespmem:s16+$0xFFFFFF60];
	[tilespmem:s15+$0xD0] =	vst v32;
	v2 =	vmul.f32 v24, v2  }
0x10a: {  	v38 =	vmul.f32 v33, v25;
	[tilespmem:s15+$0xE0] =	vst v3;
	v3 =	vld [tilespmem:s16+$0xFFFFFF40]  }
0x10b: {  	v40 =	vld [tilespmem:s16+$0xFFFFFF70];
	[tilespmem:s15+$0xF0] =	vst v2;
	v2 =	vmul.f32 v31, v25  }
0x10c: {  	v41 =	vld [tilespmem:s16+$0xFFFFFF80];
	v5 =	vmul.f32 v35, v25;
	[tilespmem:s16+$0xFFFFFF10] =	vst v38  }
0x10d: {  	v28 =	vld.idx.msk [tilespmem:v15+s3+$0x0], $0xffff;
	[tilespmem:s16+$0xFFFFFF00] =	vst v2;
	v2 =	vmul.f32 v34, v25  }
0x10e: {  	v42 =	vmul.f32 v37, v25;
	v27 =	vld.idx.msk [tilespmem:v13+s3+$0x0], $0xffff;
	[tilespmem:s16+$0xFFFFFF30] =	vst v5  }
0x10f: {  	[tilespmem:s16+$0xFFFFFF20] =	vst v2;
	v2 =	vmul.f32 v3, v25;
	v3 =	vld [tilespmem:s16+$0xFFFFFF90]  }
0x110: {  	v43 =	vld [tilespmem:s16+$0xFFFFFFA0];
	v4 =	vmul.f32 v40, v25;
	[tilespmem:s16+$0xFFFFFF50] =	vst v42  }
0x111: {  	v44 =	vld [tilespmem:s16+$0xFFFFFFB0];
	[tilespmem:s16+$0xFFFFFF40] =	vst v2;
	v2 =	vmul.f32 v39, v25  }
0x112: {  	v45 =	vld [tilespmem:s16+$0xFFFFFFC0];
	[tilespmem:s16+$0xFFFFFF70] =	vst v4;
	v36 =	vmul.f32 v30, v28  }
0x113: {  	v46 =	vld [tilespmem:s16+$0xFFFFFFD0];
	[tilespmem:s16+$0xFFFFFF60] =	vst v2;
	v2 =	vmul.f32 v41, v27  }
0x114: {  	v47 =	vld [tilespmem:s16+$0xFFFFFFE0];
	[tilespmem:s16+$0x70] =	vst v36;
	v3 =	vmul.f32 v3, v27  }
0x115: {  	v48 =	vld [tilespmem:s16+$0xFFFFFFF0];
	[tilespmem:s16+$0xFFFFFF80] =	vst v2;
	v2 =	vmul.f32 v43, v27  }
0x116: {  	v49 =	vld [tilespmem:s16+$0x0];
	[tilespmem:s16+$0xFFFFFF90] =	vst v3;
	v3 =	vmul.f32 v44, v27  }
0x117: {  	v50 =	vld [tilespmem:s16+$0x10];
	[tilespmem:s16+$0xFFFFFFA0] =	vst v2;
	v2 =	vmul.f32 v45, v27  }
0x118: {  	v51 =	vld [tilespmem:s16+$0x20];
	[tilespmem:s16+$0xFFFFFFB0] =	vst v3;
	v3 =	vmul.f32 v46, v27  }
0x119: {  	v52 =	vld [tilespmem:s16+$0x30];
	[tilespmem:s16+$0xFFFFFFC0] =	vst v2;
	v2 =	vmul.f32 v47, v27  }
0x11a: {  	v53 =	vld [tilespmem:s16+$0x40];
	[tilespmem:s16+$0xFFFFFFD0] =	vst v3;
	v3 =	vmul.f32 v48, v27  }
0x11b: {  	v54 =	vld [tilespmem:s16+$0x50];
	[tilespmem:s16+$0xFFFFFFE0] =	vst v2;
	v2 =	vmul.f32 v49, v28  }
0x11c: {  	v55 =	vld [tilespmem:s16+$0x60];
	[tilespmem:s16+$0xFFFFFFF0] =	vst v3;
	v3 =	vmul.f32 v50, v28  }
0x11d: {  	v56 =	vld [tilespmem:s16+$0x80];
	[tilespmem:s16+$0x0] =	vst v2;
	v2 =	vmul.f32 v51, v28  }
0x11e: {  	v57 =	vld [tilespmem:s16+$0x90];
	[tilespmem:s16+$0x10] =	vst v3;
	v3 =	vmul.f32 v52, v28  }
0x11f: {  	v58 =	vld [tilespmem:s16+$0xA0];
	[tilespmem:s16+$0x20] =	vst v2;
	v2 =	vmul.f32 v53, v28  }
0x120: {  	v59 =	vld [tilespmem:s16+$0xB0];
	[tilespmem:s16+$0x30] =	vst v3;
	v3 =	vmul.f32 v54, v28  }
0x121: {  	v60 =	vld [tilespmem:s16+$0xC0];
	[tilespmem:s16+$0x40] =	vst v2;
	v2 =	vmul.f32 v55, v28  }
0x122: {  	v61 =	vld [tilespmem:s16+$0xD0];
	[tilespmem:s16+$0x50] =	vst v3;
	v3 =	vmul.f32 v56, v6  }
0x123: {  	v62 =	vld [tilespmem:s16+$0xE0];
	[tilespmem:s16+$0x60] =	vst v2;
	v2 =	vmul.f32 v57, v6  }
0x124: {  	v63 =	vld [tilespmem:s16+$0xF0];
	[tilespmem:s16+$0x80] =	vst v3;
	v3 =	vmul.f32 v58, v6  }
0x125: {  	[tilespmem:s16+$0x90] =	vst v2;
	v2 =	vmul.f32 v59, v6  }
0x126: {  	[tilespmem:s16+$0xA0] =	vst v3;
	v3 =	vmul.f32 v60, v6  }
0x127: {  	[tilespmem:s16+$0xB0] =	vst v2;
	v2 =	vmul.f32 v61, v6  }
0x128: {  	[tilespmem:s16+$0xC0] =	vst v3;
	v3 =	vmul.f32 v62, v6  }
0x129: {  	[tilespmem:s16+$0xD0] =	vst v2;
	v2 =	vmul.f32 v63, v6  }
0x12a: {  	[tilespmem:s16+$0xE0] =	vst v3  }
0x12b: {  	s14 =	simm.s32 $0x0;
	s15 =	simm.s32 $0x0;
	[tilespmem:s16+$0xF0] =	vst v2  }
0x12c: {  	[spmem:s1] =	stream.indirect.scatter.add.f32 [tilespmem:s20], [sflag:$0x3], $0x80, s22, s21, $0xb8;
	[tilespmem:$0x1FA00] =	vst v63  }
.LBB2_9:
0x12d: {  	_ =	swait.ge [sflag:s30], $0x2800  }
0x12e: {  	[sflag:s30] =	ssyncset.done $0x0  }
0x12f: {  	s16 =	smul.u32 $0xA0, s15;
	[sflag:s30] =	ssyncadd.s32 $0xFFFFD800  }
0x130: {  	[tilespmem:s20], [sflag:$0x1] =	stream.linear.gather [hbm4b:s7+s14], $0x2800, $0x38;
	[tilespmem:$0x1FA00] =	vst v63  }
0x131: {  	v2 =	vld [tilespmem:s16+$0x3050];
	_ =	sdelay $0x6  }
0x132: {  	v3 =	vld [tilespmem:s16+$0x3850]  }
0x133: {  	v4 =	vld.idx.msk [tilespmem:v2+s14+$0x0], $0xffff;
	_ =	sdelay $0x4  }
0x134: {  	v3 =	vsub.f32 v3, v4;
	_ =	sdelay $0x1  }
0x135: {  	v3 =	vmul.f32 $1.442695020e+00, v3;
	_ =	sdelay $0x1  }
0x136: {  	(erf) = vpow2.f32 v3;
	_ =	sdelay $0x8  }
0x137: {  	[tilespmem:$0x6900] =	vst v2;
	v3 =	vpop (erf)  }
0x138: {  	[tilespmem:$0x6800] =	vst v3  }
0x139: {  	[tilespmem:v2+s31+$0x0] =	vst.idx.add.f32.msk $0xffff, v3  }
0x13a: {  	v2 =	vld [tilespmem:s16+$0x3060];
	_ =	sdelay $0x6  }
0x13b: {  	v3 =	vld [tilespmem:s16+$0x3860]  }
0x13c: {  	v4 =	vld.idx.msk [tilespmem:v2+s14+$0x0], $0xffff;
	_ =	sdelay $0x4  }
0x13d: {  	v3 =	vsub.f32 v3, v4;
	_ =	sdelay $0x1  }
0x13e: {  	v3 =	vmul.f32 $1.442695020e+00, v3;
	_ =	sdelay $0x1  }
0x13f: {  	(erf) = vpow2.f32 v3;
	_ =	sdelay $0x8  }
0x140: {  	[tilespmem:$0x6910] =	vst v2;
	v3 =	vpop (erf)  }
0x141: {  	[tilespmem:$0x6810] =	vst v3  }
0x142: {  	[tilespmem:v2+s31+$0x0] =	vst.idx.add.f32.msk $0xffff, v3  }
0x143: {  	v2 =	vld [tilespmem:s16+$0x3070];
	_ =	sdelay $0x6  }
0x144: {  	v3 =	vld [tilespmem:s16+$0x3870]  }
0x145: {  	v4 =	vld.idx.msk [tilespmem:v2+s14+$0x0], $0xffff;
	_ =	sdelay $0x4  }
0x146: {  	v3 =	vsub.f32 v3, v4;
	_ =	sdelay $0x1  }
0x147: {  	v3 =	vmul.f32 $1.442695020e+00, v3;
	_ =	sdelay $0x1  }
0x148: {  	(erf) = vpow2.f32 v3;
	_ =	sdelay $0x8  }
0x149: {  	[tilespmem:$0x6920] =	vst v2;
	v3 =	vpop (erf)  }
0x14a: {  	[tilespmem:$0x6820] =	vst v3  }
0x14b: {  	s17 =	sand.u32 $0xFE0, s16;
	[tilespmem:v2+s31+$0x0] =	vst.idx.add.f32.msk $0xffff, v3  }
0x14c: {  	v2 =	vld [tilespmem:s17+$0x3080];
	_ =	sdelay $0x6  }
0x14d: {  	v3 =	vld [tilespmem:s17+$0x3880]  }
0x14e: {  	v4 =	vld.idx.msk [tilespmem:v2+s14+$0x0], $0xffff;
	_ =	sdelay $0x4  }
0x14f: {  	v3 =	vsub.f32 v3, v4;
	_ =	sdelay $0x1  }
0x150: {  	v3 =	vmul.f32 $1.442695020e+00, v3;
	_ =	sdelay $0x1  }
0x151: {  	(erf) = vpow2.f32 v3;
	_ =	sdelay $0x8  }
0x152: {  	[tilespmem:$0x6930] =	vst v2;
	v3 =	vpop (erf)  }
0x153: {  	[tilespmem:$0x6830] =	vst v3  }
0x154: {  	[tilespmem:v2+s31+$0x0] =	vst.idx.add.f32.msk $0xffff, v3  }
0x155: {  	v2 =	vld [tilespmem:s16+$0x3090];
	_ =	sdelay $0x6  }
0x156: {  	v3 =	vld [tilespmem:s16+$0x3890]  }
0x157: {  	v4 =	vld.idx.msk [tilespmem:v2+s14+$0x0], $0xffff;
	_ =	sdelay $0x4  }
0x158: {  	v3 =	vsub.f32 v3, v4;
	_ =	sdelay $0x1  }
0x159: {  	v3 =	vmul.f32 $1.442695020e+00, v3;
	_ =	sdelay $0x1  }
0x15a: {  	(erf) = vpow2.f32 v3;
	_ =	sdelay $0x8  }
0x15b: {  	[tilespmem:$0x6940] =	vst v2;
	v3 =	vpop (erf)  }
0x15c: {  	[tilespmem:$0x6840] =	vst v3  }
0x15d: {  	[tilespmem:v2+s31+$0x0] =	vst.idx.add.f32.msk $0xffff, v3  }
0x15e: {  	_ =	swait.ge [sflag:s2], $0x2800  }
0x15f: {  	[sflag:s2] =	ssyncset.done $0x0  }
0x160: {  	[sflag:s2] =	ssyncadd.s32 $0xFFFFD800  }
0x161: {  	[tilespmem:s25], [sflag:$0x2] =	stream.linear.gather [hbm4b:s7+s14], $0x2800, $0x38;
	[tilespmem:$0x1FA00] =	vst v63  }
0x162: {  	v2 =	vld [tilespmem:s16+$0x30A0];
	_ =	sdelay $0x6  }
0x163: {  	v3 =	vld [tilespmem:s16+$0x38A0]  }
0x164: {  	v4 =	vld.idx.msk [tilespmem:v2+s14+$0x0], $0xffff;
	_ =	sdelay $0x4  }
0x165: {  	v3 =	vsub.f32 v3, v4;
	_ =	sdelay $0x1  }
0x166: {  	v3 =	vmul.f32 $1.442695020e+00, v3;
	_ =	sdelay $0x1  }
0x167: {  	(erf) = vpow2.f32 v3;
	_ =	sdelay $0x8  }
0x168: {  	[tilespmem:$0x6980] =	vst v2;
	v3 =	vpop (erf)  }
0x169: {  	[tilespmem:$0x6880] =	vst v3  }
0x16a: {  	[tilespmem:v2+s31+$0x0] =	vst.idx.add.f32.msk $0xffff, v3  }
0x16b: {  	v2 =	vld [tilespmem:s16+$0x30B0];
	_ =	sdelay $0x6  }
0x16c: {  	v3 =	vld [tilespmem:s16+$0x38B0]  }
0x16d: {  	v4 =	vld.idx.msk [tilespmem:v2+s14+$0x0], $0xffff;
	_ =	sdelay $0x4  }
0x16e: {  	v3 =	vsub.f32 v3, v4;
	_ =	sdelay $0x1  }
0x16f: {  	v3 =	vmul.f32 $1.442695020e+00, v3;
	_ =	sdelay $0x1  }
0x170: {  	(erf) = vpow2.f32 v3;
	_ =	sdelay $0x8  }
0x171: {  	[tilespmem:$0x6990] =	vst v2;
	v3 =	vpop (erf)  }
0x172: {  	[tilespmem:$0x6890] =	vst v3  }
0x173: {  	[tilespmem:v2+s31+$0x0] =	vst.idx.add.f32.msk $0xffff, v3  }
0x174: {  	v2 =	vld [tilespmem:s16+$0x30C0];
	_ =	sdelay $0x6  }
0x175: {  	v3 =	vld [tilespmem:s16+$0x38C0]  }
0x176: {  	v4 =	vld.idx.msk [tilespmem:v2+s14+$0x0], $0xffff;
	_ =	sdelay $0x4  }
0x177: {  	v3 =	vsub.f32 v3, v4;
	_ =	sdelay $0x1  }
0x178: {  	v3 =	vmul.f32 $1.442695020e+00, v3;
	_ =	sdelay $0x1  }
0x179: {  	(erf) = vpow2.f32 v3;
	_ =	sdelay $0x8  }
0x17a: {  	[tilespmem:$0x69A0] =	vst v2;
	v3 =	vpop (erf)  }
0x17b: {  	[tilespmem:$0x68A0] =	vst v3  }
0x17c: {  	[tilespmem:v2+s31+$0x0] =	vst.idx.add.f32.msk $0xffff, v3  }
0x17d: {  	v2 =	vld [tilespmem:s16+$0x30D0];
	_ =	sdelay $0x6  }
0x17e: {  	v3 =	vld [tilespmem:s16+$0x38D0]  }
0x17f: {  	v4 =	vld.idx.msk [tilespmem:v2+s14+$0x0], $0xffff;
	_ =	sdelay $0x4  }
0x180: {  	v3 =	vsub.f32 v3, v4;
	_ =	sdelay $0x1  }
0x181: {  	v3 =	vmul.f32 $1.442695020e+00, v3;
	_ =	sdelay $0x1  }
0x182: {  	(erf) = vpow2.f32 v3;
	_ =	sdelay $0x8  }
0x183: {  	[tilespmem:$0x69B0] =	vst v2;
	v3 =	vpop (erf)  }
0x184: {  	[tilespmem:$0x68B0] =	vst v3  }
0x185: {  	[tilespmem:v2+s31+$0x0] =	vst.idx.add.f32.msk $0xffff, v3  }
0x186: {  	v2 =	vld [tilespmem:s16+$0x30E0];
	_ =	sdelay $0x6  }
0x187: {  	v3 =	vld [tilespmem:s16+$0x38E0]  }
0x188: {  	v4 =	vld.idx.msk [tilespmem:v2+s14+$0x0], $0xffff;
	_ =	sdelay $0x4  }
0x189: {  	v3 =	vsub.f32 v3, v4;
	_ =	sdelay $0x1  }
0x18a: {  	v3 =	vmul.f32 $1.442695020e+00, v3;
	_ =	sdelay $0x1  }
0x18b: {  	(erf) = vpow2.f32 v3;
	_ =	sdelay $0x6  }
0x18c: {  	s18 =	simm.s32 $0x2;
	v3 =	vmov s14  }
0x18d: {  	v5 =	vmov s18;
	v3 =	vand.u32 $0xFFFFFFFC, v3  }
0x18e: {  	v5 =	vand.u32 $0xFFFFFFFE, v5;
	[tilespmem:$0x69C0] =	vst v2;
	v3 =	vbroadcast v3, $0x0;
	v4 =	vpop (erf)  }
0x18f: {  	v5 =	vbroadcast v5, $0x0;
	[tilespmem:$0x68C0] =	vst v4  }
0x190: {  	[tilespmem:v2+s31+$0x0] =	vst.idx.add.f32.msk $0xffff, v4  }
0x191: {  	_ =	swait.ge [sflag:s0], $0x2800  }
0x192: {  	[sflag:s0] =	ssyncset.done $0x0  }
0x193: {  	[sflag:s0] =	ssyncadd.s32 $0xFFFFD800  }
0x194: {  	v2 =	vld.idx.msk [tilespmem:v3+s3+$0x0], $0xffff  }
0x195: {  	s16 =	simm.s32 $0x6B00;
	v3 =	vld.idx.msk [tilespmem:v5+s3+$0x0], $0xffff  }
0x196: {  	s24 =	simm.s32 $0x1;
	v5 =	vld [tilespmem:s16+$0x70]  }
0x197: {  	v4 =	vmov s24;
	v6 =	vld [tilespmem:s16+$0xFFFFFF00]  }
0x198: {  	v4 =	vand.u32 $0xFFFFFFFD, v4;
	v7 =	vld [tilespmem:s16+$0xFFFFFF10]  }
0x199: {  	v4 =	vbroadcast v4, $0x0;
	v8 =	vld [tilespmem:s16+$0xFFFFFF20]  }
0x19a: {  	v9 =	vld [tilespmem:s16+$0xFFFFFF30]  }
0x19b: {  	v10 =	vld [tilespmem:s16+$0xFFFFFF40]  }
0x19c: {  	v11 =	vld [tilespmem:s16+$0xFFFFFF50]  }
0x19d: {  	v12 =	vld [tilespmem:s16+$0xFFFFFF60];
	v6 =	vmul.f32 v6, v2  }
0x19e: {  	v14 =	vld [tilespmem:s16+$0x40];
	v5 =	vmul.f32 v5, v3  }
0x19f: {  	v4 =	vld.idx.msk [tilespmem:v4+s3+$0x0], $0xffff;
	[tilespmem:s16+$0xFFFFFF00] =	vst v6;
	v6 =	vmul.f32 v7, v2  }
0x1a0: {  	v7 =	vld [tilespmem:s16+$0xFFFFFF70];
	[tilespmem:s16+$0x70] =	vst v5;
	v5 =	vmul.f32 v8, v2  }
0x1a1: {  	v8 =	vld [tilespmem:s16+$0xFFFFFF80];
	[tilespmem:s16+$0xFFFFFF10] =	vst v6;
	v6 =	vmul.f32 v9, v2  }
0x1a2: {  	v9 =	vld [tilespmem:s16+$0xFFFFFF90];
	[tilespmem:s16+$0xFFFFFF20] =	vst v5;
	v5 =	vmul.f32 v10, v2  }
0x1a3: {  	v10 =	vld [tilespmem:s16+$0xFFFFFFA0];
	[tilespmem:s16+$0xFFFFFF30] =	vst v6;
	v6 =	vmul.f32 v11, v2  }
0x1a4: {  	v11 =	vld [tilespmem:s16+$0xFFFFFFB0];
	[tilespmem:s16+$0xFFFFFF40] =	vst v5;
	v5 =	vmul.f32 v12, v2  }
0x1a5: {  	v12 =	vld [tilespmem:s16+$0xFFFFFFC0];
	v7 =	vmul.f32 v7, v2;
	[tilespmem:s16+$0xFFFFFF50] =	vst v6  }
0x1a6: {  	v6 =	vmul.f32 v8, v4;
	v8 =	vld [tilespmem:s16+$0xFFFFFFD0];
	[tilespmem:s16+$0xFFFFFF60] =	vst v5  }
0x1a7: {  	s9 =	simm.s32 $0x3;
	v5 =	vld [tilespmem:s16+$0xFFFFFFE0];
	v9 =	vmul.f32 v9, v4;
	[tilespmem:s16+$0xFFFFFF70] =	vst v7  }
0x1a8: {  	v13 =	vmov s9;
	v7 =	vld [tilespmem:s16+$0xFFFFFFF0];
	[tilespmem:s16+$0xFFFFFF80] =	vst v6;
	v6 =	vmul.f32 v10, v4  }
0x1a9: {  	v10 =	vld [tilespmem:s16+$0x0];
	[tilespmem:s16+$0xFFFFFF90] =	vst v9;
	v9 =	vmul.f32 v11, v4  }
0x1aa: {  	v11 =	vld [tilespmem:s16+$0x10];
	[tilespmem:s16+$0xFFFFFFA0] =	vst v6;
	v6 =	vmul.f32 v12, v4  }
0x1ab: {  	[tilespmem:s16+$0xFFFFFFB0] =	vst v9;
	v8 =	vmul.f32 v8, v4;
	v9 =	vld [tilespmem:s16+$0x20]  }
0x1ac: {  	v12 =	vld [tilespmem:s16+$0x30];
	v5 =	vmul.f32 v5, v4;
	[tilespmem:s16+$0xFFFFFFC0] =	vst v6  }
0x1ad: {  	v2 =	vld.idx.msk [tilespmem:v13+s3+$0x0], $0xffff;
	v4 =	vmul.f32 v7, v4;
	[tilespmem:s16+$0xFFFFFFD0] =	vst v8  }
0x1ae: {  	[tilespmem:s16+$0xFFFFFFE0] =	vst v5;
	v6 =	vmul.f32 v10, v3;
	v5 =	vld [tilespmem:s16+$0x50]  }
0x1af: {  	s18 =	simm.s32 $0x4;
	[tilespmem:s16+$0xFFFFFFF0] =	vst v4;
	v7 =	vmul.f32 v11, v3;
	v4 =	vld [tilespmem:s16+$0x60]  }
0x1b0: {  	s24 =	simm.s32 $0x7;
	v8 =	vmov s18;
	[tilespmem:s16+$0x0] =	vst v6;
	v10 =	vmul.f32 v9, v3;
	v9 =	vld [tilespmem:s16+$0x80]  }
0x1b1: {  	s18 =	simm.s32 $0x5;
	v13 =	vand.u32 $0xFFFFFFFC, v8;
	v8 =	vld [tilespmem:s16+$0x90];
	v6 =	vmov s24;
	v11 =	vmul.f32 v12, v3;
	[tilespmem:s16+$0x10] =	vst v7  }
0x1b2: {  	s17 =	simm.s32 $0x6B00;
	s24 =	simm.s32 $0x6;
	v12 =	vmul.f32 v14, v3;
	v7 =	vbroadcast v13, $0x0;
	v13 =	vmov s18;
	s18 =	simm.s32 $0x8;
	[tilespmem:s16+$0x20] =	vst v10;
	v10 =	vld [tilespmem:s16+$0xA0]  }
.LBB2_10:
0x1b3: {  	p0 =	slt.u32 s18, $0x4C;
	v13 =	vand.u32 $0xFFFFFFFD, v13;
	v14 =	vmov s24;
	[tilespmem:s16+$0x30] =	vst v11;
	v5 =	vmul.f32 v5, v3;
	v11 =	vld [tilespmem:s16+$0xB0]  }
0x1b4: {  	v13 =	vbroadcast v13, $0x0;
	v14 =	vand.u32 $0xFFFFFFFE, v14;
	[tilespmem:s16+$0x40] =	vst v12;
	v3 =	vmul.f32 v4, v3;
	v4 =	vld [tilespmem:s16+$0xC0]  }
0x1b5: {  	v12 =	vbroadcast v14, $0x0;
	[tilespmem:s16+$0x50] =	vst v5;
	v5 =	vmul.f32 v9, v2;
	v9 =	vld [tilespmem:s16+$0xD0]  }
0x1b6: {  	[tilespmem:s16+$0x60] =	vst v3;
	v3 =	vmul.f32 v8, v2;
	v8 =	vld [tilespmem:s16+$0xE0]  }
0x1b7: {  	[tilespmem:s16+$0x80] =	vst v5;
	v5 =	vmul.f32 v10, v2;
	v10 =	vld [tilespmem:s16+$0xF0]  }
0x1b8: {  	v6 =	vld.idx.msk [tilespmem:v6+s3+$0x0], $0xffff;
	[tilespmem:s16+$0x90] =	vst v3;
	v3 =	vmul.f32 v11, v2  }
0x1b9: {  	v7 =	vld.idx.msk [tilespmem:v7+s3+$0x0], $0xffff;
	[tilespmem:s16+$0xA0] =	vst v5;
	v4 =	vmul.f32 v4, v2  }
0x1ba: {  	v5 =	vld.idx.msk [tilespmem:v13+s3+$0x0], $0xffff;
	[tilespmem:s16+$0xB0] =	vst v3;
	v9 =	vmul.f32 v9, v2  }
0x1bb: {  	s16 =	sadd.s32 $0x200, s16;
	v3 =	vld.idx.msk [tilespmem:v12+s3+$0x0], $0xffff;
	[tilespmem:s17+$0xC0] =	vst v4;
	v4 =	vmul.f32 v8, v2  }
0x1bc: {  	v8 =	vld [tilespmem:s16+$0x70];
	[tilespmem:s17+$0xD0] =	vst v9;
	v10 =	vmul.f32 v10, v2  }
0x1bd: {  	v9 =	vld [tilespmem:s16+$0xFFFFFF00];
	[tilespmem:s17+$0xE0] =	vst v4  }
0x1be: {  	v2 =	vmov v6;
	v4 =	vld [tilespmem:s16+$0xFFFFFF10];
	[tilespmem:s17+$0xF0] =	vst v10;
	s17 =	smov.u32 s16  }
0x1bf: {  	v6 =	vld [tilespmem:s16+$0xFFFFFF20]  }
0x1c0: {  	v10 =	vld [tilespmem:s16+$0xFFFFFF30]  }
0x1c1: {  	v11 =	vld [tilespmem:s16+$0xFFFFFF40];
	v8 =	vmul.f32 v8, v3  }
0x1c2: {  	v9 =	vmul.f32 v9, v7;
	v12 =	vld [tilespmem:s16+$0xFFFFFF50]  }
0x1c3: {  	v4 =	vmul.f32 v4, v7;
	v13 =	vld [tilespmem:s16+$0xFFFFFF60];
	[tilespmem:s16+$0x70] =	vst v8  }
0x1c4: {  	[tilespmem:s16+$0xFFFFFF00] =	vst v9;
	v6 =	vmul.f32 v6, v7;
	v8 =	vld [tilespmem:s16+$0xFFFFFF70]  }
0x1c5: {  	[tilespmem:s16+$0xFFFFFF10] =	vst v4;
	v4 =	vmul.f32 v10, v7;
	v9 =	vld [tilespmem:s16+$0xFFFFFF80]  }
0x1c6: {  	[tilespmem:s16+$0xFFFFFF20] =	vst v6;
	v6 =	vmul.f32 v11, v7;
	v10 =	vld [tilespmem:s16+$0xFFFFFF90]  }
0x1c7: {  	[tilespmem:s16+$0xFFFFFF30] =	vst v4;
	v4 =	vmul.f32 v12, v7;
	v11 =	vld [tilespmem:s16+$0xFFFFFFA0]  }
0x1c8: {  	[tilespmem:s16+$0xFFFFFF40] =	vst v6;
	v6 =	vmul.f32 v13, v7;
	v12 =	vld [tilespmem:s16+$0xFFFFFFB0]  }
0x1c9: {  	[tilespmem:s16+$0xFFFFFF50] =	vst v4;
	v4 =	vmul.f32 v8, v7;
	v7 =	vld [tilespmem:s16+$0xFFFFFFC0]  }
0x1ca: {  	[tilespmem:s16+$0xFFFFFF60] =	vst v6;
	v6 =	vmul.f32 v9, v5;
	v8 =	vld [tilespmem:s16+$0xFFFFFFD0]  }
0x1cb: {  	[tilespmem:s16+$0xFFFFFF70] =	vst v4;
	v4 =	vmul.f32 v10, v5;
	v9 =	vld [tilespmem:s16+$0xFFFFFFE0]  }
0x1cc: {  	[tilespmem:s16+$0xFFFFFF80] =	vst v6;
	v6 =	vmul.f32 v11, v5;
	v10 =	vld [tilespmem:s16+$0xFFFFFFF0]  }
0x1cd: {  	[tilespmem:s16+$0xFFFFFF90] =	vst v4;
	v4 =	vmul.f32 v12, v5;
	v11 =	vld [tilespmem:s16+$0x0]  }
0x1ce: {  	[tilespmem:s16+$0xFFFFFFA0] =	vst v6;
	v6 =	vmul.f32 v7, v5;
	v7 =	vld [tilespmem:s16+$0x10]  }
0x1cf: {  	[tilespmem:s16+$0xFFFFFFB0] =	vst v4;
	v4 =	vmul.f32 v8, v5;
	v8 =	vld [tilespmem:s16+$0x20]  }
0x1d0: {  	[tilespmem:s16+$0xFFFFFFC0] =	vst v6;
	v6 =	vmul.f32 v9, v5;
	v12 =	vld [tilespmem:s16+$0x30]  }
0x1d1: {  	[tilespmem:s16+$0xFFFFFFD0] =	vst v4;
	v4 =	vmul.f32 v10, v5;
	v10 =	vld [tilespmem:s16+$0x40]  }
.Ltmp3:
0x1d2: {  	[tilespmem:s16+$0xFFFFFFE0] =	vst v6;
	v6 =	vmul.f32 v11, v3;
	v5 =	vld [tilespmem:s16+$0x50];
	(pc) =	sbr.rel @p0 .LBB2_10-.Ltmp3, $4  }
0x1d3: {  	[tilespmem:s16+$0xFFFFFFF0] =	vst v4;
	v7 =	vmul.f32 v7, v3;
	v4 =	vld [tilespmem:s16+$0x60]  }
0x1d4: {  	s24 =	sadd.s32 $0x3, s18;
	v11 =	vmov s18;
	[tilespmem:s16+$0x0] =	vst v6;
	v14 =	vmul.f32 v8, v3;
	v9 =	vld [tilespmem:s16+$0x80]  }
0x1d5: {  	s9 =	sadd.s32 $0x1, s18;
	v13 =	vand.u32 $0xFFFFFFFC, v11;
	v6 =	vmov s24;
	[tilespmem:s16+$0x10] =	vst v7;
	v11 =	vmul.f32 v12, v3;
	v8 =	vld [tilespmem:s16+$0x90]  }
0x1d6: {  	s24 =	sadd.s32 $0x2, s18;
	s18 =	sadd.s32 $0x4, s18;
	v7 =	vbroadcast v13, $0x0;
	v13 =	vmov s9;
	[tilespmem:s16+$0x20] =	vst v14;
	v12 =	vmul.f32 v10, v3;
	v10 =	vld [tilespmem:s16+$0xA0]  }
0x1d7: {  	v14 =	vld [tilespmem:s16+$0xB0]  }
0x1d8: {  	v16 =	vld [tilespmem:s16+$0xC0]  }
0x1d9: {  	v15 =	vmov s24;
	v17 =	vld [tilespmem:s16+$0xD0]  }
0x1da: {  	v18 =	vld [tilespmem:s16+$0xE0];
	[tilespmem:s16+$0x30] =	vst v11;
	v5 =	vmul.f32 v5, v3;
	v15 =	vand.u32 $0xFFFFFFFE, v15  }
0x1db: {  	v13 =	vand.u32 $0xFFFFFFFD, v13;
	v6 =	vld.idx.msk [tilespmem:v6+s3+$0x0], $0xffff;
	[tilespmem:s16+$0x40] =	vst v12;
	v3 =	vmul.f32 v4, v3;
	v15 =	vbroadcast v15, $0x0  }
0x1dc: {  	s18 =	sadd.s32 $0x200, s16;
	v13 =	vbroadcast v13, $0x0;
	v4 =	vld.idx.msk [tilespmem:v7+s3+$0x0], $0xffff;
	v9 =	vmul.f32 v9, v2;
	[tilespmem:s16+$0x50] =	vst v5  }
0x1dd: {  	v11 =	vld [tilespmem:s18+$0xFFFFFF00];
	v5 =	vmul.f32 v8, v2;
	[tilespmem:s16+$0x60] =	vst v3  }
0x1de: {  	[tilespmem:s16+$0x80] =	vst v9;
	v9 =	vld [tilespmem:s16+$0xF0];
	v3 =	vmul.f32 v10, v2  }
0x1df: {  	v12 =	vld [tilespmem:s18+$0xFFFFFF10];
	[tilespmem:s16+$0x90] =	vst v5;
	v5 =	vmul.f32 v14, v2  }
0x1e0: {  	v10 =	vld [tilespmem:s18+$0x70];
	[tilespmem:s16+$0xA0] =	vst v3;
	v3 =	vmul.f32 v16, v2  }
0x1e1: {  	[tilespmem:s16+$0xB0] =	vst v5;
	v5 =	vmul.f32 v17, v2;
	v8 =	vld.idx.msk [tilespmem:v15+s3+$0x0], $0xffff  }
0x1e2: {  	v7 =	vld.idx.msk [tilespmem:v13+s3+$0x0], $0xffff;
	[tilespmem:s17+$0xC0] =	vst v3;
	v3 =	vmul.f32 v18, v2  }
0x1e3: {  	v13 =	vld [tilespmem:s18+$0xFFFFFF20];
	[tilespmem:s17+$0xD0] =	vst v5;
	v2 =	vmul.f32 v9, v2  }
0x1e4: {  	v5 =	vld [tilespmem:s18+$0xFFFFFF30];
	[tilespmem:s17+$0xE0] =	vst v3  }
0x1e5: {  	v3 =	vld [tilespmem:s18+$0xFFFFFF40];
	[tilespmem:s17+$0xF0] =	vst v2;
	v2 =	vmul.f32 v11, v4  }
0x1e6: {  	v9 =	vmul.f32 v10, v8;
	v10 =	vld [tilespmem:s18+$0xFFFFFF50]  }
0x1e7: {  	v11 =	vmul.f32 v12, v4;
	v12 =	vld [tilespmem:s18+$0xFFFFFF60];
	[tilespmem:s18+$0xFFFFFF00] =	vst v2  }
0x1e8: {  	v2 =	vmul.f32 v13, v4;
	[tilespmem:s18+$0x70] =	vst v9;
	v9 =	vld [tilespmem:s18+$0xFFFFFF70]  }
0x1e9: {  	[tilespmem:s18+$0xFFFFFF10] =	vst v11;
	v11 =	vld [tilespmem:s18+$0xFFFFFF80];
	v5 =	vmul.f32 v5, v4  }
0x1ea: {  	[tilespmem:s18+$0xFFFFFF20] =	vst v2;
	v2 =	vmul.f32 v3, v4;
	v3 =	vld [tilespmem:s18+$0xFFFFFF90]  }
0x1eb: {  	[tilespmem:s18+$0xFFFFFF30] =	vst v5;
	v5 =	vmul.f32 v10, v4;
	v10 =	vld [tilespmem:s18+$0xFFFFFFA0]  }
0x1ec: {  	[tilespmem:s18+$0xFFFFFF40] =	vst v2;
	v2 =	vmul.f32 v12, v4;
	v12 =	vld [tilespmem:s18+$0xFFFFFFB0]  }
0x1ed: {  	[tilespmem:s18+$0xFFFFFF50] =	vst v5;
	v4 =	vmul.f32 v9, v4;
	v5 =	vld [tilespmem:s18+$0xFFFFFFC0]  }
0x1ee: {  	[tilespmem:s18+$0xFFFFFF60] =	vst v2;
	v2 =	vmul.f32 v11, v7;
	v9 =	vld [tilespmem:s18+$0xFFFFFFD0]  }
0x1ef: {  	v3 =	vmul.f32 v3, v7;
	[tilespmem:s18+$0xFFFFFF70] =	vst v4;
	v4 =	vld [tilespmem:s18+$0xFFFFFFE0]  }
0x1f0: {  	[tilespmem:s18+$0xFFFFFF80] =	vst v2;
	v2 =	vmul.f32 v10, v7;
	v10 =	vld [tilespmem:s18+$0xFFFFFFF0]  }
0x1f1: {  	v11 =	vld [tilespmem:s18+$0x0];
	[tilespmem:s18+$0xFFFFFF90] =	vst v3;
	v3 =	vmul.f32 v12, v7  }
0x1f2: {  	[tilespmem:s18+$0xFFFFFFA0] =	vst v2;
	v2 =	vmul.f32 v5, v7;
	v5 =	vld [tilespmem:s18+$0x10]  }
0x1f3: {  	[tilespmem:s18+$0xFFFFFFB0] =	vst v3;
	v3 =	vmul.f32 v9, v7;
	v9 =	vld [tilespmem:s18+$0x20]  }
0x1f4: {  	[tilespmem:s18+$0xFFFFFFC0] =	vst v2;
	v2 =	vmul.f32 v4, v7;
	v4 =	vld [tilespmem:s18+$0x30]  }
0x1f5: {  	[tilespmem:s18+$0xFFFFFFD0] =	vst v3;
	v3 =	vmul.f32 v10, v7;
	v7 =	vld [tilespmem:s18+$0x40]  }
0x1f6: {  	v10 =	vld [tilespmem:s18+$0x50];
	[tilespmem:s18+$0xFFFFFFE0] =	vst v2;
	v2 =	vmul.f32 v11, v8  }
0x1f7: {  	[tilespmem:s18+$0xFFFFFFF0] =	vst v3;
	v3 =	vmul.f32 v5, v8;
	v5 =	vld [tilespmem:s18+$0x60]  }
0x1f8: {  	[tilespmem:s18+$0x0] =	vst v2;
	v2 =	vmul.f32 v9, v8;
	v9 =	vld [tilespmem:s18+$0x80]  }
0x1f9: {  	[tilespmem:s18+$0x10] =	vst v3;
	v3 =	vmul.f32 v4, v8;
	v4 =	vld [tilespmem:s18+$0x90]  }
0x1fa: {  	[tilespmem:s18+$0x20] =	vst v2;
	v2 =	vmul.f32 v7, v8;
	v7 =	vld [tilespmem:s18+$0xA0]  }
0x1fb: {  	[tilespmem:s18+$0x30] =	vst v3;
	v3 =	vmul.f32 v10, v8;
	v10 =	vld [tilespmem:s18+$0xB0]  }
0x1fc: {  	[tilespmem:s18+$0x40] =	vst v2;
	v2 =	vmul.f32 v5, v8;
	v5 =	vld [tilespmem:s18+$0xC0]  }
0x1fd: {  	v8 =	vld [tilespmem:s18+$0xD0];
	[tilespmem:s18+$0x50] =	vst v3;
	v3 =	vmul.f32 v9, v6  }
0x1fe: {  	[tilespmem:s18+$0x60] =	vst v2;
	v2 =	vmul.f32 v4, v6;
	v4 =	vld [tilespmem:s18+$0xE0]  }
0x1ff: {  	[tilespmem:s18+$0x80] =	vst v3;
	v3 =	vmul.f32 v7, v6;
	v7 =	vld [tilespmem:s18+$0xF0]  }
0x200: {  	[tilespmem:s18+$0x90] =	vst v2;
	v2 =	vmul.f32 v10, v6  }
0x201: {  	[tilespmem:s18+$0xA0] =	vst v3;
	v3 =	vmul.f32 v5, v6  }
0x202: {  	s9 =	simm.s32 $0x0;
	[tilespmem:s18+$0xB0] =	vst v2;
	v2 =	vmul.f32 v8, v6  }
0x203: {  	[tilespmem:s18+$0xC0] =	vst v3;
	v3 =	vmul.f32 v4, v6;
	v4 =	vmov s9  }
0x204: {  	s17 =	simm.s32 $0x2;
	[tilespmem:s18+$0xD0] =	vst v2;
	v2 =	vmul.f32 v7, v6;
	v4 =	vand.u32 $0xFFFFFFFC, v4  }
0x205: {  	v5 =	vmov s17;
	[tilespmem:s18+$0xE0] =	vst v3;
	v3 =	vbroadcast v4, $0x0  }
0x206: {  	v4 =	vand.u32 $0xFFFFFFFE, v5;
	[tilespmem:s18+$0xF0] =	vst v2  }
0x207: {  	v2 =	vbroadcast v4, $0x0;
	[spmem:s1] =	stream.indirect.scatter.add.f32 [tilespmem:s20], [sflag:$0x3], $0x80, s22, s21, $0xb8;
	[tilespmem:$0x1FA00] =	vst v63  }
0x208: {  	_ =	swait.ge [sflag:s6], $0x2800  }
0x209: {  	[sflag:s6] =	ssyncset.done $0x0  }
0x20a: {  	[sflag:s6] =	ssyncadd.s32 $0xFFFFD800  }
0x20b: {  	s16 =	simm.s32 $0x9300;
	v4 =	vld.idx.msk [tilespmem:v3+s10+$0x0], $0xffff  }
0x20c: {  	s18 =	simm.s32 $0x1;
	v5 =	vld [tilespmem:s16+$0x70]  }
0x20d: {  	v3 =	vld.idx.msk [tilespmem:v2+s10+$0x0], $0xffff;
	v2 =	vmov s18  }
0x20e: {  	v6 =	vld [tilespmem:s16+$0xFFFFFF00];
	v2 =	vand.u32 $0xFFFFFFFD, v2  }
0x20f: {  	v7 =	vld [tilespmem:s16+$0xFFFFFF10];
	v2 =	vbroadcast v2, $0x0  }
0x210: {  	v8 =	vld [tilespmem:s16+$0xFFFFFF20]  }
0x211: {  	v9 =	vld [tilespmem:s16+$0xFFFFFF30]  }
0x212: {  	v10 =	vld [tilespmem:s16+$0xFFFFFF40]  }
0x213: {  	v11 =	vld [tilespmem:s16+$0xFFFFFF50]  }
0x214: {  	v12 =	vld [tilespmem:s16+$0xFFFFFF60];
	v6 =	vmul.f32 v6, v4  }
0x215: {  	v13 =	vld.idx.msk [tilespmem:v2+s10+$0x0], $0xffff;
	v2 =	vmul.f32 v5, v3  }
0x216: {  	[tilespmem:s16+$0xFFFFFF00] =	vst v6;
	v6 =	vld [tilespmem:s16+$0xFFFFFF70];
	v5 =	vmul.f32 v7, v4  }
0x217: {  	v7 =	vld [tilespmem:s16+$0xFFFFFF80];
	[tilespmem:s16+$0x70] =	vst v2;
	v2 =	vmul.f32 v8, v4  }
0x218: {  	s24 =	simm.s32 $0x3;
	[tilespmem:s16+$0xFFFFFF10] =	vst v5;
	v5 =	vmul.f32 v9, v4;
	v8 =	vld [tilespmem:s16+$0xFFFFFF90]  }
0x219: {  	v9 =	vmov s24;
	[tilespmem:s16+$0xFFFFFF20] =	vst v2;
	v2 =	vmul.f32 v10, v4;
	v10 =	vld [tilespmem:s16+$0xFFFFFFA0]  }
0x21a: {  	[tilespmem:s16+$0xFFFFFF30] =	vst v5;
	v5 =	vmul.f32 v11, v4;
	v11 =	vld [tilespmem:s16+$0xFFFFFFB0]  }
0x21b: {  	[tilespmem:s16+$0xFFFFFF40] =	vst v2;
	v2 =	vmul.f32 v12, v4;
	v12 =	vld [tilespmem:s16+$0xFFFFFFC0]  }
0x21c: {  	[tilespmem:s16+$0xFFFFFF50] =	vst v5;
	v5 =	vmul.f32 v7, v13;
	v7 =	vld [tilespmem:s16+$0xFFFFFFD0]  }
0x21d: {  	v4 =	vmul.f32 v6, v4;
	v6 =	vld [tilespmem:s16+$0xFFFFFFE0];
	[tilespmem:s16+$0xFFFFFF60] =	vst v2  }
0x21e: {  	v8 =	vmul.f32 v8, v13;
	v2 =	vld.idx.msk [tilespmem:v9+s10+$0x0], $0xffff;
	[tilespmem:s16+$0xFFFFFF80] =	vst v5  }
0x21f: {  	[tilespmem:s16+$0xFFFFFF70] =	vst v4;
	v5 =	vld [tilespmem:s16+$0xFFFFFFF0];
	v4 =	vmul.f32 v10, v13  }
0x220: {  	v9 =	vld [tilespmem:s16+$0x0];
	[tilespmem:s16+$0xFFFFFF90] =	vst v8;
	v8 =	vmul.f32 v11, v13  }
0x221: {  	v10 =	vld [tilespmem:s16+$0x10];
	[tilespmem:s16+$0xFFFFFFA0] =	vst v4;
	v4 =	vmul.f32 v12, v13  }
0x222: {  	[tilespmem:s16+$0xFFFFFFB0] =	vst v8;
	v7 =	vmul.f32 v7, v13;
	v8 =	vld [tilespmem:s16+$0x20]  }
0x223: {  	v11 =	vld [tilespmem:s16+$0x30];
	[tilespmem:s16+$0xFFFFFFC0] =	vst v4;
	v4 =	vmul.f32 v6, v13  }
0x224: {  	v12 =	vld [tilespmem:s16+$0x40];
	[tilespmem:s16+$0xFFFFFFD0] =	vst v7;
	v6 =	vmul.f32 v5, v13  }
0x225: {  	v7 =	vmul.f32 v9, v3;
	v5 =	vld [tilespmem:s16+$0x50];
	[tilespmem:s16+$0xFFFFFFE0] =	vst v4  }
0x226: {  	s17 =	simm.s32 $0x4;
	v10 =	vmul.f32 v10, v3;
	[tilespmem:s16+$0xFFFFFFF0] =	vst v6;
	v4 =	vld [tilespmem:s16+$0x60]  }
0x227: {  	s24 =	simm.s32 $0x5;
	v9 =	vld [tilespmem:s16+$0x80];
	v6 =	vmov s17;
	[tilespmem:s16+$0x0] =	vst v7;
	v14 =	vmul.f32 v8, v3  }
0x228: {  	s18 =	simm.s32 $0x7;
	v13 =	vmov s24;
	v11 =	vmul.f32 v11, v3;
	v7 =	vand.u32 $0xFFFFFFFC, v6;
	[tilespmem:s16+$0x10] =	vst v10;
	v8 =	vld [tilespmem:s16+$0x90]  }
0x229: {  	s24 =	simm.s32 $0x6;
	s17 =	simm.s32 $0x9300;
	v6 =	vmov s18;
	s18 =	simm.s32 $0x8;
	v12 =	vmul.f32 v12, v3;
	v10 =	vld [tilespmem:s16+$0xA0];
	v7 =	vbroadcast v7, $0x0;
	[tilespmem:s16+$0x20] =	vst v14  }
.LBB2_12:
0x22a: {  	p0 =	slt.u32 s18, $0x4C;
	v13 =	vand.u32 $0xFFFFFFFD, v13;
	v14 =	vmov s24;
	[tilespmem:s16+$0x30] =	vst v11;
	v5 =	vmul.f32 v5, v3;
	v11 =	vld [tilespmem:s16+$0xB0]  }
0x22b: {  	v13 =	vbroadcast v13, $0x0;
	v14 =	vand.u32 $0xFFFFFFFE, v14;
	[tilespmem:s16+$0x40] =	vst v12;
	v3 =	vmul.f32 v4, v3;
	v4 =	vld [tilespmem:s16+$0xC0]  }
0x22c: {  	v12 =	vbroadcast v14, $0x0;
	[tilespmem:s16+$0x50] =	vst v5;
	v5 =	vmul.f32 v9, v2;
	v9 =	vld [tilespmem:s16+$0xD0]  }
0x22d: {  	[tilespmem:s16+$0x60] =	vst v3;
	v3 =	vmul.f32 v8, v2;
	v8 =	vld [tilespmem:s16+$0xE0]  }
0x22e: {  	[tilespmem:s16+$0x80] =	vst v5;
	v5 =	vmul.f32 v10, v2;
	v10 =	vld [tilespmem:s16+$0xF0]  }
0x22f: {  	v6 =	vld.idx.msk [tilespmem:v6+s10+$0x0], $0xffff;
	[tilespmem:s16+$0x90] =	vst v3;
	v3 =	vmul.f32 v11, v2  }
0x230: {  	v7 =	vld.idx.msk [tilespmem:v7+s10+$0x0], $0xffff;
	[tilespmem:s16+$0xA0] =	vst v5;
	v4 =	vmul.f32 v4, v2  }
0x231: {  	v5 =	vld.idx.msk [tilespmem:v13+s10+$0x0], $0xffff;
	[tilespmem:s16+$0xB0] =	vst v3;
	v9 =	vmul.f32 v9, v2  }
0x232: {  	s16 =	sadd.s32 $0x200, s16;
	v3 =	vld.idx.msk [tilespmem:v12+s10+$0x0], $0xffff;
	[tilespmem:s17+$0xC0] =	vst v4;
	v4 =	vmul.f32 v8, v2  }
0x233: {  	v8 =	vld [tilespmem:s16+$0x70];
	[tilespmem:s17+$0xD0] =	vst v9;
	v10 =	vmul.f32 v10, v2  }
0x234: {  	v9 =	vld [tilespmem:s16+$0xFFFFFF00];
	[tilespmem:s17+$0xE0] =	vst v4  }
0x235: {  	v2 =	vmov v6;
	v4 =	vld [tilespmem:s16+$0xFFFFFF10];
	[tilespmem:s17+$0xF0] =	vst v10;
	s17 =	smov.u32 s16  }
0x236: {  	v6 =	vld [tilespmem:s16+$0xFFFFFF20]  }
0x237: {  	v10 =	vld [tilespmem:s16+$0xFFFFFF30]  }
0x238: {  	v11 =	vld [tilespmem:s16+$0xFFFFFF40];
	v8 =	vmul.f32 v8, v3  }
0x239: {  	v9 =	vmul.f32 v9, v7;
	v12 =	vld [tilespmem:s16+$0xFFFFFF50]  }
0x23a: {  	v4 =	vmul.f32 v4, v7;
	v13 =	vld [tilespmem:s16+$0xFFFFFF60];
	[tilespmem:s16+$0x70] =	vst v8  }
0x23b: {  	[tilespmem:s16+$0xFFFFFF00] =	vst v9;
	v6 =	vmul.f32 v6, v7;
	v8 =	vld [tilespmem:s16+$0xFFFFFF70]  }
0x23c: {  	[tilespmem:s16+$0xFFFFFF10] =	vst v4;
	v4 =	vmul.f32 v10, v7;
	v9 =	vld [tilespmem:s16+$0xFFFFFF80]  }
0x23d: {  	[tilespmem:s16+$0xFFFFFF20] =	vst v6;
	v6 =	vmul.f32 v11, v7;
	v10 =	vld [tilespmem:s16+$0xFFFFFF90]  }
0x23e: {  	[tilespmem:s16+$0xFFFFFF30] =	vst v4;
	v4 =	vmul.f32 v12, v7;
	v11 =	vld [tilespmem:s16+$0xFFFFFFA0]  }
0x23f: {  	[tilespmem:s16+$0xFFFFFF40] =	vst v6;
	v6 =	vmul.f32 v13, v7;
	v12 =	vld [tilespmem:s16+$0xFFFFFFB0]  }
0x240: {  	[tilespmem:s16+$0xFFFFFF50] =	vst v4;
	v4 =	vmul.f32 v8, v7;
	v7 =	vld [tilespmem:s16+$0xFFFFFFC0]  }
0x241: {  	[tilespmem:s16+$0xFFFFFF60] =	vst v6;
	v6 =	vmul.f32 v9, v5;
	v8 =	vld [tilespmem:s16+$0xFFFFFFD0]  }
0x242: {  	[tilespmem:s16+$0xFFFFFF70] =	vst v4;
	v4 =	vmul.f32 v10, v5;
	v9 =	vld [tilespmem:s16+$0xFFFFFFE0]  }
0x243: {  	[tilespmem:s16+$0xFFFFFF80] =	vst v6;
	v6 =	vmul.f32 v11, v5;
	v10 =	vld [tilespmem:s16+$0xFFFFFFF0]  }
0x244: {  	[tilespmem:s16+$0xFFFFFF90] =	vst v4;
	v4 =	vmul.f32 v12, v5;
	v11 =	vld [tilespmem:s16+$0x0]  }
0x245: {  	[tilespmem:s16+$0xFFFFFFA0] =	vst v6;
	v6 =	vmul.f32 v7, v5;
	v7 =	vld [tilespmem:s16+$0x10]  }
0x246: {  	[tilespmem:s16+$0xFFFFFFB0] =	vst v4;
	v4 =	vmul.f32 v8, v5;
	v8 =	vld [tilespmem:s16+$0x20]  }
0x247: {  	[tilespmem:s16+$0xFFFFFFC0] =	vst v6;
	v6 =	vmul.f32 v9, v5;
	v12 =	vld [tilespmem:s16+$0x30]  }
0x248: {  	[tilespmem:s16+$0xFFFFFFD0] =	vst v4;
	v4 =	vmul.f32 v10, v5;
	v10 =	vld [tilespmem:s16+$0x40]  }
.Ltmp4:
0x249: {  	[tilespmem:s16+$0xFFFFFFE0] =	vst v6;
	v6 =	vmul.f32 v11, v3;
	v5 =	vld [tilespmem:s16+$0x50];
	(pc) =	sbr.rel @p0 .LBB2_12-.Ltmp4, $4  }
0x24a: {  	[tilespmem:s16+$0xFFFFFFF0] =	vst v4;
	v7 =	vmul.f32 v7, v3;
	v4 =	vld [tilespmem:s16+$0x60]  }
0x24b: {  	s9 =	sadd.s32 $0x3, s18;
	v11 =	vmov s18;
	[tilespmem:s16+$0x0] =	vst v6;
	v14 =	vmul.f32 v8, v3;
	v9 =	vld [tilespmem:s16+$0x80]  }
0x24c: {  	s24 =	sadd.s32 $0x1, s18;
	v13 =	vand.u32 $0xFFFFFFFC, v11;
	v6 =	vmov s9;
	[tilespmem:s16+$0x10] =	vst v7;
	v11 =	vmul.f32 v12, v3;
	v8 =	vld [tilespmem:s16+$0x90]  }
0x24d: {  	v7 =	vbroadcast v13, $0x0;
	v13 =	vmov s24;
	s24 =	sadd.s32 $0x2, s18;
	s18 =	sadd.s32 $0x4, s18;
	[tilespmem:s16+$0x20] =	vst v14;
	v12 =	vmul.f32 v10, v3;
	v10 =	vld [tilespmem:s16+$0xA0]  }
0x24e: {  	v14 =	vld [tilespmem:s16+$0xB0]  }
0x24f: {  	v16 =	vld [tilespmem:s16+$0xC0]  }
0x250: {  	v17 =	vld [tilespmem:s16+$0xD0]  }
0x251: {  	v18 =	vld [tilespmem:s16+$0xE0]  }
0x252: {  	v24 =	vld [tilespmem:s16+$0xF0];
	[tilespmem:s16+$0x30] =	vst v11;
	v5 =	vmul.f32 v5, v3  }
0x253: {  	v6 =	vld.idx.msk [tilespmem:v6+s10+$0x0], $0xffff;
	[tilespmem:s16+$0x40] =	vst v12;
	v3 =	vmul.f32 v4, v3  }
0x254: {  	s18 =	sadd.s32 $0x200, s16;
	v25 =	vld.idx.msk [tilespmem:v7+s10+$0x0], $0xffff;
	v9 =	vmul.f32 v9, v2;
	[tilespmem:s16+$0x50] =	vst v5  }
0x255: {  	v30 =	vld [tilespmem:s18+$0x70];
	v26 =	vmul.f32 v8, v2;
	[tilespmem:s16+$0x60] =	vst v3  }
0x256: {  	v31 =	vld [tilespmem:s18+$0xFFFFFF00];
	[tilespmem:s16+$0x80] =	vst v9;
	v3 =	vmul.f32 v10, v2  }
0x257: {  	v15 =	vmov s24;
	v33 =	vld [tilespmem:s18+$0xFFFFFF10];
	[tilespmem:s16+$0x90] =	vst v26;
	v29 =	vmul.f32 v14, v2  }
0x258: {  	v15 =	vand.u32 $0xFFFFFFFE, v15;
	v34 =	vld [tilespmem:s18+$0xFFFFFF20];
	[tilespmem:s16+$0xA0] =	vst v3;
	v3 =	vmul.f32 v16, v2  }
0x259: {  	v13 =	vand.u32 $0xFFFFFFFD, v13;
	v35 =	vld [tilespmem:s18+$0xFFFFFF30];
	v15 =	vbroadcast v15, $0x0;
	v32 =	vmul.f32 v17, v2;
	[tilespmem:s16+$0xB0] =	vst v29  }
0x25a: {  	v13 =	vbroadcast v13, $0x0;
	v37 =	vld [tilespmem:s18+$0xFFFFFF50];
	[tilespmem:s17+$0xC0] =	vst v3;
	v3 =	vmul.f32 v18, v2  }
0x25b: {  	v39 =	vld [tilespmem:s18+$0xFFFFFF60];
	[tilespmem:s17+$0xD0] =	vst v32;
	v2 =	vmul.f32 v24, v2  }
0x25c: {  	v38 =	vmul.f32 v33, v25;
	[tilespmem:s17+$0xE0] =	vst v3;
	v3 =	vld [tilespmem:s18+$0xFFFFFF40]  }
0x25d: {  	v40 =	vld [tilespmem:s18+$0xFFFFFF70];
	[tilespmem:s17+$0xF0] =	vst v2;
	v2 =	vmul.f32 v31, v25  }
0x25e: {  	v41 =	vld [tilespmem:s18+$0xFFFFFF80];
	v5 =	vmul.f32 v35, v25;
	[tilespmem:s18+$0xFFFFFF10] =	vst v38  }
0x25f: {  	v28 =	vld.idx.msk [tilespmem:v15+s10+$0x0], $0xffff;
	[tilespmem:s18+$0xFFFFFF00] =	vst v2;
	v2 =	vmul.f32 v34, v25  }
0x260: {  	v42 =	vmul.f32 v37, v25;
	v27 =	vld.idx.msk [tilespmem:v13+s10+$0x0], $0xffff;
	[tilespmem:s18+$0xFFFFFF30] =	vst v5  }
0x261: {  	[tilespmem:s18+$0xFFFFFF20] =	vst v2;
	v2 =	vmul.f32 v3, v25;
	v3 =	vld [tilespmem:s18+$0xFFFFFF90]  }
0x262: {  	v43 =	vld [tilespmem:s18+$0xFFFFFFA0];
	v4 =	vmul.f32 v40, v25;
	[tilespmem:s18+$0xFFFFFF50] =	vst v42  }
0x263: {  	v44 =	vld [tilespmem:s18+$0xFFFFFFB0];
	[tilespmem:s18+$0xFFFFFF40] =	vst v2;
	v2 =	vmul.f32 v39, v25  }
0x264: {  	v45 =	vld [tilespmem:s18+$0xFFFFFFC0];
	[tilespmem:s18+$0xFFFFFF70] =	vst v4;
	v36 =	vmul.f32 v30, v28  }
0x265: {  	v46 =	vld [tilespmem:s18+$0xFFFFFFD0];
	[tilespmem:s18+$0xFFFFFF60] =	vst v2;
	v2 =	vmul.f32 v41, v27  }
0x266: {  	v47 =	vld [tilespmem:s18+$0xFFFFFFE0];
	[tilespmem:s18+$0x70] =	vst v36;
	v3 =	vmul.f32 v3, v27  }
0x267: {  	v48 =	vld [tilespmem:s18+$0xFFFFFFF0];
	[tilespmem:s18+$0xFFFFFF80] =	vst v2;
	v2 =	vmul.f32 v43, v27  }
0x268: {  	v49 =	vld [tilespmem:s18+$0x0];
	[tilespmem:s18+$0xFFFFFF90] =	vst v3;
	v3 =	vmul.f32 v44, v27  }
0x269: {  	v50 =	vld [tilespmem:s18+$0x10];
	[tilespmem:s18+$0xFFFFFFA0] =	vst v2;
	v2 =	vmul.f32 v45, v27  }
0x26a: {  	v51 =	vld [tilespmem:s18+$0x20];
	[tilespmem:s18+$0xFFFFFFB0] =	vst v3;
	v3 =	vmul.f32 v46, v27  }
0x26b: {  	v52 =	vld [tilespmem:s18+$0x30];
	[tilespmem:s18+$0xFFFFFFC0] =	vst v2;
	v2 =	vmul.f32 v47, v27  }
0x26c: {  	v53 =	vld [tilespmem:s18+$0x40];
	[tilespmem:s18+$0xFFFFFFD0] =	vst v3;
	v3 =	vmul.f32 v48, v27  }
0x26d: {  	v54 =	vld [tilespmem:s18+$0x50];
	[tilespmem:s18+$0xFFFFFFE0] =	vst v2;
	v2 =	vmul.f32 v49, v28  }
0x26e: {  	v55 =	vld [tilespmem:s18+$0x60];
	[tilespmem:s18+$0xFFFFFFF0] =	vst v3;
	v3 =	vmul.f32 v50, v28  }
0x26f: {  	v56 =	vld [tilespmem:s18+$0x80];
	[tilespmem:s18+$0x0] =	vst v2;
	v2 =	vmul.f32 v51, v28  }
0x270: {  	v57 =	vld [tilespmem:s18+$0x90];
	[tilespmem:s18+$0x10] =	vst v3;
	v3 =	vmul.f32 v52, v28  }
0x271: {  	v58 =	vld [tilespmem:s18+$0xA0];
	[tilespmem:s18+$0x20] =	vst v2;
	v2 =	vmul.f32 v53, v28  }
0x272: {  	v59 =	vld [tilespmem:s18+$0xB0];
	[tilespmem:s18+$0x30] =	vst v3;
	v3 =	vmul.f32 v54, v28  }
0x273: {  	v60 =	vld [tilespmem:s18+$0xC0];
	[tilespmem:s18+$0x40] =	vst v2;
	v2 =	vmul.f32 v55, v28  }
0x274: {  	v61 =	vld [tilespmem:s18+$0xD0];
	[tilespmem:s18+$0x50] =	vst v3;
	v3 =	vmul.f32 v56, v6  }
0x275: {  	v62 =	vld [tilespmem:s18+$0xE0];
	[tilespmem:s18+$0x60] =	vst v2;
	v2 =	vmul.f32 v57, v6  }
0x276: {  	v63 =	vld [tilespmem:s18+$0xF0];
	[tilespmem:s18+$0x80] =	vst v3;
	v3 =	vmul.f32 v58, v6  }
0x277: {  	[tilespmem:s18+$0x90] =	vst v2;
	v2 =	vmul.f32 v59, v6  }
0x278: {  	s15 =	sadd.s32 $0x1, s15;
	[tilespmem:s18+$0xA0] =	vst v3;
	v3 =	vmul.f32 v60, v6  }
0x279: {  	p0 =	sne.s32 s15, $0xC;
	[tilespmem:s18+$0xB0] =	vst v2;
	v2 =	vmul.f32 v61, v6  }
.Ltmp5:
0x27a: {  	[tilespmem:s18+$0xC0] =	vst v3;
	v3 =	vmul.f32 v62, v6;
	(pc) =	sbr.rel @p0 .LBB2_9-.Ltmp5, $4  }
0x27b: {  	[tilespmem:s18+$0xD0] =	vst v2;
	v2 =	vmul.f32 v63, v6  }
0x27c: {  	[tilespmem:s18+$0xE0] =	vst v3  }
0x27d: {  	[tilespmem:s18+$0xF0] =	vst v2  }
0x27e: {  	[spmem:s1] =	stream.indirect.scatter.add.f32 [tilespmem:s25], [sflag:$0x4], $0x80, s23, s21, $0xb8;
	[tilespmem:$0x1FA00] =	vst v63  }
0x27f: {  	s13 =	sadd.s32 $0x1, s13  }
0x280: {  	p0 =	sne.s32 s13, $0x5  }
.Ltmp6:
0x281: {  	_ = 	snop;
	(pc) =	sbr.rel @p0 .LBB2_6-.Ltmp6, $1  }
0x282: {  	_ =	sdelay $0x3  }
0x283: {  	_ =	swait.ge [sflag:s30], $0x2800  }
0x284: {  	[sflag:s30] =	ssyncset.done $0x0  }
0x285: {  	[sflag:s30] =	ssyncadd.s32 $0xFFFFD800  }
0x286: {  	_ =	swait.ge [sflag:s2], $0x2800  }
0x287: {  	[sflag:s2] =	ssyncset.done $0x0  }
0x288: {  	[sflag:s2] =	ssyncadd.s32 $0xFFFFD800  }
0x289: {  	s9 =	stileid.u32;
	[bflag:$0x0] =	sbarrier.arrive $0xFFFF  }
0x28a: {  	s9 =	sshll.u32 s9, $0x6;
	s14 =	rddreg [dreg:$0x4]  }
0x28b: {  	s9 =	sor.u32 $0x1C05, s9;
	s13 =	rddreg [dreg:$0xe];
	s12 =	sshrl.u32 s14, $0x3  }
0x28c: {  	[hbm:s13], [sflag:s9] =	dma.local [spmem:s12], $0x2800  }
0x28d: {  	_ =	swait.ge [sflag:s19], $0x2800  }
0x28e: {  	s17 =	simm.s32 $0x80;
	[sflag:s19] =	ssyncset.done $0x0  }
0x28f: {  	s18 =	simm.s32 $0x400;
	s16 =	rddreg [dreg:$0x5];
	[sflag:s19] =	ssyncadd.s32 $0xFFFFD800  }
0x290: {  	[hbm4b:s16+s17] =	stream.strided.scatter [tilespmem:s31], [sflag:$0x5], $0x2800, s18, s17, $0x38;
	[tilespmem:$0x1FA00] =	vst v63  }
0x291: {  	_ =	swait.ge [sflag:s19], $0x2800  }
0x292: {  	s11 =	sadd.s32 $0x1, s11;
	s24 =	rddreg [dreg:$0x6]  }
0x293: {  	p0 =	sne.s32 s11, s24  }
.Ltmp7:
0x294: {  	_ = 	snop;
	(pc) =	sbr.rel @p0 .LBB2_1-.Ltmp7, $3  }
0x295: {  	_ =	sdelay $0x1  }
0x296: {  	[sflag:s19] =	ssyncset.done $0x0  }
0x297: {  	[sflag:s19] =	ssyncadd.s32 $0xFFFFD800  }
0x298: {  	_ =	sfence.sel $0x180000  }
0x299: {  	[bflag:$0x0] =	sbarrier.arrive $0xFFFF  }
0x29a: {  	_ =	strace $0x9000004A  }
0x29b: {  	s0 =	stileid.u32;
	[bflag:$0x2] =	sbarrier.arrive $0xFFFF  }
0x29c: {  	p0 =	sne.s32 s0, $0x0;
	s0 =	rddreg [dreg:$0x2]  }
0x29d: {  	s0 =	sadd.s32 @!p0 $0x100000, s0  }
0x29e: {  	[sflag:s0] =	ssyncadd.tile.s32 @!p0 $0x1;
	_ =	shalt  }
.Lfunc_end2:
_tile_overlayer_lowered:
.L_overlay_start_2:
0x29f: {  	(tag) =	ssettag $0x2  }
0x2a0: {  	s0 =	rddreg [dreg:$0x0];
	s2 =	stileid.u32  }
0x2a1: {  	s1 =	rddreg [dreg:$0x1];
	p0 =	sne.s32 s2, $0x0  }
0x2a2: {  	s3 =	rddreg [dreg:$0x2];
	[bflag:$0x3] =	sbarrier.arrive $0xFFFF;
	s2 =	simm.s32 @!p0 $0x1C05  }
0x2a3: {  	[timem:s3], [sflag:s2] =	dma.local @!p0 [hbm:s0], s1  }
0x2a4: {  	s0 =	simm.s32 @!p0 $0x5  }
0x2a5: {  	_ =	swait.ge @!p0 [sflag:s0], s1  }
0x2a6: {  	s1 =	ssub.s32 @!p0 $0x0, s1;
	[sflag:s0] =	ssyncset.done @!p0 $0x0  }
0x2a7: {  	[sflag:s0] =	ssyncadd.s32 @!p0 s1  }
0x2a8: {  	[bflag:$0x3] =	sbarrier.arrive $0xFFFF  }
0x2a9: {  	_ =	shalt  }

// kernel: kernel.17.cloned.1.call-start
scs
__scs_entry_jumppad:
0x0: {  	(pc) =	sbr.rel $0x88, $3  }
0x1: {  	(tag) =	ssettag $0x0;
	lr =	simm.s32 $0x1  }
0x2: {  	[smem:$0x3F89] =	sst lr;
	_ =	strace $0xD0000000  }
0x3: {  	_ = 	snop  }
0x4: {  	_ = 	snop  }
0x5: {  	_ = 	snop  }
0x6: {  	_ = 	snop  }
0x7: {  	_ = 	snop  }
__scs_overlays_trampoline_lowered:
0x8: {  	[smem:$0x3F98] =	sst s0  }
0x9: {  	[smem:$0x3F99] =	sst s1  }
0xa: {  	[smem:$0x3F9A] =	sst s2  }
0xb: {  	[smem:$0x3F9B] =	sst s3  }
0xc: {  	[smem:$0x3F9C] =	sst s4  }
0xd: {  	[smem:$0x3F9D] =	sst s5  }
0xe: {  	[smem:$0x3F9E] =	sst s6  }
0xf: {  	[smem:$0x3F9F] =	sst s7  }
0x10: {  	[smem:$0x3FA0] =	sst s8  }
0x11: {  	[smem:$0x3FA1] =	sst s9;
	s0 =	simm.s32 @!p0 $0x0  }
0x12: {  	s1 =	sld [smem:$0x3F87];
	s0 =	simm.s32 @p0 $0x1  }
0x13: {  	[smem:$0x3FA2] =	sst s0;
	s0 =	simm.s32 @!p1 $0x0  }
0x14: {  	s2 =	sld [smem:$0x3F86];
	s0 =	simm.s32 @p1 $0x1  }
0x15: {  	[smem:$0x3FA3] =	sst s0;
	s0 =	simm.s32 @!p2 $0x0  }
0x16: {  	s3 =	sld [smem:$0x3FDB];
	s0 =	simm.s32 @p2 $0x1  }
0x17: {  	s4 =	simm.s32 $0x1BF5;
	[smem:$0x3FA5] =	sst s0  }
0x18: {  	s0 =	sld [smem:$0x3F88];
	_ =	swait.ge [sflag:s4], $0x0  }
0x19: {  	s7 =	sld [smem:$0x3F89]  }
0x1a: {  	s8 =	sadd.s32 $0xFFFFE003, lr  }
0x1b: {  	s9 =	sadd.s32 $0xFFFFFEF7, lr;
	s5 =	simm.s32 $0xFFFFFFFF;
	p2 =	slt.u32 s8, $0xFFFFF086  }
0x1c: {  	p1 =	slt.u32 s9, $0xF7A;
	s5 =	simm.s32 @!p2 $0x0  }
0x1d: {  	s5 =	simm.s32 @p1 $0x1;
	p0 =	seq.s32 s7, s2  }
0x1e: {  	s7 =	smul.u32 @!p0 $0xF7A, s2;
	p2 =	seq.s32 @!p0 s5, $0x0  }
0x1f: {  	s9 =	smul.u32 $0xF7A, s1;
	s8 =	simm.s32 @!p0 $0x1BF5;
	p2 =	por !p2, p0  }
0x20: {  	[sflag:s8] =	ssyncset.s32 @!p0 $0xFFFFF086;
	s6 =	sadd.s32 @!p0 s3, s7;
	s7 =	simm.s32 @!p0 $0x108  }
0x21: {  	s3 =	sadd.s32 s3, s9;
	s6 =	sadd.s32 @!p0 $0x88, s6;
	s7 =	simm.s32 @p2 $0x1082  }
0x22: {  	[simem:s7], [sflag:s8] =	dma.local @!p0 [hbm:s6], $0xF7A  }
0x23: {  	s9 =	sor.u32 $0xD0000000, s2;
	s6 =	simm.s32 $0x108;
	_ =	swait.ge @!p0 [sflag:s8], $0x0  }
0x24: {  	s3 =	sadd.s32 $0x88, s3;
	s6 =	simm.s32 @!p1 $0x1082;
	[sflag:s4] =	ssyncset.s32 $0xFFFFF086  }
0x25: {  	[simem:s6], [sflag:s4] =	dma.local [hbm:s3], $0xF7A  }
0x26: {  	[smem:$0x3F89] =	sst s1;
	(tag) =	ssettag s2;
	_ =	strace s9  }
0x27: {  	s1 =	sld [smem:$0x3F99]  }
0x28: {  	s2 =	sld [smem:$0x3F9A]  }
0x29: {  	s4 =	sld [smem:$0x3F9C]  }
0x2a: {  	p0 =	seq.s32 s5, $0x0;
	s5 =	sld [smem:$0x3F9D]  }
0x2b: {  	s6 =	sld [smem:$0x3F9E]  }
0x2c: {  	s7 =	sld [smem:$0x3F9F]  }
0x2d: {  	s3 =	simm.s32 $0x108;
	s8 =	sld [smem:$0x3FA0]  }
0x2e: {  	s3 =	simm.s32 @!p0 $0x1082;
	s9 =	sld [smem:$0x3FA1]  }
0x2f: {  	lr =	sadd.s32 s0, s3;
	s0 =	sld [smem:$0x3F98]  }
0x30: {  	s3 =	sld [smem:$0x3F9B]  }
0x31: {  	[smem:$0x3FA4] =	sst s10  }
0x32: {  	s10 =	sld [smem:$0x3FA2];
	_ =	sdelay $0x3  }
0x33: {  	p0 =	seq.s32 s10, $0x1;
	s10 =	sld [smem:$0x3FA4];
	_ =	sdelay $0x3  }
0x34: {  	[smem:$0x3FA4] =	sst s10  }
0x35: {  	s10 =	sld [smem:$0x3FA3];
	_ =	sdelay $0x3  }
0x36: {  	p1 =	seq.s32 s10, $0x1;
	s10 =	sld [smem:$0x3FA4];
	_ =	sdelay $0x3  }
0x37: {  	[smem:$0x3FA4] =	sst s10  }
0x38: {  	s10 =	sld [smem:$0x3FA5]  }
0x39: {  	_ = 	snop;
	(pc) =	sbr.ind lr, $3  }
0x3a: {  	_ = 	snop  }
0x3b: {  	_ = 	snop  }
0x3c: {  	p2 =	seq.s32 s10, $0x1;
	s10 =	sld [smem:$0x3FA4]  }
0x3d: {  	_ =	shalt  }
0x3e: {  	_ =	shalt  }
0x3f: {  	_ =	shalt  }
0x40: {  	_ =	shalt  }
0x41: {  	_ =	shalt  }
0x42: {  	_ =	shalt  }
0x43: {  	_ =	shalt  }
0x44: {  	_ =	shalt  }
0x45: {  	_ =	shalt  }
0x46: {  	_ =	shalt  }
0x47: {  	_ =	shalt  }
0x48: {  	_ =	shalt  }
0x49: {  	_ =	shalt  }
0x4a: {  	_ =	shalt  }
0x4b: {  	_ =	shalt  }
0x4c: {  	_ =	shalt  }
0x4d: {  	_ =	shalt  }
0x4e: {  	_ =	shalt  }
0x4f: {  	_ =	shalt  }
0x50: {  	_ =	shalt  }
0x51: {  	_ =	shalt  }
0x52: {  	_ =	shalt  }
0x53: {  	_ =	shalt  }
0x54: {  	_ =	shalt  }
0x55: {  	_ =	shalt  }
0x56: {  	_ =	shalt  }
0x57: {  	_ =	shalt  }
0x58: {  	_ =	shalt  }
0x59: {  	_ =	shalt  }
0x5a: {  	_ =	shalt  }
0x5b: {  	_ =	shalt  }
0x5c: {  	_ =	shalt  }
0x5d: {  	_ =	shalt  }
0x5e: {  	_ =	shalt  }
0x5f: {  	_ =	shalt  }
0x60: {  	_ =	shalt  }
0x61: {  	_ =	shalt  }
0x62: {  	_ =	shalt  }
0x63: {  	_ =	shalt  }
0x64: {  	_ =	shalt  }
0x65: {  	_ =	shalt  }
0x66: {  	_ =	shalt  }
0x67: {  	_ =	shalt  }
0x68: {  	_ =	shalt  }
0x69: {  	_ =	shalt  }
0x6a: {  	_ =	shalt  }
0x6b: {  	_ =	shalt  }
0x6c: {  	_ =	shalt  }
0x6d: {  	_ =	shalt  }
0x6e: {  	_ =	shalt  }
0x6f: {  	_ =	shalt  }
0x70: {  	_ =	shalt  }
0x71: {  	_ =	shalt  }
0x72: {  	_ =	shalt  }
0x73: {  	_ =	shalt  }
0x74: {  	_ =	shalt  }
0x75: {  	_ =	shalt  }
0x76: {  	_ =	shalt  }
0x77: {  	_ =	shalt  }
0x78: {  	_ =	shalt  }
0x79: {  	_ =	shalt  }
0x7a: {  	_ =	shalt  }
0x7b: {  	_ =	shalt  }
0x7c: {  	_ =	shalt  }
0x7d: {  	_ =	shalt  }
0x7e: {  	_ =	shalt  }
0x7f: {  	_ =	shalt  }
0x80: {  	_ =	shalt  }
0x81: {  	_ =	shalt  }
0x82: {  	_ =	shalt  }
0x83: {  	_ =	shalt  }
0x84: {  	_ =	shalt  }
0x85: {  	_ =	shalt  }
0x86: {  	_ =	shalt  }
0x87: {  	_ =	shalt  }
.Lfunc_end0:
.L_simem_size_0:
called_computation.2_lowered:
.L_overlay_start_0:
0x88: {  	s2 =	sld [smem:$0x3FD9]  }
0x89: {  	s3 =	sld [smem:$0x3FFE];
	_ =	sdelay $0x1  }
0x8a: {  	s1 =	srdreg.scid  }
0x8b: {  	s0 =	sand.u32 $0x1, s1  }
0x8c: {  	s17 =	sshll.u32 s0, $0xA;
	s2 =	sadd.s32 s3, s2  }
0x8d: {  	s2 =	sadd.s32 s2, s17  }
0x8e: {  	[smem:$0x3FB0] =	sst s2  }
0x8f: {  	_ = 	snop  }
0x90: {  	s2 =	sld [smem:$0x3FC7]  }
0x91: {  	s18 =	sld [smem:$0x3FD0];
	(tm) =	ssettm $0x1  }
0x92: {  	s4 =	sld [smem:$0x3FFB];
	_ =	sdelay $0x3  }
0x93: {  	_ =	strace s4  }
0x94: {  	s4 =	sld [smem:$0x3FFC];
	_ =	sdelay $0x3  }
0x95: {  	_ =	strace s4  }
0x96: {  	s4 =	sld [smem:$0x3FFD];
	_ =	sdelay $0x3  }
0x97: {  	_ =	strace s4  }
0x98: {  	_ =	strace $0x8FFFFFFF  }
0x99: {  	s19 =	sld [smem:$0x3FDB];
	_ =	sdelay $0x1  }
0x9a: {  	s5 =	simm.s32 $_scs_section_size  }
0x9b: {  	s6 =	simm.s32 $_size__tile_overlayer_lowered;
	s7 =	simm.s32 $_tile_overlayer_lowered  }
0x9c: {  	s22 =	simm.s32 $0x1BFF;
	s21 =	sshll.u32 s7, $0x1;
	s4 =	sadd.s32 s5, s19  }
0x9d: {  	s8 =	simm.s32 $0x0;
	s20 =	sshll.u32 s6, $0x1;
	s6 =	sadd.s32 s21, s4  }
0x9e: {  	[timem:s8], [sflag:s22] =	dma.local [hbm:s6], s20  }
0x9f: {  	_ =	swait.ge [sflag:s22], s20  }
0xa0: {  	s5 =	ssub.s32 $0x0, s20;
	[sflag:s22] =	ssyncset.done $0x0  }
0xa1: {  	[sflag:s22] =	ssyncadd.s32 s5;
	_ =	sdelay $0x1  }
0xa2: {  	s23 =	simm.s32 $0x1B8B  }
0xa3: {  	_ =	swait.ge [sflag:s23], $0x1  }
0xa4: {  	[sflag:s23] =	ssyncset.done $0x0  }
0xa5: {  	s25 =	simm.s32 $0x1B8E;
	s24 =	sld [smem:$0x3FFE];
	[sflag:s23] =	ssyncadd.s32 $0xFFFFFFFF  }
0xa6: {  	s26 =	simm.s32 $execute0_lowered;
	[smem:$0x3FD2] =	sst s25  }
0xa7: {  	s6 =	sshll.u32 s26, $0x1;
	_ =	strace $0x8000004C;
	[dreg:$0x1] =	wrdreg $0xFFFFFFFF  }
0xa8: {  	s28 =	simm.s32 $_size_execute0_lowered;
	s4 =	sadd.s32 s4, s6;
	[dreg:$0x0] =	wrdreg $0x0  }
0xa9: {  	s6 =	sshll.u32 s28, $0x1;
	[dreg:$0x2] =	wrdreg s4  }
0xaa: {  	[dreg:$0x3] =	wrdreg s6  }
0xab: {  	[dreg:$0x4] =	wrdreg $0xC0  }
0xac: {  	_ =	task [dreg:s8], $0x5FFFF  }
0xad: {  	[dreg:$0x1] =	wrdreg $0xFFFFFFFF  }
0xae: {  	[dreg:$0x0] =	wrdreg $0x60  }
0xaf: {  	[dreg:$0x2] =	wrdreg s24  }
0xb0: {  	[dreg:$0x3] =	wrdreg s2  }
0xb1: {  	[dreg:$0x4] =	wrdreg s18  }
0xb2: {  	[dreg:$0x5] =	wrdreg $0x9  }
0xb3: {  	_ =	task.clear_ibuf [dreg:s8], $0x6FFFF;
	_ =	strace $0x9000004C  }
0xb4: {  	s29 =	simm.s32 $0x9;
	_ =	strace $0x8000004E  }
0xb5: {  	_ =	swait.ge [sflag:s29], $0x1  }
0xb6: {  	[sflag:s29] =	ssyncadd.s32 $0xFFFFFFFF  }
0xb7: {  	_ =	strace $0x9000004E  }
0xb8: {  	_ =	sfence  }
0xb9: {  	s30 =	sld [smem:$0x0];
	_ =	sdelay $0x2  }
0xba: {  	s31 =	sshll.u32 s1, $0xD;
	s1 =	sshrl.u32 s1, $0x2  }
0xbb: {  	s3 =	sand.u32 $0x4000, s31;
	s1 =	sadd.s32 s1, s30  }
0xbc: {  	s0 =	sor.u32 s3, s0;
	s1 =	sshll.u32 s1, $0x11  }
0xbd: {  	s0 =	sor.u32 s1, s0  }
0xbe: {  	s0 =	sadd.s32 $0x8F2B, s0  }
0xbf: {  	[sflag:s0] =	ssyncadd.remote.s32 $0x1  }
0xc0: {  	_ =	sfence.sel $0xFFFF  }
0xc1: {  	[dreg:$0x0] =	wrdreg $0xFFFFFFFF;
	(pc) =	sbr.abs _section_cstart, $3  }
0xc2: {  	[dreg:$0x1] =	wrdreg $0xFFFFFFFF  }
0xc3: {  	_ =	task.clear_ibuf [dreg:s8], $0x2FFFF;
	_ =	strace $0x9FFFFFFF  }
0xc4: {  	(tm) =	ssettm $0x7FFFFFFF  }
0xc5: {  	_ =	shalt  }
tec
execute0_lowered:
.L_overlay_start_1:
0x0: {  	(tag) =	ssettag $0x1  }
0x1: {  	s0 =	rddreg [dreg:$0x0]  }
0x2: {  	s1 =	rddreg [dreg:$0x1]  }
0x3: {  	s2 =	srdreg.scid;
	s6 =	stileid.u32  }
0x4: {  	s3 =	simm.s32 $0x0;
	s14 =	simm.s32 $0x1;
	s15 =	simm.s32 $0x2800  }
0x5: {  	s16 =	simm.s32 $0x5000;
	s18 =	simm.s32 $0x7800;
	s19 =	simm.s32 $0x9F80  }
0x6: {  	s20 =	simm.s32 $0x13E80;
	s21 =	simm.s32 $0x11680;
	s22 =	simm.s32 $0xEE80  }
0x7: {  	s23 =	simm.s32 $0xC700;
	s24 =	simm.s32 $0x80;
	s25 =	simm.s32 $0x400  }
0x8: {  	s26 =	simm.s32 $0x0;
	s2 =	sand.u32 $0x1, s2;
	s4 =	sshll.u32 s6, $0x1  }
0x9: {  	[smem:$0x7FF] =	sst s3;
	s30 =	sshrl.u32 s6, $0x2;
	s5 =	sor.u32 s2, s4  }
0xa: {  	_ =	strace $0x8000004D;
	s6 =	smul.u32 $0x14000, s30;
	s4 =	sadd.s32 $0x44800, s0  }
0xb: {  	s2 =	ssub.s32 $0x2, s2;
	s7 =	sshll.u32 s5, $0x7;
	s8 =	smul.u32 $0x2710, s5  }
0xc: {  	s5 =	sadd.s32 $0x44E00, s0;
	s31 =	sshrl.u32 s2, $0x1;
	s7 =	sand.u32 $0x380, s7  }
.Ltmp0:
0xd: {  	s2 =	ssub.s32 s2, s31;
	s6 =	sor.u32 s6, s7;
	(pc) =	sbr.rel .LBB2_1-.Ltmp0, $4  }
0xe: {  	s8 =	sshrl.u32 s8, $0x3;
	s13 =	smax.u32 s2, $0x1;
	s6 =	sshrl.u32 s6, $0x3  }
0xf: {  	s9 =	sadd.s32 s8, s0;
	s8 =	sadd.s32 s1, s8;
	s0 =	sadd.s32 s6, s0  }
0x10: {  	s6 =	sadd.s32 $0x8E00, s9;
	s7 =	sadd.s32 $0x12A40, s9;
	s9 =	sadd.s32 $0x63400, s9  }
0x11: {  	v0 =	vimm.f32 $-1.000000020e+30;
	v1 =	vimm.f32 $0.0e+00;
	v2 =	vimm.f32 $1.000000000e+00;
	s10 =	sadd.s32 $0x45400, s0;
	s11 =	sadd.s32 $0x4F400, s0;
	s12 =	sadd.s32 $0x59400, s0  }
.LBB2_9:
0x12: {  	[hbm4b:s9+s3] =	stream.linear.scatter [tilespmem:s23], [sflag:$0x1], $0x2710, $0x38;
	[tilespmem:$0x16680] =	vst v63  }
0x13: {  	_ =	swait.ge [sflag:s14], $0x2710  }
0x14: {  	[sflag:s14] =	ssyncset.done $0x0  }
0x15: {  	[sflag:s14] =	ssyncadd.s32 $0xFFFFD8F0  }
0x16: {  	[hbm4b:s10+s24] =	stream.strided.scatter [tilespmem:s22], [sflag:$0x1], $0x2800, s25, s24, $0x38;
	[tilespmem:$0x16680] =	vst v63  }
0x17: {  	_ =	swait.ge [sflag:s14], $0x2800  }
0x18: {  	[sflag:s14] =	ssyncset.done $0x0  }
0x19: {  	[sflag:s14] =	ssyncadd.s32 $0xFFFFD800  }
0x1a: {  	[hbm4b:s11+s24] =	stream.strided.scatter [tilespmem:s21], [sflag:$0x1], $0x2800, s25, s24, $0x38;
	[tilespmem:$0x16680] =	vst v63  }
0x1b: {  	s26 =	sadd.s32 $0x1, s26;
	_ =	swait.ge [sflag:s14], $0x2800  }
0x1c: {  	p0 =	sne.s32 s26, s13;
	[sflag:s14] =	ssyncset.done $0x0  }
.Ltmp1:
0x1d: {  	[sflag:s14] =	ssyncadd.s32 $0xFFFFD800;
	(pc) =	sbr.rel @!p0 .LBB2_10-.Ltmp1, $4  }
0x1e: {  	[hbm4b:s12+s24] =	stream.strided.scatter [tilespmem:s20], [sflag:$0x1], $0x2800, s25, s24, $0x38;
	[tilespmem:$0x16680] =	vst v63  }
0x1f: {  	_ =	swait.ge [sflag:s14], $0x2800  }
0x20: {  	[sflag:s14] =	ssyncset.done $0x0  }
0x21: {  	[sflag:s14] =	ssyncadd.s32 $0xFFFFD800  }
.LBB2_1:
0x22: {  	[tilespmem:s3], [sflag:$0x1] =	stream.linear.gather [hbm4b:s4+s3], $0x2800, $0x38;
	[tilespmem:$0x16680] =	vst v63  }
0x23: {  	_ =	swait.ge [sflag:s14], $0x2800  }
0x24: {  	[sflag:s14] =	ssyncset.done $0x0  }
0x25: {  	[sflag:s14] =	ssyncadd.s32 $0xFFFFD800  }
0x26: {  	[tilespmem:s15], [sflag:$0x1] =	stream.linear.gather [hbm4b:s5+s3], $0x2800, $0x38;
	[tilespmem:$0x16680] =	vst v63  }
0x27: {  	_ =	swait.ge [sflag:s14], $0x2800  }
0x28: {  	[sflag:s14] =	ssyncset.done $0x0  }
0x29: {  	[sflag:s14] =	ssyncadd.s32 $0xFFFFD800  }
0x2a: {  	s0 =	rddreg [dreg:$0x2]  }
0x2b: {  	[tilespmem:s16], [sflag:$0x1] =	stream.linear.gather [hbm4b:s0+s3], $0x80, $0x38;
	[tilespmem:$0x16680] =	vst v63  }
0x2c: {  	_ =	swait.ge [sflag:s14], $0x80  }
0x2d: {  	[sflag:s14] =	ssyncset.done $0x0  }
0x2e: {  	s17 =	simm.s32 $0x5080;
	[sflag:s14] =	ssyncadd.s32 $0xFFFFFF80  }
0x2f: {  	[tilespmem:s17], [sflag:$0x1] =	stream.linear.gather [hbm4b:s6+s3], $0x2710, $0x38;
	[tilespmem:$0x16680] =	vst v63  }
0x30: {  	_ =	swait.ge [sflag:s14], $0x2710  }
0x31: {  	[sflag:s14] =	ssyncset.done $0x0  }
0x32: {  	[sflag:s14] =	ssyncadd.s32 $0xFFFFD8F0  }
0x33: {  	[tilespmem:s18], [sflag:$0x1] =	stream.linear.gather [hbm4b:s7+s3], $0x2710, $0x38;
	[tilespmem:$0x16680] =	vst v63  }
0x34: {  	_ =	swait.ge [sflag:s14], $0x2710  }
0x35: {  	[sflag:s14] =	ssyncset.done $0x0  }
0x36: {  	[sflag:s14] =	ssyncadd.s32 $0xFFFFD8F0  }
0x37: {  	[tilespmem:s19], [sflag:$0x1] =	stream.linear.gather [hbm4b:s8+s3], $0x2710, $0x38;
	[tilespmem:$0x16680] =	vst v63  }
0x38: {  	_ =	swait.ge [sflag:s14], $0x2710  }
0x39: {  	[sflag:s14] =	ssyncset.done $0x0  }
0x3a: {  	s2 =	simm.s32 $0xEEA0;
	[sflag:s14] =	ssyncadd.s32 $0xFFFFD8F0  }
0x3b: {  	[tilespmem:s2+$0xFFFFFFF0] =	vst v0  }
0x3c: {  	[tilespmem:s2+$0x0] =	vst v0  }
0x3d: {  	[tilespmem:s2+$0x10] =	vst v0  }
0x3e: {  	s0 =	simm.s32 $0x116A0;
	[tilespmem:s2+$0xFFFFFFE0] =	vst v0  }
0x3f: {  	[tilespmem:s0+$0xFFFFFFF0] =	vst v1  }
0x40: {  	[tilespmem:s0+$0x0] =	vst v1  }
0x41: {  	[tilespmem:s0+$0x10] =	vst v1  }
0x42: {  	s1 =	simm.s32 $0x13EA0;
	[tilespmem:s0+$0xFFFFFFE0] =	vst v1  }
0x43: {  	[tilespmem:s1+$0xFFFFFFF0] =	vst v1  }
0x44: {  	[tilespmem:s1+$0x0] =	vst v1  }
0x45: {  	s31 =	simm.s32 $0x50A0;
	s29 =	simm.s32 $0x9FA0;
	s30 =	simm.s32 $0x7820;
	[tilespmem:s1+$0x10] =	vst v1  }
0x46: {  	s28 =	simm.s32 $0xC720;
	s17 =	simm.s32 $0xEEE0;
	s2 =	simm.s32 $0x0;
	[tilespmem:s1+$0xFFFFFFE0] =	vst v1  }
.LBB2_2:
0x47: {  	[tilespmem:s17+$0xFFFFFFF0] =	vst v0;
	s0 =	sadd.s32 $0x40, s0  }
0x48: {  	s1 =	sadd.s32 $0x40, s1;
	[tilespmem:s0+$0xFFFFFFF0] =	vst v1  }
0x49: {  	[tilespmem:s1+$0xFFFFFFF0] =	vst v1  }
0x4a: {  	[tilespmem:s17+$0x0] =	vst v0  }
0x4b: {  	[tilespmem:s0+$0x0] =	vst v1  }
0x4c: {  	s2 =	sadd.s32 $0x4, s2;
	[tilespmem:s1+$0x0] =	vst v1  }
0x4d: {  	p0 =	slt.u32 s2, $0x27C;
	[tilespmem:s17+$0x10] =	vst v0  }
.Ltmp2:
0x4e: {  	[tilespmem:s0+$0x10] =	vst v1;
	(pc) =	sbr.rel @p0 .LBB2_2-.Ltmp2, $4  }
0x4f: {  	[tilespmem:s1+$0x10] =	vst v1  }
0x50: {  	[tilespmem:s17+$0xFFFFFFE0] =	vst v0  }
0x51: {  	[tilespmem:s0+$0xFFFFFFE0] =	vst v1  }
0x52: {  	s17 =	sadd.s32 $0x40, s17;
	[tilespmem:s1+$0xFFFFFFE0] =	vst v1  }
0x53: {  	v6 =	vld [tilespmem:s31+$0x10]  }
0x54: {  	v10 =	vld [tilespmem:s30+$0x10]  }
0x55: {  	v3 =	vld [tilespmem:s30+$0xFFFFFFE0]  }
0x56: {  	v7 =	vld [tilespmem:s29+$0x10]  }
0x57: {  	v8 =	vld [tilespmem:s31+$0xFFFFFFF0]  }
0x58: {  	v4 =	vld [tilespmem:s30+$0xFFFFFFF0]  }
0x59: {  	v9 =	vld [tilespmem:s31+$0x0]  }
0x5a: {  	v5 =	vld [tilespmem:s30+$0x0]  }
0x5b: {  	v12 =	vld [tilespmem:s31+$0xFFFFFFE0]  }
0x5c: {  	v14 =	vld [tilespmem:s29+$0xFFFFFFF0]  }
0x5d: {  	v15 =	vld [tilespmem:s29+$0x0]  }
0x5e: {  	v13 =	vld.idx.msk [tilespmem:v7+s16+$0x0], $0xffff  }
0x5f: {  	v7 =	vld [tilespmem:s29+$0xFFFFFFE0]  }
0x60: {  	v6 =	vld.idx.msk [tilespmem:v6+s3+$0x0], $0xffff  }
0x61: {  	v11 =	vld.idx.msk [tilespmem:v10+s15+$0x0], $0xffff  }
0x62: {  	v16 =	vld.idx.msk [tilespmem:v3+s15+$0x0], $0xffff  }
0x63: {  	v8 =	vld.idx.msk [tilespmem:v8+s3+$0x0], $0xffff  }
0x64: {  	v17 =	vld.idx.msk [tilespmem:v4+s15+$0x0], $0xffff  }
0x65: {  	v12 =	vld.idx.msk [tilespmem:v12+s3+$0x0], $0xffff  }
0x66: {  	v18 =	vld.idx.msk [tilespmem:v9+s3+$0x0], $0xffff  }
0x67: {  	v9 =	vadd.f32 v11, v6;
	v7 =	vld.idx.msk [tilespmem:v7+s16+$0x0], $0xffff  }
0x68: {  	v6 =	vld.idx.msk [tilespmem:v14+s16+$0x0], $0xffff  }
0x69: {  	v11 =	vld.idx.msk [tilespmem:v5+s15+$0x0], $0xffff;
	v9 =	vadd.f32 v9, v13  }
0x6a: {  	v12 =	vadd.f32 v16, v12  }
0x6b: {  	v63 =	vadd.f32 v17, v8;
	v8 =	vld.idx.msk [tilespmem:v15+s16+$0x0], $0xffff;
	v14 =	vmul.f32 $2.000000030e-01, v9  }
0x6c: {  	vm0 =	vge.f32 v9, $0.0e+00;
	v12 =	vadd.f32 v12, v7  }
0x6d: {  	v14 =	vsel vm0, v9, v14;
	v9 =	vadd.f32 v63, v6  }
0x6e: {  	[tilespmem:s28+$0x10] =	vst v14;
	v14 =	vadd.f32 v11, v18;
	v15 =	vmul.f32 $2.000000030e-01, v12  }
0x6f: {  	[tilespmem:v10+s20+$0x0] =	vst.idx.add.f32.msk $0xffff, v2;
	v11 =	vmul.f32 $2.000000030e-01, v9;
	vm1 =	vge.f32 v12, $0.0e+00  }
0x70: {  	s31 =	simm.s32 $0x0;
	s0 =	simm.s32 $0x50E0;
	vm0 =	vge.f32 v9, $0.0e+00;
	[tilespmem:v10+s21+$0x0] =	vst.idx.add.f32.msk $0xffff, v13;
	v10 =	vadd.f32 v14, v8;
	v12 =	vsel vm1, v12, v15  }
.LBB2_4:
0x71: {  	v13 =	vld [tilespmem:s0+$0x10];
	[tilespmem:s28+$0xFFFFFFE0] =	vst v12;
	v9 =	vsel vm0, v9, v11;
	s30 =	sadd.s32 $0x40, s30;
	v14 =	vmov v8  }
0x72: {  	v8 =	vld [tilespmem:s30+$0x10];
	[tilespmem:s28+$0xFFFFFFF0] =	vst v9;
	vm0 =	vge.f32 v10, $0.0e+00;
	v9 =	vmul.f32 $2.000000030e-01, v10  }
0x73: {  	s29 =	sadd.s32 $0x40, s29;
	v11 =	vld [tilespmem:s30+$0xFFFFFFE0]  }
0x74: {  	s31 =	sadd.s32 $0x4, s31;
	v12 =	vld [tilespmem:s29+$0x10];
	v9 =	vsel vm0, v10, v9  }
0x75: {  	p0 =	slt.u32 s31, $0x26C;
	v10 =	vld [tilespmem:s0+$0xFFFFFFF0];
	[tilespmem:s28+$0x0] =	vst v9  }
0x76: {  	v15 =	vld [tilespmem:s30+$0xFFFFFFF0]  }
0x77: {  	v9 =	vld [tilespmem:s0+$0x0]  }
0x78: {  	v16 =	vld [tilespmem:s30+$0x0]  }
0x79: {  	v13 =	vld.idx.msk [tilespmem:v13+s3+$0x0], $0xffff  }
0x7a: {  	v17 =	vld.idx.msk [tilespmem:v8+s15+$0x0], $0xffff  }
0x7b: {  	v18 =	vld [tilespmem:s0+$0xFFFFFFE0]  }
0x7c: {  	v12 =	vld.idx.msk [tilespmem:v12+s16+$0x0], $0xffff  }
0x7d: {  	v19 =	vld [tilespmem:s29+$0xFFFFFFE0]  }
0x7e: {  	v20 =	vld [tilespmem:s29+$0xFFFFFFF0]  }
0x7f: {  	v21 =	vld [tilespmem:s29+$0x0]  }
0x80: {  	v13 =	vadd.f32 v17, v13;
	v22 =	vld.idx.msk [tilespmem:v11+s15+$0x0], $0xffff  }
0x81: {  	v10 =	vld.idx.msk [tilespmem:v10+s3+$0x0], $0xffff  }
0x82: {  	v13 =	vadd.f32 v13, v12;
	v17 =	vld.idx.msk [tilespmem:v15+s15+$0x0], $0xffff  }
0x83: {  	v18 =	vld.idx.msk [tilespmem:v18+s3+$0x0], $0xffff  }
0x84: {  	v23 =	vmul.f32 $2.000000030e-01, v13;
	v9 =	vld.idx.msk [tilespmem:v9+s3+$0x0], $0xffff  }
0x85: {  	vm0 =	vge.f32 v13, $0.0e+00;
	v24 =	vld.idx.msk [tilespmem:v16+s15+$0x0], $0xffff  }
0x86: {  	s28 =	sadd.s32 $0x40, s28;
	v13 =	vsel vm0, v13, v23;
	v19 =	vld.idx.msk [tilespmem:v19+s16+$0x0], $0xffff  }
0x87: {  	v20 =	vld.idx.msk [tilespmem:v20+s16+$0x0], $0xffff;
	[tilespmem:s28+$0x10] =	vst v13  }
0x88: {  	v10 =	vadd.f32 v17, v10;
	[tilespmem:v8+s20+$0x0] =	vst.idx.add.f32.msk $0xffff, v2  }
0x89: {  	v13 =	vadd.f32 v22, v18;
	[tilespmem:v8+s21+$0x0] =	vst.idx.add.f32.msk $0xffff, v12  }
0x8a: {  	v8 =	vld.idx.msk [tilespmem:v21+s16+$0x0], $0xffff  }
0x8b: {  	v17 =	vadd.f32 v24, v9;
	[tilespmem:v3+s20+$0x0] =	vst.idx.add.f32.msk $0xffff, v2  }
.Ltmp3:
0x8c: {  	v12 =	vadd.f32 v13, v19;
	[tilespmem:v3+s21+$0x0] =	vst.idx.add.f32.msk $0xffff, v7;
	v3 =	vmov v11;
	v7 =	vmov v19;
	(pc) =	sbr.rel @p0 .LBB2_4-.Ltmp3, $4  }
0x8d: {  	v9 =	vadd.f32 v10, v20;
	[tilespmem:v4+s20+$0x0] =	vst.idx.add.f32.msk $0xffff, v2  }
0x8e: {  	vm1 =	vge.f32 v12, $0.0e+00;
	v10 =	vmul.f32 $2.000000030e-01, v12;
	[tilespmem:v4+s21+$0x0] =	vst.idx.add.f32.msk $0xffff, v6;
	v4 =	vmovc v15;
	v6 =	vmov v20  }
0x8f: {  	vm0 =	vge.f32 v9, $0.0e+00;
	v11 =	vmul.f32 $2.000000030e-01, v9;
	[tilespmem:v5+s20+$0x0] =	vst.idx.add.f32.msk $0xffff, v2  }
0x90: {  	s0 =	sadd.s32 $0x40, s0;
	v12 =	vsel vm1, v12, v10;
	v10 =	vadd.f32 v17, v8;
	[tilespmem:v5+s21+$0x0] =	vst.idx.add.f32.msk $0xffff, v14;
	v5 =	vmov v16  }
0x91: {  	_ =	sdelay $0x1  }
0x92: {  	[tilespmem:s28+$0xFFFFFFE0] =	vst v12;
	v9 =	vsel vm0, v9, v11  }
0x93: {  	[tilespmem:s28+$0xFFFFFFF0] =	vst v9  }
0x94: {  	[tilespmem:v3+s20+$0x0] =	vst.idx.add.f32.msk $0xffff, v2  }
0x95: {  	v13 =	vmul.f32 $2.000000030e-01, v10;
	[tilespmem:v3+s21+$0x0] =	vst.idx.add.f32.msk $0xffff, v7  }
0x96: {  	vm14 =	vge.f32 v10, $0.0e+00;
	[tilespmem:v4+s20+$0x0] =	vst.idx.add.f32.msk $0xffff, v2  }
0x97: {  	v62 =	vsel vm14, v10, v13;
	[tilespmem:v4+s21+$0x0] =	vst.idx.add.f32.msk $0xffff, v6  }
0x98: {  	[tilespmem:s28+$0x0] =	vst v62  }
0x99: {  	[tilespmem:v5+s20+$0x0] =	vst.idx.add.f32.msk $0xffff, v2  }
0x9a: {  	[tilespmem:v5+s21+$0x0] =	vst.idx.add.f32.msk $0xffff, v8  }
0x9b: {  	v3 =	vld [tilespmem:$0x7780]  }
0x9c: {  	v4 =	vld [tilespmem:$0x9F00];
	_ =	sdelay $0x1  }
0x9d: {  	v5 =	vld [tilespmem:$0xC680];
	_ =	sdelay $0x3  }
0x9e: {  	s0 =	simm.s32 $0x0  }
0x9f: {  	v3 =	vld.idx.msk [tilespmem:v3+s0+$0x0], $0xffff  }
0xa0: {  	v6 =	vld.idx.msk [tilespmem:v4+s15+$0x0], $0xffff;
	_ =	sdelay $0x1  }
0xa1: {  	v5 =	vld.idx.msk [tilespmem:v5+s16+$0x0], $0xffff;
	_ =	sdelay $0x2  }
0xa2: {  	v3 =	vadd.f32 v6, v3;
	_ =	sdelay $0x1  }
0xa3: {  	v3 =	vadd.f32 v3, v5;
	_ =	sdelay $0x1  }
0xa4: {  	v63 =	vmul.f32 $2.000000030e-01, v3  }
.Ltmp4:
0xa5: {  	vm15 =	vge.f32 v3, $0.0e+00;
	(pc) =	sbr.rel .LBB2_6-.Ltmp4, $4  }
0xa6: {  	v3 =	vsel vm15, v3, v63  }
0xa7: {  	[tilespmem:$0xEE00] =	vst v3  }
0xa8: {  	[tilespmem:v4+s20+$0x0] =	vst.idx.add.f32.msk $0xffff, v2  }
0xa9: {  	[tilespmem:v4+s21+$0x0] =	vst.idx.add.f32.msk $0xffff, v5  }
.LBB2_8:
0xaa: {  	s0 =	sadd.s32 $0x1, s0  }
0xab: {  	p0 =	sne.s32 s0, $0x271  }
.Ltmp5:
0xac: {  	_ = 	snop;
	(pc) =	sbr.rel @!p0 .LBB2_9-.Ltmp5, $1  }
0xad: {  	_ =	sdelay $0x3  }
.LBB2_6:
0xae: {  	s1 =	sshll.u32 s0, $0x4  }
0xaf: {  	v3 =	vld [tilespmem:s1+$0x7800];
	_ =	sdelay $0x6  }
0xb0: {  	v4 =	vld [tilespmem:s1+$0xC700]  }
0xb1: {  	v5 =	vld.idx.msk [tilespmem:v3+s22+$0x0], $0xffff;
	_ =	sdelay $0x4  }
0xb2: {  	vm0 =	vgt.f32 v4, v5;
	_ =	sdelay $0x5  }
0xb3: {  	[tilespmem:v3+s22+$0x0] =	vst.idx.msk vm0, v4  }
0xb4: {  	v5 =	vld.idx.msk [tilespmem:v3+s22+$0x0], $0xffff;
	_ =	sdelay $0x4  }
0xb5: {  	vm0 =	vgt.f32 v4, v5  }
0xb6: {  	v5 =	vsel vm0, $0x3F800000, v1  }
0xb7: {  	(xrf0) =	vmax.scan.msk.f32 $0xffff, v5;
	_ =	sdelay $0x5  }
0xb8: {  	v5, _, _ =	vpop (xrf0)  }
0xb9: {  	(v2sf) =	vpush v5, $0xF;
	_ =	sdelay $0xe  }
0xba: {  	s31 =	spop (v2sf)  }
0xbb: {  	p0 =	sgt.f32 s31, $0.0e+00  }
.Ltmp6:
0xbc: {  	_ = 	snop;
	(pc) =	sbr.rel @!p0 .LBB2_8-.Ltmp6, $1  }
0xbd: {  	_ =	sdelay $0x3  }
.LBB2_7:
0xbe: {  	[tilespmem:v3+s22+$0x0] =	vst.idx.msk vm0, v4  }
0xbf: {  	v5 =	vld.idx.msk [tilespmem:v3+s22+$0x0], $0xffff;
	_ =	sdelay $0x4  }
0xc0: {  	vm0 =	vgt.f32 v4, v5  }
0xc1: {  	v5 =	vsel vm0, $0x3F800000, v1  }
0xc2: {  	(xrf0) =	vmax.scan.msk.f32 $0xffff, v5;
	_ =	sdelay $0x5  }
0xc3: {  	v5, _, _ =	vpop (xrf0)  }
0xc4: {  	(v2sf) =	vpush v5, $0xF;
	_ =	sdelay $0xe  }
0xc5: {  	s1 =	spop (v2sf)  }
0xc6: {  	p0 =	sgt.f32 s1, $0.0e+00  }
.Ltmp7:
0xc7: {  	_ = 	snop;
	(pc) =	sbr.rel @p0 .LBB2_7-.Ltmp7, $1  }
0xc8: {  	_ =	sdelay $0x3  }
.Ltmp8:
0xc9: {  	_ = 	snop;
	(pc) =	sbr.rel .LBB2_8-.Ltmp8, $1  }
0xca: {  	_ =	sdelay $0x3  }
.LBB2_10:
0xcb: {  	_ =	sfence.sel $0x180000  }
0xcc: {  	[bflag:$0x0] =	sbarrier.arrive $0xFFFF  }
0xcd: {  	_ =	strace $0x9000004D  }
0xce: {  	s0 =	stileid.u32;
	[bflag:$0x2] =	sbarrier.arrive $0xFFFF  }
0xcf: {  	p0 =	sne.s32 s0, $0x0;
	s0 =	rddreg [dreg:$0x3]  }
0xd0: {  	s0 =	sadd.s32 @!p0 $0x100000, s0  }
0xd1: {  	[sflag:s0] =	ssyncadd.tile.s32 @!p0 $0x1;
	_ =	shalt  }
.Lfunc_end2:
_tile_overlayer_lowered:
.L_overlay_start_2:
0xd2: {  	(tag) =	ssettag $0x2  }
0xd3: {  	s0 =	rddreg [dreg:$0x0];
	s2 =	stileid.u32  }
0xd4: {  	s1 =	rddreg [dreg:$0x1];
	p0 =	sne.s32 s2, $0x0  }
0xd5: {  	s3 =	rddreg [dreg:$0x2];
	[bflag:$0x3] =	sbarrier.arrive $0xFFFF;
	s2 =	simm.s32 @!p0 $0x1C01  }
0xd6: {  	[timem:s3], [sflag:s2] =	dma.local @!p0 [hbm:s0], s1  }
0xd7: {  	s0 =	simm.s32 @!p0 $0x1  }
0xd8: {  	_ =	swait.ge @!p0 [sflag:s0], s1  }
0xd9: {  	s1 =	ssub.s32 @!p0 $0x0, s1;
	[sflag:s0] =	ssyncset.done @!p0 $0x0  }
0xda: {  	[sflag:s0] =	ssyncadd.s32 @!p0 s1  }
0xdb: {  	[bflag:$0x3] =	sbarrier.arrive $0xFFFF  }
0xdc: {  	_ =	shalt  }

// kernel: kernel.20.cloned.1.call-start
scs
__scs_entry_jumppad:
0x0: {  	(pc) =	sbr.rel $0x88, $3  }
0x1: {  	(tag) =	ssettag $0x0;
	lr =	simm.s32 $0x1  }
0x2: {  	[smem:$0x3F89] =	sst lr;
	_ =	strace $0xD0000000  }
0x3: {  	_ = 	snop  }
0x4: {  	_ = 	snop  }
0x5: {  	_ = 	snop  }
0x6: {  	_ = 	snop  }
0x7: {  	_ = 	snop  }
__scs_overlays_trampoline_lowered:
0x8: {  	[smem:$0x3F98] =	sst s0  }
0x9: {  	[smem:$0x3F99] =	sst s1  }
0xa: {  	[smem:$0x3F9A] =	sst s2  }
0xb: {  	[smem:$0x3F9B] =	sst s3  }
0xc: {  	[smem:$0x3F9C] =	sst s4  }
0xd: {  	[smem:$0x3F9D] =	sst s5  }
0xe: {  	[smem:$0x3F9E] =	sst s6  }
0xf: {  	[smem:$0x3F9F] =	sst s7  }
0x10: {  	[smem:$0x3FA0] =	sst s8  }
0x11: {  	[smem:$0x3FA1] =	sst s9;
	s0 =	simm.s32 @!p0 $0x0  }
0x12: {  	s1 =	sld [smem:$0x3F87];
	s0 =	simm.s32 @p0 $0x1  }
0x13: {  	[smem:$0x3FA2] =	sst s0;
	s0 =	simm.s32 @!p1 $0x0  }
0x14: {  	s2 =	sld [smem:$0x3F86];
	s0 =	simm.s32 @p1 $0x1  }
0x15: {  	[smem:$0x3FA3] =	sst s0;
	s0 =	simm.s32 @!p2 $0x0  }
0x16: {  	s3 =	sld [smem:$0x3FDB];
	s0 =	simm.s32 @p2 $0x1  }
0x17: {  	s4 =	simm.s32 $0x1BF5;
	[smem:$0x3FA5] =	sst s0  }
0x18: {  	s0 =	sld [smem:$0x3F88];
	_ =	swait.ge [sflag:s4], $0x0  }
0x19: {  	s7 =	sld [smem:$0x3F89]  }
0x1a: {  	s8 =	sadd.s32 $0xFFFFE003, lr  }
0x1b: {  	s9 =	sadd.s32 $0xFFFFFEF7, lr;
	s5 =	simm.s32 $0xFFFFFFFF;
	p2 =	slt.u32 s8, $0xFFFFF086  }
0x1c: {  	p1 =	slt.u32 s9, $0xF7A;
	s5 =	simm.s32 @!p2 $0x0  }
0x1d: {  	s5 =	simm.s32 @p1 $0x1;
	p0 =	seq.s32 s7, s2  }
0x1e: {  	s7 =	smul.u32 @!p0 $0xF7A, s2;
	p2 =	seq.s32 @!p0 s5, $0x0  }
0x1f: {  	s9 =	smul.u32 $0xF7A, s1;
	s8 =	simm.s32 @!p0 $0x1BF5;
	p2 =	por !p2, p0  }
0x20: {  	[sflag:s8] =	ssyncset.s32 @!p0 $0xFFFFF086;
	s6 =	sadd.s32 @!p0 s3, s7;
	s7 =	simm.s32 @!p0 $0x108  }
0x21: {  	s3 =	sadd.s32 s3, s9;
	s6 =	sadd.s32 @!p0 $0x88, s6;
	s7 =	simm.s32 @p2 $0x1082  }
0x22: {  	[simem:s7], [sflag:s8] =	dma.local @!p0 [hbm:s6], $0xF7A  }
0x23: {  	s9 =	sor.u32 $0xD0000000, s2;
	s6 =	simm.s32 $0x108;
	_ =	swait.ge @!p0 [sflag:s8], $0x0  }
0x24: {  	s3 =	sadd.s32 $0x88, s3;
	s6 =	simm.s32 @!p1 $0x1082;
	[sflag:s4] =	ssyncset.s32 $0xFFFFF086  }
0x25: {  	[simem:s6], [sflag:s4] =	dma.local [hbm:s3], $0xF7A  }
0x26: {  	[smem:$0x3F89] =	sst s1;
	(tag) =	ssettag s2;
	_ =	strace s9  }
0x27: {  	s1 =	sld [smem:$0x3F99]  }
0x28: {  	s2 =	sld [smem:$0x3F9A]  }
0x29: {  	s4 =	sld [smem:$0x3F9C]  }
0x2a: {  	p0 =	seq.s32 s5, $0x0;
	s5 =	sld [smem:$0x3F9D]  }
0x2b: {  	s6 =	sld [smem:$0x3F9E]  }
0x2c: {  	s7 =	sld [smem:$0x3F9F]  }
0x2d: {  	s3 =	simm.s32 $0x108;
	s8 =	sld [smem:$0x3FA0]  }
0x2e: {  	s3 =	simm.s32 @!p0 $0x1082;
	s9 =	sld [smem:$0x3FA1]  }
0x2f: {  	lr =	sadd.s32 s0, s3;
	s0 =	sld [smem:$0x3F98]  }
0x30: {  	s3 =	sld [smem:$0x3F9B]  }
0x31: {  	[smem:$0x3FA4] =	sst s10  }
0x32: {  	s10 =	sld [smem:$0x3FA2];
	_ =	sdelay $0x3  }
0x33: {  	p0 =	seq.s32 s10, $0x1;
	s10 =	sld [smem:$0x3FA4];
	_ =	sdelay $0x3  }
0x34: {  	[smem:$0x3FA4] =	sst s10  }
0x35: {  	s10 =	sld [smem:$0x3FA3];
	_ =	sdelay $0x3  }
0x36: {  	p1 =	seq.s32 s10, $0x1;
	s10 =	sld [smem:$0x3FA4];
	_ =	sdelay $0x3  }
0x37: {  	[smem:$0x3FA4] =	sst s10  }
0x38: {  	s10 =	sld [smem:$0x3FA5]  }
0x39: {  	_ = 	snop;
	(pc) =	sbr.ind lr, $3  }
0x3a: {  	_ = 	snop  }
0x3b: {  	_ = 	snop  }
0x3c: {  	p2 =	seq.s32 s10, $0x1;
	s10 =	sld [smem:$0x3FA4]  }
0x3d: {  	_ =	shalt  }
0x3e: {  	_ =	shalt  }
0x3f: {  	_ =	shalt  }
0x40: {  	_ =	shalt  }
0x41: {  	_ =	shalt  }
0x42: {  	_ =	shalt  }
0x43: {  	_ =	shalt  }
0x44: {  	_ =	shalt  }
0x45: {  	_ =	shalt  }
0x46: {  	_ =	shalt  }
0x47: {  	_ =	shalt  }
0x48: {  	_ =	shalt  }
0x49: {  	_ =	shalt  }
0x4a: {  	_ =	shalt  }
0x4b: {  	_ =	shalt  }
0x4c: {  	_ =	shalt  }
0x4d: {  	_ =	shalt  }
0x4e: {  	_ =	shalt  }
0x4f: {  	_ =	shalt  }
0x50: {  	_ =	shalt  }
0x51: {  	_ =	shalt  }
0x52: {  	_ =	shalt  }
0x53: {  	_ =	shalt  }
0x54: {  	_ =	shalt  }
0x55: {  	_ =	shalt  }
0x56: {  	_ =	shalt  }
0x57: {  	_ =	shalt  }
0x58: {  	_ =	shalt  }
0x59: {  	_ =	shalt  }
0x5a: {  	_ =	shalt  }
0x5b: {  	_ =	shalt  }
0x5c: {  	_ =	shalt  }
0x5d: {  	_ =	shalt  }
0x5e: {  	_ =	shalt  }
0x5f: {  	_ =	shalt  }
0x60: {  	_ =	shalt  }
0x61: {  	_ =	shalt  }
0x62: {  	_ =	shalt  }
0x63: {  	_ =	shalt  }
0x64: {  	_ =	shalt  }
0x65: {  	_ =	shalt  }
0x66: {  	_ =	shalt  }
0x67: {  	_ =	shalt  }
0x68: {  	_ =	shalt  }
0x69: {  	_ =	shalt  }
0x6a: {  	_ =	shalt  }
0x6b: {  	_ =	shalt  }
0x6c: {  	_ =	shalt  }
0x6d: {  	_ =	shalt  }
0x6e: {  	_ =	shalt  }
0x6f: {  	_ =	shalt  }
0x70: {  	_ =	shalt  }
0x71: {  	_ =	shalt  }
0x72: {  	_ =	shalt  }
0x73: {  	_ =	shalt  }
0x74: {  	_ =	shalt  }
0x75: {  	_ =	shalt  }
0x76: {  	_ =	shalt  }
0x77: {  	_ =	shalt  }
0x78: {  	_ =	shalt  }
0x79: {  	_ =	shalt  }
0x7a: {  	_ =	shalt  }
0x7b: {  	_ =	shalt  }
0x7c: {  	_ =	shalt  }
0x7d: {  	_ =	shalt  }
0x7e: {  	_ =	shalt  }
0x7f: {  	_ =	shalt  }
0x80: {  	_ =	shalt  }
0x81: {  	_ =	shalt  }
0x82: {  	_ =	shalt  }
0x83: {  	_ =	shalt  }
0x84: {  	_ =	shalt  }
0x85: {  	_ =	shalt  }
0x86: {  	_ =	shalt  }
0x87: {  	_ =	shalt  }
.Lfunc_end0:
.L_simem_size_0:
called_computation.3_lowered:
.L_overlay_start_0:
0x88: {  	s2 =	sld [smem:$0x3FD9]  }
0x89: {  	s3 =	sld [smem:$0x3FFE];
	_ =	sdelay $0x1  }
0x8a: {  	s1 =	srdreg.scid  }
0x8b: {  	s0 =	sand.u32 $0x1, s1  }
0x8c: {  	s16 =	sshll.u32 s0, $0xA;
	s2 =	sadd.s32 s3, s2  }
0x8d: {  	s2 =	sadd.s32 s2, s16  }
0x8e: {  	[smem:$0x3FB0] =	sst s2  }
0x8f: {  	_ = 	snop  }
0x90: {  	(tm) =	ssettm $0x1  }
0x91: {  	s17 =	sld [smem:$0x3FFB];
	_ =	sdelay $0x3  }
0x92: {  	_ =	strace s17  }
0x93: {  	s2 =	sld [smem:$0x3FFC];
	_ =	sdelay $0x3  }
0x94: {  	_ =	strace s2  }
0x95: {  	s2 =	sld [smem:$0x3FFD];
	_ =	sdelay $0x3  }
0x96: {  	_ =	strace s2  }
0x97: {  	_ =	strace $0x8FFFFFFF  }
0x98: {  	s18 =	sld [smem:$0x3FDB];
	_ =	sdelay $0x1  }
0x99: {  	s19 =	simm.s32 $_scs_section_size  }
0x9a: {  	s4 =	simm.s32 $_size__tile_overlayer_lowered;
	s5 =	simm.s32 $_tile_overlayer_lowered  }
0x9b: {  	s22 =	simm.s32 $0x1BFF;
	s21 =	sshll.u32 s5, $0x1;
	s2 =	sadd.s32 s19, s18  }
0x9c: {  	s6 =	simm.s32 $0x0;
	s20 =	sshll.u32 s4, $0x1;
	s4 =	sadd.s32 s21, s2  }
0x9d: {  	[timem:s6], [sflag:s22] =	dma.local [hbm:s4], s20  }
0x9e: {  	_ =	swait.ge [sflag:s22], s20  }
0x9f: {  	s3 =	ssub.s32 $0x0, s20;
	[sflag:s22] =	ssyncset.done $0x0  }
0xa0: {  	[sflag:s22] =	ssyncadd.s32 s3;
	_ =	sdelay $0x1  }
0xa1: {  	s23 =	simm.s32 $0x1B8B  }
0xa2: {  	_ =	swait.ge [sflag:s23], $0x1  }
0xa3: {  	[sflag:s23] =	ssyncset.done $0x0  }
0xa4: {  	s25 =	simm.s32 $0x1B8E;
	s24 =	sld [smem:$0x3FFE];
	[sflag:s23] =	ssyncadd.s32 $0xFFFFFFFF  }
0xa5: {  	s26 =	simm.s32 $execute0_lowered;
	[smem:$0x3FD2] =	sst s25  }
0xa6: {  	s4 =	sshll.u32 s26, $0x1;
	_ =	strace $0x8000004F;
	[dreg:$0x1] =	wrdreg $0xFFFFFFFF  }
0xa7: {  	s28 =	simm.s32 $_size_execute0_lowered;
	s2 =	sadd.s32 s2, s4;
	[dreg:$0x0] =	wrdreg $0x0  }
0xa8: {  	s4 =	sshll.u32 s28, $0x1;
	[dreg:$0x2] =	wrdreg s2  }
0xa9: {  	[dreg:$0x3] =	wrdreg s4  }
0xaa: {  	[dreg:$0x4] =	wrdreg $0xC0  }
0xab: {  	_ =	task [dreg:s6], $0x5FFFF  }
0xac: {  	[dreg:$0x1] =	wrdreg $0xFFFFFFFF  }
0xad: {  	[dreg:$0x0] =	wrdreg $0x60  }
0xae: {  	[dreg:$0x2] =	wrdreg s24  }
0xaf: {  	[dreg:$0x3] =	wrdreg $0xBA000  }
0xb0: {  	[dreg:$0x4] =	wrdreg $0x9  }
0xb1: {  	_ =	task.clear_ibuf [dreg:s6], $0x5FFFF;
	_ =	strace $0x9000004F  }
0xb2: {  	s29 =	simm.s32 $0x9;
	_ =	strace $0x80000051  }
0xb3: {  	_ =	swait.ge [sflag:s29], $0x1  }
0xb4: {  	[sflag:s29] =	ssyncadd.s32 $0xFFFFFFFF  }
0xb5: {  	_ =	strace $0x90000051  }
0xb6: {  	_ =	sfence  }
0xb7: {  	s30 =	sld [smem:$0x0];
	_ =	sdelay $0x2  }
0xb8: {  	s31 =	sshll.u32 s1, $0xD;
	s1 =	sshrl.u32 s1, $0x2  }
0xb9: {  	s3 =	sand.u32 $0x4000, s31;
	s1 =	sadd.s32 s1, s30  }
0xba: {  	s0 =	sor.u32 s3, s0;
	s1 =	sshll.u32 s1, $0x11  }
0xbb: {  	s0 =	sor.u32 s1, s0  }
0xbc: {  	s0 =	sadd.s32 $0x8F2B, s0  }
0xbd: {  	[sflag:s0] =	ssyncadd.remote.s32 $0x1  }
0xbe: {  	_ =	sfence.sel $0xFFFF  }
0xbf: {  	[dreg:$0x0] =	wrdreg $0xFFFFFFFF;
	(pc) =	sbr.abs _section_cstart, $3  }
0xc0: {  	[dreg:$0x1] =	wrdreg $0xFFFFFFFF  }
0xc1: {  	_ =	task.clear_ibuf [dreg:s6], $0x2FFFF;
	_ =	strace $0x9FFFFFFF  }
0xc2: {  	(tm) =	ssettm $0x7FFFFFFF  }
0xc3: {  	_ =	shalt  }
tec
execute0_lowered:
.L_overlay_start_1:
0x0: {  	(tag) =	ssettag $0x1  }
0x1: {  	s0 =	rddreg [dreg:$0x0]  }
0x2: {  	s1 =	rddreg [dreg:$0x1]  }
0x3: {  	s2 =	simm.s32 $0x0;
	s13 =	srdreg.scid;
	s11 =	stileid.u32  }
0x4: {  	s28 =	simm.s32 $0x3000;
	s29 =	simm.s32 $0x3800;
	s30 =	simm.s32 $0x3  }
0x5: {  	s31 =	simm.s32 $0x4000;
	[smem:$0x7FF] =	sst s2;
	s4 =	sadd.s32 $0x8E00, s0  }
0x6: {  	s2 =	sand.u32 $0x1, s13;
	s3 =	sshll.u32 s11, $0x1;
	s5 =	sadd.s32 $0x63400, s0  }
0x7: {  	s6 =	sshrl.u32 s11, $0x2;
	s7 =	sadd.s32 $0x44800, s0;
	s14 =	smul.u32 $0x50000, s11  }
0x8: {  	s17 =	smul.u32 $0x2800, s11;
	s11 =	simm.s32 $0x0;
	_ =	strace $0x80000050  }
0x9: {  	s3 =	sor.u32 s2, s3;
	[dreg:$0x3] =	wrdreg s7;
	s6 =	smul.u32 $0x14000, s6  }
0xa: {  	s7 =	sadd.s32 $0x1C800, s0;
	s9 =	smul.u32 $0x28000, s2;
	s2 =	ssub.s32 $0x2, s2  }
0xb: {  	s8 =	sshll.u32 s3, $0x7;
	s10 =	sshrl.u32 s2, $0x1;
	s15 =	sshrl.u32 s14, $0x2  }
0xc: {  	s8 =	sand.u32 $0x380, s8;
	s2 =	ssub.s32 s2, s10;
	s14 =	sadd.s32 s15, s1  }
0xd: {  	s9 =	sadd.s32 s9, s0;
	s18 =	smax.u32 s2, $0x1;
	[dreg:$0x4] =	wrdreg s14  }
0xe: {  	s10 =	simm.s32 $0x6880;
	s19 =	sadd.s32 $0x2800, s14;
	[dreg:$0x6] =	wrdreg s18  }
0xf: {  	s6 =	sor.u32 s6, s8;
	s20 =	sadd.s32 $0x5000, s14;
	[dreg:$0x7] =	wrdreg s19  }
0x10: {  	s8 =	smul.u32 $0x2710, s3;
	s21 =	sadd.s32 $0x7800, s14;
	[dreg:$0x8] =	wrdreg s20  }
0x11: {  	s16 =	sadd.s32 $0x6D200, s9;
	s22 =	sadd.s32 $0xA000, s14;
	[dreg:$0x9] =	wrdreg s21  }
0x12: {  	s23 =	sadd.s32 $0xC800, s14;
	s24 =	sadd.s32 $0xF000, s14;
	[dreg:$0xa] =	wrdreg s22  }
0x13: {  	s25 =	sadd.s32 $0x11800, s14;
	s3 =	simm.s32 $0x6800;
	[dreg:$0xb] =	wrdreg s23  }
0x14: {  	s2 =	simm.s32 $0x4;
	s6 =	sshrl.u32 s6, $0x3;
	[dreg:$0xc] =	wrdreg s24  }
0x15: {  	[dreg:$0xd] =	wrdreg s25;
	s19 =	simm.s32 $0x5;
	s20 =	simm.s32 $0x6A00  }
0x16: {  	s21 =	simm.s32 $0x50;
	s22 =	simm.s32 $0x6900;
	s23 =	simm.s32 $0x6980  }
0x17: {  	s26 =	sadd.s32 s17, s16;
	s25 =	simm.s32 $0x9200;
	s0 =	sadd.s32 s6, s0  }
0x18: {  	[dreg:$0xe] =	wrdreg s26;
	s26 =	simm.s32 $0x2800;
	s0 =	sadd.s32 $0x44E00, s0  }
0x19: {  	v0 =	vimm.f32 $0.0e+00;
	v1 =	vimm.s32 $0x0;
	s6 =	simm.s32 $0x2;
	[dreg:$0x5] =	wrdreg s0;
	s0 =	simm.s32 $0x1  }
.LBB2_1:
0x1a: {  	s9 =	simm.s32 $0x0;
	s12 =	rddreg [dreg:$0x3]  }
0x1b: {  	[tilespmem:s9], [sflag:$0x5] =	stream.linear.gather [hbm4b:s12+s9], $0x2800, $0x38;
	[tilespmem:$0x1FA00] =	vst v63  }
0x1c: {  	_ =	swait.ge [sflag:s19], $0x2800  }
0x1d: {  	[sflag:s19] =	ssyncset.done $0x0  }
0x1e: {  	s12 =	simm.s32 $0x0;
	[sflag:s19] =	ssyncadd.s32 $0xFFFFD800  }
.LBB2_2:
0x1f: {  	p0 =	sne.s32 s12, $0x9FC0  }
.Ltmp0:
0x20: {  	_ = 	snop;
	(pc) =	sbr.rel @p0 .LBB2_2-.Ltmp0, $3  }
0x21: {  	_ =	sdelay $0x1  }
0x22: {  	s13 =	sshra.s32 s12, $0x2  }
0x23: {  	s12 =	sadd.s32 $0x40, s12;
	[tilespmem:s13+$0x4000] =	vst v0  }
0x24: {  	s12 =	simm.s32 $0x0;
	s13 =	simm.s32 $0x200  }
.LBB2_4:
0x25: {  	p0 =	sne.s32 s13, $0x9E00;
	[tilespmem:s12+$0x9270] =	vst v0  }
0x26: {  	[tilespmem:s12+$0x6A00] =	vst v0  }
0x27: {  	[tilespmem:s12+$0x9200] =	vst v0  }
0x28: {  	[tilespmem:s12+$0x6A10] =	vst v0  }
0x29: {  	[tilespmem:s12+$0x9210] =	vst v0  }
0x2a: {  	[tilespmem:s12+$0x6A20] =	vst v0  }
0x2b: {  	[tilespmem:s12+$0x9220] =	vst v0  }
0x2c: {  	[tilespmem:s12+$0x6A30] =	vst v0  }
0x2d: {  	[tilespmem:s12+$0x9230] =	vst v0  }
0x2e: {  	[tilespmem:s12+$0x6A40] =	vst v0  }
0x2f: {  	[tilespmem:s12+$0x9240] =	vst v0  }
.Ltmp1:
0x30: {  	[tilespmem:s12+$0x6A50] =	vst v0;
	(pc) =	sbr.rel @p0 .LBB2_4-.Ltmp1, $4  }
0x31: {  	[tilespmem:s12+$0x9250] =	vst v0  }
0x32: {  	[tilespmem:s12+$0x6A60] =	vst v0  }
0x33: {  	[tilespmem:s12+$0x9260] =	vst v0  }
0x34: {  	[tilespmem:s12+$0x6A70] =	vst v0;
	s12 =	sshra.s32 s13, $0x2;
	s13 =	sadd.s32 $0x200, s13  }
0x35: {  	[tilespmem:s12+$0x9270] =	vst v0  }
0x36: {  	[tilespmem:s12+$0x6A00] =	vst v0  }
0x37: {  	[tilespmem:s12+$0x9200] =	vst v0  }
0x38: {  	[tilespmem:s12+$0x6A10] =	vst v0  }
0x39: {  	[tilespmem:s12+$0x9210] =	vst v0  }
0x3a: {  	[tilespmem:s12+$0x6A20] =	vst v0  }
0x3b: {  	[tilespmem:s12+$0x9220] =	vst v0  }
0x3c: {  	[tilespmem:s12+$0x6A30] =	vst v0  }
0x3d: {  	[tilespmem:s12+$0x9230] =	vst v0  }
0x3e: {  	[tilespmem:s12+$0x6A40] =	vst v0  }
0x3f: {  	[tilespmem:s12+$0x9240] =	vst v0  }
0x40: {  	[tilespmem:s12+$0x6A50] =	vst v0  }
0x41: {  	[tilespmem:s12+$0x9250] =	vst v0  }
0x42: {  	[tilespmem:s12+$0x6A60] =	vst v0  }
0x43: {  	[tilespmem:s12+$0x9260] =	vst v0  }
0x44: {  	[tilespmem:s12+$0x6A70] =	vst v0  }
0x45: {  	[tilespmem:$0x6900] =	vst v1  }
0x46: {  	[tilespmem:$0x6980] =	vst v1  }
0x47: {  	[tilespmem:$0x6910] =	vst v1  }
0x48: {  	[tilespmem:$0x6990] =	vst v1  }
0x49: {  	[tilespmem:$0x6920] =	vst v1  }
0x4a: {  	[tilespmem:$0x69A0] =	vst v1  }
0x4b: {  	[tilespmem:$0x6930] =	vst v1  }
0x4c: {  	[tilespmem:$0x69B0] =	vst v1  }
0x4d: {  	[tilespmem:$0x6940] =	vst v1  }
0x4e: {  	[tilespmem:$0x69C0] =	vst v1  }
0x4f: {  	[spmem:s14] =	stream.linear.scatter [tilespmem:s20], [sflag:$0x5], $0x2800, $0x38;
	[tilespmem:$0x1FA00] =	vst v63  }
0x50: {  	_ =	swait.ge [sflag:s19], $0x2800  }
0x51: {  	[sflag:s19] =	ssyncset.done $0x0  }
0x52: {  	s9 =	rddreg [dreg:$0x7];
	[sflag:s19] =	ssyncadd.s32 $0xFFFFD800  }
0x53: {  	[spmem:s9] =	stream.linear.scatter [tilespmem:s20], [sflag:$0x5], $0x2800, $0x38;
	[tilespmem:$0x1FA00] =	vst v63  }
0x54: {  	_ =	swait.ge [sflag:s19], $0x2800  }
0x55: {  	[sflag:s19] =	ssyncset.done $0x0  }
0x56: {  	s14 =	rddreg [dreg:$0x8];
	[sflag:s19] =	ssyncadd.s32 $0xFFFFD800  }
0x57: {  	[spmem:s14] =	stream.linear.scatter [tilespmem:s20], [sflag:$0x5], $0x2800, $0x38;
	[tilespmem:$0x1FA00] =	vst v63  }
0x58: {  	_ =	swait.ge [sflag:s19], $0x2800  }
0x59: {  	[sflag:s19] =	ssyncset.done $0x0  }
0x5a: {  	s15 =	rddreg [dreg:$0x9];
	[sflag:s19] =	ssyncadd.s32 $0xFFFFD800  }
0x5b: {  	[spmem:s15] =	stream.linear.scatter [tilespmem:s20], [sflag:$0x5], $0x2800, $0x38;
	[tilespmem:$0x1FA00] =	vst v63  }
0x5c: {  	_ =	swait.ge [sflag:s19], $0x2800  }
0x5d: {  	[sflag:s19] =	ssyncset.done $0x0  }
0x5e: {  	s16 =	rddreg [dreg:$0xa];
	[sflag:s19] =	ssyncadd.s32 $0xFFFFD800  }
0x5f: {  	[spmem:s16] =	stream.linear.scatter [tilespmem:s20], [sflag:$0x5], $0x2800, $0x38;
	[tilespmem:$0x1FA00] =	vst v63  }
0x60: {  	_ =	swait.ge [sflag:s19], $0x2800  }
0x61: {  	[sflag:s19] =	ssyncset.done $0x0  }
0x62: {  	s17 =	rddreg [dreg:$0xb];
	[sflag:s19] =	ssyncadd.s32 $0xFFFFD800  }
0x63: {  	[spmem:s17] =	stream.linear.scatter [tilespmem:s20], [sflag:$0x5], $0x2800, $0x38;
	[tilespmem:$0x1FA00] =	vst v63  }
0x64: {  	_ =	swait.ge [sflag:s19], $0x2800  }
0x65: {  	[sflag:s19] =	ssyncset.done $0x0  }
0x66: {  	s18 =	rddreg [dreg:$0xc];
	[sflag:s19] =	ssyncadd.s32 $0xFFFFD800  }
0x67: {  	[spmem:s18] =	stream.linear.scatter [tilespmem:s20], [sflag:$0x5], $0x2800, $0x38;
	[tilespmem:$0x1FA00] =	vst v63  }
0x68: {  	_ =	swait.ge [sflag:s19], $0x2800  }
0x69: {  	[sflag:s19] =	ssyncset.done $0x0  }
0x6a: {  	s24 =	rddreg [dreg:$0xd];
	[sflag:s19] =	ssyncadd.s32 $0xFFFFD800  }
0x6b: {  	[spmem:s24] =	stream.linear.scatter [tilespmem:s20], [sflag:$0x5], $0x2800, $0x38;
	[tilespmem:$0x1FA00] =	vst v63  }
0x6c: {  	_ =	swait.ge [sflag:s19], $0x2800  }
0x6d: {  	[sflag:s19] =	ssyncset.done $0x0  }
0x6e: {  	[sflag:s19] =	ssyncadd.s32 $0xFFFFD800  }
0x6f: {  	[bflag:$0x0] =	sbarrier.arrive $0xFFFF  }
0x70: {  	[spmem:s1] =	stream.indirect.scatter.add.f32 [tilespmem:s20], [sflag:$0x3], $0x80, s22, s21, $0xb8;
	[tilespmem:$0x1FA00] =	vst v63  }
0x71: {  	s12 =	simm.s32 $0x0;
	s13 =	simm.s32 $0x0  }
0x72: {  	[spmem:s1] =	stream.indirect.scatter.add.f32 [tilespmem:s25], [sflag:$0x4], $0x80, s23, s21, $0xb8;
	[tilespmem:$0x1FA00] =	vst v63  }
.LBB2_6:
0x73: {  	s14 =	smul.u32 $0x7D0, s13;
	_ =	sdelay $0x1  }
0x74: {  	s14 =	sadd.s32 s8, s14  }
0x75: {  	s14 =	sshrl.u32 s14, $0x3  }
0x76: {  	s15 =	sadd.s32 s4, s14  }
0x77: {  	[tilespmem:s26], [sflag:$0x5] =	stream.linear.gather [hbm4b:s15+s12], $0x7D0, $0x38;
	[tilespmem:$0x1FA00] =	vst v63  }
0x78: {  	_ =	swait.ge [sflag:s19], $0x7D0  }
0x79: {  	[sflag:s19] =	ssyncset.done $0x0  }
0x7a: {  	s15 =	sadd.s32 $0x9C40, s15;
	[sflag:s19] =	ssyncadd.s32 $0xFFFFF830  }
0x7b: {  	[tilespmem:s28], [sflag:$0x5] =	stream.linear.gather [hbm4b:s15+s12], $0x7D0, $0x38;
	[tilespmem:$0x1FA00] =	vst v63  }
0x7c: {  	_ =	swait.ge [sflag:s19], $0x7D0  }
0x7d: {  	[sflag:s19] =	ssyncset.done $0x0  }
0x7e: {  	s14 =	sadd.s32 s5, s14;
	[sflag:s19] =	ssyncadd.s32 $0xFFFFF830  }
0x7f: {  	[tilespmem:s29], [sflag:$0x5] =	stream.linear.gather [hbm4b:s14+s12], $0x7D0, $0x38;
	[tilespmem:$0x1FA00] =	vst v63  }
0x80: {  	_ =	swait.ge [sflag:s19], $0x7D0  }
0x81: {  	[sflag:s19] =	ssyncset.done $0x0  }
0x82: {  	[sflag:s19] =	ssyncadd.s32 $0xFFFFF830  }
0x83: {  	_ =	swait.ge [sflag:s30], $0x2800  }
0x84: {  	[sflag:s30] =	ssyncset.done $0x0  }
0x85: {  	[sflag:s30] =	ssyncadd.s32 $0xFFFFD800  }
0x86: {  	[tilespmem:s20], [sflag:$0x1] =	stream.linear.gather [hbm4b:s7+s12], $0x2800, $0x38;
	[tilespmem:$0x1FA00] =	vst v63  }
0x87: {  	v2 =	vld [tilespmem:$0x3000];
	_ =	sdelay $0x6  }
0x88: {  	v3 =	vld [tilespmem:$0x3800]  }
0x89: {  	v4 =	vld.idx.msk [tilespmem:v2+s12+$0x0], $0xffff;
	_ =	sdelay $0x4  }
0x8a: {  	v3 =	vsub.f32 v3, v4;
	_ =	sdelay $0x1  }
0x8b: {  	v3 =	vmul.f32 $1.442695020e+00, v3;
	_ =	sdelay $0x1  }
0x8c: {  	(erf) = vpow2.f32 v3;
	_ =	sdelay $0x8  }
0x8d: {  	[tilespmem:$0x6900] =	vst v2;
	v3 =	vpop (erf)  }
0x8e: {  	[tilespmem:$0x6800] =	vst v3  }
0x8f: {  	[tilespmem:v2+s31+$0x0] =	vst.idx.add.f32.msk $0xffff, v3  }
0x90: {  	v2 =	vld [tilespmem:$0x3010];
	_ =	sdelay $0x6  }
0x91: {  	v3 =	vld [tilespmem:$0x3810]  }
0x92: {  	v4 =	vld.idx.msk [tilespmem:v2+s12+$0x0], $0xffff;
	_ =	sdelay $0x4  }
0x93: {  	v3 =	vsub.f32 v3, v4;
	_ =	sdelay $0x1  }
0x94: {  	v3 =	vmul.f32 $1.442695020e+00, v3;
	_ =	sdelay $0x1  }
0x95: {  	(erf) = vpow2.f32 v3;
	_ =	sdelay $0x8  }
0x96: {  	[tilespmem:$0x6910] =	vst v2;
	v3 =	vpop (erf)  }
0x97: {  	[tilespmem:$0x6810] =	vst v3  }
0x98: {  	[tilespmem:v2+s31+$0x0] =	vst.idx.add.f32.msk $0xffff, v3  }
0x99: {  	v2 =	vld [tilespmem:$0x3020];
	_ =	sdelay $0x6  }
0x9a: {  	v3 =	vld [tilespmem:$0x3820]  }
0x9b: {  	v4 =	vld.idx.msk [tilespmem:v2+s12+$0x0], $0xffff;
	_ =	sdelay $0x4  }
0x9c: {  	v3 =	vsub.f32 v3, v4;
	_ =	sdelay $0x1  }
0x9d: {  	v3 =	vmul.f32 $1.442695020e+00, v3;
	_ =	sdelay $0x1  }
0x9e: {  	(erf) = vpow2.f32 v3;
	_ =	sdelay $0x8  }
0x9f: {  	[tilespmem:$0x6920] =	vst v2;
	v3 =	vpop (erf)  }
0xa0: {  	[tilespmem:$0x6820] =	vst v3  }
0xa1: {  	[tilespmem:v2+s31+$0x0] =	vst.idx.add.f32.msk $0xffff, v3  }
0xa2: {  	v2 =	vld [tilespmem:$0x3030];
	_ =	sdelay $0x6  }
0xa3: {  	v3 =	vld [tilespmem:$0x3830]  }
0xa4: {  	v4 =	vld.idx.msk [tilespmem:v2+s12+$0x0], $0xffff;
	_ =	sdelay $0x4  }
0xa5: {  	v3 =	vsub.f32 v3, v4;
	_ =	sdelay $0x1  }
0xa6: {  	v3 =	vmul.f32 $1.442695020e+00, v3;
	_ =	sdelay $0x1  }
0xa7: {  	(erf) = vpow2.f32 v3;
	_ =	sdelay $0x8  }
0xa8: {  	[tilespmem:$0x6930] =	vst v2;
	v3 =	vpop (erf)  }
0xa9: {  	[tilespmem:$0x6830] =	vst v3  }
0xaa: {  	[tilespmem:v2+s31+$0x0] =	vst.idx.add.f32.msk $0xffff, v3  }
0xab: {  	v2 =	vld [tilespmem:$0x3040];
	_ =	sdelay $0x6  }
0xac: {  	v3 =	vld [tilespmem:$0x3840]  }
0xad: {  	v4 =	vld.idx.msk [tilespmem:v2+s12+$0x0], $0xffff;
	_ =	sdelay $0x4  }
0xae: {  	v3 =	vsub.f32 v3, v4;
	_ =	sdelay $0x1  }
0xaf: {  	v3 =	vmul.f32 $1.442695020e+00, v3;
	_ =	sdelay $0x1  }
0xb0: {  	(erf) = vpow2.f32 v3;
	_ =	sdelay $0x6  }
0xb1: {  	s15 =	simm.s32 $0x2;
	v3 =	vmov s12  }
0xb2: {  	v5 =	vmov s15;
	v3 =	vand.u32 $0xFFFFFFFC, v3  }
0xb3: {  	v5 =	vand.u32 $0xFFFFFFFE, v5;
	[tilespmem:$0x6940] =	vst v2;
	v3 =	vbroadcast v3, $0x0;
	v4 =	vpop (erf)  }
0xb4: {  	v5 =	vbroadcast v5, $0x0;
	[tilespmem:$0x6840] =	vst v4  }
0xb5: {  	[tilespmem:v2+s31+$0x0] =	vst.idx.add.f32.msk $0xffff, v4  }
0xb6: {  	_ =	swait.ge [sflag:s0], $0x2800  }
0xb7: {  	[sflag:s0] =	ssyncset.done $0x0  }
0xb8: {  	[sflag:s0] =	ssyncadd.s32 $0xFFFFD800  }
0xb9: {  	v2 =	vld.idx.msk [tilespmem:v3+s3+$0x0], $0xffff  }
0xba: {  	s14 =	simm.s32 $0x6B00;
	v3 =	vld.idx.msk [tilespmem:v5+s3+$0x0], $0xffff  }
0xbb: {  	s16 =	simm.s32 $0x1;
	v5 =	vld [tilespmem:s14+$0x70]  }
0xbc: {  	v4 =	vmov s16;
	v6 =	vld [tilespmem:s14+$0xFFFFFF00]  }
0xbd: {  	v4 =	vand.u32 $0xFFFFFFFD, v4;
	v7 =	vld [tilespmem:s14+$0xFFFFFF10]  }
0xbe: {  	v4 =	vbroadcast v4, $0x0;
	v8 =	vld [tilespmem:s14+$0xFFFFFF20]  }
0xbf: {  	v9 =	vld [tilespmem:s14+$0xFFFFFF30]  }
0xc0: {  	v10 =	vld [tilespmem:s14+$0xFFFFFF40]  }
0xc1: {  	v11 =	vld [tilespmem:s14+$0xFFFFFF50]  }
0xc2: {  	v12 =	vld [tilespmem:s14+$0xFFFFFF60];
	v6 =	vmul.f32 v6, v2  }
0xc3: {  	v14 =	vld [tilespmem:s14+$0x40];
	v5 =	vmul.f32 v5, v3  }
0xc4: {  	v4 =	vld.idx.msk [tilespmem:v4+s3+$0x0], $0xffff;
	[tilespmem:s14+$0xFFFFFF00] =	vst v6;
	v6 =	vmul.f32 v7, v2  }
0xc5: {  	v7 =	vld [tilespmem:s14+$0xFFFFFF70];
	[tilespmem:s14+$0x70] =	vst v5;
	v5 =	vmul.f32 v8, v2  }
0xc6: {  	v8 =	vld [tilespmem:s14+$0xFFFFFF80];
	[tilespmem:s14+$0xFFFFFF10] =	vst v6;
	v6 =	vmul.f32 v9, v2  }
0xc7: {  	v9 =	vld [tilespmem:s14+$0xFFFFFF90];
	[tilespmem:s14+$0xFFFFFF20] =	vst v5;
	v5 =	vmul.f32 v10, v2  }
0xc8: {  	v10 =	vld [tilespmem:s14+$0xFFFFFFA0];
	[tilespmem:s14+$0xFFFFFF30] =	vst v6;
	v6 =	vmul.f32 v11, v2  }
0xc9: {  	v11 =	vld [tilespmem:s14+$0xFFFFFFB0];
	[tilespmem:s14+$0xFFFFFF40] =	vst v5;
	v5 =	vmul.f32 v12, v2  }
0xca: {  	v12 =	vld [tilespmem:s14+$0xFFFFFFC0];
	v7 =	vmul.f32 v7, v2;
	[tilespmem:s14+$0xFFFFFF50] =	vst v6  }
0xcb: {  	v6 =	vmul.f32 v8, v4;
	v8 =	vld [tilespmem:s14+$0xFFFFFFD0];
	[tilespmem:s14+$0xFFFFFF60] =	vst v5  }
0xcc: {  	s17 =	simm.s32 $0x3;
	v5 =	vld [tilespmem:s14+$0xFFFFFFE0];
	v9 =	vmul.f32 v9, v4;
	[tilespmem:s14+$0xFFFFFF70] =	vst v7  }
0xcd: {  	v13 =	vmov s17;
	v7 =	vld [tilespmem:s14+$0xFFFFFFF0];
	[tilespmem:s14+$0xFFFFFF80] =	vst v6;
	v6 =	vmul.f32 v10, v4  }
0xce: {  	v10 =	vld [tilespmem:s14+$0x0];
	[tilespmem:s14+$0xFFFFFF90] =	vst v9;
	v9 =	vmul.f32 v11, v4  }
0xcf: {  	v11 =	vld [tilespmem:s14+$0x10];
	[tilespmem:s14+$0xFFFFFFA0] =	vst v6;
	v6 =	vmul.f32 v12, v4  }
0xd0: {  	[tilespmem:s14+$0xFFFFFFB0] =	vst v9;
	v8 =	vmul.f32 v8, v4;
	v9 =	vld [tilespmem:s14+$0x20]  }
0xd1: {  	v12 =	vld [tilespmem:s14+$0x30];
	v5 =	vmul.f32 v5, v4;
	[tilespmem:s14+$0xFFFFFFC0] =	vst v6  }
0xd2: {  	v2 =	vld.idx.msk [tilespmem:v13+s3+$0x0], $0xffff;
	v4 =	vmul.f32 v7, v4;
	[tilespmem:s14+$0xFFFFFFD0] =	vst v8  }
0xd3: {  	[tilespmem:s14+$0xFFFFFFE0] =	vst v5;
	v6 =	vmul.f32 v10, v3;
	v5 =	vld [tilespmem:s14+$0x50]  }
0xd4: {  	s18 =	simm.s32 $0x4;
	[tilespmem:s14+$0xFFFFFFF0] =	vst v4;
	v7 =	vmul.f32 v11, v3;
	v4 =	vld [tilespmem:s14+$0x60]  }
0xd5: {  	s24 =	simm.s32 $0x7;
	v8 =	vmov s18;
	[tilespmem:s14+$0x0] =	vst v6;
	v10 =	vmul.f32 v9, v3;
	v9 =	vld [tilespmem:s14+$0x80]  }
0xd6: {  	s16 =	simm.s32 $0x5;
	v13 =	vand.u32 $0xFFFFFFFC, v8;
	v8 =	vld [tilespmem:s14+$0x90];
	v6 =	vmov s24;
	v11 =	vmul.f32 v12, v3;
	[tilespmem:s14+$0x10] =	vst v7  }
0xd7: {  	s17 =	simm.s32 $0x6;
	s15 =	simm.s32 $0x6B00;
	v12 =	vmul.f32 v14, v3;
	v7 =	vbroadcast v13, $0x0;
	v13 =	vmov s16;
	s16 =	simm.s32 $0x8;
	[tilespmem:s14+$0x20] =	vst v10;
	v10 =	vld [tilespmem:s14+$0xA0]  }
.LBB2_7:
0xd8: {  	p0 =	slt.u32 s16, $0x4C;
	v13 =	vand.u32 $0xFFFFFFFD, v13;
	v14 =	vmov s17;
	[tilespmem:s14+$0x30] =	vst v11;
	v5 =	vmul.f32 v5, v3;
	v11 =	vld [tilespmem:s14+$0xB0]  }
0xd9: {  	v13 =	vbroadcast v13, $0x0;
	v14 =	vand.u32 $0xFFFFFFFE, v14;
	[tilespmem:s14+$0x40] =	vst v12;
	v3 =	vmul.f32 v4, v3;
	v4 =	vld [tilespmem:s14+$0xC0]  }
0xda: {  	v12 =	vbroadcast v14, $0x0;
	[tilespmem:s14+$0x50] =	vst v5;
	v5 =	vmul.f32 v9, v2;
	v9 =	vld [tilespmem:s14+$0xD0]  }
0xdb: {  	[tilespmem:s14+$0x60] =	vst v3;
	v3 =	vmul.f32 v8, v2;
	v8 =	vld [tilespmem:s14+$0xE0]  }
0xdc: {  	[tilespmem:s14+$0x80] =	vst v5;
	v5 =	vmul.f32 v10, v2;
	v10 =	vld [tilespmem:s14+$0xF0]  }
0xdd: {  	v6 =	vld.idx.msk [tilespmem:v6+s3+$0x0], $0xffff;
	[tilespmem:s14+$0x90] =	vst v3;
	v3 =	vmul.f32 v11, v2  }
0xde: {  	v7 =	vld.idx.msk [tilespmem:v7+s3+$0x0], $0xffff;
	[tilespmem:s14+$0xA0] =	vst v5;
	v4 =	vmul.f32 v4, v2  }
0xdf: {  	v5 =	vld.idx.msk [tilespmem:v13+s3+$0x0], $0xffff;
	[tilespmem:s14+$0xB0] =	vst v3;
	v9 =	vmul.f32 v9, v2  }
0xe0: {  	s14 =	sadd.s32 $0x200, s14;
	v3 =	vld.idx.msk [tilespmem:v12+s3+$0x0], $0xffff;
	[tilespmem:s15+$0xC0] =	vst v4;
	v4 =	vmul.f32 v8, v2  }
0xe1: {  	v8 =	vld [tilespmem:s14+$0x70];
	[tilespmem:s15+$0xD0] =	vst v9;
	v10 =	vmul.f32 v10, v2  }
0xe2: {  	v9 =	vld [tilespmem:s14+$0xFFFFFF00];
	[tilespmem:s15+$0xE0] =	vst v4  }
0xe3: {  	v2 =	vmov v6;
	v4 =	vld [tilespmem:s14+$0xFFFFFF10];
	[tilespmem:s15+$0xF0] =	vst v10;
	s15 =	smov.u32 s14  }
0xe4: {  	v6 =	vld [tilespmem:s14+$0xFFFFFF20]  }
0xe5: {  	v10 =	vld [tilespmem:s14+$0xFFFFFF30]  }
0xe6: {  	v11 =	vld [tilespmem:s14+$0xFFFFFF40];
	v8 =	vmul.f32 v8, v3  }
0xe7: {  	v9 =	vmul.f32 v9, v7;
	v12 =	vld [tilespmem:s14+$0xFFFFFF50]  }
0xe8: {  	v4 =	vmul.f32 v4, v7;
	v13 =	vld [tilespmem:s14+$0xFFFFFF60];
	[tilespmem:s14+$0x70] =	vst v8  }
0xe9: {  	[tilespmem:s14+$0xFFFFFF00] =	vst v9;
	v6 =	vmul.f32 v6, v7;
	v8 =	vld [tilespmem:s14+$0xFFFFFF70]  }
0xea: {  	[tilespmem:s14+$0xFFFFFF10] =	vst v4;
	v4 =	vmul.f32 v10, v7;
	v9 =	vld [tilespmem:s14+$0xFFFFFF80]  }
0xeb: {  	[tilespmem:s14+$0xFFFFFF20] =	vst v6;
	v6 =	vmul.f32 v11, v7;
	v10 =	vld [tilespmem:s14+$0xFFFFFF90]  }
0xec: {  	[tilespmem:s14+$0xFFFFFF30] =	vst v4;
	v4 =	vmul.f32 v12, v7;
	v11 =	vld [tilespmem:s14+$0xFFFFFFA0]  }
0xed: {  	[tilespmem:s14+$0xFFFFFF40] =	vst v6;
	v6 =	vmul.f32 v13, v7;
	v12 =	vld [tilespmem:s14+$0xFFFFFFB0]  }
0xee: {  	[tilespmem:s14+$0xFFFFFF50] =	vst v4;
	v4 =	vmul.f32 v8, v7;
	v7 =	vld [tilespmem:s14+$0xFFFFFFC0]  }
0xef: {  	[tilespmem:s14+$0xFFFFFF60] =	vst v6;
	v6 =	vmul.f32 v9, v5;
	v8 =	vld [tilespmem:s14+$0xFFFFFFD0]  }
0xf0: {  	[tilespmem:s14+$0xFFFFFF70] =	vst v4;
	v4 =	vmul.f32 v10, v5;
	v9 =	vld [tilespmem:s14+$0xFFFFFFE0]  }
0xf1: {  	[tilespmem:s14+$0xFFFFFF80] =	vst v6;
	v6 =	vmul.f32 v11, v5;
	v10 =	vld [tilespmem:s14+$0xFFFFFFF0]  }
0xf2: {  	[tilespmem:s14+$0xFFFFFF90] =	vst v4;
	v4 =	vmul.f32 v12, v5;
	v11 =	vld [tilespmem:s14+$0x0]  }
0xf3: {  	[tilespmem:s14+$0xFFFFFFA0] =	vst v6;
	v6 =	vmul.f32 v7, v5;
	v7 =	vld [tilespmem:s14+$0x10]  }
0xf4: {  	[tilespmem:s14+$0xFFFFFFB0] =	vst v4;
	v4 =	vmul.f32 v8, v5;
	v8 =	vld [tilespmem:s14+$0x20]  }
0xf5: {  	[tilespmem:s14+$0xFFFFFFC0] =	vst v6;
	v6 =	vmul.f32 v9, v5;
	v12 =	vld [tilespmem:s14+$0x30]  }
0xf6: {  	[tilespmem:s14+$0xFFFFFFD0] =	vst v4;
	v4 =	vmul.f32 v10, v5;
	v10 =	vld [tilespmem:s14+$0x40]  }
.Ltmp2:
0xf7: {  	[tilespmem:s14+$0xFFFFFFE0] =	vst v6;
	v6 =	vmul.f32 v11, v3;
	v5 =	vld [tilespmem:s14+$0x50];
	(pc) =	sbr.rel @p0 .LBB2_7-.Ltmp2, $4  }
0xf8: {  	[tilespmem:s14+$0xFFFFFFF0] =	vst v4;
	v7 =	vmul.f32 v7, v3;
	v4 =	vld [tilespmem:s14+$0x60]  }
0xf9: {  	s17 =	sadd.s32 $0x3, s16;
	v11 =	vmov s16;
	[tilespmem:s14+$0x0] =	vst v6;
	v14 =	vmul.f32 v8, v3;
	v9 =	vld [tilespmem:s14+$0x80]  }
0xfa: {  	s18 =	sadd.s32 $0x1, s16;
	v13 =	vand.u32 $0xFFFFFFFC, v11;
	v6 =	vmov s17;
	[tilespmem:s14+$0x10] =	vst v7;
	v11 =	vmul.f32 v12, v3;
	v8 =	vld [tilespmem:s14+$0x90]  }
0xfb: {  	s17 =	sadd.s32 $0x2, s16;
	s16 =	sadd.s32 $0x4, s16;
	v7 =	vbroadcast v13, $0x0;
	v13 =	vmov s18;
	[tilespmem:s14+$0x20] =	vst v14;
	v12 =	vmul.f32 v10, v3;
	v10 =	vld [tilespmem:s14+$0xA0]  }
0xfc: {  	v14 =	vld [tilespmem:s14+$0xB0]  }
0xfd: {  	v16 =	vld [tilespmem:s14+$0xC0]  }
0xfe: {  	v17 =	vld [tilespmem:s14+$0xD0]  }
0xff: {  	v18 =	vld [tilespmem:s14+$0xE0]  }
0x100: {  	v24 =	vld [tilespmem:s14+$0xF0];
	[tilespmem:s14+$0x30] =	vst v11;
	v5 =	vmul.f32 v5, v3  }
0x101: {  	v6 =	vld.idx.msk [tilespmem:v6+s3+$0x0], $0xffff;
	[tilespmem:s14+$0x40] =	vst v12;
	v3 =	vmul.f32 v4, v3  }
0x102: {  	s16 =	sadd.s32 $0x200, s14;
	v25 =	vld.idx.msk [tilespmem:v7+s3+$0x0], $0xffff;
	v9 =	vmul.f32 v9, v2;
	[tilespmem:s14+$0x50] =	vst v5  }
0x103: {  	v30 =	vld [tilespmem:s16+$0x70];
	v26 =	vmul.f32 v8, v2;
	[tilespmem:s14+$0x60] =	vst v3  }
0x104: {  	v31 =	vld [tilespmem:s16+$0xFFFFFF00];
	[tilespmem:s14+$0x80] =	vst v9;
	v3 =	vmul.f32 v10, v2  }
0x105: {  	v15 =	vmov s17;
	v33 =	vld [tilespmem:s16+$0xFFFFFF10];
	[tilespmem:s14+$0x90] =	vst v26;
	v29 =	vmul.f32 v14, v2  }
0x106: {  	v15 =	vand.u32 $0xFFFFFFFE, v15;
	v34 =	vld [tilespmem:s16+$0xFFFFFF20];
	[tilespmem:s14+$0xA0] =	vst v3;
	v3 =	vmul.f32 v16, v2  }
0x107: {  	v13 =	vand.u32 $0xFFFFFFFD, v13;
	v35 =	vld [tilespmem:s16+$0xFFFFFF30];
	v15 =	vbroadcast v15, $0x0;
	v32 =	vmul.f32 v17, v2;
	[tilespmem:s14+$0xB0] =	vst v29  }
0x108: {  	v13 =	vbroadcast v13, $0x0;
	v37 =	vld [tilespmem:s16+$0xFFFFFF50];
	[tilespmem:s15+$0xC0] =	vst v3;
	v3 =	vmul.f32 v18, v2  }
0x109: {  	v39 =	vld [tilespmem:s16+$0xFFFFFF60];
	[tilespmem:s15+$0xD0] =	vst v32;
	v2 =	vmul.f32 v24, v2  }
0x10a: {  	v38 =	vmul.f32 v33, v25;
	[tilespmem:s15+$0xE0] =	vst v3;
	v3 =	vld [tilespmem:s16+$0xFFFFFF40]  }
0x10b: {  	v40 =	vld [tilespmem:s16+$0xFFFFFF70];
	[tilespmem:s15+$0xF0] =	vst v2;
	v2 =	vmul.f32 v31, v25  }
0x10c: {  	v41 =	vld [tilespmem:s16+$0xFFFFFF80];
	v5 =	vmul.f32 v35, v25;
	[tilespmem:s16+$0xFFFFFF10] =	vst v38  }
0x10d: {  	v28 =	vld.idx.msk [tilespmem:v15+s3+$0x0], $0xffff;
	[tilespmem:s16+$0xFFFFFF00] =	vst v2;
	v2 =	vmul.f32 v34, v25  }
0x10e: {  	v42 =	vmul.f32 v37, v25;
	v27 =	vld.idx.msk [tilespmem:v13+s3+$0x0], $0xffff;
	[tilespmem:s16+$0xFFFFFF30] =	vst v5  }
0x10f: {  	[tilespmem:s16+$0xFFFFFF20] =	vst v2;
	v2 =	vmul.f32 v3, v25;
	v3 =	vld [tilespmem:s16+$0xFFFFFF90]  }
0x110: {  	v43 =	vld [tilespmem:s16+$0xFFFFFFA0];
	v4 =	vmul.f32 v40, v25;
	[tilespmem:s16+$0xFFFFFF50] =	vst v42  }
0x111: {  	v44 =	vld [tilespmem:s16+$0xFFFFFFB0];
	[tilespmem:s16+$0xFFFFFF40] =	vst v2;
	v2 =	vmul.f32 v39, v25  }
0x112: {  	v45 =	vld [tilespmem:s16+$0xFFFFFFC0];
	[tilespmem:s16+$0xFFFFFF70] =	vst v4;
	v36 =	vmul.f32 v30, v28  }
0x113: {  	v46 =	vld [tilespmem:s16+$0xFFFFFFD0];
	[tilespmem:s16+$0xFFFFFF60] =	vst v2;
	v2 =	vmul.f32 v41, v27  }
0x114: {  	v47 =	vld [tilespmem:s16+$0xFFFFFFE0];
	[tilespmem:s16+$0x70] =	vst v36;
	v3 =	vmul.f32 v3, v27  }
0x115: {  	v48 =	vld [tilespmem:s16+$0xFFFFFFF0];
	[tilespmem:s16+$0xFFFFFF80] =	vst v2;
	v2 =	vmul.f32 v43, v27  }
0x116: {  	v49 =	vld [tilespmem:s16+$0x0];
	[tilespmem:s16+$0xFFFFFF90] =	vst v3;
	v3 =	vmul.f32 v44, v27  }
0x117: {  	v50 =	vld [tilespmem:s16+$0x10];
	[tilespmem:s16+$0xFFFFFFA0] =	vst v2;
	v2 =	vmul.f32 v45, v27  }
0x118: {  	v51 =	vld [tilespmem:s16+$0x20];
	[tilespmem:s16+$0xFFFFFFB0] =	vst v3;
	v3 =	vmul.f32 v46, v27  }
0x119: {  	v52 =	vld [tilespmem:s16+$0x30];
	[tilespmem:s16+$0xFFFFFFC0] =	vst v2;
	v2 =	vmul.f32 v47, v27  }
0x11a: {  	v53 =	vld [tilespmem:s16+$0x40];
	[tilespmem:s16+$0xFFFFFFD0] =	vst v3;
	v3 =	vmul.f32 v48, v27  }
0x11b: {  	v54 =	vld [tilespmem:s16+$0x50];
	[tilespmem:s16+$0xFFFFFFE0] =	vst v2;
	v2 =	vmul.f32 v49, v28  }
0x11c: {  	v55 =	vld [tilespmem:s16+$0x60];
	[tilespmem:s16+$0xFFFFFFF0] =	vst v3;
	v3 =	vmul.f32 v50, v28  }
0x11d: {  	v56 =	vld [tilespmem:s16+$0x80];
	[tilespmem:s16+$0x0] =	vst v2;
	v2 =	vmul.f32 v51, v28  }
0x11e: {  	v57 =	vld [tilespmem:s16+$0x90];
	[tilespmem:s16+$0x10] =	vst v3;
	v3 =	vmul.f32 v52, v28  }
0x11f: {  	v58 =	vld [tilespmem:s16+$0xA0];
	[tilespmem:s16+$0x20] =	vst v2;
	v2 =	vmul.f32 v53, v28  }
0x120: {  	v59 =	vld [tilespmem:s16+$0xB0];
	[tilespmem:s16+$0x30] =	vst v3;
	v3 =	vmul.f32 v54, v28  }
0x121: {  	v60 =	vld [tilespmem:s16+$0xC0];
	[tilespmem:s16+$0x40] =	vst v2;
	v2 =	vmul.f32 v55, v28  }
0x122: {  	v61 =	vld [tilespmem:s16+$0xD0];
	[tilespmem:s16+$0x50] =	vst v3;
	v3 =	vmul.f32 v56, v6  }
0x123: {  	v62 =	vld [tilespmem:s16+$0xE0];
	[tilespmem:s16+$0x60] =	vst v2;
	v2 =	vmul.f32 v57, v6  }
0x124: {  	v63 =	vld [tilespmem:s16+$0xF0];
	[tilespmem:s16+$0x80] =	vst v3;
	v3 =	vmul.f32 v58, v6  }
0x125: {  	[tilespmem:s16+$0x90] =	vst v2;
	v2 =	vmul.f32 v59, v6  }
0x126: {  	[tilespmem:s16+$0xA0] =	vst v3;
	v3 =	vmul.f32 v60, v6  }
0x127: {  	[tilespmem:s16+$0xB0] =	vst v2;
	v2 =	vmul.f32 v61, v6  }
0x128: {  	[tilespmem:s16+$0xC0] =	vst v3;
	v3 =	vmul.f32 v62, v6  }
0x129: {  	[tilespmem:s16+$0xD0] =	vst v2;
	v2 =	vmul.f32 v63, v6  }
0x12a: {  	[tilespmem:s16+$0xE0] =	vst v3  }
0x12b: {  	s14 =	simm.s32 $0x0;
	s15 =	simm.s32 $0x0;
	[tilespmem:s16+$0xF0] =	vst v2  }
0x12c: {  	[spmem:s1] =	stream.indirect.scatter.add.f32 [tilespmem:s20], [sflag:$0x3], $0x80, s22, s21, $0xb8;
	[tilespmem:$0x1FA00] =	vst v63  }
.LBB2_9:
0x12d: {  	_ =	swait.ge [sflag:s30], $0x2800  }
0x12e: {  	[sflag:s30] =	ssyncset.done $0x0  }
0x12f: {  	s16 =	smul.u32 $0xA0, s15;
	[sflag:s30] =	ssyncadd.s32 $0xFFFFD800  }
0x130: {  	[tilespmem:s20], [sflag:$0x1] =	stream.linear.gather [hbm4b:s7+s14], $0x2800, $0x38;
	[tilespmem:$0x1FA00] =	vst v63  }
0x131: {  	v2 =	vld [tilespmem:s16+$0x3050];
	_ =	sdelay $0x6  }
0x132: {  	v3 =	vld [tilespmem:s16+$0x3850]  }
0x133: {  	v4 =	vld.idx.msk [tilespmem:v2+s14+$0x0], $0xffff;
	_ =	sdelay $0x4  }
0x134: {  	v3 =	vsub.f32 v3, v4;
	_ =	sdelay $0x1  }
0x135: {  	v3 =	vmul.f32 $1.442695020e+00, v3;
	_ =	sdelay $0x1  }
0x136: {  	(erf) = vpow2.f32 v3;
	_ =	sdelay $0x8  }
0x137: {  	[tilespmem:$0x6900] =	vst v2;
	v3 =	vpop (erf)  }
0x138: {  	[tilespmem:$0x6800] =	vst v3  }
0x139: {  	[tilespmem:v2+s31+$0x0] =	vst.idx.add.f32.msk $0xffff, v3  }
0x13a: {  	v2 =	vld [tilespmem:s16+$0x3060];
	_ =	sdelay $0x6  }
0x13b: {  	v3 =	vld [tilespmem:s16+$0x3860]  }
0x13c: {  	v4 =	vld.idx.msk [tilespmem:v2+s14+$0x0], $0xffff;
	_ =	sdelay $0x4  }
0x13d: {  	v3 =	vsub.f32 v3, v4;
	_ =	sdelay $0x1  }
0x13e: {  	v3 =	vmul.f32 $1.442695020e+00, v3;
	_ =	sdelay $0x1  }
0x13f: {  	(erf) = vpow2.f32 v3;
	_ =	sdelay $0x8  }
0x140: {  	[tilespmem:$0x6910] =	vst v2;
	v3 =	vpop (erf)  }
0x141: {  	[tilespmem:$0x6810] =	vst v3  }
0x142: {  	[tilespmem:v2+s31+$0x0] =	vst.idx.add.f32.msk $0xffff, v3  }
0x143: {  	v2 =	vld [tilespmem:s16+$0x3070];
	_ =	sdelay $0x6  }
0x144: {  	v3 =	vld [tilespmem:s16+$0x3870]  }
0x145: {  	v4 =	vld.idx.msk [tilespmem:v2+s14+$0x0], $0xffff;
	_ =	sdelay $0x4  }
0x146: {  	v3 =	vsub.f32 v3, v4;
	_ =	sdelay $0x1  }
0x147: {  	v3 =	vmul.f32 $1.442695020e+00, v3;
	_ =	sdelay $0x1  }
0x148: {  	(erf) = vpow2.f32 v3;
	_ =	sdelay $0x8  }
0x149: {  	[tilespmem:$0x6920] =	vst v2;
	v3 =	vpop (erf)  }
0x14a: {  	[tilespmem:$0x6820] =	vst v3  }
0x14b: {  	s17 =	sand.u32 $0xFE0, s16;
	[tilespmem:v2+s31+$0x0] =	vst.idx.add.f32.msk $0xffff, v3  }
0x14c: {  	v2 =	vld [tilespmem:s17+$0x3080];
	_ =	sdelay $0x6  }
0x14d: {  	v3 =	vld [tilespmem:s17+$0x3880]  }
0x14e: {  	v4 =	vld.idx.msk [tilespmem:v2+s14+$0x0], $0xffff;
	_ =	sdelay $0x4  }
0x14f: {  	v3 =	vsub.f32 v3, v4;
	_ =	sdelay $0x1  }
0x150: {  	v3 =	vmul.f32 $1.442695020e+00, v3;
	_ =	sdelay $0x1  }
0x151: {  	(erf) = vpow2.f32 v3;
	_ =	sdelay $0x8  }
0x152: {  	[tilespmem:$0x6930] =	vst v2;
	v3 =	vpop (erf)  }
0x153: {  	[tilespmem:$0x6830] =	vst v3  }
0x154: {  	[tilespmem:v2+s31+$0x0] =	vst.idx.add.f32.msk $0xffff, v3  }
0x155: {  	v2 =	vld [tilespmem:s16+$0x3090];
	_ =	sdelay $0x6  }
0x156: {  	v3 =	vld [tilespmem:s16+$0x3890]  }
0x157: {  	v4 =	vld.idx.msk [tilespmem:v2+s14+$0x0], $0xffff;
	_ =	sdelay $0x4  }
0x158: {  	v3 =	vsub.f32 v3, v4;
	_ =	sdelay $0x1  }
0x159: {  	v3 =	vmul.f32 $1.442695020e+00, v3;
	_ =	sdelay $0x1  }
0x15a: {  	(erf) = vpow2.f32 v3;
	_ =	sdelay $0x8  }
0x15b: {  	[tilespmem:$0x6940] =	vst v2;
	v3 =	vpop (erf)  }
0x15c: {  	[tilespmem:$0x6840] =	vst v3  }
0x15d: {  	[tilespmem:v2+s31+$0x0] =	vst.idx.add.f32.msk $0xffff, v3  }
0x15e: {  	_ =	swait.ge [sflag:s2], $0x2800  }
0x15f: {  	[sflag:s2] =	ssyncset.done $0x0  }
0x160: {  	[sflag:s2] =	ssyncadd.s32 $0xFFFFD800  }
0x161: {  	[tilespmem:s25], [sflag:$0x2] =	stream.linear.gather [hbm4b:s7+s14], $0x2800, $0x38;
	[tilespmem:$0x1FA00] =	vst v63  }
0x162: {  	v2 =	vld [tilespmem:s16+$0x30A0];
	_ =	sdelay $0x6  }
0x163: {  	v3 =	vld [tilespmem:s16+$0x38A0]  }
0x164: {  	v4 =	vld.idx.msk [tilespmem:v2+s14+$0x0], $0xffff;
	_ =	sdelay $0x4  }
0x165: {  	v3 =	vsub.f32 v3, v4;
	_ =	sdelay $0x1  }
0x166: {  	v3 =	vmul.f32 $1.442695020e+00, v3;
	_ =	sdelay $0x1  }
0x167: {  	(erf) = vpow2.f32 v3;
	_ =	sdelay $0x8  }
0x168: {  	[tilespmem:$0x6980] =	vst v2;
	v3 =	vpop (erf)  }
0x169: {  	[tilespmem:$0x6880] =	vst v3  }
0x16a: {  	[tilespmem:v2+s31+$0x0] =	vst.idx.add.f32.msk $0xffff, v3  }
0x16b: {  	v2 =	vld [tilespmem:s16+$0x30B0];
	_ =	sdelay $0x6  }
0x16c: {  	v3 =	vld [tilespmem:s16+$0x38B0]  }
0x16d: {  	v4 =	vld.idx.msk [tilespmem:v2+s14+$0x0], $0xffff;
	_ =	sdelay $0x4  }
0x16e: {  	v3 =	vsub.f32 v3, v4;
	_ =	sdelay $0x1  }
0x16f: {  	v3 =	vmul.f32 $1.442695020e+00, v3;
	_ =	sdelay $0x1  }
0x170: {  	(erf) = vpow2.f32 v3;
	_ =	sdelay $0x8  }
0x171: {  	[tilespmem:$0x6990] =	vst v2;
	v3 =	vpop (erf)  }
0x172: {  	[tilespmem:$0x6890] =	vst v3  }
0x173: {  	[tilespmem:v2+s31+$0x0] =	vst.idx.add.f32.msk $0xffff, v3  }
0x174: {  	v2 =	vld [tilespmem:s16+$0x30C0];
	_ =	sdelay $0x6  }
0x175: {  	v3 =	vld [tilespmem:s16+$0x38C0]  }
0x176: {  	v4 =	vld.idx.msk [tilespmem:v2+s14+$0x0], $0xffff;
	_ =	sdelay $0x4  }
0x177: {  	v3 =	vsub.f32 v3, v4;
	_ =	sdelay $0x1  }
0x178: {  	v3 =	vmul.f32 $1.442695020e+00, v3;
	_ =	sdelay $0x1  }
0x179: {  	(erf) = vpow2.f32 v3;
	_ =	sdelay $0x8  }
0x17a: {  	[tilespmem:$0x69A0] =	vst v2;
	v3 =	vpop (erf)  }
0x17b: {  	[tilespmem:$0x68A0] =	vst v3  }
0x17c: {  	[tilespmem:v2+s31+$0x0] =	vst.idx.add.f32.msk $0xffff, v3  }
0x17d: {  	v2 =	vld [tilespmem:s16+$0x30D0];
	_ =	sdelay $0x6  }
0x17e: {  	v3 =	vld [tilespmem:s16+$0x38D0]  }
0x17f: {  	v4 =	vld.idx.msk [tilespmem:v2+s14+$0x0], $0xffff;
	_ =	sdelay $0x4  }
0x180: {  	v3 =	vsub.f32 v3, v4;
	_ =	sdelay $0x1  }
0x181: {  	v3 =	vmul.f32 $1.442695020e+00, v3;
	_ =	sdelay $0x1  }
0x182: {  	(erf) = vpow2.f32 v3;
	_ =	sdelay $0x8  }
0x183: {  	[tilespmem:$0x69B0] =	vst v2;
	v3 =	vpop (erf)  }
0x184: {  	[tilespmem:$0x68B0] =	vst v3  }
0x185: {  	[tilespmem:v2+s31+$0x0] =	vst.idx.add.f32.msk $0xffff, v3  }
0x186: {  	v2 =	vld [tilespmem:s16+$0x30E0];
	_ =	sdelay $0x6  }
0x187: {  	v3 =	vld [tilespmem:s16+$0x38E0]  }
0x188: {  	v4 =	vld.idx.msk [tilespmem:v2+s14+$0x0], $0xffff;
	_ =	sdelay $0x4  }
0x189: {  	v3 =	vsub.f32 v3, v4;
	_ =	sdelay $0x1  }
0x18a: {  	v3 =	vmul.f32 $1.442695020e+00, v3;
	_ =	sdelay $0x1  }
0x18b: {  	(erf) = vpow2.f32 v3;
	_ =	sdelay $0x6  }
0x18c: {  	s18 =	simm.s32 $0x2;
	v3 =	vmov s14  }
0x18d: {  	v5 =	vmov s18;
	v3 =	vand.u32 $0xFFFFFFFC, v3  }
0x18e: {  	v5 =	vand.u32 $0xFFFFFFFE, v5;
	[tilespmem:$0x69C0] =	vst v2;
	v3 =	vbroadcast v3, $0x0;
	v4 =	vpop (erf)  }
0x18f: {  	v5 =	vbroadcast v5, $0x0;
	[tilespmem:$0x68C0] =	vst v4  }
0x190: {  	[tilespmem:v2+s31+$0x0] =	vst.idx.add.f32.msk $0xffff, v4  }
0x191: {  	_ =	swait.ge [sflag:s0], $0x2800  }
0x192: {  	[sflag:s0] =	ssyncset.done $0x0  }
0x193: {  	[sflag:s0] =	ssyncadd.s32 $0xFFFFD800  }
0x194: {  	v2 =	vld.idx.msk [tilespmem:v3+s3+$0x0], $0xffff  }
0x195: {  	s16 =	simm.s32 $0x6B00;
	v3 =	vld.idx.msk [tilespmem:v5+s3+$0x0], $0xffff  }
0x196: {  	s24 =	simm.s32 $0x1;
	v5 =	vld [tilespmem:s16+$0x70]  }
0x197: {  	v4 =	vmov s24;
	v6 =	vld [tilespmem:s16+$0xFFFFFF00]  }
0x198: {  	v4 =	vand.u32 $0xFFFFFFFD, v4;
	v7 =	vld [tilespmem:s16+$0xFFFFFF10]  }
0x199: {  	v4 =	vbroadcast v4, $0x0;
	v8 =	vld [tilespmem:s16+$0xFFFFFF20]  }
0x19a: {  	v9 =	vld [tilespmem:s16+$0xFFFFFF30]  }
0x19b: {  	v10 =	vld [tilespmem:s16+$0xFFFFFF40]  }
0x19c: {  	v11 =	vld [tilespmem:s16+$0xFFFFFF50]  }
0x19d: {  	v12 =	vld [tilespmem:s16+$0xFFFFFF60];
	v6 =	vmul.f32 v6, v2  }
0x19e: {  	v14 =	vld [tilespmem:s16+$0x40];
	v5 =	vmul.f32 v5, v3  }
0x19f: {  	v4 =	vld.idx.msk [tilespmem:v4+s3+$0x0], $0xffff;
	[tilespmem:s16+$0xFFFFFF00] =	vst v6;
	v6 =	vmul.f32 v7, v2  }
0x1a0: {  	v7 =	vld [tilespmem:s16+$0xFFFFFF70];
	[tilespmem:s16+$0x70] =	vst v5;
	v5 =	vmul.f32 v8, v2  }
0x1a1: {  	v8 =	vld [tilespmem:s16+$0xFFFFFF80];
	[tilespmem:s16+$0xFFFFFF10] =	vst v6;
	v6 =	vmul.f32 v9, v2  }
0x1a2: {  	v9 =	vld [tilespmem:s16+$0xFFFFFF90];
	[tilespmem:s16+$0xFFFFFF20] =	vst v5;
	v5 =	vmul.f32 v10, v2  }
0x1a3: {  	v10 =	vld [tilespmem:s16+$0xFFFFFFA0];
	[tilespmem:s16+$0xFFFFFF30] =	vst v6;
	v6 =	vmul.f32 v11, v2  }
0x1a4: {  	v11 =	vld [tilespmem:s16+$0xFFFFFFB0];
	[tilespmem:s16+$0xFFFFFF40] =	vst v5;
	v5 =	vmul.f32 v12, v2  }
0x1a5: {  	v12 =	vld [tilespmem:s16+$0xFFFFFFC0];
	v7 =	vmul.f32 v7, v2;
	[tilespmem:s16+$0xFFFFFF50] =	vst v6  }
0x1a6: {  	v6 =	vmul.f32 v8, v4;
	v8 =	vld [tilespmem:s16+$0xFFFFFFD0];
	[tilespmem:s16+$0xFFFFFF60] =	vst v5  }
0x1a7: {  	s9 =	simm.s32 $0x3;
	v5 =	vld [tilespmem:s16+$0xFFFFFFE0];
	v9 =	vmul.f32 v9, v4;
	[tilespmem:s16+$0xFFFFFF70] =	vst v7  }
0x1a8: {  	v13 =	vmov s9;
	v7 =	vld [tilespmem:s16+$0xFFFFFFF0];
	[tilespmem:s16+$0xFFFFFF80] =	vst v6;
	v6 =	vmul.f32 v10, v4  }
0x1a9: {  	v10 =	vld [tilespmem:s16+$0x0];
	[tilespmem:s16+$0xFFFFFF90] =	vst v9;
	v9 =	vmul.f32 v11, v4  }
0x1aa: {  	v11 =	vld [tilespmem:s16+$0x10];
	[tilespmem:s16+$0xFFFFFFA0] =	vst v6;
	v6 =	vmul.f32 v12, v4  }
0x1ab: {  	[tilespmem:s16+$0xFFFFFFB0] =	vst v9;
	v8 =	vmul.f32 v8, v4;
	v9 =	vld [tilespmem:s16+$0x20]  }
0x1ac: {  	v12 =	vld [tilespmem:s16+$0x30];
	v5 =	vmul.f32 v5, v4;
	[tilespmem:s16+$0xFFFFFFC0] =	vst v6  }
0x1ad: {  	v2 =	vld.idx.msk [tilespmem:v13+s3+$0x0], $0xffff;
	v4 =	vmul.f32 v7, v4;
	[tilespmem:s16+$0xFFFFFFD0] =	vst v8  }
0x1ae: {  	[tilespmem:s16+$0xFFFFFFE0] =	vst v5;
	v6 =	vmul.f32 v10, v3;
	v5 =	vld [tilespmem:s16+$0x50]  }
0x1af: {  	s18 =	simm.s32 $0x4;
	[tilespmem:s16+$0xFFFFFFF0] =	vst v4;
	v7 =	vmul.f32 v11, v3;
	v4 =	vld [tilespmem:s16+$0x60]  }
0x1b0: {  	s24 =	simm.s32 $0x7;
	v8 =	vmov s18;
	[tilespmem:s16+$0x0] =	vst v6;
	v10 =	vmul.f32 v9, v3;
	v9 =	vld [tilespmem:s16+$0x80]  }
0x1b1: {  	s18 =	simm.s32 $0x5;
	v13 =	vand.u32 $0xFFFFFFFC, v8;
	v8 =	vld [tilespmem:s16+$0x90];
	v6 =	vmov s24;
	v11 =	vmul.f32 v12, v3;
	[tilespmem:s16+$0x10] =	vst v7  }
0x1b2: {  	s17 =	simm.s32 $0x6B00;
	s24 =	simm.s32 $0x6;
	v12 =	vmul.f32 v14, v3;
	v7 =	vbroadcast v13, $0x0;
	v13 =	vmov s18;
	s18 =	simm.s32 $0x8;
	[tilespmem:s16+$0x20] =	vst v10;
	v10 =	vld [tilespmem:s16+$0xA0]  }
.LBB2_10:
0x1b3: {  	p0 =	slt.u32 s18, $0x4C;
	v13 =	vand.u32 $0xFFFFFFFD, v13;
	v14 =	vmov s24;
	[tilespmem:s16+$0x30] =	vst v11;
	v5 =	vmul.f32 v5, v3;
	v11 =	vld [tilespmem:s16+$0xB0]  }
0x1b4: {  	v13 =	vbroadcast v13, $0x0;
	v14 =	vand.u32 $0xFFFFFFFE, v14;
	[tilespmem:s16+$0x40] =	vst v12;
	v3 =	vmul.f32 v4, v3;
	v4 =	vld [tilespmem:s16+$0xC0]  }
0x1b5: {  	v12 =	vbroadcast v14, $0x0;
	[tilespmem:s16+$0x50] =	vst v5;
	v5 =	vmul.f32 v9, v2;
	v9 =	vld [tilespmem:s16+$0xD0]  }
0x1b6: {  	[tilespmem:s16+$0x60] =	vst v3;
	v3 =	vmul.f32 v8, v2;
	v8 =	vld [tilespmem:s16+$0xE0]  }
0x1b7: {  	[tilespmem:s16+$0x80] =	vst v5;
	v5 =	vmul.f32 v10, v2;
	v10 =	vld [tilespmem:s16+$0xF0]  }
0x1b8: {  	v6 =	vld.idx.msk [tilespmem:v6+s3+$0x0], $0xffff;
	[tilespmem:s16+$0x90] =	vst v3;
	v3 =	vmul.f32 v11, v2  }
0x1b9: {  	v7 =	vld.idx.msk [tilespmem:v7+s3+$0x0], $0xffff;
	[tilespmem:s16+$0xA0] =	vst v5;
	v4 =	vmul.f32 v4, v2  }
0x1ba: {  	v5 =	vld.idx.msk [tilespmem:v13+s3+$0x0], $0xffff;
	[tilespmem:s16+$0xB0] =	vst v3;
	v9 =	vmul.f32 v9, v2  }
0x1bb: {  	s16 =	sadd.s32 $0x200, s16;
	v3 =	vld.idx.msk [tilespmem:v12+s3+$0x0], $0xffff;
	[tilespmem:s17+$0xC0] =	vst v4;
	v4 =	vmul.f32 v8, v2  }
0x1bc: {  	v8 =	vld [tilespmem:s16+$0x70];
	[tilespmem:s17+$0xD0] =	vst v9;
	v10 =	vmul.f32 v10, v2  }
0x1bd: {  	v9 =	vld [tilespmem:s16+$0xFFFFFF00];
	[tilespmem:s17+$0xE0] =	vst v4  }
0x1be: {  	v2 =	vmov v6;
	v4 =	vld [tilespmem:s16+$0xFFFFFF10];
	[tilespmem:s17+$0xF0] =	vst v10;
	s17 =	smov.u32 s16  }
0x1bf: {  	v6 =	vld [tilespmem:s16+$0xFFFFFF20]  }
0x1c0: {  	v10 =	vld [tilespmem:s16+$0xFFFFFF30]  }
0x1c1: {  	v11 =	vld [tilespmem:s16+$0xFFFFFF40];
	v8 =	vmul.f32 v8, v3  }
0x1c2: {  	v9 =	vmul.f32 v9, v7;
	v12 =	vld [tilespmem:s16+$0xFFFFFF50]  }
0x1c3: {  	v4 =	vmul.f32 v4, v7;
	v13 =	vld [tilespmem:s16+$0xFFFFFF60];
	[tilespmem:s16+$0x70] =	vst v8  }
0x1c4: {  	[tilespmem:s16+$0xFFFFFF00] =	vst v9;
	v6 =	vmul.f32 v6, v7;
	v8 =	vld [tilespmem:s16+$0xFFFFFF70]  }
0x1c5: {  	[tilespmem:s16+$0xFFFFFF10] =	vst v4;
	v4 =	vmul.f32 v10, v7;
	v9 =	vld [tilespmem:s16+$0xFFFFFF80]  }
0x1c6: {  	[tilespmem:s16+$0xFFFFFF20] =	vst v6;
	v6 =	vmul.f32 v11, v7;
	v10 =	vld [tilespmem:s16+$0xFFFFFF90]  }
0x1c7: {  	[tilespmem:s16+$0xFFFFFF30] =	vst v4;
	v4 =	vmul.f32 v12, v7;
	v11 =	vld [tilespmem:s16+$0xFFFFFFA0]  }
0x1c8: {  	[tilespmem:s16+$0xFFFFFF40] =	vst v6;
	v6 =	vmul.f32 v13, v7;
	v12 =	vld [tilespmem:s16+$0xFFFFFFB0]  }
0x1c9: {  	[tilespmem:s16+$0xFFFFFF50] =	vst v4;
	v4 =	vmul.f32 v8, v7;
	v7 =	vld [tilespmem:s16+$0xFFFFFFC0]  }
0x1ca: {  	[tilespmem:s16+$0xFFFFFF60] =	vst v6;
	v6 =	vmul.f32 v9, v5;
	v8 =	vld [tilespmem:s16+$0xFFFFFFD0]  }
0x1cb: {  	[tilespmem:s16+$0xFFFFFF70] =	vst v4;
	v4 =	vmul.f32 v10, v5;
	v9 =	vld [tilespmem:s16+$0xFFFFFFE0]  }
0x1cc: {  	[tilespmem:s16+$0xFFFFFF80] =	vst v6;
	v6 =	vmul.f32 v11, v5;
	v10 =	vld [tilespmem:s16+$0xFFFFFFF0]  }
0x1cd: {  	[tilespmem:s16+$0xFFFFFF90] =	vst v4;
	v4 =	vmul.f32 v12, v5;
	v11 =	vld [tilespmem:s16+$0x0]  }
0x1ce: {  	[tilespmem:s16+$0xFFFFFFA0] =	vst v6;
	v6 =	vmul.f32 v7, v5;
	v7 =	vld [tilespmem:s16+$0x10]  }
0x1cf: {  	[tilespmem:s16+$0xFFFFFFB0] =	vst v4;
	v4 =	vmul.f32 v8, v5;
	v8 =	vld [tilespmem:s16+$0x20]  }
0x1d0: {  	[tilespmem:s16+$0xFFFFFFC0] =	vst v6;
	v6 =	vmul.f32 v9, v5;
	v12 =	vld [tilespmem:s16+$0x30]  }
0x1d1: {  	[tilespmem:s16+$0xFFFFFFD0] =	vst v4;
	v4 =	vmul.f32 v10, v5;
	v10 =	vld [tilespmem:s16+$0x40]  }
.Ltmp3:
0x1d2: {  	[tilespmem:s16+$0xFFFFFFE0] =	vst v6;
	v6 =	vmul.f32 v11, v3;
	v5 =	vld [tilespmem:s16+$0x50];
	(pc) =	sbr.rel @p0 .LBB2_10-.Ltmp3, $4  }
0x1d3: {  	[tilespmem:s16+$0xFFFFFFF0] =	vst v4;
	v7 =	vmul.f32 v7, v3;
	v4 =	vld [tilespmem:s16+$0x60]  }
0x1d4: {  	s24 =	sadd.s32 $0x3, s18;
	v11 =	vmov s18;
	[tilespmem:s16+$0x0] =	vst v6;
	v14 =	vmul.f32 v8, v3;
	v9 =	vld [tilespmem:s16+$0x80]  }
0x1d5: {  	s9 =	sadd.s32 $0x1, s18;
	v13 =	vand.u32 $0xFFFFFFFC, v11;
	v6 =	vmov s24;
	[tilespmem:s16+$0x10] =	vst v7;
	v11 =	vmul.f32 v12, v3;
	v8 =	vld [tilespmem:s16+$0x90]  }
0x1d6: {  	s24 =	sadd.s32 $0x2, s18;
	s18 =	sadd.s32 $0x4, s18;
	v7 =	vbroadcast v13, $0x0;
	v13 =	vmov s9;
	[tilespmem:s16+$0x20] =	vst v14;
	v12 =	vmul.f32 v10, v3;
	v10 =	vld [tilespmem:s16+$0xA0]  }
0x1d7: {  	v14 =	vld [tilespmem:s16+$0xB0]  }
0x1d8: {  	v16 =	vld [tilespmem:s16+$0xC0]  }
0x1d9: {  	v15 =	vmov s24;
	v17 =	vld [tilespmem:s16+$0xD0]  }
0x1da: {  	v18 =	vld [tilespmem:s16+$0xE0];
	[tilespmem:s16+$0x30] =	vst v11;
	v5 =	vmul.f32 v5, v3;
	v15 =	vand.u32 $0xFFFFFFFE, v15  }
0x1db: {  	v13 =	vand.u32 $0xFFFFFFFD, v13;
	v6 =	vld.idx.msk [tilespmem:v6+s3+$0x0], $0xffff;
	[tilespmem:s16+$0x40] =	vst v12;
	v3 =	vmul.f32 v4, v3;
	v15 =	vbroadcast v15, $0x0  }
0x1dc: {  	s18 =	sadd.s32 $0x200, s16;
	v13 =	vbroadcast v13, $0x0;
	v4 =	vld.idx.msk [tilespmem:v7+s3+$0x0], $0xffff;
	v9 =	vmul.f32 v9, v2;
	[tilespmem:s16+$0x50] =	vst v5  }
0x1dd: {  	v11 =	vld [tilespmem:s18+$0xFFFFFF00];
	v5 =	vmul.f32 v8, v2;
	[tilespmem:s16+$0x60] =	vst v3  }
0x1de: {  	[tilespmem:s16+$0x80] =	vst v9;
	v9 =	vld [tilespmem:s16+$0xF0];
	v3 =	vmul.f32 v10, v2  }
0x1df: {  	v12 =	vld [tilespmem:s18+$0xFFFFFF10];
	[tilespmem:s16+$0x90] =	vst v5;
	v5 =	vmul.f32 v14, v2  }
0x1e0: {  	v10 =	vld [tilespmem:s18+$0x70];
	[tilespmem:s16+$0xA0] =	vst v3;
	v3 =	vmul.f32 v16, v2  }
0x1e1: {  	[tilespmem:s16+$0xB0] =	vst v5;
	v5 =	vmul.f32 v17, v2;
	v8 =	vld.idx.msk [tilespmem:v15+s3+$0x0], $0xffff  }
0x1e2: {  	v7 =	vld.idx.msk [tilespmem:v13+s3+$0x0], $0xffff;
	[tilespmem:s17+$0xC0] =	vst v3;
	v3 =	vmul.f32 v18, v2  }
0x1e3: {  	v13 =	vld [tilespmem:s18+$0xFFFFFF20];
	[tilespmem:s17+$0xD0] =	vst v5;
	v2 =	vmul.f32 v9, v2  }
0x1e4: {  	v5 =	vld [tilespmem:s18+$0xFFFFFF30];
	[tilespmem:s17+$0xE0] =	vst v3  }
0x1e5: {  	v3 =	vld [tilespmem:s18+$0xFFFFFF40];
	[tilespmem:s17+$0xF0] =	vst v2;
	v2 =	vmul.f32 v11, v4  }
0x1e6: {  	v9 =	vmul.f32 v10, v8;
	v10 =	vld [tilespmem:s18+$0xFFFFFF50]  }
0x1e7: {  	v11 =	vmul.f32 v12, v4;
	v12 =	vld [tilespmem:s18+$0xFFFFFF60];
	[tilespmem:s18+$0xFFFFFF00] =	vst v2  }
0x1e8: {  	v2 =	vmul.f32 v13, v4;
	[tilespmem:s18+$0x70] =	vst v9;
	v9 =	vld [tilespmem:s18+$0xFFFFFF70]  }
0x1e9: {  	[tilespmem:s18+$0xFFFFFF10] =	vst v11;
	v11 =	vld [tilespmem:s18+$0xFFFFFF80];
	v5 =	vmul.f32 v5, v4  }
0x1ea: {  	[tilespmem:s18+$0xFFFFFF20] =	vst v2;
	v2 =	vmul.f32 v3, v4;
	v3 =	vld [tilespmem:s18+$0xFFFFFF90]  }
0x1eb: {  	[tilespmem:s18+$0xFFFFFF30] =	vst v5;
	v5 =	vmul.f32 v10, v4;
	v10 =	vld [tilespmem:s18+$0xFFFFFFA0]  }
0x1ec: {  	[tilespmem:s18+$0xFFFFFF40] =	vst v2;
	v2 =	vmul.f32 v12, v4;
	v12 =	vld [tilespmem:s18+$0xFFFFFFB0]  }
0x1ed: {  	[tilespmem:s18+$0xFFFFFF50] =	vst v5;
	v4 =	vmul.f32 v9, v4;
	v5 =	vld [tilespmem:s18+$0xFFFFFFC0]  }
0x1ee: {  	[tilespmem:s18+$0xFFFFFF60] =	vst v2;
	v2 =	vmul.f32 v11, v7;
	v9 =	vld [tilespmem:s18+$0xFFFFFFD0]  }
0x1ef: {  	v3 =	vmul.f32 v3, v7;
	[tilespmem:s18+$0xFFFFFF70] =	vst v4;
	v4 =	vld [tilespmem:s18+$0xFFFFFFE0]  }
0x1f0: {  	[tilespmem:s18+$0xFFFFFF80] =	vst v2;
	v2 =	vmul.f32 v10, v7;
	v10 =	vld [tilespmem:s18+$0xFFFFFFF0]  }
0x1f1: {  	v11 =	vld [tilespmem:s18+$0x0];
	[tilespmem:s18+$0xFFFFFF90] =	vst v3;
	v3 =	vmul.f32 v12, v7  }
0x1f2: {  	[tilespmem:s18+$0xFFFFFFA0] =	vst v2;
	v2 =	vmul.f32 v5, v7;
	v5 =	vld [tilespmem:s18+$0x10]  }
0x1f3: {  	[tilespmem:s18+$0xFFFFFFB0] =	vst v3;
	v3 =	vmul.f32 v9, v7;
	v9 =	vld [tilespmem:s18+$0x20]  }
0x1f4: {  	[tilespmem:s18+$0xFFFFFFC0] =	vst v2;
	v2 =	vmul.f32 v4, v7;
	v4 =	vld [tilespmem:s18+$0x30]  }
0x1f5: {  	[tilespmem:s18+$0xFFFFFFD0] =	vst v3;
	v3 =	vmul.f32 v10, v7;
	v7 =	vld [tilespmem:s18+$0x40]  }
0x1f6: {  	v10 =	vld [tilespmem:s18+$0x50];
	[tilespmem:s18+$0xFFFFFFE0] =	vst v2;
	v2 =	vmul.f32 v11, v8  }
0x1f7: {  	[tilespmem:s18+$0xFFFFFFF0] =	vst v3;
	v3 =	vmul.f32 v5, v8;
	v5 =	vld [tilespmem:s18+$0x60]  }
0x1f8: {  	[tilespmem:s18+$0x0] =	vst v2;
	v2 =	vmul.f32 v9, v8;
	v9 =	vld [tilespmem:s18+$0x80]  }
0x1f9: {  	[tilespmem:s18+$0x10] =	vst v3;
	v3 =	vmul.f32 v4, v8;
	v4 =	vld [tilespmem:s18+$0x90]  }
0x1fa: {  	[tilespmem:s18+$0x20] =	vst v2;
	v2 =	vmul.f32 v7, v8;
	v7 =	vld [tilespmem:s18+$0xA0]  }
0x1fb: {  	[tilespmem:s18+$0x30] =	vst v3;
	v3 =	vmul.f32 v10, v8;
	v10 =	vld [tilespmem:s18+$0xB0]  }
0x1fc: {  	[tilespmem:s18+$0x40] =	vst v2;
	v2 =	vmul.f32 v5, v8;
	v5 =	vld [tilespmem:s18+$0xC0]  }
0x1fd: {  	v8 =	vld [tilespmem:s18+$0xD0];
	[tilespmem:s18+$0x50] =	vst v3;
	v3 =	vmul.f32 v9, v6  }
0x1fe: {  	[tilespmem:s18+$0x60] =	vst v2;
	v2 =	vmul.f32 v4, v6;
	v4 =	vld [tilespmem:s18+$0xE0]  }
0x1ff: {  	[tilespmem:s18+$0x80] =	vst v3;
	v3 =	vmul.f32 v7, v6;
	v7 =	vld [tilespmem:s18+$0xF0]  }
0x200: {  	[tilespmem:s18+$0x90] =	vst v2;
	v2 =	vmul.f32 v10, v6  }
0x201: {  	[tilespmem:s18+$0xA0] =	vst v3;
	v3 =	vmul.f32 v5, v6  }
0x202: {  	s9 =	simm.s32 $0x0;
	[tilespmem:s18+$0xB0] =	vst v2;
	v2 =	vmul.f32 v8, v6  }
0x203: {  	[tilespmem:s18+$0xC0] =	vst v3;
	v3 =	vmul.f32 v4, v6;
	v4 =	vmov s9  }
0x204: {  	s17 =	simm.s32 $0x2;
	[tilespmem:s18+$0xD0] =	vst v2;
	v2 =	vmul.f32 v7, v6;
	v4 =	vand.u32 $0xFFFFFFFC, v4  }
0x205: {  	v5 =	vmov s17;
	[tilespmem:s18+$0xE0] =	vst v3;
	v3 =	vbroadcast v4, $0x0  }
0x206: {  	v4 =	vand.u32 $0xFFFFFFFE, v5;
	[tilespmem:s18+$0xF0] =	vst v2  }
0x207: {  	v2 =	vbroadcast v4, $0x0;
	[spmem:s1] =	stream.indirect.scatter.add.f32 [tilespmem:s20], [sflag:$0x3], $0x80, s22, s21, $0xb8;
	[tilespmem:$0x1FA00] =	vst v63  }
0x208: {  	_ =	swait.ge [sflag:s6], $0x2800  }
0x209: {  	[sflag:s6] =	ssyncset.done $0x0  }
0x20a: {  	[sflag:s6] =	ssyncadd.s32 $0xFFFFD800  }
0x20b: {  	s16 =	simm.s32 $0x9300;
	v4 =	vld.idx.msk [tilespmem:v3+s10+$0x0], $0xffff  }
0x20c: {  	s18 =	simm.s32 $0x1;
	v5 =	vld [tilespmem:s16+$0x70]  }
0x20d: {  	v3 =	vld.idx.msk [tilespmem:v2+s10+$0x0], $0xffff;
	v2 =	vmov s18  }
0x20e: {  	v6 =	vld [tilespmem:s16+$0xFFFFFF00];
	v2 =	vand.u32 $0xFFFFFFFD, v2  }
0x20f: {  	v7 =	vld [tilespmem:s16+$0xFFFFFF10];
	v2 =	vbroadcast v2, $0x0  }
0x210: {  	v8 =	vld [tilespmem:s16+$0xFFFFFF20]  }
0x211: {  	v9 =	vld [tilespmem:s16+$0xFFFFFF30]  }
0x212: {  	v10 =	vld [tilespmem:s16+$0xFFFFFF40]  }
0x213: {  	v11 =	vld [tilespmem:s16+$0xFFFFFF50]  }
0x214: {  	v12 =	vld [tilespmem:s16+$0xFFFFFF60];
	v6 =	vmul.f32 v6, v4  }
0x215: {  	v13 =	vld.idx.msk [tilespmem:v2+s10+$0x0], $0xffff;
	v2 =	vmul.f32 v5, v3  }
0x216: {  	[tilespmem:s16+$0xFFFFFF00] =	vst v6;
	v6 =	vld [tilespmem:s16+$0xFFFFFF70];
	v5 =	vmul.f32 v7, v4  }
0x217: {  	v7 =	vld [tilespmem:s16+$0xFFFFFF80];
	[tilespmem:s16+$0x70] =	vst v2;
	v2 =	vmul.f32 v8, v4  }
0x218: {  	s24 =	simm.s32 $0x3;
	[tilespmem:s16+$0xFFFFFF10] =	vst v5;
	v5 =	vmul.f32 v9, v4;
	v8 =	vld [tilespmem:s16+$0xFFFFFF90]  }
0x219: {  	v9 =	vmov s24;
	[tilespmem:s16+$0xFFFFFF20] =	vst v2;
	v2 =	vmul.f32 v10, v4;
	v10 =	vld [tilespmem:s16+$0xFFFFFFA0]  }
0x21a: {  	[tilespmem:s16+$0xFFFFFF30] =	vst v5;
	v5 =	vmul.f32 v11, v4;
	v11 =	vld [tilespmem:s16+$0xFFFFFFB0]  }
0x21b: {  	[tilespmem:s16+$0xFFFFFF40] =	vst v2;
	v2 =	vmul.f32 v12, v4;
	v12 =	vld [tilespmem:s16+$0xFFFFFFC0]  }
0x21c: {  	[tilespmem:s16+$0xFFFFFF50] =	vst v5;
	v5 =	vmul.f32 v7, v13;
	v7 =	vld [tilespmem:s16+$0xFFFFFFD0]  }
0x21d: {  	v4 =	vmul.f32 v6, v4;
	v6 =	vld [tilespmem:s16+$0xFFFFFFE0];
	[tilespmem:s16+$0xFFFFFF60] =	vst v2  }
0x21e: {  	v8 =	vmul.f32 v8, v13;
	v2 =	vld.idx.msk [tilespmem:v9+s10+$0x0], $0xffff;
	[tilespmem:s16+$0xFFFFFF80] =	vst v5  }
0x21f: {  	[tilespmem:s16+$0xFFFFFF70] =	vst v4;
	v5 =	vld [tilespmem:s16+$0xFFFFFFF0];
	v4 =	vmul.f32 v10, v13  }
0x220: {  	v9 =	vld [tilespmem:s16+$0x0];
	[tilespmem:s16+$0xFFFFFF90] =	vst v8;
	v8 =	vmul.f32 v11, v13  }
0x221: {  	v10 =	vld [tilespmem:s16+$0x10];
	[tilespmem:s16+$0xFFFFFFA0] =	vst v4;
	v4 =	vmul.f32 v12, v13  }
0x222: {  	[tilespmem:s16+$0xFFFFFFB0] =	vst v8;
	v7 =	vmul.f32 v7, v13;
	v8 =	vld [tilespmem:s16+$0x20]  }
0x223: {  	v11 =	vld [tilespmem:s16+$0x30];
	[tilespmem:s16+$0xFFFFFFC0] =	vst v4;
	v4 =	vmul.f32 v6, v13  }
0x224: {  	v12 =	vld [tilespmem:s16+$0x40];
	[tilespmem:s16+$0xFFFFFFD0] =	vst v7;
	v6 =	vmul.f32 v5, v13  }
0x225: {  	v7 =	vmul.f32 v9, v3;
	v5 =	vld [tilespmem:s16+$0x50];
	[tilespmem:s16+$0xFFFFFFE0] =	vst v4  }
0x226: {  	s17 =	simm.s32 $0x4;
	v10 =	vmul.f32 v10, v3;
	[tilespmem:s16+$0xFFFFFFF0] =	vst v6;
	v4 =	vld [tilespmem:s16+$0x60]  }
0x227: {  	s24 =	simm.s32 $0x5;
	v9 =	vld [tilespmem:s16+$0x80];
	v6 =	vmov s17;
	[tilespmem:s16+$0x0] =	vst v7;
	v14 =	vmul.f32 v8, v3  }
0x228: {  	s18 =	simm.s32 $0x7;
	v13 =	vmov s24;
	v11 =	vmul.f32 v11, v3;
	v7 =	vand.u32 $0xFFFFFFFC, v6;
	[tilespmem:s16+$0x10] =	vst v10;
	v8 =	vld [tilespmem:s16+$0x90]  }
0x229: {  	s24 =	simm.s32 $0x6;
	s17 =	simm.s32 $0x9300;
	v6 =	vmov s18;
	s18 =	simm.s32 $0x8;
	v12 =	vmul.f32 v12, v3;
	v10 =	vld [tilespmem:s16+$0xA0];
	v7 =	vbroadcast v7, $0x0;
	[tilespmem:s16+$0x20] =	vst v14  }
.LBB2_12:
0x22a: {  	p0 =	slt.u32 s18, $0x4C;
	v13 =	vand.u32 $0xFFFFFFFD, v13;
	v14 =	vmov s24;
	[tilespmem:s16+$0x30] =	vst v11;
	v5 =	vmul.f32 v5, v3;
	v11 =	vld [tilespmem:s16+$0xB0]  }
0x22b: {  	v13 =	vbroadcast v13, $0x0;
	v14 =	vand.u32 $0xFFFFFFFE, v14;
	[tilespmem:s16+$0x40] =	vst v12;
	v3 =	vmul.f32 v4, v3;
	v4 =	vld [tilespmem:s16+$0xC0]  }
0x22c: {  	v12 =	vbroadcast v14, $0x0;
	[tilespmem:s16+$0x50] =	vst v5;
	v5 =	vmul.f32 v9, v2;
	v9 =	vld [tilespmem:s16+$0xD0]  }
0x22d: {  	[tilespmem:s16+$0x60] =	vst v3;
	v3 =	vmul.f32 v8, v2;
	v8 =	vld [tilespmem:s16+$0xE0]  }
0x22e: {  	[tilespmem:s16+$0x80] =	vst v5;
	v5 =	vmul.f32 v10, v2;
	v10 =	vld [tilespmem:s16+$0xF0]  }
0x22f: {  	v6 =	vld.idx.msk [tilespmem:v6+s10+$0x0], $0xffff;
	[tilespmem:s16+$0x90] =	vst v3;
	v3 =	vmul.f32 v11, v2  }
0x230: {  	v7 =	vld.idx.msk [tilespmem:v7+s10+$0x0], $0xffff;
	[tilespmem:s16+$0xA0] =	vst v5;
	v4 =	vmul.f32 v4, v2  }
0x231: {  	v5 =	vld.idx.msk [tilespmem:v13+s10+$0x0], $0xffff;
	[tilespmem:s16+$0xB0] =	vst v3;
	v9 =	vmul.f32 v9, v2  }
0x232: {  	s16 =	sadd.s32 $0x200, s16;
	v3 =	vld.idx.msk [tilespmem:v12+s10+$0x0], $0xffff;
	[tilespmem:s17+$0xC0] =	vst v4;
	v4 =	vmul.f32 v8, v2  }
0x233: {  	v8 =	vld [tilespmem:s16+$0x70];
	[tilespmem:s17+$0xD0] =	vst v9;
	v10 =	vmul.f32 v10, v2  }
0x234: {  	v9 =	vld [tilespmem:s16+$0xFFFFFF00];
	[tilespmem:s17+$0xE0] =	vst v4  }
0x235: {  	v2 =	vmov v6;
	v4 =	vld [tilespmem:s16+$0xFFFFFF10];
	[tilespmem:s17+$0xF0] =	vst v10;
	s17 =	smov.u32 s16  }
0x236: {  	v6 =	vld [tilespmem:s16+$0xFFFFFF20]  }
0x237: {  	v10 =	vld [tilespmem:s16+$0xFFFFFF30]  }
0x238: {  	v11 =	vld [tilespmem:s16+$0xFFFFFF40];
	v8 =	vmul.f32 v8, v3  }
0x239: {  	v9 =	vmul.f32 v9, v7;
	v12 =	vld [tilespmem:s16+$0xFFFFFF50]  }
0x23a: {  	v4 =	vmul.f32 v4, v7;
	v13 =	vld [tilespmem:s16+$0xFFFFFF60];
	[tilespmem:s16+$0x70] =	vst v8  }
0x23b: {  	[tilespmem:s16+$0xFFFFFF00] =	vst v9;
	v6 =	vmul.f32 v6, v7;
	v8 =	vld [tilespmem:s16+$0xFFFFFF70]  }
0x23c: {  	[tilespmem:s16+$0xFFFFFF10] =	vst v4;
	v4 =	vmul.f32 v10, v7;
	v9 =	vld [tilespmem:s16+$0xFFFFFF80]  }
0x23d: {  	[tilespmem:s16+$0xFFFFFF20] =	vst v6;
	v6 =	vmul.f32 v11, v7;
	v10 =	vld [tilespmem:s16+$0xFFFFFF90]  }
0x23e: {  	[tilespmem:s16+$0xFFFFFF30] =	vst v4;
	v4 =	vmul.f32 v12, v7;
	v11 =	vld [tilespmem:s16+$0xFFFFFFA0]  }
0x23f: {  	[tilespmem:s16+$0xFFFFFF40] =	vst v6;
	v6 =	vmul.f32 v13, v7;
	v12 =	vld [tilespmem:s16+$0xFFFFFFB0]  }
0x240: {  	[tilespmem:s16+$0xFFFFFF50] =	vst v4;
	v4 =	vmul.f32 v8, v7;
	v7 =	vld [tilespmem:s16+$0xFFFFFFC0]  }
0x241: {  	[tilespmem:s16+$0xFFFFFF60] =	vst v6;
	v6 =	vmul.f32 v9, v5;
	v8 =	vld [tilespmem:s16+$0xFFFFFFD0]  }
0x242: {  	[tilespmem:s16+$0xFFFFFF70] =	vst v4;
	v4 =	vmul.f32 v10, v5;
	v9 =	vld [tilespmem:s16+$0xFFFFFFE0]  }
0x243: {  	[tilespmem:s16+$0xFFFFFF80] =	vst v6;
	v6 =	vmul.f32 v11, v5;
	v10 =	vld [tilespmem:s16+$0xFFFFFFF0]  }
0x244: {  	[tilespmem:s16+$0xFFFFFF90] =	vst v4;
	v4 =	vmul.f32 v12, v5;
	v11 =	vld [tilespmem:s16+$0x0]  }
0x245: {  	[tilespmem:s16+$0xFFFFFFA0] =	vst v6;
	v6 =	vmul.f32 v7, v5;
	v7 =	vld [tilespmem:s16+$0x10]  }
0x246: {  	[tilespmem:s16+$0xFFFFFFB0] =	vst v4;
	v4 =	vmul.f32 v8, v5;
	v8 =	vld [tilespmem:s16+$0x20]  }
0x247: {  	[tilespmem:s16+$0xFFFFFFC0] =	vst v6;
	v6 =	vmul.f32 v9, v5;
	v12 =	vld [tilespmem:s16+$0x30]  }
0x248: {  	[tilespmem:s16+$0xFFFFFFD0] =	vst v4;
	v4 =	vmul.f32 v10, v5;
	v10 =	vld [tilespmem:s16+$0x40]  }
.Ltmp4:
0x249: {  	[tilespmem:s16+$0xFFFFFFE0] =	vst v6;
	v6 =	vmul.f32 v11, v3;
	v5 =	vld [tilespmem:s16+$0x50];
	(pc) =	sbr.rel @p0 .LBB2_12-.Ltmp4, $4  }
0x24a: {  	[tilespmem:s16+$0xFFFFFFF0] =	vst v4;
	v7 =	vmul.f32 v7, v3;
	v4 =	vld [tilespmem:s16+$0x60]  }
0x24b: {  	s9 =	sadd.s32 $0x3, s18;
	v11 =	vmov s18;
	[tilespmem:s16+$0x0] =	vst v6;
	v14 =	vmul.f32 v8, v3;
	v9 =	vld [tilespmem:s16+$0x80]  }
0x24c: {  	s24 =	sadd.s32 $0x1, s18;
	v13 =	vand.u32 $0xFFFFFFFC, v11;
	v6 =	vmov s9;
	[tilespmem:s16+$0x10] =	vst v7;
	v11 =	vmul.f32 v12, v3;
	v8 =	vld [tilespmem:s16+$0x90]  }
0x24d: {  	v7 =	vbroadcast v13, $0x0;
	v13 =	vmov s24;
	s24 =	sadd.s32 $0x2, s18;
	s18 =	sadd.s32 $0x4, s18;
	[tilespmem:s16+$0x20] =	vst v14;
	v12 =	vmul.f32 v10, v3;
	v10 =	vld [tilespmem:s16+$0xA0]  }
0x24e: {  	v14 =	vld [tilespmem:s16+$0xB0]  }
0x24f: {  	v16 =	vld [tilespmem:s16+$0xC0]  }
0x250: {  	v17 =	vld [tilespmem:s16+$0xD0]  }
0x251: {  	v18 =	vld [tilespmem:s16+$0xE0]  }
0x252: {  	v24 =	vld [tilespmem:s16+$0xF0];
	[tilespmem:s16+$0x30] =	vst v11;
	v5 =	vmul.f32 v5, v3  }
0x253: {  	v6 =	vld.idx.msk [tilespmem:v6+s10+$0x0], $0xffff;
	[tilespmem:s16+$0x40] =	vst v12;
	v3 =	vmul.f32 v4, v3  }
0x254: {  	s18 =	sadd.s32 $0x200, s16;
	v25 =	vld.idx.msk [tilespmem:v7+s10+$0x0], $0xffff;
	v9 =	vmul.f32 v9, v2;
	[tilespmem:s16+$0x50] =	vst v5  }
0x255: {  	v30 =	vld [tilespmem:s18+$0x70];
	v26 =	vmul.f32 v8, v2;
	[tilespmem:s16+$0x60] =	vst v3  }
0x256: {  	v31 =	vld [tilespmem:s18+$0xFFFFFF00];
	[tilespmem:s16+$0x80] =	vst v9;
	v3 =	vmul.f32 v10, v2  }
0x257: {  	v15 =	vmov s24;
	v33 =	vld [tilespmem:s18+$0xFFFFFF10];
	[tilespmem:s16+$0x90] =	vst v26;
	v29 =	vmul.f32 v14, v2  }
0x258: {  	v15 =	vand.u32 $0xFFFFFFFE, v15;
	v34 =	vld [tilespmem:s18+$0xFFFFFF20];
	[tilespmem:s16+$0xA0] =	vst v3;
	v3 =	vmul.f32 v16, v2  }
0x259: {  	v13 =	vand.u32 $0xFFFFFFFD, v13;
	v35 =	vld [tilespmem:s18+$0xFFFFFF30];
	v15 =	vbroadcast v15, $0x0;
	v32 =	vmul.f32 v17, v2;
	[tilespmem:s16+$0xB0] =	vst v29  }
0x25a: {  	v13 =	vbroadcast v13, $0x0;
	v37 =	vld [tilespmem:s18+$0xFFFFFF50];
	[tilespmem:s17+$0xC0] =	vst v3;
	v3 =	vmul.f32 v18, v2  }
0x25b: {  	v39 =	vld [tilespmem:s18+$0xFFFFFF60];
	[tilespmem:s17+$0xD0] =	vst v32;
	v2 =	vmul.f32 v24, v2  }
0x25c: {  	v38 =	vmul.f32 v33, v25;
	[tilespmem:s17+$0xE0] =	vst v3;
	v3 =	vld [tilespmem:s18+$0xFFFFFF40]  }
0x25d: {  	v40 =	vld [tilespmem:s18+$0xFFFFFF70];
	[tilespmem:s17+$0xF0] =	vst v2;
	v2 =	vmul.f32 v31, v25  }
0x25e: {  	v41 =	vld [tilespmem:s18+$0xFFFFFF80];
	v5 =	vmul.f32 v35, v25;
	[tilespmem:s18+$0xFFFFFF10] =	vst v38  }
0x25f: {  	v28 =	vld.idx.msk [tilespmem:v15+s10+$0x0], $0xffff;
	[tilespmem:s18+$0xFFFFFF00] =	vst v2;
	v2 =	vmul.f32 v34, v25  }
0x260: {  	v42 =	vmul.f32 v37, v25;
	v27 =	vld.idx.msk [tilespmem:v13+s10+$0x0], $0xffff;
	[tilespmem:s18+$0xFFFFFF30] =	vst v5  }
0x261: {  	[tilespmem:s18+$0xFFFFFF20] =	vst v2;
	v2 =	vmul.f32 v3, v25;
	v3 =	vld [tilespmem:s18+$0xFFFFFF90]  }
0x262: {  	v43 =	vld [tilespmem:s18+$0xFFFFFFA0];
	v4 =	vmul.f32 v40, v25;
	[tilespmem:s18+$0xFFFFFF50] =	vst v42  }
0x263: {  	v44 =	vld [tilespmem:s18+$0xFFFFFFB0];
	[tilespmem:s18+$0xFFFFFF40] =	vst v2;
	v2 =	vmul.f32 v39, v25  }
0x264: {  	v45 =	vld [tilespmem:s18+$0xFFFFFFC0];
	[tilespmem:s18+$0xFFFFFF70] =	vst v4;
	v36 =	vmul.f32 v30, v28  }
0x265: {  	v46 =	vld [tilespmem:s18+$0xFFFFFFD0];
	[tilespmem:s18+$0xFFFFFF60] =	vst v2;
	v2 =	vmul.f32 v41, v27  }
0x266: {  	v47 =	vld [tilespmem:s18+$0xFFFFFFE0];
	[tilespmem:s18+$0x70] =	vst v36;
	v3 =	vmul.f32 v3, v27  }
0x267: {  	v48 =	vld [tilespmem:s18+$0xFFFFFFF0];
	[tilespmem:s18+$0xFFFFFF80] =	vst v2;
	v2 =	vmul.f32 v43, v27  }
0x268: {  	v49 =	vld [tilespmem:s18+$0x0];
	[tilespmem:s18+$0xFFFFFF90] =	vst v3;
	v3 =	vmul.f32 v44, v27  }
0x269: {  	v50 =	vld [tilespmem:s18+$0x10];
	[tilespmem:s18+$0xFFFFFFA0] =	vst v2;
	v2 =	vmul.f32 v45, v27  }
0x26a: {  	v51 =	vld [tilespmem:s18+$0x20];
	[tilespmem:s18+$0xFFFFFFB0] =	vst v3;
	v3 =	vmul.f32 v46, v27  }
0x26b: {  	v52 =	vld [tilespmem:s18+$0x30];
	[tilespmem:s18+$0xFFFFFFC0] =	vst v2;
	v2 =	vmul.f32 v47, v27  }
0x26c: {  	v53 =	vld [tilespmem:s18+$0x40];
	[tilespmem:s18+$0xFFFFFFD0] =	vst v3;
	v3 =	vmul.f32 v48, v27  }
0x26d: {  	v54 =	vld [tilespmem:s18+$0x50];
	[tilespmem:s18+$0xFFFFFFE0] =	vst v2;
	v2 =	vmul.f32 v49, v28  }
0x26e: {  	v55 =	vld [tilespmem:s18+$0x60];
	[tilespmem:s18+$0xFFFFFFF0] =	vst v3;
	v3 =	vmul.f32 v50, v28  }
0x26f: {  	v56 =	vld [tilespmem:s18+$0x80];
	[tilespmem:s18+$0x0] =	vst v2;
	v2 =	vmul.f32 v51, v28  }
0x270: {  	v57 =	vld [tilespmem:s18+$0x90];
	[tilespmem:s18+$0x10] =	vst v3;
	v3 =	vmul.f32 v52, v28  }
0x271: {  	v58 =	vld [tilespmem:s18+$0xA0];
	[tilespmem:s18+$0x20] =	vst v2;
	v2 =	vmul.f32 v53, v28  }
0x272: {  	v59 =	vld [tilespmem:s18+$0xB0];
	[tilespmem:s18+$0x30] =	vst v3;
	v3 =	vmul.f32 v54, v28  }
0x273: {  	v60 =	vld [tilespmem:s18+$0xC0];
	[tilespmem:s18+$0x40] =	vst v2;
	v2 =	vmul.f32 v55, v28  }
0x274: {  	v61 =	vld [tilespmem:s18+$0xD0];
	[tilespmem:s18+$0x50] =	vst v3;
	v3 =	vmul.f32 v56, v6  }
0x275: {  	v62 =	vld [tilespmem:s18+$0xE0];
	[tilespmem:s18+$0x60] =	vst v2;
	v2 =	vmul.f32 v57, v6  }
0x276: {  	v63 =	vld [tilespmem:s18+$0xF0];
	[tilespmem:s18+$0x80] =	vst v3;
	v3 =	vmul.f32 v58, v6  }
0x277: {  	[tilespmem:s18+$0x90] =	vst v2;
	v2 =	vmul.f32 v59, v6  }
0x278: {  	s15 =	sadd.s32 $0x1, s15;
	[tilespmem:s18+$0xA0] =	vst v3;
	v3 =	vmul.f32 v60, v6  }
0x279: {  	p0 =	sne.s32 s15, $0xC;
	[tilespmem:s18+$0xB0] =	vst v2;
	v2 =	vmul.f32 v61, v6  }
.Ltmp5:
0x27a: {  	[tilespmem:s18+$0xC0] =	vst v3;
	v3 =	vmul.f32 v62, v6;
	(pc) =	sbr.rel @p0 .LBB2_9-.Ltmp5, $4  }
0x27b: {  	[tilespmem:s18+$0xD0] =	vst v2;
	v2 =	vmul.f32 v63, v6  }
0x27c: {  	[tilespmem:s18+$0xE0] =	vst v3  }
0x27d: {  	[tilespmem:s18+$0xF0] =	vst v2  }
0x27e: {  	[spmem:s1] =	stream.indirect.scatter.add.f32 [tilespmem:s25], [sflag:$0x4], $0x80, s23, s21, $0xb8;
	[tilespmem:$0x1FA00] =	vst v63  }
0x27f: {  	s13 =	sadd.s32 $0x1, s13  }
0x280: {  	p0 =	sne.s32 s13, $0x5  }
.Ltmp6:
0x281: {  	_ = 	snop;
	(pc) =	sbr.rel @p0 .LBB2_6-.Ltmp6, $1  }
0x282: {  	_ =	sdelay $0x3  }
0x283: {  	_ =	swait.ge [sflag:s30], $0x2800  }
0x284: {  	[sflag:s30] =	ssyncset.done $0x0  }
0x285: {  	[sflag:s30] =	ssyncadd.s32 $0xFFFFD800  }
0x286: {  	_ =	swait.ge [sflag:s2], $0x2800  }
0x287: {  	[sflag:s2] =	ssyncset.done $0x0  }
0x288: {  	[sflag:s2] =	ssyncadd.s32 $0xFFFFD800  }
0x289: {  	s9 =	stileid.u32;
	[bflag:$0x0] =	sbarrier.arrive $0xFFFF  }
0x28a: {  	s9 =	sshll.u32 s9, $0x6;
	s14 =	rddreg [dreg:$0x4]  }
0x28b: {  	s9 =	sor.u32 $0x1C05, s9;
	s13 =	rddreg [dreg:$0xe];
	s12 =	sshrl.u32 s14, $0x3  }
0x28c: {  	[hbm:s13], [sflag:s9] =	dma.local [spmem:s12], $0x2800  }
0x28d: {  	_ =	swait.ge [sflag:s19], $0x2800  }
0x28e: {  	s17 =	simm.s32 $0x80;
	[sflag:s19] =	ssyncset.done $0x0  }
0x28f: {  	s18 =	simm.s32 $0x400;
	s16 =	rddreg [dreg:$0x5];
	[sflag:s19] =	ssyncadd.s32 $0xFFFFD800  }
0x290: {  	[hbm4b:s16+s17] =	stream.strided.scatter [tilespmem:s31], [sflag:$0x5], $0x2800, s18, s17, $0x38;
	[tilespmem:$0x1FA00] =	vst v63  }
0x291: {  	_ =	swait.ge [sflag:s19], $0x2800  }
0x292: {  	s11 =	sadd.s32 $0x1, s11;
	s24 =	rddreg [dreg:$0x6]  }
0x293: {  	p0 =	sne.s32 s11, s24  }
.Ltmp7:
0x294: {  	_ = 	snop;
	(pc) =	sbr.rel @p0 .LBB2_1-.Ltmp7, $3  }
0x295: {  	_ =	sdelay $0x1  }
0x296: {  	[sflag:s19] =	ssyncset.done $0x0  }
0x297: {  	[sflag:s19] =	ssyncadd.s32 $0xFFFFD800  }
0x298: {  	_ =	sfence.sel $0x180000  }
0x299: {  	[bflag:$0x0] =	sbarrier.arrive $0xFFFF  }
0x29a: {  	_ =	strace $0x90000050  }
0x29b: {  	s0 =	stileid.u32;
	[bflag:$0x2] =	sbarrier.arrive $0xFFFF  }
0x29c: {  	p0 =	sne.s32 s0, $0x0;
	s0 =	rddreg [dreg:$0x2]  }
0x29d: {  	s0 =	sadd.s32 @!p0 $0x100000, s0  }
0x29e: {  	[sflag:s0] =	ssyncadd.tile.s32 @!p0 $0x1;
	_ =	shalt  }
.Lfunc_end2:
_tile_overlayer_lowered:
.L_overlay_start_2:
0x29f: {  	(tag) =	ssettag $0x2  }
0x2a0: {  	s0 =	rddreg [dreg:$0x0];
	s2 =	stileid.u32  }
0x2a1: {  	s1 =	rddreg [dreg:$0x1];
	p0 =	sne.s32 s2, $0x0  }
0x2a2: {  	s3 =	rddreg [dreg:$0x2];
	[bflag:$0x3] =	sbarrier.arrive $0xFFFF;
	s2 =	simm.s32 @!p0 $0x1C05  }
0x2a3: {  	[timem:s3], [sflag:s2] =	dma.local @!p0 [hbm:s0], s1  }
0x2a4: {  	s0 =	simm.s32 @!p0 $0x5  }
0x2a5: {  	_ =	swait.ge @!p0 [sflag:s0], s1  }
0x2a6: {  	s1 =	ssub.s32 @!p0 $0x0, s1;
	[sflag:s0] =	ssyncset.done @!p0 $0x0  }
0x2a7: {  	[sflag:s0] =	ssyncadd.s32 @!p0 s1  }
0x2a8: {  	[bflag:$0x3] =	sbarrier.arrive $0xFFFF  }
0x2a9: {  	_ =	shalt  }

</sc_bundles>
